<compile_context>
chip_gen: v7x
topology: tpu7x:2x2x1
jax: 0.10.2.dev20260603
libtpu: 0.0.44.dev20260713+nightly
codegen_flags: <defaults>
</compile_context>

<pallas_src>
import functools

import jax
import jax.numpy as jnp
from jax import lax
from jax.experimental import pallas as pl
from jax.experimental.pallas import tpu as pltpu
from jax.experimental.pallas import tpu_sc as plsc

BETA = 0.25
D = 64
K = 1024
HW = 1024
B = 16
BPG = 2
GR = 8
NC, NS = 2, 16
NW = NC * NS
POS_PER_W = B * HW // NW


def _argmin_body(lat_ref, cb_ref, idx_ref, loss_ref):
    c = cb_ref[...]
    c2 = c + c
    b = jnp.sum(c * c, axis=1, keepdims=True)
    part = jnp.float32(0.0)
    for i in range(BPG):
        xb = lat_ref[i]
        a = jnp.sum(xb * xb, axis=0, keepdims=True)
        mm2 = jax.lax.dot_general(
            c2, xb, (((1,), (0,)), ((), ())),
            preferred_element_type=jnp.float32)
        cur = (a + b[0:GR]) - mm2[0:GR]
        curg = jnp.zeros((GR, HW), jnp.int32)
        for g in range(1, K // GR):
            dg = (a + b[g * GR:(g + 1) * GR]) - mm2[g * GR:(g + 1) * GR]
            mask = dg < cur
            cur = jnp.where(mask, dg, cur)
            curg = jnp.where(mask, jnp.int32(g), curg)
        code = curg * GR + jax.lax.broadcasted_iota(jnp.int32, (GR, HW), 0)
        v, cd = cur, code
        sh = GR // 2
        while sh >= 1:
            vlo, vhi = v[:sh], v[sh:]
            clo, chi = cd[:sh], cd[sh:]
            take = (vhi < vlo) | ((vhi == vlo) & (chi < clo))
            v = jnp.where(take, vhi, vlo)
            cd = jnp.where(take, chi, clo)
            sh //= 2
        idx_ref[i] = cd
        part = part + jnp.sum(v)
    prev = jnp.where(pl.program_id(0) == 0, 0.0, loss_ref[0, 0])
    loss_ref[0, 0] = prev + part


def _tc_argmin(lat3, codebook):
    grid = B // BPG
    return pl.pallas_call(
        _argmin_body,
        grid=(grid,),
        in_specs=[
            pl.BlockSpec((BPG, D, HW), lambda i: (i, 0, 0)),
            pl.BlockSpec((K, D), lambda i: (0, 0)),
        ],
        out_specs=[
            pl.BlockSpec((BPG, 1, HW), lambda i: (i, 0, 0)),
            pl.BlockSpec(memory_space=pltpu.SMEM, block_shape=(1, 1),
                         index_map=lambda i: (0, 0)),
        ],
        out_shape=[
            jax.ShapeDtypeStruct((B, 1, HW), jnp.int32),
            jax.ShapeDtypeStruct((1, 1), jnp.float32),
        ],
    )(lat3, codebook)


def _make_sc_gather():
    mesh = plsc.VectorSubcoreMesh(core_axis_name="c", subcore_axis_name="s")

    @functools.partial(
        pl.kernel, mesh=mesh,
        compiler_params=pltpu.CompilerParams(use_tc_tiling_on_sc=False,
                                             needs_layout_passes=False),
        out_type=jax.ShapeDtypeStruct((B, D, HW), jnp.float32),
        scratch_types=[
            pltpu.VMEM((K * D,), jnp.float32),
            pltpu.VMEM((POS_PER_W,), jnp.int32),
            pltpu.VMEM((D, POS_PER_W), jnp.float32),
        ],
    )
    def sc_gather(cbt_hbm, idx_hbm, out_hbm, cbt_v, idx_v, rows_v):
        wid = lax.axis_index("s") * NC + lax.axis_index("c")
        halves = HW // POS_PER_W
        bi = wid // halves
        hw0 = (wid % halves) * POS_PER_W
        pltpu.sync_copy(cbt_hbm, cbt_v)
        pltpu.sync_copy(idx_hbm.at[bi, pl.ds(hw0, POS_PER_W)], idx_v)

        def jbody(j, carry):
            idx16 = idx_v[pl.ds(j * 16, 16)]
            for d in range(D):
                vals = plsc.load_gather(cbt_v, [idx16 + jnp.int32(d * K)])
                rows_v[d, pl.ds(j * 16, 16)] = vals
            return carry

        lax.fori_loop(0, POS_PER_W // 16, jbody, jnp.int32(0))
        pltpu.sync_copy(rows_v, out_hbm.at[bi, :, pl.ds(hw0, POS_PER_W)])

    return sc_gather


def kernel(latents, codebook):
    lat3 = latents.reshape(B, D, HW)
    idx3, loss = _tc_argmin(lat3, codebook)
    cbt_flat = jnp.transpose(codebook).reshape(K * D)
    q3 = _make_sc_gather()(cbt_flat, idx3.reshape(B, HW))
    quantized = q3.reshape(latents.shape)
    vq_loss = (1.0 + BETA) * loss[0, 0] / (B * HW * D)
    return quantized, vq_loss

# --- scband reference (transcript-rebuilt; emitter-appended) ---
"""Pipeline reference for scband-vector-quantizer-17162689315041 (READ-ONLY COPY).

The authoritative reference and input builder live on the scoring server;
editing this copy changes nothing except your own understanding.
"""

import jax, jax.numpy as jnp
import numpy as np

BETA = 0.25

def setup_inputs(seed: int = 0) -> dict:
    key = jax.random.key(seed)
    k1, k2 = jax.random.split(key)
    latents = jax.random.normal(k1, (16, 64, 32, 32), dtype=jnp.float32)
    codebook = jax.random.uniform(k2, (1024, 64), dtype=jnp.float32, minval=-1.0/1024.0, maxval=1.0/1024.0)
    return {"latents": latents, "codebook": codebook}

def reference(latents, codebook):
    B, D, H, W = latents.shape
    lat = jnp.transpose(latents, (0, 2, 3, 1))
    flat = lat.reshape(-1, D)
    dist = (jnp.sum(flat ** 2, axis=1, keepdims=True)
            + jnp.sum(codebook ** 2, axis=1)
            - 2.0 * jnp.matmul(flat, codebook.T))
    encoding_inds = jnp.argmin(dist, axis=1)
    quantized = jnp.take(codebook, encoding_inds, axis=0).reshape(B, H, W, D)
    commitment_loss = jnp.mean((jax.lax.stop_gradient(quantized) - lat) ** 2)
    embedding_loss = jnp.mean((quantized - jax.lax.stop_gradient(lat)) ** 2)
    vq_loss = embedding_loss + BETA * commitment_loss
    quantized_ste = lat + jax.lax.stop_gradient(quantized - lat)
    quantized_out = jnp.transpose(quantized_ste, (0, 3, 1, 2))
    return (quantized_out, vq_loss)

if __name__ == "__main__":
    import jax
    _d = setup_inputs()
    print(jax.jit(kernel)(*tuple(_d.values())))

</pallas_src>

<mosaic_0001>
#map = affine_map<(d0, d1) -> (0)>
#map1 = affine_map<(d0, d1) -> (0, 0)>
#map2 = affine_map<(d0, d1) -> (0, 0, 0)>
module attributes {stable_mosaic.version = 14 : i64} {
  func.func @sc_gather(%arg0: i32, %arg1: i32, %arg2: memref<65536xf32, #tpu.memory_space<hbm>>, %arg3: memref<16x1024xi32, #tpu.memory_space<hbm>>, %arg4: memref<16x64x1024xf32, #tpu.memory_space<hbm>>, %arg5: memref<65536xf32, #tpu.memory_space<vmem>>, %arg6: memref<512xi32, #tpu.memory_space<vmem>>, %arg7: memref<64x512xf32, #tpu.memory_space<vmem>>) attributes {dimension_semantics = [#tpu.dimension_semantics<core_parallel>, #tpu.dimension_semantics<subcore_parallel>], iteration_bounds = array<i64: 2, 16>, scalar_prefetch = 0 : i64, scratch_operands = 3 : i64, tpu.core_type = #tpu.core_type<sc_vector_subcore>, window_params = [{transform_indices = #map}, {transform_indices = #map1}, {transform_indices = #map2}]} {
    %mul3A = arith.constant 2 : i32
    %mul3A_0 = arith.muli %arg1, %mul3A : i32
    %add3A = arith.addi %mul3A_0, %arg0 : i32
    %jit3A = arith.constant 2 : i32
    %div3A = arith.divsi %add3A, %jit3A : i32
    %sign3A = arith.constant 0 : i32
    %sign3A_1 = arith.cmpi sgt, %add3A, %sign3A : i32
    %sign3A_2 = arith.extui %sign3A_1 : i1 to i32
    %sign3A_3 = arith.constant 0 : i32
    %sign3A_4 = arith.cmpi slt, %add3A, %sign3A_3 : i32
    %sign3A_5 = arith.extui %sign3A_4 : i1 to i32
    %sign3A_6 = arith.subi %sign3A_2, %sign3A_5 : i32
    %sign3A_7 = arith.constant 0 : i32
    %sign3A_8 = arith.cmpi sgt, %jit3A, %sign3A_7 : i32
    %sign3A_9 = arith.extui %sign3A_8 : i1 to i32
    %sign3A_10 = arith.constant 0 : i32
    %sign3A_11 = arith.cmpi slt, %jit3A, %sign3A_10 : i32
    %sign3A_12 = arith.extui %sign3A_11 : i1 to i32
    %sign3A_13 = arith.subi %sign3A_9, %sign3A_12 : i32
    %ne3A = arith.cmpi ne, %sign3A_6, %sign3A_13 : i32
    %rem3A = arith.remsi %add3A, %jit3A : i32
    %ne3A_14 = arith.constant 0 : i32
    %ne3A_15 = arith.cmpi ne, %rem3A, %ne3A_14 : i32
    %and3A = arith.andi %ne3A, %ne3A_15 : i1
    %sub3A = arith.constant 1 : i32
    %sub3A_16 = arith.subi %div3A, %sub3A : i32
    %select_n3A = arith.select %and3A, %sub3A_16, %div3A : i32
    %jit3A_17 = arith.constant 2 : i32
    %eq3A = arith.constant 0 : i32
    %eq3A_18 = arith.cmpi eq, %jit3A_17, %eq3A : i32
    %jit3A_19 = arith.constant 1 : i32
    %select_n3A_20 = arith.select %eq3A_18, %jit3A_19, %jit3A_17 : i32
    %rem3A_21 = arith.remsi %add3A, %select_n3A_20 : i32
    %ne3A_22 = arith.constant 0 : i32
    %ne3A_23 = arith.cmpi ne, %rem3A_21, %ne3A_22 : i32
    %lt3A = arith.constant 0 : i32
    %lt3A_24 = arith.cmpi slt, %rem3A_21, %lt3A : i32
    %lt3A_25 = arith.constant 0 : i32
    %lt3A_26 = arith.cmpi slt, %select_n3A_20, %lt3A_25 : i32
    %ne3A_27 = arith.xori %lt3A_24, %lt3A_26 : i1
    %and3A_28 = arith.andi %ne3A_27, %ne3A_23 : i1
    %add3A_29 = arith.addi %rem3A_21, %select_n3A_20 : i32
    %select_n3A_30 = arith.select %and3A_28, %add3A_29, %rem3A_21 : i32
    %mul3A_31 = arith.constant 512 : i32
    %mul3A_32 = arith.muli %select_n3A_30, %mul3A_31 : i32
    "tpu.region"() ({
      %run_scoped3A = tpu.sem_alloc : memref<!tpu.dma_semaphore, #tpu.memory_space<semaphore_mem>>
      tpu.enqueue_dma source(%arg2 : memref<65536xf32, #tpu.memory_space<hbm>>) target(%arg5 : memref<65536xf32, #tpu.memory_space<vmem>>) target_semaphore(%run_scoped3A : memref<!tpu.dma_semaphore, #tpu.memory_space<semaphore_mem>>)
      tpu.wait_dma2 semaphore(%run_scoped3A : memref<!tpu.dma_semaphore, #tpu.memory_space<semaphore_mem>>) src(%arg2 : memref<65536xf32, #tpu.memory_space<hbm>>) dst(%arg5 : memref<65536xf32, #tpu.memory_space<vmem>>)
      tpu.yield
    }) : () -> ()
    "tpu.region"() ({
      %run_scoped3A = tpu.sem_alloc : memref<!tpu.dma_semaphore, #tpu.memory_space<semaphore_mem>>
      %dma_start3A = tpu.memref_slice %arg3[%select_n3A, %mul3A_32] : memref<16x1024xi32, #tpu.memory_space<hbm>> -> memref<1x512xi32, #tpu.memory_space<hbm>>
      %dma_start3A_38 = tpu.memref_squeeze %dma_start3A : memref<1x512xi32, #tpu.memory_space<hbm>> -> memref<512xi32, #tpu.memory_space<hbm>>
      %dma_start3A_39 = tpu.memref_slice %arg3[%select_n3A, %mul3A_32] : memref<16x1024xi32, #tpu.memory_space<hbm>> -> memref<1x512xi32, #tpu.memory_space<hbm>>
      %dma_start3A_40 = tpu.memref_squeeze %dma_start3A_39 : memref<1x512xi32, #tpu.memory_space<hbm>> -> memref<512xi32, #tpu.memory_space<hbm>>
      tpu.enqueue_dma source(%dma_start3A_40 : memref<512xi32, #tpu.memory_space<hbm>>) target(%arg6 : memref<512xi32, #tpu.memory_space<vmem>>) target_semaphore(%run_scoped3A : memref<!tpu.dma_semaphore, #tpu.memory_space<semaphore_mem>>)
      %dma_wait3A = tpu.memref_slice %arg3[%select_n3A, %mul3A_32] : memref<16x1024xi32, #tpu.memory_space<hbm>> -> memref<1x512xi32, #tpu.memory_space<hbm>>
      %dma_wait3A_41 = tpu.memref_squeeze %dma_wait3A : memref<1x512xi32, #tpu.memory_space<hbm>> -> memref<512xi32, #tpu.memory_space<hbm>>
      %dma_wait3A_42 = tpu.memref_slice %arg3[%select_n3A, %mul3A_32] : memref<16x1024xi32, #tpu.memory_space<hbm>> -> memref<1x512xi32, #tpu.memory_space<hbm>>
      %dma_wait3A_43 = tpu.memref_squeeze %dma_wait3A_42 : memref<1x512xi32, #tpu.memory_space<hbm>> -> memref<512xi32, #tpu.memory_space<hbm>>
      tpu.wait_dma2 semaphore(%run_scoped3A : memref<!tpu.dma_semaphore, #tpu.memory_space<semaphore_mem>>) src(%dma_wait3A_43 : memref<512xi32, #tpu.memory_space<hbm>>) dst(%arg6 : memref<512xi32, #tpu.memory_space<vmem>>)
      tpu.yield
    }) : () -> ()
    %scan3A = arith.constant 0 : i32
    %scan3A_33 = arith.constant 0 : i32
    %scan3A_34 = arith.constant 32 : i32
    %scan3A_35 = arith.addi %scan3A_33, %scan3A_34 : i32
    %scan3A_36 = arith.constant 1 : i32
    scf.for %scan3A_38 = %scan3A_33 to %scan3A_35 step %scan3A_36  : i32 {
      %mul3A_39 = arith.constant 16 : i32
      %mul3A_40 = arith.muli %scan3A_38, %mul3A_39 : i32
      %get3A = arith.index_cast %mul3A_40 : i32 to index
      %get3A_41 = tpu.vector_load %arg6[%get3A] {strides = array<i32>} : memref<512xi32, #tpu.memory_space<vmem>>, vector<16xi32>,
      %add3A_42 = arith.constant 0 : i32
      %add3A_43 = vector.broadcast %add3A_42 : i32 to vector<16xi32>
      %add3A_44 = arith.addi %get3A_41, %add3A_43 : vector<16xi32>
      %gather3A = tpu.vector_load_idx %arg5[%add3A_44] : memref<65536xf32, #tpu.memory_space<vmem>>[vector<16xi32>], vector<16xf32>,
      %mul3A_45 = arith.constant 16 : i32
      %mul3A_46 = arith.muli %scan3A_38, %mul3A_45 : i32
      %swap3A = arith.constant 0 : i32
      %swap3A_47 = arith.index_cast %swap3A : i32 to index
      %swap3A_48 = arith.index_cast %mul3A_46 : i32 to index
      %swap3A_49 = tpu.vector_load %arg7[%swap3A_47, %swap3A_48] {strides = array<i32>} : memref<64x512xf32, #tpu.memory_space<vmem>>, vector<16xf32>,
      tpu.vector_store %arg7[%swap3A_47, %swap3A_48], %gather3A {strides = array<i32>} : memref<64x512xf32, #tpu.memory_space<vmem>>, vector<16xf32>,
      %add3A_50 = arith.constant 1024 : i32
      %add3A_51 = vector.broadcast %add3A_50 : i32 to vector<16xi32>
      %add3A_52 = arith.addi %get3A_41, %add3A_51 : vector<16xi32>
      %gather3A_53 = tpu.vector_load_idx %arg5[%add3A_52] : memref<65536xf32, #tpu.memory_space<vmem>>[vector<16xi32>], vector<16xf32>,
      %mul3A_54 = arith.constant 16 : i32
      %mul3A_55 = arith.muli %scan3A_38, %mul3A_54 : i32
      %swap3A_56 = arith.constant 1 : i32
      %swap3A_57 = arith.index_cast %swap3A_56 : i32 to index
      %swap3A_58 = arith.index_cast %mul3A_55 : i32 to index
      %swap3A_59 = tpu.vector_load %arg7[%swap3A_57, %swap3A_58] {strides = array<i32>} : memref<64x512xf32, #tpu.memory_space<vmem>>, vector<16xf32>,
      tpu.vector_store %arg7[%swap3A_57, %swap3A_58], %gather3A_53 {strides = array<i32>} : memref<64x512xf32, #tpu.memory_space<vmem>>, vector<16xf32>,
      %add3A_60 = arith.constant 2048 : i32
      %add3A_61 = vector.broadcast %add3A_60 : i32 to vector<16xi32>
      %add3A_62 = arith.addi %get3A_41, %add3A_61 : vector<16xi32>
      %gather3A_63 = tpu.vector_load_idx %arg5[%add3A_62] : memref<65536xf32, #tpu.memory_space<vmem>>[vector<16xi32>], vector<16xf32>,
      %mul3A_64 = arith.constant 16 : i32
      %mul3A_65 = arith.muli %scan3A_38, %mul3A_64 : i32
      %swap3A_66 = arith.constant 2 : i32
      %swap3A_67 = arith.index_cast %swap3A_66 : i32 to index
      %swap3A_68 = arith.index_cast %mul3A_65 : i32 to index
      %swap3A_69 = tpu.vector_load %arg7[%swap3A_67, %swap3A_68] {strides = array<i32>} : memref<64x512xf32, #tpu.memory_space<vmem>>, vector<16xf32>,
      tpu.vector_store %arg7[%swap3A_67, %swap3A_68], %gather3A_63 {strides = array<i32>} : memref<64x512xf32, #tpu.memory_space<vmem>>, vector<16xf32>,
      %add3A_70 = arith.constant 3072 : i32
      %add3A_71 = vector.broadcast %add3A_70 : i32 to vector<16xi32>
      %add3A_72 = arith.addi %get3A_41, %add3A_71 : vector<16xi32>
      %gather3A_73 = tpu.vector_load_idx %arg5[%add3A_72] : memref<65536xf32, #tpu.memory_space<vmem>>[vector<16xi32>], vector<16xf32>,
      %mul3A_74 = arith.constant 16 : i32
      %mul3A_75 = arith.muli %scan3A_38, %mul3A_74 : i32
      %swap3A_76 = arith.constant 3 : i32
      %swap3A_77 = arith.index_cast %swap3A_76 : i32 to index
      %swap3A_78 = arith.index_cast %mul3A_75 : i32 to index
      %swap3A_79 = tpu.vector_load %arg7[%swap3A_77, %swap3A_78] {strides = array<i32>} : memref<64x512xf32, #tpu.memory_space<vmem>>, vector<16xf32>,
      tpu.vector_store %arg7[%swap3A_77, %swap3A_78], %gather3A_73 {strides = array<i32>} : memref<64x512xf32, #tpu.memory_space<vmem>>, vector<16xf32>,
      %add3A_80 = arith.constant 4096 : i32
      %add3A_81 = vector.broadcast %add3A_80 : i32 to vector<16xi32>
      %add3A_82 = arith.addi %get3A_41, %add3A_81 : vector<16xi32>
      %gather3A_83 = tpu.vector_load_idx %arg5[%add3A_82] : memref<65536xf32, #tpu.memory_space<vmem>>[vector<16xi32>], vector<16xf32>,
      %mul3A_84 = arith.constant 16 : i32
      %mul3A_85 = arith.muli %scan3A_38, %mul3A_84 : i32
      %swap3A_86 = arith.constant 4 : i32
      %swap3A_87 = arith.index_cast %swap3A_86 : i32 to index
      %swap3A_88 = arith.index_cast %mul3A_85 : i32 to index
      %swap3A_89 = tpu.vector_load %arg7[%swap3A_87, %swap3A_88] {strides = array<i32>} : memref<64x512xf32, #tpu.memory_space<vmem>>, vector<16xf32>,
      tpu.vector_store %arg7[%swap3A_87, %swap3A_88], %gather3A_83 {strides = array<i32>} : memref<64x512xf32, #tpu.memory_space<vmem>>, vector<16xf32>,
      %add3A_90 = arith.constant 5120 : i32
      %add3A_91 = vector.broadcast %add3A_90 : i32 to vector<16xi32>
      %add3A_92 = arith.addi %get3A_41, %add3A_91 : vector<16xi32>
      %gather3A_93 = tpu.vector_load_idx %arg5[%add3A_92] : memref<65536xf32, #tpu.memory_space<vmem>>[vector<16xi32>], vector<16xf32>,
      %mul3A_94 = arith.constant 16 : i32
      %mul3A_95 = arith.muli %scan3A_38, %mul3A_94 : i32
      %swap3A_96 = arith.constant 5 : i32
      %swap3A_97 = arith.index_cast %swap3A_96 : i32 to index
      %swap3A_98 = arith.index_cast %mul3A_95 : i32 to index
      %swap3A_99 = tpu.vector_load %arg7[%swap3A_97, %swap3A_98] {strides = array<i32>} : memref<64x512xf32, #tpu.memory_space<vmem>>, vector<16xf32>,
      tpu.vector_store %arg7[%swap3A_97, %swap3A_98], %gather3A_93 {strides = array<i32>} : memref<64x512xf32, #tpu.memory_space<vmem>>, vector<16xf32>,
      %add3A_100 = arith.constant 6144 : i32
      %add3A_101 = vector.broadcast %add3A_100 : i32 to vector<16xi32>
      %add3A_102 = arith.addi %get3A_41, %add3A_101 : vector<16xi32>
      %gather3A_103 = tpu.vector_load_idx %arg5[%add3A_102] : memref<65536xf32, #tpu.memory_space<vmem>>[vector<16xi32>], vector<16xf32>,
      %mul3A_104 = arith.constant 16 : i32
      %mul3A_105 = arith.muli %scan3A_38, %mul3A_104 : i32
      %swap3A_106 = arith.constant 6 : i32
      %swap3A_107 = arith.index_cast %swap3A_106 : i32 to index
      %swap3A_108 = arith.index_cast %mul3A_105 : i32 to index
      %swap3A_109 = tpu.vector_load %arg7[%swap3A_107, %swap3A_108] {strides = array<i32>} : memref<64x512xf32, #tpu.memory_space<vmem>>, vector<16xf32>,
      tpu.vector_store %arg7[%swap3A_107, %swap3A_108], %gather3A_103 {strides = array<i32>} : memref<64x512xf32, #tpu.memory_space<vmem>>, vector<16xf32>,
      %add3A_110 = arith.constant 7168 : i32
      %add3A_111 = vector.broadcast %add3A_110 : i32 to vector<16xi32>
      %add3A_112 = arith.addi %get3A_41, %add3A_111 : vector<16xi32>
      %gather3A_113 = tpu.vector_load_idx %arg5[%add3A_112] : memref<65536xf32, #tpu.memory_space<vmem>>[vector<16xi32>], vector<16xf32>,
      %mul3A_114 = arith.constant 16 : i32
      %mul3A_115 = arith.muli %scan3A_38, %mul3A_114 : i32
      %swap3A_116 = arith.constant 7 : i32
      %swap3A_117 = arith.index_cast %swap3A_116 : i32 to index
      %swap3A_118 = arith.index_cast %mul3A_115 : i32 to index
      %swap3A_119 = tpu.vector_load %arg7[%swap3A_117, %swap3A_118] {strides = array<i32>} : memref<64x512xf32, #tpu.memory_space<vmem>>, vector<16xf32>,
      tpu.vector_store %arg7[%swap3A_117, %swap3A_118], %gather3A_113 {strides = array<i32>} : memref<64x512xf32, #tpu.memory_space<vmem>>, vector<16xf32>,
      %add3A_120 = arith.constant 8192 : i32
      %add3A_121 = vector.broadcast %add3A_120 : i32 to vector<16xi32>
      %add3A_122 = arith.addi %get3A_41, %add3A_121 : vector<16xi32>
      %gather3A_123 = tpu.vector_load_idx %arg5[%add3A_122] : memref<65536xf32, #tpu.memory_space<vmem>>[vector<16xi32>], vector<16xf32>,
      %mul3A_124 = arith.constant 16 : i32
      %mul3A_125 = arith.muli %scan3A_38, %mul3A_124 : i32
      %swap3A_126 = arith.constant 8 : i32
      %swap3A_127 = arith.index_cast %swap3A_126 : i32 to index
      %swap3A_128 = arith.index_cast %mul3A_125 : i32 to index
      %swap3A_129 = tpu.vector_load %arg7[%swap3A_127, %swap3A_128] {strides = array<i32>} : memref<64x512xf32, #tpu.memory_space<vmem>>, vector<16xf32>,
      tpu.vector_store %arg7[%swap3A_127, %swap3A_128], %gather3A_123 {strides = array<i32>} : memref<64x512xf32, #tpu.memory_space<vmem>>, vector<16xf32>,
      %add3A_130 = arith.constant 9216 : i32
      %add3A_131 = vector.broadcast %add3A_130 : i32 to vector<16xi32>
      %add3A_132 = arith.addi %get3A_41, %add3A_131 : vector<16xi32>
      %gather3A_133 = tpu.vector_load_idx %arg5[%add3A_132] : memref<65536xf32, #tpu.memory_space<vmem>>[vector<16xi32>], vector<16xf32>,
      %mul3A_134 = arith.constant 16 : i32
      %mul3A_135 = arith.muli %scan3A_38, %mul3A_134 : i32
      %swap3A_136 = arith.constant 9 : i32
      %swap3A_137 = arith.index_cast %swap3A_136 : i32 to index
      %swap3A_138 = arith.index_cast %mul3A_135 : i32 to index
      %swap3A_139 = tpu.vector_load %arg7[%swap3A_137, %swap3A_138] {strides = array<i32>} : memref<64x512xf32, #tpu.memory_space<vmem>>, vector<16xf32>,
      tpu.vector_store %arg7[%swap3A_137, %swap3A_138], %gather3A_133 {strides = array<i32>} : memref<64x512xf32, #tpu.memory_space<vmem>>, vector<16xf32>,
      %add3A_140 = arith.constant 10240 : i32
      %add3A_141 = vector.broadcast %add3A_140 : i32 to vector<16xi32>
      %add3A_142 = arith.addi %get3A_41, %add3A_141 : vector<16xi32>
      %gather3A_143 = tpu.vector_load_idx %arg5[%add3A_142] : memref<65536xf32, #tpu.memory_space<vmem>>[vector<16xi32>], vector<16xf32>,
      %mul3A_144 = arith.constant 16 : i32
      %mul3A_145 = arith.muli %scan3A_38, %mul3A_144 : i32
      %swap3A_146 = arith.constant 10 : i32
      %swap3A_147 = arith.index_cast %swap3A_146 : i32 to index
      %swap3A_148 = arith.index_cast %mul3A_145 : i32 to index
      %swap3A_149 = tpu.vector_load %arg7[%swap3A_147, %swap3A_148] {strides = array<i32>} : memref<64x512xf32, #tpu.memory_space<vmem>>, vector<16xf32>,
      tpu.vector_store %arg7[%swap3A_147, %swap3A_148], %gather3A_143 {strides = array<i32>} : memref<64x512xf32, #tpu.memory_space<vmem>>, vector<16xf32>,
      %add3A_150 = arith.constant 11264 : i32
      %add3A_151 = vector.broadcast %add3A_150 : i32 to vector<16xi32>
      %add3A_152 = arith.addi %get3A_41, %add3A_151 : vector<16xi32>
      %gather3A_153 = tpu.vector_load_idx %arg5[%add3A_152] : memref<65536xf32, #tpu.memory_space<vmem>>[vector<16xi32>], vector<16xf32>,
      %mul3A_154 = arith.constant 16 : i32
      %mul3A_155 = arith.muli %scan3A_38, %mul3A_154 : i32
      %swap3A_156 = arith.constant 11 : i32
      %swap3A_157 = arith.index_cast %swap3A_156 : i32 to index
      %swap3A_158 = arith.index_cast %mul3A_155 : i32 to index
      %swap3A_159 = tpu.vector_load %arg7[%swap3A_157, %swap3A_158] {strides = array<i32>} : memref<64x512xf32, #tpu.memory_space<vmem>>, vector<16xf32>,
      tpu.vector_store %arg7[%swap3A_157, %swap3A_158], %gather3A_153 {strides = array<i32>} : memref<64x512xf32, #tpu.memory_space<vmem>>, vector<16xf32>,
      %add3A_160 = arith.constant 12288 : i32
      %add3A_161 = vector.broadcast %add3A_160 : i32 to vector<16xi32>
      %add3A_162 = arith.addi %get3A_41, %add3A_161 : vector<16xi32>
      %gather3A_163 = tpu.vector_load_idx %arg5[%add3A_162] : memref<65536xf32, #tpu.memory_space<vmem>>[vector<16xi32>], vector<16xf32>,
      %mul3A_164 = arith.constant 16 : i32
      %mul3A_165 = arith.muli %scan3A_38, %mul3A_164 : i32
      %swap3A_166 = arith.constant 12 : i32
      %swap3A_167 = arith.index_cast %swap3A_166 : i32 to index
      %swap3A_168 = arith.index_cast %mul3A_165 : i32 to index
      %swap3A_169 = tpu.vector_load %arg7[%swap3A_167, %swap3A_168] {strides = array<i32>} : memref<64x512xf32, #tpu.memory_space<vmem>>, vector<16xf32>,
      tpu.vector_store %arg7[%swap3A_167, %swap3A_168], %gather3A_163 {strides = array<i32>} : memref<64x512xf32, #tpu.memory_space<vmem>>, vector<16xf32>,
      %add3A_170 = arith.constant 13312 : i32
      %add3A_171 = vector.broadcast %add3A_170 : i32 to vector<16xi32>
      %add3A_172 = arith.addi %get3A_41, %add3A_171 : vector<16xi32>
      %gather3A_173 = tpu.vector_load_idx %arg5[%add3A_172] : memref<65536xf32, #tpu.memory_space<vmem>>[vector<16xi32>], vector<16xf32>,
      %mul3A_174 = arith.constant 16 : i32
      %mul3A_175 = arith.muli %scan3A_38, %mul3A_174 : i32
      %swap3A_176 = arith.constant 13 : i32
      %swap3A_177 = arith.index_cast %swap3A_176 : i32 to index
      %swap3A_178 = arith.index_cast %mul3A_175 : i32 to index
      %swap3A_179 = tpu.vector_load %arg7[%swap3A_177, %swap3A_178] {strides = array<i32>} : memref<64x512xf32, #tpu.memory_space<vmem>>, vector<16xf32>,
      tpu.vector_store %arg7[%swap3A_177, %swap3A_178], %gather3A_173 {strides = array<i32>} : memref<64x512xf32, #tpu.memory_space<vmem>>, vector<16xf32>,
      %add3A_180 = arith.constant 14336 : i32
      %add3A_181 = vector.broadcast %add3A_180 : i32 to vector<16xi32>
      %add3A_182 = arith.addi %get3A_41, %add3A_181 : vector<16xi32>
      %gather3A_183 = tpu.vector_load_idx %arg5[%add3A_182] : memref<65536xf32, #tpu.memory_space<vmem>>[vector<16xi32>], vector<16xf32>,
      %mul3A_184 = arith.constant 16 : i32
      %mul3A_185 = arith.muli %scan3A_38, %mul3A_184 : i32
      %swap3A_186 = arith.constant 14 : i32
      %swap3A_187 = arith.index_cast %swap3A_186 : i32 to index
      %swap3A_188 = arith.index_cast %mul3A_185 : i32 to index
      %swap3A_189 = tpu.vector_load %arg7[%swap3A_187, %swap3A_188] {strides = array<i32>} : memref<64x512xf32, #tpu.memory_space<vmem>>, vector<16xf32>,
      tpu.vector_store %arg7[%swap3A_187, %swap3A_188], %gather3A_183 {strides = array<i32>} : memref<64x512xf32, #tpu.memory_space<vmem>>, vector<16xf32>,
      %add3A_190 = arith.constant 15360 : i32
      %add3A_191 = vector.broadcast %add3A_190 : i32 to vector<16xi32>
      %add3A_192 = arith.addi %get3A_41, %add3A_191 : vector<16xi32>
      %gather3A_193 = tpu.vector_load_idx %arg5[%add3A_192] : memref<65536xf32, #tpu.memory_space<vmem>>[vector<16xi32>], vector<16xf32>,
      %mul3A_194 = arith.constant 16 : i32
      %mul3A_195 = arith.muli %scan3A_38, %mul3A_194 : i32
      %swap3A_196 = arith.constant 15 : i32
      %swap3A_197 = arith.index_cast %swap3A_196 : i32 to index
      %swap3A_198 = arith.index_cast %mul3A_195 : i32 to index
      %swap3A_199 = tpu.vector_load %arg7[%swap3A_197, %swap3A_198] {strides = array<i32>} : memref<64x512xf32, #tpu.memory_space<vmem>>, vector<16xf32>,
      tpu.vector_store %arg7[%swap3A_197, %swap3A_198], %gather3A_193 {strides = array<i32>} : memref<64x512xf32, #tpu.memory_space<vmem>>, vector<16xf32>,
      %add3A_200 = arith.constant 16384 : i32
      %add3A_201 = vector.broadcast %add3A_200 : i32 to vector<16xi32>
      %add3A_202 = arith.addi %get3A_41, %add3A_201 : vector<16xi32>
      %gather3A_203 = tpu.vector_load_idx %arg5[%add3A_202] : memref<65536xf32, #tpu.memory_space<vmem>>[vector<16xi32>], vector<16xf32>,
      %mul3A_204 = arith.constant 16 : i32
      %mul3A_205 = arith.muli %scan3A_38, %mul3A_204 : i32
      %swap3A_206 = arith.constant 16 : i32
      %swap3A_207 = arith.index_cast %swap3A_206 : i32 to index
      %swap3A_208 = arith.index_cast %mul3A_205 : i32 to index
      %swap3A_209 = tpu.vector_load %arg7[%swap3A_207, %swap3A_208] {strides = array<i32>} : memref<64x512xf32, #tpu.memory_space<vmem>>, vector<16xf32>,
      tpu.vector_store %arg7[%swap3A_207, %swap3A_208], %gather3A_203 {strides = array<i32>} : memref<64x512xf32, #tpu.memory_space<vmem>>, vector<16xf32>,
      %add3A_210 = arith.constant 17408 : i32
      %add3A_211 = vector.broadcast %add3A_210 : i32 to vector<16xi32>
      %add3A_212 = arith.addi %get3A_41, %add3A_211 : vector<16xi32>
      %gather3A_213 = tpu.vector_load_idx %arg5[%add3A_212] : memref<65536xf32, #tpu.memory_space<vmem>>[vector<16xi32>], vector<16xf32>,
      %mul3A_214 = arith.constant 16 : i32
      %mul3A_215 = arith.muli %scan3A_38, %mul3A_214 : i32
      %swap3A_216 = arith.constant 17 : i32
      %swap3A_217 = arith.index_cast %swap3A_216 : i32 to index
      %swap3A_218 = arith.index_cast %mul3A_215 : i32 to index
      %swap3A_219 = tpu.vector_load %arg7[%swap3A_217, %swap3A_218] {strides = array<i32>} : memref<64x512xf32, #tpu.memory_space<vmem>>, vector<16xf32>,
      tpu.vector_store %arg7[%swap3A_217, %swap3A_218], %gather3A_213 {strides = array<i32>} : memref<64x512xf32, #tpu.memory_space<vmem>>, vector<16xf32>,
      %add3A_220 = arith.constant 18432 : i32
      %add3A_221 = vector.broadcast %add3A_220 : i32 to vector<16xi32>
      %add3A_222 = arith.addi %get3A_41, %add3A_221 : vector<16xi32>
      %gather3A_223 = tpu.vector_load_idx %arg5[%add3A_222] : memref<65536xf32, #tpu.memory_space<vmem>>[vector<16xi32>], vector<16xf32>,
      %mul3A_224 = arith.constant 16 : i32
      %mul3A_225 = arith.muli %scan3A_38, %mul3A_224 : i32
      %swap3A_226 = arith.constant 18 : i32
      %swap3A_227 = arith.index_cast %swap3A_226 : i32 to index
      %swap3A_228 = arith.index_cast %mul3A_225 : i32 to index
      %swap3A_229 = tpu.vector_load %arg7[%swap3A_227, %swap3A_228] {strides = array<i32>} : memref<64x512xf32, #tpu.memory_space<vmem>>, vector<16xf32>,
      tpu.vector_store %arg7[%swap3A_227, %swap3A_228], %gather3A_223 {strides = array<i32>} : memref<64x512xf32, #tpu.memory_space<vmem>>, vector<16xf32>,
      %add3A_230 = arith.constant 19456 : i32
      %add3A_231 = vector.broadcast %add3A_230 : i32 to vector<16xi32>
      %add3A_232 = arith.addi %get3A_41, %add3A_231 : vector<16xi32>
      %gather3A_233 = tpu.vector_load_idx %arg5[%add3A_232] : memref<65536xf32, #tpu.memory_space<vmem>>[vector<16xi32>], vector<16xf32>,
      %mul3A_234 = arith.constant 16 : i32
      %mul3A_235 = arith.muli %scan3A_38, %mul3A_234 : i32
      %swap3A_236 = arith.constant 19 : i32
      %swap3A_237 = arith.index_cast %swap3A_236 : i32 to index
      %swap3A_238 = arith.index_cast %mul3A_235 : i32 to index
      %swap3A_239 = tpu.vector_load %arg7[%swap3A_237, %swap3A_238] {strides = array<i32>} : memref<64x512xf32, #tpu.memory_space<vmem>>, vector<16xf32>,
      tpu.vector_store %arg7[%swap3A_237, %swap3A_238], %gather3A_233 {strides = array<i32>} : memref<64x512xf32, #tpu.memory_space<vmem>>, vector<16xf32>,
      %add3A_240 = arith.constant 20480 : i32
      %add3A_241 = vector.broadcast %add3A_240 : i32 to vector<16xi32>
      %add3A_242 = arith.addi %get3A_41, %add3A_241 : vector<16xi32>
      %gather3A_243 = tpu.vector_load_idx %arg5[%add3A_242] : memref<65536xf32, #tpu.memory_space<vmem>>[vector<16xi32>], vector<16xf32>,
      %mul3A_244 = arith.constant 16 : i32
      %mul3A_245 = arith.muli %scan3A_38, %mul3A_244 : i32
      %swap3A_246 = arith.constant 20 : i32
      %swap3A_247 = arith.index_cast %swap3A_246 : i32 to index
      %swap3A_248 = arith.index_cast %mul3A_245 : i32 to index
      %swap3A_249 = tpu.vector_load %arg7[%swap3A_247, %swap3A_248] {strides = array<i32>} : memref<64x512xf32, #tpu.memory_space<vmem>>, vector<16xf32>,
      tpu.vector_store %arg7[%swap3A_247, %swap3A_248], %gather3A_243 {strides = array<i32>} : memref<64x512xf32, #tpu.memory_space<vmem>>, vector<16xf32>,
      %add3A_250 = arith.constant 21504 : i32
      %add3A_251 = vector.broadcast %add3A_250 : i32 to vector<16xi32>
      %add3A_252 = arith.addi %get3A_41, %add3A_251 : vector<16xi32>
      %gather3A_253 = tpu.vector_load_idx %arg5[%add3A_252] : memref<65536xf32, #tpu.memory_space<vmem>>[vector<16xi32>], vector<16xf32>,
      %mul3A_254 = arith.constant 16 : i32
      %mul3A_255 = arith.muli %scan3A_38, %mul3A_254 : i32
      %swap3A_256 = arith.constant 21 : i32
      %swap3A_257 = arith.index_cast %swap3A_256 : i32 to index
      %swap3A_258 = arith.index_cast %mul3A_255 : i32 to index
      %swap3A_259 = tpu.vector_load %arg7[%swap3A_257, %swap3A_258] {strides = array<i32>} : memref<64x512xf32, #tpu.memory_space<vmem>>, vector<16xf32>,
      tpu.vector_store %arg7[%swap3A_257, %swap3A_258], %gather3A_253 {strides = array<i32>} : memref<64x512xf32, #tpu.memory_space<vmem>>, vector<16xf32>,
      %add3A_260 = arith.constant 22528 : i32
      %add3A_261 = vector.broadcast %add3A_260 : i32 to vector<16xi32>
      %add3A_262 = arith.addi %get3A_41, %add3A_261 : vector<16xi32>
      %gather3A_263 = tpu.vector_load_idx %arg5[%add3A_262] : memref<65536xf32, #tpu.memory_space<vmem>>[vector<16xi32>], vector<16xf32>,
      %mul3A_264 = arith.constant 16 : i32
      %mul3A_265 = arith.muli %scan3A_38, %mul3A_264 : i32
      %swap3A_266 = arith.constant 22 : i32
      %swap3A_267 = arith.index_cast %swap3A_266 : i32 to index
      %swap3A_268 = arith.index_cast %mul3A_265 : i32 to index
      %swap3A_269 = tpu.vector_load %arg7[%swap3A_267, %swap3A_268] {strides = array<i32>} : memref<64x512xf32, #tpu.memory_space<vmem>>, vector<16xf32>,
      tpu.vector_store %arg7[%swap3A_267, %swap3A_268], %gather3A_263 {strides = array<i32>} : memref<64x512xf32, #tpu.memory_space<vmem>>, vector<16xf32>,
      %add3A_270 = arith.constant 23552 : i32
      %add3A_271 = vector.broadcast %add3A_270 : i32 to vector<16xi32>
      %add3A_272 = arith.addi %get3A_41, %add3A_271 : vector<16xi32>
      %gather3A_273 = tpu.vector_load_idx %arg5[%add3A_272] : memref<65536xf32, #tpu.memory_space<vmem>>[vector<16xi32>], vector<16xf32>,
      %mul3A_274 = arith.constant 16 : i32
      %mul3A_275 = arith.muli %scan3A_38, %mul3A_274 : i32
      %swap3A_276 = arith.constant 23 : i32
      %swap3A_277 = arith.index_cast %swap3A_276 : i32 to index
      %swap3A_278 = arith.index_cast %mul3A_275 : i32 to index
      %swap3A_279 = tpu.vector_load %arg7[%swap3A_277, %swap3A_278] {strides = array<i32>} : memref<64x512xf32, #tpu.memory_space<vmem>>, vector<16xf32>,
      tpu.vector_store %arg7[%swap3A_277, %swap3A_278], %gather3A_273 {strides = array<i32>} : memref<64x512xf32, #tpu.memory_space<vmem>>, vector<16xf32>,
      %add3A_280 = arith.constant 24576 : i32
      %add3A_281 = vector.broadcast %add3A_280 : i32 to vector<16xi32>
      %add3A_282 = arith.addi %get3A_41, %add3A_281 : vector<16xi32>
      %gather3A_283 = tpu.vector_load_idx %arg5[%add3A_282] : memref<65536xf32, #tpu.memory_space<vmem>>[vector<16xi32>], vector<16xf32>,
      %mul3A_284 = arith.constant 16 : i32
      %mul3A_285 = arith.muli %scan3A_38, %mul3A_284 : i32
      %swap3A_286 = arith.constant 24 : i32
      %swap3A_287 = arith.index_cast %swap3A_286 : i32 to index
      %swap3A_288 = arith.index_cast %mul3A_285 : i32 to index
      %swap3A_289 = tpu.vector_load %arg7[%swap3A_287, %swap3A_288] {strides = array<i32>} : memref<64x512xf32, #tpu.memory_space<vmem>>, vector<16xf32>,
      tpu.vector_store %arg7[%swap3A_287, %swap3A_288], %gather3A_283 {strides = array<i32>} : memref<64x512xf32, #tpu.memory_space<vmem>>, vector<16xf32>,
      %add3A_290 = arith.constant 25600 : i32
      %add3A_291 = vector.broadcast %add3A_290 : i32 to vector<16xi32>
      %add3A_292 = arith.addi %get3A_41, %add3A_291 : vector<16xi32>
      %gather3A_293 = tpu.vector_load_idx %arg5[%add3A_292] : memref<65536xf32, #tpu.memory_space<vmem>>[vector<16xi32>], vector<16xf32>,
      %mul3A_294 = arith.constant 16 : i32
      %mul3A_295 = arith.muli %scan3A_38, %mul3A_294 : i32
      %swap3A_296 = arith.constant 25 : i32
      %swap3A_297 = arith.index_cast %swap3A_296 : i32 to index
      %swap3A_298 = arith.index_cast %mul3A_295 : i32 to index
      %swap3A_299 = tpu.vector_load %arg7[%swap3A_297, %swap3A_298] {strides = array<i32>} : memref<64x512xf32, #tpu.memory_space<vmem>>, vector<16xf32>,
      tpu.vector_store %arg7[%swap3A_297, %swap3A_298], %gather3A_293 {strides = array<i32>} : memref<64x512xf32, #tpu.memory_space<vmem>>, vector<16xf32>,
      %add3A_300 = arith.constant 26624 : i32
      %add3A_301 = vector.broadcast %add3A_300 : i32 to vector<16xi32>
      %add3A_302 = arith.addi %get3A_41, %add3A_301 : vector<16xi32>
      %gather3A_303 = tpu.vector_load_idx %arg5[%add3A_302] : memref<65536xf32, #tpu.memory_space<vmem>>[vector<16xi32>], vector<16xf32>,
      %mul3A_304 = arith.constant 16 : i32
      %mul3A_305 = arith.muli %scan3A_38, %mul3A_304 : i32
      %swap3A_306 = arith.constant 26 : i32
      %swap3A_307 = arith.index_cast %swap3A_306 : i32 to index
      %swap3A_308 = arith.index_cast %mul3A_305 : i32 to index
      %swap3A_309 = tpu.vector_load %arg7[%swap3A_307, %swap3A_308] {strides = array<i32>} : memref<64x512xf32, #tpu.memory_space<vmem>>, vector<16xf32>,
      tpu.vector_store %arg7[%swap3A_307, %swap3A_308], %gather3A_303 {strides = array<i32>} : memref<64x512xf32, #tpu.memory_space<vmem>>, vector<16xf32>,
      %add3A_310 = arith.constant 27648 : i32
      %add3A_311 = vector.broadcast %add3A_310 : i32 to vector<16xi32>
      %add3A_312 = arith.addi %get3A_41, %add3A_311 : vector<16xi32>
      %gather3A_313 = tpu.vector_load_idx %arg5[%add3A_312] : memref<65536xf32, #tpu.memory_space<vmem>>[vector<16xi32>], vector<16xf32>,
      %mul3A_314 = arith.constant 16 : i32
      %mul3A_315 = arith.muli %scan3A_38, %mul3A_314 : i32
      %swap3A_316 = arith.constant 27 : i32
      %swap3A_317 = arith.index_cast %swap3A_316 : i32 to index
      %swap3A_318 = arith.index_cast %mul3A_315 : i32 to index
      %swap3A_319 = tpu.vector_load %arg7[%swap3A_317, %swap3A_318] {strides = array<i32>} : memref<64x512xf32, #tpu.memory_space<vmem>>, vector<16xf32>,
      tpu.vector_store %arg7[%swap3A_317, %swap3A_318], %gather3A_313 {strides = array<i32>} : memref<64x512xf32, #tpu.memory_space<vmem>>, vector<16xf32>,
      %add3A_320 = arith.constant 28672 : i32
      %add3A_321 = vector.broadcast %add3A_320 : i32 to vector<16xi32>
      %add3A_322 = arith.addi %get3A_41, %add3A_321 : vector<16xi32>
      %gather3A_323 = tpu.vector_load_idx %arg5[%add3A_322] : memref<65536xf32, #tpu.memory_space<vmem>>[vector<16xi32>], vector<16xf32>,
      %mul3A_324 = arith.constant 16 : i32
      %mul3A_325 = arith.muli %scan3A_38, %mul3A_324 : i32
      %swap3A_326 = arith.constant 28 : i32
      %swap3A_327 = arith.index_cast %swap3A_326 : i32 to index
      %swap3A_328 = arith.index_cast %mul3A_325 : i32 to index
      %swap3A_329 = tpu.vector_load %arg7[%swap3A_327, %swap3A_328] {strides = array<i32>} : memref<64x512xf32, #tpu.memory_space<vmem>>, vector<16xf32>,
      tpu.vector_store %arg7[%swap3A_327, %swap3A_328], %gather3A_323 {strides = array<i32>} : memref<64x512xf32, #tpu.memory_space<vmem>>, vector<16xf32>,
      %add3A_330 = arith.constant 29696 : i32
      %add3A_331 = vector.broadcast %add3A_330 : i32 to vector<16xi32>
      %add3A_332 = arith.addi %get3A_41, %add3A_331 : vector<16xi32>
      %gather3A_333 = tpu.vector_load_idx %arg5[%add3A_332] : memref<65536xf32, #tpu.memory_space<vmem>>[vector<16xi32>], vector<16xf32>,
      %mul3A_334 = arith.constant 16 : i32
      %mul3A_335 = arith.muli %scan3A_38, %mul3A_334 : i32
      %swap3A_336 = arith.constant 29 : i32
      %swap3A_337 = arith.index_cast %swap3A_336 : i32 to index
      %swap3A_338 = arith.index_cast %mul3A_335 : i32 to index
      %swap3A_339 = tpu.vector_load %arg7[%swap3A_337, %swap3A_338] {strides = array<i32>} : memref<64x512xf32, #tpu.memory_space<vmem>>, vector<16xf32>,
      tpu.vector_store %arg7[%swap3A_337, %swap3A_338], %gather3A_333 {strides = array<i32>} : memref<64x512xf32, #tpu.memory_space<vmem>>, vector<16xf32>,
      %add3A_340 = arith.constant 30720 : i32
      %add3A_341 = vector.broadcast %add3A_340 : i32 to vector<16xi32>
      %add3A_342 = arith.addi %get3A_41, %add3A_341 : vector<16xi32>
      %gather3A_343 = tpu.vector_load_idx %arg5[%add3A_342] : memref<65536xf32, #tpu.memory_space<vmem>>[vector<16xi32>], vector<16xf32>,
      %mul3A_344 = arith.constant 16 : i32
      %mul3A_345 = arith.muli %scan3A_38, %mul3A_344 : i32
      %swap3A_346 = arith.constant 30 : i32
      %swap3A_347 = arith.index_cast %swap3A_346 : i32 to index
      %swap3A_348 = arith.index_cast %mul3A_345 : i32 to index
      %swap3A_349 = tpu.vector_load %arg7[%swap3A_347, %swap3A_348] {strides = array<i32>} : memref<64x512xf32, #tpu.memory_space<vmem>>, vector<16xf32>,
      tpu.vector_store %arg7[%swap3A_347, %swap3A_348], %gather3A_343 {strides = array<i32>} : memref<64x512xf32, #tpu.memory_space<vmem>>, vector<16xf32>,
      %add3A_350 = arith.constant 31744 : i32
      %add3A_351 = vector.broadcast %add3A_350 : i32 to vector<16xi32>
      %add3A_352 = arith.addi %get3A_41, %add3A_351 : vector<16xi32>
      %gather3A_353 = tpu.vector_load_idx %arg5[%add3A_352] : memref<65536xf32, #tpu.memory_space<vmem>>[vector<16xi32>], vector<16xf32>,
      %mul3A_354 = arith.constant 16 : i32
      %mul3A_355 = arith.muli %scan3A_38, %mul3A_354 : i32
      %swap3A_356 = arith.constant 31 : i32
      %swap3A_357 = arith.index_cast %swap3A_356 : i32 to index
      %swap3A_358 = arith.index_cast %mul3A_355 : i32 to index
      %swap3A_359 = tpu.vector_load %arg7[%swap3A_357, %swap3A_358] {strides = array<i32>} : memref<64x512xf32, #tpu.memory_space<vmem>>, vector<16xf32>,
      tpu.vector_store %arg7[%swap3A_357, %swap3A_358], %gather3A_353 {strides = array<i32>} : memref<64x512xf32, #tpu.memory_space<vmem>>, vector<16xf32>,
      %add3A_360 = arith.constant 32768 : i32
      %add3A_361 = vector.broadcast %add3A_360 : i32 to vector<16xi32>
      %add3A_362 = arith.addi %get3A_41, %add3A_361 : vector<16xi32>
      %gather3A_363 = tpu.vector_load_idx %arg5[%add3A_362] : memref<65536xf32, #tpu.memory_space<vmem>>[vector<16xi32>], vector<16xf32>,
      %mul3A_364 = arith.constant 16 : i32
      %mul3A_365 = arith.muli %scan3A_38, %mul3A_364 : i32
      %swap3A_366 = arith.constant 32 : i32
      %swap3A_367 = arith.index_cast %swap3A_366 : i32 to index
      %swap3A_368 = arith.index_cast %mul3A_365 : i32 to index
      %swap3A_369 = tpu.vector_load %arg7[%swap3A_367, %swap3A_368] {strides = array<i32>} : memref<64x512xf32, #tpu.memory_space<vmem>>, vector<16xf32>,
      tpu.vector_store %arg7[%swap3A_367, %swap3A_368], %gather3A_363 {strides = array<i32>} : memref<64x512xf32, #tpu.memory_space<vmem>>, vector<16xf32>,
      %add3A_370 = arith.constant 33792 : i32
      %add3A_371 = vector.broadcast %add3A_370 : i32 to vector<16xi32>
      %add3A_372 = arith.addi %get3A_41, %add3A_371 : vector<16xi32>
      %gather3A_373 = tpu.vector_load_idx %arg5[%add3A_372] : memref<65536xf32, #tpu.memory_space<vmem>>[vector<16xi32>], vector<16xf32>,
      %mul3A_374 = arith.constant 16 : i32
      %mul3A_375 = arith.muli %scan3A_38, %mul3A_374 : i32
      %swap3A_376 = arith.constant 33 : i32
      %swap3A_377 = arith.index_cast %swap3A_376 : i32 to index
      %swap3A_378 = arith.index_cast %mul3A_375 : i32 to index
      %swap3A_379 = tpu.vector_load %arg7[%swap3A_377, %swap3A_378] {strides = array<i32>} : memref<64x512xf32, #tpu.memory_space<vmem>>, vector<16xf32>,
      tpu.vector_store %arg7[%swap3A_377, %swap3A_378], %gather3A_373 {strides = array<i32>} : memref<64x512xf32, #tpu.memory_space<vmem>>, vector<16xf32>,
      %add3A_380 = arith.constant 34816 : i32
      %add3A_381 = vector.broadcast %add3A_380 : i32 to vector<16xi32>
      %add3A_382 = arith.addi %get3A_41, %add3A_381 : vector<16xi32>
      %gather3A_383 = tpu.vector_load_idx %arg5[%add3A_382] : memref<65536xf32, #tpu.memory_space<vmem>>[vector<16xi32>], vector<16xf32>,
      %mul3A_384 = arith.constant 16 : i32
      %mul3A_385 = arith.muli %scan3A_38, %mul3A_384 : i32
      %swap3A_386 = arith.constant 34 : i32
      %swap3A_387 = arith.index_cast %swap3A_386 : i32 to index
      %swap3A_388 = arith.index_cast %mul3A_385 : i32 to index
      %swap3A_389 = tpu.vector_load %arg7[%swap3A_387, %swap3A_388] {strides = array<i32>} : memref<64x512xf32, #tpu.memory_space<vmem>>, vector<16xf32>,
      tpu.vector_store %arg7[%swap3A_387, %swap3A_388], %gather3A_383 {strides = array<i32>} : memref<64x512xf32, #tpu.memory_space<vmem>>, vector<16xf32>,
      %add3A_390 = arith.constant 35840 : i32
      %add3A_391 = vector.broadcast %add3A_390 : i32 to vector<16xi32>
      %add3A_392 = arith.addi %get3A_41, %add3A_391 : vector<16xi32>
      %gather3A_393 = tpu.vector_load_idx %arg5[%add3A_392] : memref<65536xf32, #tpu.memory_space<vmem>>[vector<16xi32>], vector<16xf32>,
      %mul3A_394 = arith.constant 16 : i32
      %mul3A_395 = arith.muli %scan3A_38, %mul3A_394 : i32
      %swap3A_396 = arith.constant 35 : i32
      %swap3A_397 = arith.index_cast %swap3A_396 : i32 to index
      %swap3A_398 = arith.index_cast %mul3A_395 : i32 to index
      %swap3A_399 = tpu.vector_load %arg7[%swap3A_397, %swap3A_398] {strides = array<i32>} : memref<64x512xf32, #tpu.memory_space<vmem>>, vector<16xf32>,
      tpu.vector_store %arg7[%swap3A_397, %swap3A_398], %gather3A_393 {strides = array<i32>} : memref<64x512xf32, #tpu.memory_space<vmem>>, vector<16xf32>,
      %add3A_400 = arith.constant 36864 : i32
      %add3A_401 = vector.broadcast %add3A_400 : i32 to vector<16xi32>
      %add3A_402 = arith.addi %get3A_41, %add3A_401 : vector<16xi32>
      %gather3A_403 = tpu.vector_load_idx %arg5[%add3A_402] : memref<65536xf32, #tpu.memory_space<vmem>>[vector<16xi32>], vector<16xf32>,
      %mul3A_404 = arith.constant 16 : i32
      %mul3A_405 = arith.muli %scan3A_38, %mul3A_404 : i32
      %swap3A_406 = arith.constant 36 : i32
      %swap3A_407 = arith.index_cast %swap3A_406 : i32 to index
      %swap3A_408 = arith.index_cast %mul3A_405 : i32 to index
      %swap3A_409 = tpu.vector_load %arg7[%swap3A_407, %swap3A_408] {strides = array<i32>} : memref<64x512xf32, #tpu.memory_space<vmem>>, vector<16xf32>,
      tpu.vector_store %arg7[%swap3A_407, %swap3A_408], %gather3A_403 {strides = array<i32>} : memref<64x512xf32, #tpu.memory_space<vmem>>, vector<16xf32>,
      %add3A_410 = arith.constant 37888 : i32
      %add3A_411 = vector.broadcast %add3A_410 : i32 to vector<16xi32>
      %add3A_412 = arith.addi %get3A_41, %add3A_411 : vector<16xi32>
      %gather3A_413 = tpu.vector_load_idx %arg5[%add3A_412] : memref<65536xf32, #tpu.memory_space<vmem>>[vector<16xi32>], vector<16xf32>,
      %mul3A_414 = arith.constant 16 : i32
      %mul3A_415 = arith.muli %scan3A_38, %mul3A_414 : i32
      %swap3A_416 = arith.constant 37 : i32
      %swap3A_417 = arith.index_cast %swap3A_416 : i32 to index
      %swap3A_418 = arith.index_cast %mul3A_415 : i32 to index
      %swap3A_419 = tpu.vector_load %arg7[%swap3A_417, %swap3A_418] {strides = array<i32>} : memref<64x512xf32, #tpu.memory_space<vmem>>, vector<16xf32>,
      tpu.vector_store %arg7[%swap3A_417, %swap3A_418], %gather3A_413 {strides = array<i32>} : memref<64x512xf32, #tpu.memory_space<vmem>>, vector<16xf32>,
      %add3A_420 = arith.constant 38912 : i32
      %add3A_421 = vector.broadcast %add3A_420 : i32 to vector<16xi32>
      %add3A_422 = arith.addi %get3A_41, %add3A_421 : vector<16xi32>
      %gather3A_423 = tpu.vector_load_idx %arg5[%add3A_422] : memref<65536xf32, #tpu.memory_space<vmem>>[vector<16xi32>], vector<16xf32>,
      %mul3A_424 = arith.constant 16 : i32
      %mul3A_425 = arith.muli %scan3A_38, %mul3A_424 : i32
      %swap3A_426 = arith.constant 38 : i32
      %swap3A_427 = arith.index_cast %swap3A_426 : i32 to index
      %swap3A_428 = arith.index_cast %mul3A_425 : i32 to index
      %swap3A_429 = tpu.vector_load %arg7[%swap3A_427, %swap3A_428] {strides = array<i32>} : memref<64x512xf32, #tpu.memory_space<vmem>>, vector<16xf32>,
      tpu.vector_store %arg7[%swap3A_427, %swap3A_428], %gather3A_423 {strides = array<i32>} : memref<64x512xf32, #tpu.memory_space<vmem>>, vector<16xf32>,
      %add3A_430 = arith.constant 39936 : i32
      %add3A_431 = vector.broadcast %add3A_430 : i32 to vector<16xi32>
      %add3A_432 = arith.addi %get3A_41, %add3A_431 : vector<16xi32>
      %gather3A_433 = tpu.vector_load_idx %arg5[%add3A_432] : memref<65536xf32, #tpu.memory_space<vmem>>[vector<16xi32>], vector<16xf32>,
      %mul3A_434 = arith.constant 16 : i32
      %mul3A_435 = arith.muli %scan3A_38, %mul3A_434 : i32
      %swap3A_436 = arith.constant 39 : i32
      %swap3A_437 = arith.index_cast %swap3A_436 : i32 to index
      %swap3A_438 = arith.index_cast %mul3A_435 : i32 to index
      %swap3A_439 = tpu.vector_load %arg7[%swap3A_437, %swap3A_438] {strides = array<i32>} : memref<64x512xf32, #tpu.memory_space<vmem>>, vector<16xf32>,
      tpu.vector_store %arg7[%swap3A_437, %swap3A_438], %gather3A_433 {strides = array<i32>} : memref<64x512xf32, #tpu.memory_space<vmem>>, vector<16xf32>,
      %add3A_440 = arith.constant 40960 : i32
      %add3A_441 = vector.broadcast %add3A_440 : i32 to vector<16xi32>
      %add3A_442 = arith.addi %get3A_41, %add3A_441 : vector<16xi32>
      %gather3A_443 = tpu.vector_load_idx %arg5[%add3A_442] : memref<65536xf32, #tpu.memory_space<vmem>>[vector<16xi32>], vector<16xf32>,
      %mul3A_444 = arith.constant 16 : i32
      %mul3A_445 = arith.muli %scan3A_38, %mul3A_444 : i32
      %swap3A_446 = arith.constant 40 : i32
      %swap3A_447 = arith.index_cast %swap3A_446 : i32 to index
      %swap3A_448 = arith.index_cast %mul3A_445 : i32 to index
      %swap3A_449 = tpu.vector_load %arg7[%swap3A_447, %swap3A_448] {strides = array<i32>} : memref<64x512xf32, #tpu.memory_space<vmem>>, vector<16xf32>,
      tpu.vector_store %arg7[%swap3A_447, %swap3A_448], %gather3A_443 {strides = array<i32>} : memref<64x512xf32, #tpu.memory_space<vmem>>, vector<16xf32>,
      %add3A_450 = arith.constant 41984 : i32
      %add3A_451 = vector.broadcast %add3A_450 : i32 to vector<16xi32>
      %add3A_452 = arith.addi %get3A_41, %add3A_451 : vector<16xi32>
      %gather3A_453 = tpu.vector_load_idx %arg5[%add3A_452] : memref<65536xf32, #tpu.memory_space<vmem>>[vector<16xi32>], vector<16xf32>,
      %mul3A_454 = arith.constant 16 : i32
      %mul3A_455 = arith.muli %scan3A_38, %mul3A_454 : i32
      %swap3A_456 = arith.constant 41 : i32
      %swap3A_457 = arith.index_cast %swap3A_456 : i32 to index
      %swap3A_458 = arith.index_cast %mul3A_455 : i32 to index
      %swap3A_459 = tpu.vector_load %arg7[%swap3A_457, %swap3A_458] {strides = array<i32>} : memref<64x512xf32, #tpu.memory_space<vmem>>, vector<16xf32>,
      tpu.vector_store %arg7[%swap3A_457, %swap3A_458], %gather3A_453 {strides = array<i32>} : memref<64x512xf32, #tpu.memory_space<vmem>>, vector<16xf32>,
      %add3A_460 = arith.constant 43008 : i32
      %add3A_461 = vector.broadcast %add3A_460 : i32 to vector<16xi32>
      %add3A_462 = arith.addi %get3A_41, %add3A_461 : vector<16xi32>
      %gather3A_463 = tpu.vector_load_idx %arg5[%add3A_462] : memref<65536xf32, #tpu.memory_space<vmem>>[vector<16xi32>], vector<16xf32>,
      %mul3A_464 = arith.constant 16 : i32
      %mul3A_465 = arith.muli %scan3A_38, %mul3A_464 : i32
      %swap3A_466 = arith.constant 42 : i32
      %swap3A_467 = arith.index_cast %swap3A_466 : i32 to index
      %swap3A_468 = arith.index_cast %mul3A_465 : i32 to index
      %swap3A_469 = tpu.vector_load %arg7[%swap3A_467, %swap3A_468] {strides = array<i32>} : memref<64x512xf32, #tpu.memory_space<vmem>>, vector<16xf32>,
      tpu.vector_store %arg7[%swap3A_467, %swap3A_468], %gather3A_463 {strides = array<i32>} : memref<64x512xf32, #tpu.memory_space<vmem>>, vector<16xf32>,
      %add3A_470 = arith.constant 44032 : i32
      %add3A_471 = vector.broadcast %add3A_470 : i32 to vector<16xi32>
      %add3A_472 = arith.addi %get3A_41, %add3A_471 : vector<16xi32>
      %gather3A_473 = tpu.vector_load_idx %arg5[%add3A_472] : memref<65536xf32, #tpu.memory_space<vmem>>[vector<16xi32>], vector<16xf32>,
      %mul3A_474 = arith.constant 16 : i32
      %mul3A_475 = arith.muli %scan3A_38, %mul3A_474 : i32
      %swap3A_476 = arith.constant 43 : i32
      %swap3A_477 = arith.index_cast %swap3A_476 : i32 to index
      %swap3A_478 = arith.index_cast %mul3A_475 : i32 to index
      %swap3A_479 = tpu.vector_load %arg7[%swap3A_477, %swap3A_478] {strides = array<i32>} : memref<64x512xf32, #tpu.memory_space<vmem>>, vector<16xf32>,
      tpu.vector_store %arg7[%swap3A_477, %swap3A_478], %gather3A_473 {strides = array<i32>} : memref<64x512xf32, #tpu.memory_space<vmem>>, vector<16xf32>,
      %add3A_480 = arith.constant 45056 : i32
      %add3A_481 = vector.broadcast %add3A_480 : i32 to vector<16xi32>
      %add3A_482 = arith.addi %get3A_41, %add3A_481 : vector<16xi32>
      %gather3A_483 = tpu.vector_load_idx %arg5[%add3A_482] : memref<65536xf32, #tpu.memory_space<vmem>>[vector<16xi32>], vector<16xf32>,
      %mul3A_484 = arith.constant 16 : i32
      %mul3A_485 = arith.muli %scan3A_38, %mul3A_484 : i32
      %swap3A_486 = arith.constant 44 : i32
      %swap3A_487 = arith.index_cast %swap3A_486 : i32 to index
      %swap3A_488 = arith.index_cast %mul3A_485 : i32 to index
      %swap3A_489 = tpu.vector_load %arg7[%swap3A_487, %swap3A_488] {strides = array<i32>} : memref<64x512xf32, #tpu.memory_space<vmem>>, vector<16xf32>,
      tpu.vector_store %arg7[%swap3A_487, %swap3A_488], %gather3A_483 {strides = array<i32>} : memref<64x512xf32, #tpu.memory_space<vmem>>, vector<16xf32>,
      %add3A_490 = arith.constant 46080 : i32
      %add3A_491 = vector.broadcast %add3A_490 : i32 to vector<16xi32>
      %add3A_492 = arith.addi %get3A_41, %add3A_491 : vector<16xi32>
      %gather3A_493 = tpu.vector_load_idx %arg5[%add3A_492] : memref<65536xf32, #tpu.memory_space<vmem>>[vector<16xi32>], vector<16xf32>,
      %mul3A_494 = arith.constant 16 : i32
      %mul3A_495 = arith.muli %scan3A_38, %mul3A_494 : i32
      %swap3A_496 = arith.constant 45 : i32
      %swap3A_497 = arith.index_cast %swap3A_496 : i32 to index
      %swap3A_498 = arith.index_cast %mul3A_495 : i32 to index
      %swap3A_499 = tpu.vector_load %arg7[%swap3A_497, %swap3A_498] {strides = array<i32>} : memref<64x512xf32, #tpu.memory_space<vmem>>, vector<16xf32>,
      tpu.vector_store %arg7[%swap3A_497, %swap3A_498], %gather3A_493 {strides = array<i32>} : memref<64x512xf32, #tpu.memory_space<vmem>>, vector<16xf32>,
      %add3A_500 = arith.constant 47104 : i32
      %add3A_501 = vector.broadcast %add3A_500 : i32 to vector<16xi32>
      %add3A_502 = arith.addi %get3A_41, %add3A_501 : vector<16xi32>
      %gather3A_503 = tpu.vector_load_idx %arg5[%add3A_502] : memref<65536xf32, #tpu.memory_space<vmem>>[vector<16xi32>], vector<16xf32>,
      %mul3A_504 = arith.constant 16 : i32
      %mul3A_505 = arith.muli %scan3A_38, %mul3A_504 : i32
      %swap3A_506 = arith.constant 46 : i32
      %swap3A_507 = arith.index_cast %swap3A_506 : i32 to index
      %swap3A_508 = arith.index_cast %mul3A_505 : i32 to index
      %swap3A_509 = tpu.vector_load %arg7[%swap3A_507, %swap3A_508] {strides = array<i32>} : memref<64x512xf32, #tpu.memory_space<vmem>>, vector<16xf32>,
      tpu.vector_store %arg7[%swap3A_507, %swap3A_508], %gather3A_503 {strides = array<i32>} : memref<64x512xf32, #tpu.memory_space<vmem>>, vector<16xf32>,
      %add3A_510 = arith.constant 48128 : i32
      %add3A_511 = vector.broadcast %add3A_510 : i32 to vector<16xi32>
      %add3A_512 = arith.addi %get3A_41, %add3A_511 : vector<16xi32>
      %gather3A_513 = tpu.vector_load_idx %arg5[%add3A_512] : memref<65536xf32, #tpu.memory_space<vmem>>[vector<16xi32>], vector<16xf32>,
      %mul3A_514 = arith.constant 16 : i32
      %mul3A_515 = arith.muli %scan3A_38, %mul3A_514 : i32
      %swap3A_516 = arith.constant 47 : i32
      %swap3A_517 = arith.index_cast %swap3A_516 : i32 to index
      %swap3A_518 = arith.index_cast %mul3A_515 : i32 to index
      %swap3A_519 = tpu.vector_load %arg7[%swap3A_517, %swap3A_518] {strides = array<i32>} : memref<64x512xf32, #tpu.memory_space<vmem>>, vector<16xf32>,
      tpu.vector_store %arg7[%swap3A_517, %swap3A_518], %gather3A_513 {strides = array<i32>} : memref<64x512xf32, #tpu.memory_space<vmem>>, vector<16xf32>,
      %add3A_520 = arith.constant 49152 : i32
      %add3A_521 = vector.broadcast %add3A_520 : i32 to vector<16xi32>
      %add3A_522 = arith.addi %get3A_41, %add3A_521 : vector<16xi32>
      %gather3A_523 = tpu.vector_load_idx %arg5[%add3A_522] : memref<65536xf32, #tpu.memory_space<vmem>>[vector<16xi32>], vector<16xf32>,
      %mul3A_524 = arith.constant 16 : i32
      %mul3A_525 = arith.muli %scan3A_38, %mul3A_524 : i32
      %swap3A_526 = arith.constant 48 : i32
      %swap3A_527 = arith.index_cast %swap3A_526 : i32 to index
      %swap3A_528 = arith.index_cast %mul3A_525 : i32 to index
      %swap3A_529 = tpu.vector_load %arg7[%swap3A_527, %swap3A_528] {strides = array<i32>} : memref<64x512xf32, #tpu.memory_space<vmem>>, vector<16xf32>,
      tpu.vector_store %arg7[%swap3A_527, %swap3A_528], %gather3A_523 {strides = array<i32>} : memref<64x512xf32, #tpu.memory_space<vmem>>, vector<16xf32>,
      %add3A_530 = arith.constant 50176 : i32
      %add3A_531 = vector.broadcast %add3A_530 : i32 to vector<16xi32>
      %add3A_532 = arith.addi %get3A_41, %add3A_531 : vector<16xi32>
      %gather3A_533 = tpu.vector_load_idx %arg5[%add3A_532] : memref<65536xf32, #tpu.memory_space<vmem>>[vector<16xi32>], vector<16xf32>,
      %mul3A_534 = arith.constant 16 : i32
      %mul3A_535 = arith.muli %scan3A_38, %mul3A_534 : i32
      %swap3A_536 = arith.constant 49 : i32
      %swap3A_537 = arith.index_cast %swap3A_536 : i32 to index
      %swap3A_538 = arith.index_cast %mul3A_535 : i32 to index
      %swap3A_539 = tpu.vector_load %arg7[%swap3A_537, %swap3A_538] {strides = array<i32>} : memref<64x512xf32, #tpu.memory_space<vmem>>, vector<16xf32>,
      tpu.vector_store %arg7[%swap3A_537, %swap3A_538], %gather3A_533 {strides = array<i32>} : memref<64x512xf32, #tpu.memory_space<vmem>>, vector<16xf32>,
      %add3A_540 = arith.constant 51200 : i32
      %add3A_541 = vector.broadcast %add3A_540 : i32 to vector<16xi32>
      %add3A_542 = arith.addi %get3A_41, %add3A_541 : vector<16xi32>
      %gather3A_543 = tpu.vector_load_idx %arg5[%add3A_542] : memref<65536xf32, #tpu.memory_space<vmem>>[vector<16xi32>], vector<16xf32>,
      %mul3A_544 = arith.constant 16 : i32
      %mul3A_545 = arith.muli %scan3A_38, %mul3A_544 : i32
      %swap3A_546 = arith.constant 50 : i32
      %swap3A_547 = arith.index_cast %swap3A_546 : i32 to index
      %swap3A_548 = arith.index_cast %mul3A_545 : i32 to index
      %swap3A_549 = tpu.vector_load %arg7[%swap3A_547, %swap3A_548] {strides = array<i32>} : memref<64x512xf32, #tpu.memory_space<vmem>>, vector<16xf32>,
      tpu.vector_store %arg7[%swap3A_547, %swap3A_548], %gather3A_543 {strides = array<i32>} : memref<64x512xf32, #tpu.memory_space<vmem>>, vector<16xf32>,
      %add3A_550 = arith.constant 52224 : i32
      %add3A_551 = vector.broadcast %add3A_550 : i32 to vector<16xi32>
      %add3A_552 = arith.addi %get3A_41, %add3A_551 : vector<16xi32>
      %gather3A_553 = tpu.vector_load_idx %arg5[%add3A_552] : memref<65536xf32, #tpu.memory_space<vmem>>[vector<16xi32>], vector<16xf32>,
      %mul3A_554 = arith.constant 16 : i32
      %mul3A_555 = arith.muli %scan3A_38, %mul3A_554 : i32
      %swap3A_556 = arith.constant 51 : i32
      %swap3A_557 = arith.index_cast %swap3A_556 : i32 to index
      %swap3A_558 = arith.index_cast %mul3A_555 : i32 to index
      %swap3A_559 = tpu.vector_load %arg7[%swap3A_557, %swap3A_558] {strides = array<i32>} : memref<64x512xf32, #tpu.memory_space<vmem>>, vector<16xf32>,
      tpu.vector_store %arg7[%swap3A_557, %swap3A_558], %gather3A_553 {strides = array<i32>} : memref<64x512xf32, #tpu.memory_space<vmem>>, vector<16xf32>,
      %add3A_560 = arith.constant 53248 : i32
      %add3A_561 = vector.broadcast %add3A_560 : i32 to vector<16xi32>
      %add3A_562 = arith.addi %get3A_41, %add3A_561 : vector<16xi32>
      %gather3A_563 = tpu.vector_load_idx %arg5[%add3A_562] : memref<65536xf32, #tpu.memory_space<vmem>>[vector<16xi32>], vector<16xf32>,
      %mul3A_564 = arith.constant 16 : i32
      %mul3A_565 = arith.muli %scan3A_38, %mul3A_564 : i32
      %swap3A_566 = arith.constant 52 : i32
      %swap3A_567 = arith.index_cast %swap3A_566 : i32 to index
      %swap3A_568 = arith.index_cast %mul3A_565 : i32 to index
      %swap3A_569 = tpu.vector_load %arg7[%swap3A_567, %swap3A_568] {strides = array<i32>} : memref<64x512xf32, #tpu.memory_space<vmem>>, vector<16xf32>,
      tpu.vector_store %arg7[%swap3A_567, %swap3A_568], %gather3A_563 {strides = array<i32>} : memref<64x512xf32, #tpu.memory_space<vmem>>, vector<16xf32>,
      %add3A_570 = arith.constant 54272 : i32
      %add3A_571 = vector.broadcast %add3A_570 : i32 to vector<16xi32>
      %add3A_572 = arith.addi %get3A_41, %add3A_571 : vector<16xi32>
      %gather3A_573 = tpu.vector_load_idx %arg5[%add3A_572] : memref<65536xf32, #tpu.memory_space<vmem>>[vector<16xi32>], vector<16xf32>,
      %mul3A_574 = arith.constant 16 : i32
      %mul3A_575 = arith.muli %scan3A_38, %mul3A_574 : i32
      %swap3A_576 = arith.constant 53 : i32
      %swap3A_577 = arith.index_cast %swap3A_576 : i32 to index
      %swap3A_578 = arith.index_cast %mul3A_575 : i32 to index
      %swap3A_579 = tpu.vector_load %arg7[%swap3A_577, %swap3A_578] {strides = array<i32>} : memref<64x512xf32, #tpu.memory_space<vmem>>, vector<16xf32>,
      tpu.vector_store %arg7[%swap3A_577, %swap3A_578], %gather3A_573 {strides = array<i32>} : memref<64x512xf32, #tpu.memory_space<vmem>>, vector<16xf32>,
      %add3A_580 = arith.constant 55296 : i32
      %add3A_581 = vector.broadcast %add3A_580 : i32 to vector<16xi32>
      %add3A_582 = arith.addi %get3A_41, %add3A_581 : vector<16xi32>
      %gather3A_583 = tpu.vector_load_idx %arg5[%add3A_582] : memref<65536xf32, #tpu.memory_space<vmem>>[vector<16xi32>], vector<16xf32>,
      %mul3A_584 = arith.constant 16 : i32
      %mul3A_585 = arith.muli %scan3A_38, %mul3A_584 : i32
      %swap3A_586 = arith.constant 54 : i32
      %swap3A_587 = arith.index_cast %swap3A_586 : i32 to index
      %swap3A_588 = arith.index_cast %mul3A_585 : i32 to index
      %swap3A_589 = tpu.vector_load %arg7[%swap3A_587, %swap3A_588] {strides = array<i32>} : memref<64x512xf32, #tpu.memory_space<vmem>>, vector<16xf32>,
      tpu.vector_store %arg7[%swap3A_587, %swap3A_588], %gather3A_583 {strides = array<i32>} : memref<64x512xf32, #tpu.memory_space<vmem>>, vector<16xf32>,
      %add3A_590 = arith.constant 56320 : i32
      %add3A_591 = vector.broadcast %add3A_590 : i32 to vector<16xi32>
      %add3A_592 = arith.addi %get3A_41, %add3A_591 : vector<16xi32>
      %gather3A_593 = tpu.vector_load_idx %arg5[%add3A_592] : memref<65536xf32, #tpu.memory_space<vmem>>[vector<16xi32>], vector<16xf32>,
      %mul3A_594 = arith.constant 16 : i32
      %mul3A_595 = arith.muli %scan3A_38, %mul3A_594 : i32
      %swap3A_596 = arith.constant 55 : i32
      %swap3A_597 = arith.index_cast %swap3A_596 : i32 to index
      %swap3A_598 = arith.index_cast %mul3A_595 : i32 to index
      %swap3A_599 = tpu.vector_load %arg7[%swap3A_597, %swap3A_598] {strides = array<i32>} : memref<64x512xf32, #tpu.memory_space<vmem>>, vector<16xf32>,
      tpu.vector_store %arg7[%swap3A_597, %swap3A_598], %gather3A_593 {strides = array<i32>} : memref<64x512xf32, #tpu.memory_space<vmem>>, vector<16xf32>,
      %add3A_600 = arith.constant 57344 : i32
      %add3A_601 = vector.broadcast %add3A_600 : i32 to vector<16xi32>
      %add3A_602 = arith.addi %get3A_41, %add3A_601 : vector<16xi32>
      %gather3A_603 = tpu.vector_load_idx %arg5[%add3A_602] : memref<65536xf32, #tpu.memory_space<vmem>>[vector<16xi32>], vector<16xf32>,
      %mul3A_604 = arith.constant 16 : i32
      %mul3A_605 = arith.muli %scan3A_38, %mul3A_604 : i32
      %swap3A_606 = arith.constant 56 : i32
      %swap3A_607 = arith.index_cast %swap3A_606 : i32 to index
      %swap3A_608 = arith.index_cast %mul3A_605 : i32 to index
      %swap3A_609 = tpu.vector_load %arg7[%swap3A_607, %swap3A_608] {strides = array<i32>} : memref<64x512xf32, #tpu.memory_space<vmem>>, vector<16xf32>,
      tpu.vector_store %arg7[%swap3A_607, %swap3A_608], %gather3A_603 {strides = array<i32>} : memref<64x512xf32, #tpu.memory_space<vmem>>, vector<16xf32>,
      %add3A_610 = arith.constant 58368 : i32
      %add3A_611 = vector.broadcast %add3A_610 : i32 to vector<16xi32>
      %add3A_612 = arith.addi %get3A_41, %add3A_611 : vector<16xi32>
      %gather3A_613 = tpu.vector_load_idx %arg5[%add3A_612] : memref<65536xf32, #tpu.memory_space<vmem>>[vector<16xi32>], vector<16xf32>,
      %mul3A_614 = arith.constant 16 : i32
      %mul3A_615 = arith.muli %scan3A_38, %mul3A_614 : i32
      %swap3A_616 = arith.constant 57 : i32
      %swap3A_617 = arith.index_cast %swap3A_616 : i32 to index
      %swap3A_618 = arith.index_cast %mul3A_615 : i32 to index
      %swap3A_619 = tpu.vector_load %arg7[%swap3A_617, %swap3A_618] {strides = array<i32>} : memref<64x512xf32, #tpu.memory_space<vmem>>, vector<16xf32>,
      tpu.vector_store %arg7[%swap3A_617, %swap3A_618], %gather3A_613 {strides = array<i32>} : memref<64x512xf32, #tpu.memory_space<vmem>>, vector<16xf32>,
      %add3A_620 = arith.constant 59392 : i32
      %add3A_621 = vector.broadcast %add3A_620 : i32 to vector<16xi32>
      %add3A_622 = arith.addi %get3A_41, %add3A_621 : vector<16xi32>
      %gather3A_623 = tpu.vector_load_idx %arg5[%add3A_622] : memref<65536xf32, #tpu.memory_space<vmem>>[vector<16xi32>], vector<16xf32>,
      %mul3A_624 = arith.constant 16 : i32
      %mul3A_625 = arith.muli %scan3A_38, %mul3A_624 : i32
      %swap3A_626 = arith.constant 58 : i32
      %swap3A_627 = arith.index_cast %swap3A_626 : i32 to index
      %swap3A_628 = arith.index_cast %mul3A_625 : i32 to index
      %swap3A_629 = tpu.vector_load %arg7[%swap3A_627, %swap3A_628] {strides = array<i32>} : memref<64x512xf32, #tpu.memory_space<vmem>>, vector<16xf32>,
      tpu.vector_store %arg7[%swap3A_627, %swap3A_628], %gather3A_623 {strides = array<i32>} : memref<64x512xf32, #tpu.memory_space<vmem>>, vector<16xf32>,
      %add3A_630 = arith.constant 60416 : i32
      %add3A_631 = vector.broadcast %add3A_630 : i32 to vector<16xi32>
      %add3A_632 = arith.addi %get3A_41, %add3A_631 : vector<16xi32>
      %gather3A_633 = tpu.vector_load_idx %arg5[%add3A_632] : memref<65536xf32, #tpu.memory_space<vmem>>[vector<16xi32>], vector<16xf32>,
      %mul3A_634 = arith.constant 16 : i32
      %mul3A_635 = arith.muli %scan3A_38, %mul3A_634 : i32
      %swap3A_636 = arith.constant 59 : i32
      %swap3A_637 = arith.index_cast %swap3A_636 : i32 to index
      %swap3A_638 = arith.index_cast %mul3A_635 : i32 to index
      %swap3A_639 = tpu.vector_load %arg7[%swap3A_637, %swap3A_638] {strides = array<i32>} : memref<64x512xf32, #tpu.memory_space<vmem>>, vector<16xf32>,
      tpu.vector_store %arg7[%swap3A_637, %swap3A_638], %gather3A_633 {strides = array<i32>} : memref<64x512xf32, #tpu.memory_space<vmem>>, vector<16xf32>,
      %add3A_640 = arith.constant 61440 : i32
      %add3A_641 = vector.broadcast %add3A_640 : i32 to vector<16xi32>
      %add3A_642 = arith.addi %get3A_41, %add3A_641 : vector<16xi32>
      %gather3A_643 = tpu.vector_load_idx %arg5[%add3A_642] : memref<65536xf32, #tpu.memory_space<vmem>>[vector<16xi32>], vector<16xf32>,
      %mul3A_644 = arith.constant 16 : i32
      %mul3A_645 = arith.muli %scan3A_38, %mul3A_644 : i32
      %swap3A_646 = arith.constant 60 : i32
      %swap3A_647 = arith.index_cast %swap3A_646 : i32 to index
      %swap3A_648 = arith.index_cast %mul3A_645 : i32 to index
      %swap3A_649 = tpu.vector_load %arg7[%swap3A_647, %swap3A_648] {strides = array<i32>} : memref<64x512xf32, #tpu.memory_space<vmem>>, vector<16xf32>,
      tpu.vector_store %arg7[%swap3A_647, %swap3A_648], %gather3A_643 {strides = array<i32>} : memref<64x512xf32, #tpu.memory_space<vmem>>, vector<16xf32>,
      %add3A_650 = arith.constant 62464 : i32
      %add3A_651 = vector.broadcast %add3A_650 : i32 to vector<16xi32>
      %add3A_652 = arith.addi %get3A_41, %add3A_651 : vector<16xi32>
      %gather3A_653 = tpu.vector_load_idx %arg5[%add3A_652] : memref<65536xf32, #tpu.memory_space<vmem>>[vector<16xi32>], vector<16xf32>,
      %mul3A_654 = arith.constant 16 : i32
      %mul3A_655 = arith.muli %scan3A_38, %mul3A_654 : i32
      %swap3A_656 = arith.constant 61 : i32
      %swap3A_657 = arith.index_cast %swap3A_656 : i32 to index
      %swap3A_658 = arith.index_cast %mul3A_655 : i32 to index
      %swap3A_659 = tpu.vector_load %arg7[%swap3A_657, %swap3A_658] {strides = array<i32>} : memref<64x512xf32, #tpu.memory_space<vmem>>, vector<16xf32>,
      tpu.vector_store %arg7[%swap3A_657, %swap3A_658], %gather3A_653 {strides = array<i32>} : memref<64x512xf32, #tpu.memory_space<vmem>>, vector<16xf32>,
      %add3A_660 = arith.constant 63488 : i32
      %add3A_661 = vector.broadcast %add3A_660 : i32 to vector<16xi32>
      %add3A_662 = arith.addi %get3A_41, %add3A_661 : vector<16xi32>
      %gather3A_663 = tpu.vector_load_idx %arg5[%add3A_662] : memref<65536xf32, #tpu.memory_space<vmem>>[vector<16xi32>], vector<16xf32>,
      %mul3A_664 = arith.constant 16 : i32
      %mul3A_665 = arith.muli %scan3A_38, %mul3A_664 : i32
      %swap3A_666 = arith.constant 62 : i32
      %swap3A_667 = arith.index_cast %swap3A_666 : i32 to index
      %swap3A_668 = arith.index_cast %mul3A_665 : i32 to index
      %swap3A_669 = tpu.vector_load %arg7[%swap3A_667, %swap3A_668] {strides = array<i32>} : memref<64x512xf32, #tpu.memory_space<vmem>>, vector<16xf32>,
      tpu.vector_store %arg7[%swap3A_667, %swap3A_668], %gather3A_663 {strides = array<i32>} : memref<64x512xf32, #tpu.memory_space<vmem>>, vector<16xf32>,
      %add3A_670 = arith.constant 64512 : i32
      %add3A_671 = vector.broadcast %add3A_670 : i32 to vector<16xi32>
      %add3A_672 = arith.addi %get3A_41, %add3A_671 : vector<16xi32>
      %gather3A_673 = tpu.vector_load_idx %arg5[%add3A_672] : memref<65536xf32, #tpu.memory_space<vmem>>[vector<16xi32>], vector<16xf32>,
      %mul3A_674 = arith.constant 16 : i32
      %mul3A_675 = arith.muli %scan3A_38, %mul3A_674 : i32
      %swap3A_676 = arith.constant 63 : i32
      %swap3A_677 = arith.index_cast %swap3A_676 : i32 to index
      %swap3A_678 = arith.index_cast %mul3A_675 : i32 to index
      %swap3A_679 = tpu.vector_load %arg7[%swap3A_677, %swap3A_678] {strides = array<i32>} : memref<64x512xf32, #tpu.memory_space<vmem>>, vector<16xf32>,
      tpu.vector_store %arg7[%swap3A_677, %swap3A_678], %gather3A_673 {strides = array<i32>} : memref<64x512xf32, #tpu.memory_space<vmem>>, vector<16xf32>,
    }
    %scan3A_37 = arith.constant 32 : i32
    "tpu.region"() ({
      %run_scoped3A = tpu.sem_alloc : memref<!tpu.dma_semaphore, #tpu.memory_space<semaphore_mem>>
      %dma_start3A = arith.constant 0 : i32
      %dma_start3A_38 = tpu.memref_slice %arg4[%select_n3A, %dma_start3A, %mul3A_32] : memref<16x64x1024xf32, #tpu.memory_space<hbm>> -> memref<1x64x512xf32, #tpu.memory_space<hbm>>
      %dma_start3A_39 = tpu.memref_squeeze %dma_start3A_38 : memref<1x64x512xf32, #tpu.memory_space<hbm>> -> memref<64x512xf32, #tpu.memory_space<hbm>>
      %dma_start3A_40 = arith.constant 0 : i32
      %dma_start3A_41 = tpu.memref_slice %arg4[%select_n3A, %dma_start3A_40, %mul3A_32] : memref<16x64x1024xf32, #tpu.memory_space<hbm>> -> memref<1x64x512xf32, #tpu.memory_space<hbm>>
      %dma_start3A_42 = tpu.memref_squeeze %dma_start3A_41 : memref<1x64x512xf32, #tpu.memory_space<hbm>> -> memref<64x512xf32, #tpu.memory_space<hbm>>
      tpu.enqueue_dma source(%arg7 : memref<64x512xf32, #tpu.memory_space<vmem>>) target(%dma_start3A_42 : memref<64x512xf32, #tpu.memory_space<hbm>>) target_semaphore(%run_scoped3A : memref<!tpu.dma_semaphore, #tpu.memory_space<semaphore_mem>>)
      %dma_wait3A = arith.constant 0 : i32
      %dma_wait3A_43 = tpu.memref_slice %arg4[%select_n3A, %dma_wait3A, %mul3A_32] : memref<16x64x1024xf32, #tpu.memory_space<hbm>> -> memref<1x64x512xf32, #tpu.memory_space<hbm>>
      %dma_wait3A_44 = tpu.memref_squeeze %dma_wait3A_43 : memref<1x64x512xf32, #tpu.memory_space<hbm>> -> memref<64x512xf32, #tpu.memory_space<hbm>>
      %dma_wait3A_45 = arith.constant 0 : i32
      %dma_wait3A_46 = tpu.memref_slice %arg4[%select_n3A, %dma_wait3A_45, %mul3A_32] : memref<16x64x1024xf32, #tpu.memory_space<hbm>> -> memref<1x64x512xf32, #tpu.memory_space<hbm>>
      %dma_wait3A_47 = tpu.memref_squeeze %dma_wait3A_46 : memref<1x64x512xf32, #tpu.memory_space<hbm>> -> memref<64x512xf32, #tpu.memory_space<hbm>>
      tpu.wait_dma2 semaphore(%run_scoped3A : memref<!tpu.dma_semaphore, #tpu.memory_space<semaphore_mem>>) src(%arg7 : memref<64x512xf32, #tpu.memory_space<vmem>>) dst(%dma_wait3A_47 : memref<64x512xf32, #tpu.memory_space<hbm>>)
      tpu.yield
    }) : () -> ()
    return
  }
}

module attributes {stable_mosaic.version = 14 : i64} {
  func.func @_argmin_body(%arg0: i32, %arg1: memref<2x64x1024xf32, #tpu.memory_space<vmem>>, %arg2: memref<1024x64xf32, #tpu.memory_space<vmem>>, %arg3: memref<2x1x1024xi32, #tpu.memory_space<vmem>>, %arg4: memref<1x1xf32, #tpu.memory_space<smem>>) attributes {dimension_semantics = [#tpu.dimension_semantics<arbitrary>], iteration_bounds = array<i64: 8>, scalar_prefetch = 0 : i64, scratch_operands = 0 : i64, tpu.core_type = #tpu.core_type<tc>, window_params = [{transform_indices = @transform_0, window_bounds = array<i64: 2, 64, 1024>}, {pipeline_mode = #tpu.pipeline_mode<synchronous>, transform_indices = @transform_1, window_bounds = array<i64: 1024, 64>}, {transform_indices = @transform_2, window_bounds = array<i64: 2, 1, 1024>}, {transform_indices = @transform_3, window_bounds = array<i64: 1, 1>}]} {
    %get3A = arith.constant 0 : index
    %get3A_0 = arith.constant 0 : index
    %get3A_1 = vector.load %arg2[%get3A, %get3A_0] : memref<1024x64xf32, #tpu.memory_space<vmem>>, vector<1024x64xf32>
    %add3A = arith.addf %get3A_1, %get3A_1 : vector<1024x64xf32>
    %mul3A = arith.mulf %get3A_1, %get3A_1 : vector<1024x64xf32>
    %reduce_sum3A = arith.constant dense<0.000000e+00> : vector<1024xf32>
    %reduce_sum3A_2 = vector.multi_reduction <add>, %mul3A, %reduce_sum3A [1] : vector<1024x64xf32> to vector<1024xf32>
    %broadcast_in_dim3A = vector.shape_cast %reduce_sum3A_2 : vector<1024xf32> to vector<1024x1xf32>
    %get3A_3 = arith.constant 0 : index
    %get3A_4 = arith.constant 0 : index
    %get3A_5 = arith.constant 0 : index
    %get3A_6 = vector.load %arg1[%get3A_3, %get3A_4, %get3A_5] : memref<2x64x1024xf32, #tpu.memory_space<vmem>>, vector<1x64x1024xf32>
    %get3A_7 = vector.shape_cast %get3A_6 : vector<1x64x1024xf32> to vector<64x1024xf32>
    %mul3A_8 = arith.mulf %get3A_7, %get3A_7 : vector<64x1024xf32>
    %reduce_sum3A_9 = arith.constant dense<0.000000e+00> : vector<1024xf32>
    %reduce_sum3A_10 = vector.multi_reduction <add>, %mul3A_8, %reduce_sum3A_9 [0] : vector<64x1024xf32> to vector<1024xf32>
    %broadcast_in_dim3A_11 = vector.shape_cast %reduce_sum3A_10 : vector<1024xf32> to vector<1x1024xf32>
    %dot_general3A = arith.constant dense<0.000000e+00> : vector<1024x1024xf32>
    %dot_general3A_12 = tpu.matmul %add3A, %get3A_7, %dot_general3A {dimension_numbers = #tpu.dot_dimension_numbers<[1], [0], [0], [1], [0, 0, 1, 1], [], []>, transpose_lhs_hint = false} : vector<1024x64xf32>, vector<64x1024xf32>, vector<1024x1024xf32> -> vector<1024x1024xf32>
    %slice3A = vector.extract_strided_slice %broadcast_in_dim3A {offsets = [0, 0], sizes = [8, 1], strides = [1, 1]} : vector<1024x1xf32> to vector<8x1xf32>
    %add3A_13 = vector.broadcast %broadcast_in_dim3A_11 : vector<1x1024xf32> to vector<8x1024xf32>
    %add3A_14 = vector.broadcast %slice3A : vector<8x1xf32> to vector<8x1024xf32>
    %add3A_15 = arith.addf %add3A_13, %add3A_14 : vector<8x1024xf32>
    %slice3A_16 = vector.extract_strided_slice %dot_general3A_12 {offsets = [0, 0], sizes = [8, 1024], strides = [1, 1]} : vector<1024x1024xf32> to vector<8x1024xf32>
    %sub3A = arith.subf %add3A_15, %slice3A_16 : vector<8x1024xf32>
    %broadcast_in_dim3A_17 = arith.constant 0 : i32
    %broadcast_in_dim3A_18 = vector.broadcast %broadcast_in_dim3A_17 : i32 to vector<8x1024xi32>
    %slice3A_19 = vector.extract_strided_slice %broadcast_in_dim3A {offsets = [8, 0], sizes = [8, 1], strides = [1, 1]} : vector<1024x1xf32> to vector<8x1xf32>
    %add3A_20 = vector.broadcast %broadcast_in_dim3A_11 : vector<1x1024xf32> to vector<8x1024xf32>
    %add3A_21 = vector.broadcast %slice3A_19 : vector<8x1xf32> to vector<8x1024xf32>
    %add3A_22 = arith.addf %add3A_20, %add3A_21 : vector<8x1024xf32>
    %slice3A_23 = vector.extract_strided_slice %dot_general3A_12 {offsets = [8, 0], sizes = [8, 1024], strides = [1, 1]} : vector<1024x1024xf32> to vector<8x1024xf32>
    %sub3A_24 = arith.subf %add3A_22, %slice3A_23 : vector<8x1024xf32>
    %lt3A = arith.cmpf olt, %sub3A_24, %sub3A : vector<8x1024xf32>
    %select_n3A = arith.select %lt3A, %sub3A_24, %sub3A : vector<8x1024xi1>, vector<8x1024xf32>
    %jit3A = arith.constant 1 : i32
    %broadcast_in_dim3A_25 = vector.broadcast %jit3A : i32 to vector<8x1024xi32>
    %select_n3A_26 = arith.select %lt3A, %broadcast_in_dim3A_25, %broadcast_in_dim3A_18 : vector<8x1024xi1>, vector<8x1024xi32>
    %slice3A_27 = vector.extract_strided_slice %broadcast_in_dim3A {offsets = [16, 0], sizes = [8, 1], strides = [1, 1]} : vector<1024x1xf32> to vector<8x1xf32>
    %add3A_28 = vector.broadcast %broadcast_in_dim3A_11 : vector<1x1024xf32> to vector<8x1024xf32>
    %add3A_29 = vector.broadcast %slice3A_27 : vector<8x1xf32> to vector<8x1024xf32>
    %add3A_30 = arith.addf %add3A_28, %add3A_29 : vector<8x1024xf32>
    %slice3A_31 = vector.extract_strided_slice %dot_general3A_12 {offsets = [16, 0], sizes = [8, 1024], strides = [1, 1]} : vector<1024x1024xf32> to vector<8x1024xf32>
    %sub3A_32 = arith.subf %add3A_30, %slice3A_31 : vector<8x1024xf32>
    %lt3A_33 = arith.cmpf olt, %sub3A_32, %select_n3A : vector<8x1024xf32>
    %select_n3A_34 = arith.select %lt3A_33, %sub3A_32, %select_n3A : vector<8x1024xi1>, vector<8x1024xf32>
    %jit3A_35 = arith.constant 2 : i32
    %broadcast_in_dim3A_36 = vector.broadcast %jit3A_35 : i32 to vector<8x1024xi32>
    %select_n3A_37 = arith.select %lt3A_33, %broadcast_in_dim3A_36, %select_n3A_26 : vector<8x1024xi1>, vector<8x1024xi32>
    %slice3A_38 = vector.extract_strided_slice %broadcast_in_dim3A {offsets = [24, 0], sizes = [8, 1], strides = [1, 1]} : vector<1024x1xf32> to vector<8x1xf32>
    %add3A_39 = vector.broadcast %broadcast_in_dim3A_11 : vector<1x1024xf32> to vector<8x1024xf32>
    %add3A_40 = vector.broadcast %slice3A_38 : vector<8x1xf32> to vector<8x1024xf32>
    %add3A_41 = arith.addf %add3A_39, %add3A_40 : vector<8x1024xf32>
    %slice3A_42 = vector.extract_strided_slice %dot_general3A_12 {offsets = [24, 0], sizes = [8, 1024], strides = [1, 1]} : vector<1024x1024xf32> to vector<8x1024xf32>
    %sub3A_43 = arith.subf %add3A_41, %slice3A_42 : vector<8x1024xf32>
    %lt3A_44 = arith.cmpf olt, %sub3A_43, %select_n3A_34 : vector<8x1024xf32>
    %select_n3A_45 = arith.select %lt3A_44, %sub3A_43, %select_n3A_34 : vector<8x1024xi1>, vector<8x1024xf32>
    %jit3A_46 = arith.constant 3 : i32
    %broadcast_in_dim3A_47 = vector.broadcast %jit3A_46 : i32 to vector<8x1024xi32>
    %select_n3A_48 = arith.select %lt3A_44, %broadcast_in_dim3A_47, %select_n3A_37 : vector<8x1024xi1>, vector<8x1024xi32>
    %slice3A_49 = vector.extract_strided_slice %broadcast_in_dim3A {offsets = [32, 0], sizes = [8, 1], strides = [1, 1]} : vector<1024x1xf32> to vector<8x1xf32>
    %add3A_50 = vector.broadcast %broadcast_in_dim3A_11 : vector<1x1024xf32> to vector<8x1024xf32>
    %add3A_51 = vector.broadcast %slice3A_49 : vector<8x1xf32> to vector<8x1024xf32>
    %add3A_52 = arith.addf %add3A_50, %add3A_51 : vector<8x1024xf32>
    %slice3A_53 = vector.extract_strided_slice %dot_general3A_12 {offsets = [32, 0], sizes = [8, 1024], strides = [1, 1]} : vector<1024x1024xf32> to vector<8x1024xf32>
    %sub3A_54 = arith.subf %add3A_52, %slice3A_53 : vector<8x1024xf32>
    %lt3A_55 = arith.cmpf olt, %sub3A_54, %select_n3A_45 : vector<8x1024xf32>
    %select_n3A_56 = arith.select %lt3A_55, %sub3A_54, %select_n3A_45 : vector<8x1024xi1>, vector<8x1024xf32>
    %jit3A_57 = arith.constant 4 : i32
    %broadcast_in_dim3A_58 = vector.broadcast %jit3A_57 : i32 to vector<8x1024xi32>
    %select_n3A_59 = arith.select %lt3A_55, %broadcast_in_dim3A_58, %select_n3A_48 : vector<8x1024xi1>, vector<8x1024xi32>
    %slice3A_60 = vector.extract_strided_slice %broadcast_in_dim3A {offsets = [40, 0], sizes = [8, 1], strides = [1, 1]} : vector<1024x1xf32> to vector<8x1xf32>
    %add3A_61 = vector.broadcast %broadcast_in_dim3A_11 : vector<1x1024xf32> to vector<8x1024xf32>
    %add3A_62 = vector.broadcast %slice3A_60 : vector<8x1xf32> to vector<8x1024xf32>
    %add3A_63 = arith.addf %add3A_61, %add3A_62 : vector<8x1024xf32>
    %slice3A_64 = vector.extract_strided_slice %dot_general3A_12 {offsets = [40, 0], sizes = [8, 1024], strides = [1, 1]} : vector<1024x1024xf32> to vector<8x1024xf32>
    %sub3A_65 = arith.subf %add3A_63, %slice3A_64 : vector<8x1024xf32>
    %lt3A_66 = arith.cmpf olt, %sub3A_65, %select_n3A_56 : vector<8x1024xf32>
    %select_n3A_67 = arith.select %lt3A_66, %sub3A_65, %select_n3A_56 : vector<8x1024xi1>, vector<8x1024xf32>
    %jit3A_68 = arith.constant 5 : i32
    %broadcast_in_dim3A_69 = vector.broadcast %jit3A_68 : i32 to vector<8x1024xi32>
    %select_n3A_70 = arith.select %lt3A_66, %broadcast_in_dim3A_69, %select_n3A_59 : vector<8x1024xi1>, vector<8x1024xi32>
    %slice3A_71 = vector.extract_strided_slice %broadcast_in_dim3A {offsets = [48, 0], sizes = [8, 1], strides = [1, 1]} : vector<1024x1xf32> to vector<8x1xf32>
    %add3A_72 = vector.broadcast %broadcast_in_dim3A_11 : vector<1x1024xf32> to vector<8x1024xf32>
    %add3A_73 = vector.broadcast %slice3A_71 : vector<8x1xf32> to vector<8x1024xf32>
    %add3A_74 = arith.addf %add3A_72, %add3A_73 : vector<8x1024xf32>
    %slice3A_75 = vector.extract_strided_slice %dot_general3A_12 {offsets = [48, 0], sizes = [8, 1024], strides = [1, 1]} : vector<1024x1024xf32> to vector<8x1024xf32>
    %sub3A_76 = arith.subf %add3A_74, %slice3A_75 : vector<8x1024xf32>
    %lt3A_77 = arith.cmpf olt, %sub3A_76, %select_n3A_67 : vector<8x1024xf32>
    %select_n3A_78 = arith.select %lt3A_77, %sub3A_76, %select_n3A_67 : vector<8x1024xi1>, vector<8x1024xf32>
    %jit3A_79 = arith.constant 6 : i32
    %broadcast_in_dim3A_80 = vector.broadcast %jit3A_79 : i32 to vector<8x1024xi32>
    %select_n3A_81 = arith.select %lt3A_77, %broadcast_in_dim3A_80, %select_n3A_70 : vector<8x1024xi1>, vector<8x1024xi32>
    %slice3A_82 = vector.extract_strided_slice %broadcast_in_dim3A {offsets = [56, 0], sizes = [8, 1], strides = [1, 1]} : vector<1024x1xf32> to vector<8x1xf32>
    %add3A_83 = vector.broadcast %broadcast_in_dim3A_11 : vector<1x1024xf32> to vector<8x1024xf32>
    %add3A_84 = vector.broadcast %slice3A_82 : vector<8x1xf32> to vector<8x1024xf32>
    %add3A_85 = arith.addf %add3A_83, %add3A_84 : vector<8x1024xf32>
    %slice3A_86 = vector.extract_strided_slice %dot_general3A_12 {offsets = [56, 0], sizes = [8, 1024], strides = [1, 1]} : vector<1024x1024xf32> to vector<8x1024xf32>
    %sub3A_87 = arith.subf %add3A_85, %slice3A_86 : vector<8x1024xf32>
    %lt3A_88 = arith.cmpf olt, %sub3A_87, %select_n3A_78 : vector<8x1024xf32>
    %select_n3A_89 = arith.select %lt3A_88, %sub3A_87, %select_n3A_78 : vector<8x1024xi1>, vector<8x1024xf32>
    %jit3A_90 = arith.constant 7 : i32
    %broadcast_in_dim3A_91 = vector.broadcast %jit3A_90 : i32 to vector<8x1024xi32>
    %select_n3A_92 = arith.select %lt3A_88, %broadcast_in_dim3A_91, %select_n3A_81 : vector<8x1024xi1>, vector<8x1024xi32>
    %slice3A_93 = vector.extract_strided_slice %broadcast_in_dim3A {offsets = [64, 0], sizes = [8, 1], strides = [1, 1]} : vector<1024x1xf32> to vector<8x1xf32>
    %add3A_94 = vector.broadcast %broadcast_in_dim3A_11 : vector<1x1024xf32> to vector<8x1024xf32>
    %add3A_95 = vector.broadcast %slice3A_93 : vector<8x1xf32> to vector<8x1024xf32>
    %add3A_96 = arith.addf %add3A_94, %add3A_95 : vector<8x1024xf32>
    %slice3A_97 = vector.extract_strided_slice %dot_general3A_12 {offsets = [64, 0], sizes = [8, 1024], strides = [1, 1]} : vector<1024x1024xf32> to vector<8x1024xf32>
    %sub3A_98 = arith.subf %add3A_96, %slice3A_97 : vector<8x1024xf32>
    %lt3A_99 = arith.cmpf olt, %sub3A_98, %select_n3A_89 : vector<8x1024xf32>
    %select_n3A_100 = arith.select %lt3A_99, %sub3A_98, %select_n3A_89 : vector<8x1024xi1>, vector<8x1024xf32>
    %jit3A_101 = arith.constant 8 : i32
    %broadcast_in_dim3A_102 = vector.broadcast %jit3A_101 : i32 to vector<8x1024xi32>
    %select_n3A_103 = arith.select %lt3A_99, %broadcast_in_dim3A_102, %select_n3A_92 : vector<8x1024xi1>, vector<8x1024xi32>
    %slice3A_104 = vector.extract_strided_slice %broadcast_in_dim3A {offsets = [72, 0], sizes = [8, 1], strides = [1, 1]} : vector<1024x1xf32> to vector<8x1xf32>
    %add3A_105 = vector.broadcast %broadcast_in_dim3A_11 : vector<1x1024xf32> to vector<8x1024xf32>
    %add3A_106 = vector.broadcast %slice3A_104 : vector<8x1xf32> to vector<8x1024xf32>
    %add3A_107 = arith.addf %add3A_105, %add3A_106 : vector<8x1024xf32>
    %slice3A_108 = vector.extract_strided_slice %dot_general3A_12 {offsets = [72, 0], sizes = [8, 1024], strides = [1, 1]} : vector<1024x1024xf32> to vector<8x1024xf32>
    %sub3A_109 = arith.subf %add3A_107, %slice3A_108 : vector<8x1024xf32>
    %lt3A_110 = arith.cmpf olt, %sub3A_109, %select_n3A_100 : vector<8x1024xf32>
    %select_n3A_111 = arith.select %lt3A_110, %sub3A_109, %select_n3A_100 : vector<8x1024xi1>, vector<8x1024xf32>
    %jit3A_112 = arith.constant 9 : i32
    %broadcast_in_dim3A_113 = vector.broadcast %jit3A_112 : i32 to vector<8x1024xi32>
    %select_n3A_114 = arith.select %lt3A_110, %broadcast_in_dim3A_113, %select_n3A_103 : vector<8x1024xi1>, vector<8x1024xi32>
    %slice3A_115 = vector.extract_strided_slice %broadcast_in_dim3A {offsets = [80, 0], sizes = [8, 1], strides = [1, 1]} : vector<1024x1xf32> to vector<8x1xf32>
    %add3A_116 = vector.broadcast %broadcast_in_dim3A_11 : vector<1x1024xf32> to vector<8x1024xf32>
    %add3A_117 = vector.broadcast %slice3A_115 : vector<8x1xf32> to vector<8x1024xf32>
    %add3A_118 = arith.addf %add3A_116, %add3A_117 : vector<8x1024xf32>
    %slice3A_119 = vector.extract_strided_slice %dot_general3A_12 {offsets = [80, 0], sizes = [8, 1024], strides = [1, 1]} : vector<1024x1024xf32> to vector<8x1024xf32>
    %sub3A_120 = arith.subf %add3A_118, %slice3A_119 : vector<8x1024xf32>
    %lt3A_121 = arith.cmpf olt, %sub3A_120, %select_n3A_111 : vector<8x1024xf32>
    %select_n3A_122 = arith.select %lt3A_121, %sub3A_120, %select_n3A_111 : vector<8x1024xi1>, vector<8x1024xf32>
    %jit3A_123 = arith.constant 10 : i32
    %broadcast_in_dim3A_124 = vector.broadcast %jit3A_123 : i32 to vector<8x1024xi32>
    %select_n3A_125 = arith.select %lt3A_121, %broadcast_in_dim3A_124, %select_n3A_114 : vector<8x1024xi1>, vector<8x1024xi32>
    %slice3A_126 = vector.extract_strided_slice %broadcast_in_dim3A {offsets = [88, 0], sizes = [8, 1], strides = [1, 1]} : vector<1024x1xf32> to vector<8x1xf32>
    %add3A_127 = vector.broadcast %broadcast_in_dim3A_11 : vector<1x1024xf32> to vector<8x1024xf32>
    %add3A_128 = vector.broadcast %slice3A_126 : vector<8x1xf32> to vector<8x1024xf32>
    %add3A_129 = arith.addf %add3A_127, %add3A_128 : vector<8x1024xf32>
    %slice3A_130 = vector.extract_strided_slice %dot_general3A_12 {offsets = [88, 0], sizes = [8, 1024], strides = [1, 1]} : vector<1024x1024xf32> to vector<8x1024xf32>
    %sub3A_131 = arith.subf %add3A_129, %slice3A_130 : vector<8x1024xf32>
    %lt3A_132 = arith.cmpf olt, %sub3A_131, %select_n3A_122 : vector<8x1024xf32>
    %select_n3A_133 = arith.select %lt3A_132, %sub3A_131, %select_n3A_122 : vector<8x1024xi1>, vector<8x1024xf32>
    %jit3A_134 = arith.constant 11 : i32
    %broadcast_in_dim3A_135 = vector.broadcast %jit3A_134 : i32 to vector<8x1024xi32>
    %select_n3A_136 = arith.select %lt3A_132, %broadcast_in_dim3A_135, %select_n3A_125 : vector<8x1024xi1>, vector<8x1024xi32>
    %slice3A_137 = vector.extract_strided_slice %broadcast_in_dim3A {offsets = [96, 0], sizes = [8, 1], strides = [1, 1]} : vector<1024x1xf32> to vector<8x1xf32>
    %add3A_138 = vector.broadcast %broadcast_in_dim3A_11 : vector<1x1024xf32> to vector<8x1024xf32>
    %add3A_139 = vector.broadcast %slice3A_137 : vector<8x1xf32> to vector<8x1024xf32>
    %add3A_140 = arith.addf %add3A_138, %add3A_139 : vector<8x1024xf32>
    %slice3A_141 = vector.extract_strided_slice %dot_general3A_12 {offsets = [96, 0], sizes = [8, 1024], strides = [1, 1]} : vector<1024x1024xf32> to vector<8x1024xf32>
    %sub3A_142 = arith.subf %add3A_140, %slice3A_141 : vector<8x1024xf32>
    %lt3A_143 = arith.cmpf olt, %sub3A_142, %select_n3A_133 : vector<8x1024xf32>
    %select_n3A_144 = arith.select %lt3A_143, %sub3A_142, %select_n3A_133 : vector<8x1024xi1>, vector<8x1024xf32>
    %jit3A_145 = arith.constant 12 : i32
    %broadcast_in_dim3A_146 = vector.broadcast %jit3A_145 : i32 to vector<8x1024xi32>
    %select_n3A_147 = arith.select %lt3A_143, %broadcast_in_dim3A_146, %select_n3A_136 : vector<8x1024xi1>, vector<8x1024xi32>
    %slice3A_148 = vector.extract_strided_slice %broadcast_in_dim3A {offsets = [104, 0], sizes = [8, 1], strides = [1, 1]} : vector<1024x1xf32> to vector<8x1xf32>
    %add3A_149 = vector.broadcast %broadcast_in_dim3A_11 : vector<1x1024xf32> to vector<8x1024xf32>
    %add3A_150 = vector.broadcast %slice3A_148 : vector<8x1xf32> to vector<8x1024xf32>
    %add3A_151 = arith.addf %add3A_149, %add3A_150 : vector<8x1024xf32>
    %slice3A_152 = vector.extract_strided_slice %dot_general3A_12 {offsets = [104, 0], sizes = [8, 1024], strides = [1, 1]} : vector<1024x1024xf32> to vector<8x1024xf32>
    %sub3A_153 = arith.subf %add3A_151, %slice3A_152 : vector<8x1024xf32>
    %lt3A_154 = arith.cmpf olt, %sub3A_153, %select_n3A_144 : vector<8x1024xf32>
    %select_n3A_155 = arith.select %lt3A_154, %sub3A_153, %select_n3A_144 : vector<8x1024xi1>, vector<8x1024xf32>
    %jit3A_156 = arith.constant 13 : i32
    %broadcast_in_dim3A_157 = vector.broadcast %jit3A_156 : i32 to vector<8x1024xi32>
    %select_n3A_158 = arith.select %lt3A_154, %broadcast_in_dim3A_157, %select_n3A_147 : vector<8x1024xi1>, vector<8x1024xi32>
    %slice3A_159 = vector.extract_strided_slice %broadcast_in_dim3A {offsets = [112, 0], sizes = [8, 1], strides = [1, 1]} : vector<1024x1xf32> to vector<8x1xf32>
    %add3A_160 = vector.broadcast %broadcast_in_dim3A_11 : vector<1x1024xf32> to vector<8x1024xf32>
    %add3A_161 = vector.broadcast %slice3A_159 : vector<8x1xf32> to vector<8x1024xf32>
    %add3A_162 = arith.addf %add3A_160, %add3A_161 : vector<8x1024xf32>
    %slice3A_163 = vector.extract_strided_slice %dot_general3A_12 {offsets = [112, 0], sizes = [8, 1024], strides = [1, 1]} : vector<1024x1024xf32> to vector<8x1024xf32>
    %sub3A_164 = arith.subf %add3A_162, %slice3A_163 : vector<8x1024xf32>
    %lt3A_165 = arith.cmpf olt, %sub3A_164, %select_n3A_155 : vector<8x1024xf32>
    %select_n3A_166 = arith.select %lt3A_165, %sub3A_164, %select_n3A_155 : vector<8x1024xi1>, vector<8x1024xf32>
    %jit3A_167 = arith.constant 14 : i32
    %broadcast_in_dim3A_168 = vector.broadcast %jit3A_167 : i32 to vector<8x1024xi32>
    %select_n3A_169 = arith.select %lt3A_165, %broadcast_in_dim3A_168, %select_n3A_158 : vector<8x1024xi1>, vector<8x1024xi32>
    %slice3A_170 = vector.extract_strided_slice %broadcast_in_dim3A {offsets = [120, 0], sizes = [8, 1], strides = [1, 1]} : vector<1024x1xf32> to vector<8x1xf32>
    %add3A_171 = vector.broadcast %broadcast_in_dim3A_11 : vector<1x1024xf32> to vector<8x1024xf32>
    %add3A_172 = vector.broadcast %slice3A_170 : vector<8x1xf32> to vector<8x1024xf32>
    %add3A_173 = arith.addf %add3A_171, %add3A_172 : vector<8x1024xf32>
    %slice3A_174 = vector.extract_strided_slice %dot_general3A_12 {offsets = [120, 0], sizes = [8, 1024], strides = [1, 1]} : vector<1024x1024xf32> to vector<8x1024xf32>
    %sub3A_175 = arith.subf %add3A_173, %slice3A_174 : vector<8x1024xf32>
    %lt3A_176 = arith.cmpf olt, %sub3A_175, %select_n3A_166 : vector<8x1024xf32>
    %select_n3A_177 = arith.select %lt3A_176, %sub3A_175, %select_n3A_166 : vector<8x1024xi1>, vector<8x1024xf32>
    %jit3A_178 = arith.constant 15 : i32
    %broadcast_in_dim3A_179 = vector.broadcast %jit3A_178 : i32 to vector<8x1024xi32>
    %select_n3A_180 = arith.select %lt3A_176, %broadcast_in_dim3A_179, %select_n3A_169 : vector<8x1024xi1>, vector<8x1024xi32>
    %slice3A_181 = vector.extract_strided_slice %broadcast_in_dim3A {offsets = [128, 0], sizes = [8, 1], strides = [1, 1]} : vector<1024x1xf32> to vector<8x1xf32>
    %add3A_182 = vector.broadcast %broadcast_in_dim3A_11 : vector<1x1024xf32> to vector<8x1024xf32>
    %add3A_183 = vector.broadcast %slice3A_181 : vector<8x1xf32> to vector<8x1024xf32>
    %add3A_184 = arith.addf %add3A_182, %add3A_183 : vector<8x1024xf32>
    %slice3A_185 = vector.extract_strided_slice %dot_general3A_12 {offsets = [128, 0], sizes = [8, 1024], strides = [1, 1]} : vector<1024x1024xf32> to vector<8x1024xf32>
    %sub3A_186 = arith.subf %add3A_184, %slice3A_185 : vector<8x1024xf32>
    %lt3A_187 = arith.cmpf olt, %sub3A_186, %select_n3A_177 : vector<8x1024xf32>
    %select_n3A_188 = arith.select %lt3A_187, %sub3A_186, %select_n3A_177 : vector<8x1024xi1>, vector<8x1024xf32>
    %jit3A_189 = arith.constant 16 : i32
    %broadcast_in_dim3A_190 = vector.broadcast %jit3A_189 : i32 to vector<8x1024xi32>
    %select_n3A_191 = arith.select %lt3A_187, %broadcast_in_dim3A_190, %select_n3A_180 : vector<8x1024xi1>, vector<8x1024xi32>
    %slice3A_192 = vector.extract_strided_slice %broadcast_in_dim3A {offsets = [136, 0], sizes = [8, 1], strides = [1, 1]} : vector<1024x1xf32> to vector<8x1xf32>
    %add3A_193 = vector.broadcast %broadcast_in_dim3A_11 : vector<1x1024xf32> to vector<8x1024xf32>
    %add3A_194 = vector.broadcast %slice3A_192 : vector<8x1xf32> to vector<8x1024xf32>
    %add3A_195 = arith.addf %add3A_193, %add3A_194 : vector<8x1024xf32>
    %slice3A_196 = vector.extract_strided_slice %dot_general3A_12 {offsets = [136, 0], sizes = [8, 1024], strides = [1, 1]} : vector<1024x1024xf32> to vector<8x1024xf32>
    %sub3A_197 = arith.subf %add3A_195, %slice3A_196 : vector<8x1024xf32>
    %lt3A_198 = arith.cmpf olt, %sub3A_197, %select_n3A_188 : vector<8x1024xf32>
    %select_n3A_199 = arith.select %lt3A_198, %sub3A_197, %select_n3A_188 : vector<8x1024xi1>, vector<8x1024xf32>
    %jit3A_200 = arith.constant 17 : i32
    %broadcast_in_dim3A_201 = vector.broadcast %jit3A_200 : i32 to vector<8x1024xi32>
    %select_n3A_202 = arith.select %lt3A_198, %broadcast_in_dim3A_201, %select_n3A_191 : vector<8x1024xi1>, vector<8x1024xi32>
    %slice3A_203 = vector.extract_strided_slice %broadcast_in_dim3A {offsets = [144, 0], sizes = [8, 1], strides = [1, 1]} : vector<1024x1xf32> to vector<8x1xf32>
    %add3A_204 = vector.broadcast %broadcast_in_dim3A_11 : vector<1x1024xf32> to vector<8x1024xf32>
    %add3A_205 = vector.broadcast %slice3A_203 : vector<8x1xf32> to vector<8x1024xf32>
    %add3A_206 = arith.addf %add3A_204, %add3A_205 : vector<8x1024xf32>
    %slice3A_207 = vector.extract_strided_slice %dot_general3A_12 {offsets = [144, 0], sizes = [8, 1024], strides = [1, 1]} : vector<1024x1024xf32> to vector<8x1024xf32>
    %sub3A_208 = arith.subf %add3A_206, %slice3A_207 : vector<8x1024xf32>
    %lt3A_209 = arith.cmpf olt, %sub3A_208, %select_n3A_199 : vector<8x1024xf32>
    %select_n3A_210 = arith.select %lt3A_209, %sub3A_208, %select_n3A_199 : vector<8x1024xi1>, vector<8x1024xf32>
    %jit3A_211 = arith.constant 18 : i32
    %broadcast_in_dim3A_212 = vector.broadcast %jit3A_211 : i32 to vector<8x1024xi32>
    %select_n3A_213 = arith.select %lt3A_209, %broadcast_in_dim3A_212, %select_n3A_202 : vector<8x1024xi1>, vector<8x1024xi32>
    %slice3A_214 = vector.extract_strided_slice %broadcast_in_dim3A {offsets = [152, 0], sizes = [8, 1], strides = [1, 1]} : vector<1024x1xf32> to vector<8x1xf32>
    %add3A_215 = vector.broadcast %broadcast_in_dim3A_11 : vector<1x1024xf32> to vector<8x1024xf32>
    %add3A_216 = vector.broadcast %slice3A_214 : vector<8x1xf32> to vector<8x1024xf32>
    %add3A_217 = arith.addf %add3A_215, %add3A_216 : vector<8x1024xf32>
    %slice3A_218 = vector.extract_strided_slice %dot_general3A_12 {offsets = [152, 0], sizes = [8, 1024], strides = [1, 1]} : vector<1024x1024xf32> to vector<8x1024xf32>
    %sub3A_219 = arith.subf %add3A_217, %slice3A_218 : vector<8x1024xf32>
    %lt3A_220 = arith.cmpf olt, %sub3A_219, %select_n3A_210 : vector<8x1024xf32>
    %select_n3A_221 = arith.select %lt3A_220, %sub3A_219, %select_n3A_210 : vector<8x1024xi1>, vector<8x1024xf32>
    %jit3A_222 = arith.constant 19 : i32
    %broadcast_in_dim3A_223 = vector.broadcast %jit3A_222 : i32 to vector<8x1024xi32>
    %select_n3A_224 = arith.select %lt3A_220, %broadcast_in_dim3A_223, %select_n3A_213 : vector<8x1024xi1>, vector<8x1024xi32>
    %slice3A_225 = vector.extract_strided_slice %broadcast_in_dim3A {offsets = [160, 0], sizes = [8, 1], strides = [1, 1]} : vector<1024x1xf32> to vector<8x1xf32>
    %add3A_226 = vector.broadcast %broadcast_in_dim3A_11 : vector<1x1024xf32> to vector<8x1024xf32>
    %add3A_227 = vector.broadcast %slice3A_225 : vector<8x1xf32> to vector<8x1024xf32>
    %add3A_228 = arith.addf %add3A_226, %add3A_227 : vector<8x1024xf32>
    %slice3A_229 = vector.extract_strided_slice %dot_general3A_12 {offsets = [160, 0], sizes = [8, 1024], strides = [1, 1]} : vector<1024x1024xf32> to vector<8x1024xf32>
    %sub3A_230 = arith.subf %add3A_228, %slice3A_229 : vector<8x1024xf32>
    %lt3A_231 = arith.cmpf olt, %sub3A_230, %select_n3A_221 : vector<8x1024xf32>
    %select_n3A_232 = arith.select %lt3A_231, %sub3A_230, %select_n3A_221 : vector<8x1024xi1>, vector<8x1024xf32>
    %jit3A_233 = arith.constant 20 : i32
    %broadcast_in_dim3A_234 = vector.broadcast %jit3A_233 : i32 to vector<8x1024xi32>
    %select_n3A_235 = arith.select %lt3A_231, %broadcast_in_dim3A_234, %select_n3A_224 : vector<8x1024xi1>, vector<8x1024xi32>
    %slice3A_236 = vector.extract_strided_slice %broadcast_in_dim3A {offsets = [168, 0], sizes = [8, 1], strides = [1, 1]} : vector<1024x1xf32> to vector<8x1xf32>
    %add3A_237 = vector.broadcast %broadcast_in_dim3A_11 : vector<1x1024xf32> to vector<8x1024xf32>
    %add3A_238 = vector.broadcast %slice3A_236 : vector<8x1xf32> to vector<8x1024xf32>
    %add3A_239 = arith.addf %add3A_237, %add3A_238 : vector<8x1024xf32>
    %slice3A_240 = vector.extract_strided_slice %dot_general3A_12 {offsets = [168, 0], sizes = [8, 1024], strides = [1, 1]} : vector<1024x1024xf32> to vector<8x1024xf32>
    %sub3A_241 = arith.subf %add3A_239, %slice3A_240 : vector<8x1024xf32>
    %lt3A_242 = arith.cmpf olt, %sub3A_241, %select_n3A_232 : vector<8x1024xf32>
    %select_n3A_243 = arith.select %lt3A_242, %sub3A_241, %select_n3A_232 : vector<8x1024xi1>, vector<8x1024xf32>
    %jit3A_244 = arith.constant 21 : i32
    %broadcast_in_dim3A_245 = vector.broadcast %jit3A_244 : i32 to vector<8x1024xi32>
    %select_n3A_246 = arith.select %lt3A_242, %broadcast_in_dim3A_245, %select_n3A_235 : vector<8x1024xi1>, vector<8x1024xi32>
    %slice3A_247 = vector.extract_strided_slice %broadcast_in_dim3A {offsets = [176, 0], sizes = [8, 1], strides = [1, 1]} : vector<1024x1xf32> to vector<8x1xf32>
    %add3A_248 = vector.broadcast %broadcast_in_dim3A_11 : vector<1x1024xf32> to vector<8x1024xf32>
    %add3A_249 = vector.broadcast %slice3A_247 : vector<8x1xf32> to vector<8x1024xf32>
    %add3A_250 = arith.addf %add3A_248, %add3A_249 : vector<8x1024xf32>
    %slice3A_251 = vector.extract_strided_slice %dot_general3A_12 {offsets = [176, 0], sizes = [8, 1024], strides = [1, 1]} : vector<1024x1024xf32> to vector<8x1024xf32>
    %sub3A_252 = arith.subf %add3A_250, %slice3A_251 : vector<8x1024xf32>
    %lt3A_253 = arith.cmpf olt, %sub3A_252, %select_n3A_243 : vector<8x1024xf32>
    %select_n3A_254 = arith.select %lt3A_253, %sub3A_252, %select_n3A_243 : vector<8x1024xi1>, vector<8x1024xf32>
    %jit3A_255 = arith.constant 22 : i32
    %broadcast_in_dim3A_256 = vector.broadcast %jit3A_255 : i32 to vector<8x1024xi32>
    %select_n3A_257 = arith.select %lt3A_253, %broadcast_in_dim3A_256, %select_n3A_246 : vector<8x1024xi1>, vector<8x1024xi32>
    %slice3A_258 = vector.extract_strided_slice %broadcast_in_dim3A {offsets = [184, 0], sizes = [8, 1], strides = [1, 1]} : vector<1024x1xf32> to vector<8x1xf32>
    %add3A_259 = vector.broadcast %broadcast_in_dim3A_11 : vector<1x1024xf32> to vector<8x1024xf32>
    %add3A_260 = vector.broadcast %slice3A_258 : vector<8x1xf32> to vector<8x1024xf32>
    %add3A_261 = arith.addf %add3A_259, %add3A_260 : vector<8x1024xf32>
    %slice3A_262 = vector.extract_strided_slice %dot_general3A_12 {offsets = [184, 0], sizes = [8, 1024], strides = [1, 1]} : vector<1024x1024xf32> to vector<8x1024xf32>
    %sub3A_263 = arith.subf %add3A_261, %slice3A_262 : vector<8x1024xf32>
    %lt3A_264 = arith.cmpf olt, %sub3A_263, %select_n3A_254 : vector<8x1024xf32>
    %select_n3A_265 = arith.select %lt3A_264, %sub3A_263, %select_n3A_254 : vector<8x1024xi1>, vector<8x1024xf32>
    %jit3A_266 = arith.constant 23 : i32
    %broadcast_in_dim3A_267 = vector.broadcast %jit3A_266 : i32 to vector<8x1024xi32>
    %select_n3A_268 = arith.select %lt3A_264, %broadcast_in_dim3A_267, %select_n3A_257 : vector<8x1024xi1>, vector<8x1024xi32>
    %slice3A_269 = vector.extract_strided_slice %broadcast_in_dim3A {offsets = [192, 0], sizes = [8, 1], strides = [1, 1]} : vector<1024x1xf32> to vector<8x1xf32>
    %add3A_270 = vector.broadcast %broadcast_in_dim3A_11 : vector<1x1024xf32> to vector<8x1024xf32>
    %add3A_271 = vector.broadcast %slice3A_269 : vector<8x1xf32> to vector<8x1024xf32>
    %add3A_272 = arith.addf %add3A_270, %add3A_271 : vector<8x1024xf32>
    %slice3A_273 = vector.extract_strided_slice %dot_general3A_12 {offsets = [192, 0], sizes = [8, 1024], strides = [1, 1]} : vector<1024x1024xf32> to vector<8x1024xf32>
    %sub3A_274 = arith.subf %add3A_272, %slice3A_273 : vector<8x1024xf32>
    %lt3A_275 = arith.cmpf olt, %sub3A_274, %select_n3A_265 : vector<8x1024xf32>
    %select_n3A_276 = arith.select %lt3A_275, %sub3A_274, %select_n3A_265 : vector<8x1024xi1>, vector<8x1024xf32>
    %jit3A_277 = arith.constant 24 : i32
    %broadcast_in_dim3A_278 = vector.broadcast %jit3A_277 : i32 to vector<8x1024xi32>
    %select_n3A_279 = arith.select %lt3A_275, %broadcast_in_dim3A_278, %select_n3A_268 : vector<8x1024xi1>, vector<8x1024xi32>
    %slice3A_280 = vector.extract_strided_slice %broadcast_in_dim3A {offsets = [200, 0], sizes = [8, 1], strides = [1, 1]} : vector<1024x1xf32> to vector<8x1xf32>
    %add3A_281 = vector.broadcast %broadcast_in_dim3A_11 : vector<1x1024xf32> to vector<8x1024xf32>
    %add3A_282 = vector.broadcast %slice3A_280 : vector<8x1xf32> to vector<8x1024xf32>
    %add3A_283 = arith.addf %add3A_281, %add3A_282 : vector<8x1024xf32>
    %slice3A_284 = vector.extract_strided_slice %dot_general3A_12 {offsets = [200, 0], sizes = [8, 1024], strides = [1, 1]} : vector<1024x1024xf32> to vector<8x1024xf32>
    %sub3A_285 = arith.subf %add3A_283, %slice3A_284 : vector<8x1024xf32>
    %lt3A_286 = arith.cmpf olt, %sub3A_285, %select_n3A_276 : vector<8x1024xf32>
    %select_n3A_287 = arith.select %lt3A_286, %sub3A_285, %select_n3A_276 : vector<8x1024xi1>, vector<8x1024xf32>
    %jit3A_288 = arith.constant 25 : i32
    %broadcast_in_dim3A_289 = vector.broadcast %jit3A_288 : i32 to vector<8x1024xi32>
    %select_n3A_290 = arith.select %lt3A_286, %broadcast_in_dim3A_289, %select_n3A_279 : vector<8x1024xi1>, vector<8x1024xi32>
    %slice3A_291 = vector.extract_strided_slice %broadcast_in_dim3A {offsets = [208, 0], sizes = [8, 1], strides = [1, 1]} : vector<1024x1xf32> to vector<8x1xf32>
    %add3A_292 = vector.broadcast %broadcast_in_dim3A_11 : vector<1x1024xf32> to vector<8x1024xf32>
    %add3A_293 = vector.broadcast %slice3A_291 : vector<8x1xf32> to vector<8x1024xf32>
    %add3A_294 = arith.addf %add3A_292, %add3A_293 : vector<8x1024xf32>
    %slice3A_295 = vector.extract_strided_slice %dot_general3A_12 {offsets = [208, 0], sizes = [8, 1024], strides = [1, 1]} : vector<1024x1024xf32> to vector<8x1024xf32>
    %sub3A_296 = arith.subf %add3A_294, %slice3A_295 : vector<8x1024xf32>
    %lt3A_297 = arith.cmpf olt, %sub3A_296, %select_n3A_287 : vector<8x1024xf32>
    %select_n3A_298 = arith.select %lt3A_297, %sub3A_296, %select_n3A_287 : vector<8x1024xi1>, vector<8x1024xf32>
    %jit3A_299 = arith.constant 26 : i32
    %broadcast_in_dim3A_300 = vector.broadcast %jit3A_299 : i32 to vector<8x1024xi32>
    %select_n3A_301 = arith.select %lt3A_297, %broadcast_in_dim3A_300, %select_n3A_290 : vector<8x1024xi1>, vector<8x1024xi32>
    %slice3A_302 = vector.extract_strided_slice %broadcast_in_dim3A {offsets = [216, 0], sizes = [8, 1], strides = [1, 1]} : vector<1024x1xf32> to vector<8x1xf32>
    %add3A_303 = vector.broadcast %broadcast_in_dim3A_11 : vector<1x1024xf32> to vector<8x1024xf32>
    %add3A_304 = vector.broadcast %slice3A_302 : vector<8x1xf32> to vector<8x1024xf32>
    %add3A_305 = arith.addf %add3A_303, %add3A_304 : vector<8x1024xf32>
    %slice3A_306 = vector.extract_strided_slice %dot_general3A_12 {offsets = [216, 0], sizes = [8, 1024], strides = [1, 1]} : vector<1024x1024xf32> to vector<8x1024xf32>
    %sub3A_307 = arith.subf %add3A_305, %slice3A_306 : vector<8x1024xf32>
    %lt3A_308 = arith.cmpf olt, %sub3A_307, %select_n3A_298 : vector<8x1024xf32>
    %select_n3A_309 = arith.select %lt3A_308, %sub3A_307, %select_n3A_298 : vector<8x1024xi1>, vector<8x1024xf32>
    %jit3A_310 = arith.constant 27 : i32
    %broadcast_in_dim3A_311 = vector.broadcast %jit3A_310 : i32 to vector<8x1024xi32>
    %select_n3A_312 = arith.select %lt3A_308, %broadcast_in_dim3A_311, %select_n3A_301 : vector<8x1024xi1>, vector<8x1024xi32>
    %slice3A_313 = vector.extract_strided_slice %broadcast_in_dim3A {offsets = [224, 0], sizes = [8, 1], strides = [1, 1]} : vector<1024x1xf32> to vector<8x1xf32>
    %add3A_314 = vector.broadcast %broadcast_in_dim3A_11 : vector<1x1024xf32> to vector<8x1024xf32>
    %add3A_315 = vector.broadcast %slice3A_313 : vector<8x1xf32> to vector<8x1024xf32>
    %add3A_316 = arith.addf %add3A_314, %add3A_315 : vector<8x1024xf32>
    %slice3A_317 = vector.extract_strided_slice %dot_general3A_12 {offsets = [224, 0], sizes = [8, 1024], strides = [1, 1]} : vector<1024x1024xf32> to vector<8x1024xf32>
    %sub3A_318 = arith.subf %add3A_316, %slice3A_317 : vector<8x1024xf32>
    %lt3A_319 = arith.cmpf olt, %sub3A_318, %select_n3A_309 : vector<8x1024xf32>
    %select_n3A_320 = arith.select %lt3A_319, %sub3A_318, %select_n3A_309 : vector<8x1024xi1>, vector<8x1024xf32>
    %jit3A_321 = arith.constant 28 : i32
    %broadcast_in_dim3A_322 = vector.broadcast %jit3A_321 : i32 to vector<8x1024xi32>
    %select_n3A_323 = arith.select %lt3A_319, %broadcast_in_dim3A_322, %select_n3A_312 : vector<8x1024xi1>, vector<8x1024xi32>
    %slice3A_324 = vector.extract_strided_slice %broadcast_in_dim3A {offsets = [232, 0], sizes = [8, 1], strides = [1, 1]} : vector<1024x1xf32> to vector<8x1xf32>
    %add3A_325 = vector.broadcast %broadcast_in_dim3A_11 : vector<1x1024xf32> to vector<8x1024xf32>
    %add3A_326 = vector.broadcast %slice3A_324 : vector<8x1xf32> to vector<8x1024xf32>
    %add3A_327 = arith.addf %add3A_325, %add3A_326 : vector<8x1024xf32>
    %slice3A_328 = vector.extract_strided_slice %dot_general3A_12 {offsets = [232, 0], sizes = [8, 1024], strides = [1, 1]} : vector<1024x1024xf32> to vector<8x1024xf32>
    %sub3A_329 = arith.subf %add3A_327, %slice3A_328 : vector<8x1024xf32>
    %lt3A_330 = arith.cmpf olt, %sub3A_329, %select_n3A_320 : vector<8x1024xf32>
    %select_n3A_331 = arith.select %lt3A_330, %sub3A_329, %select_n3A_320 : vector<8x1024xi1>, vector<8x1024xf32>
    %jit3A_332 = arith.constant 29 : i32
    %broadcast_in_dim3A_333 = vector.broadcast %jit3A_332 : i32 to vector<8x1024xi32>
    %select_n3A_334 = arith.select %lt3A_330, %broadcast_in_dim3A_333, %select_n3A_323 : vector<8x1024xi1>, vector<8x1024xi32>
    %slice3A_335 = vector.extract_strided_slice %broadcast_in_dim3A {offsets = [240, 0], sizes = [8, 1], strides = [1, 1]} : vector<1024x1xf32> to vector<8x1xf32>
    %add3A_336 = vector.broadcast %broadcast_in_dim3A_11 : vector<1x1024xf32> to vector<8x1024xf32>
    %add3A_337 = vector.broadcast %slice3A_335 : vector<8x1xf32> to vector<8x1024xf32>
    %add3A_338 = arith.addf %add3A_336, %add3A_337 : vector<8x1024xf32>
    %slice3A_339 = vector.extract_strided_slice %dot_general3A_12 {offsets = [240, 0], sizes = [8, 1024], strides = [1, 1]} : vector<1024x1024xf32> to vector<8x1024xf32>
    %sub3A_340 = arith.subf %add3A_338, %slice3A_339 : vector<8x1024xf32>
    %lt3A_341 = arith.cmpf olt, %sub3A_340, %select_n3A_331 : vector<8x1024xf32>
    %select_n3A_342 = arith.select %lt3A_341, %sub3A_340, %select_n3A_331 : vector<8x1024xi1>, vector<8x1024xf32>
    %jit3A_343 = arith.constant 30 : i32
    %broadcast_in_dim3A_344 = vector.broadcast %jit3A_343 : i32 to vector<8x1024xi32>
    %select_n3A_345 = arith.select %lt3A_341, %broadcast_in_dim3A_344, %select_n3A_334 : vector<8x1024xi1>, vector<8x1024xi32>
    %slice3A_346 = vector.extract_strided_slice %broadcast_in_dim3A {offsets = [248, 0], sizes = [8, 1], strides = [1, 1]} : vector<1024x1xf32> to vector<8x1xf32>
    %add3A_347 = vector.broadcast %broadcast_in_dim3A_11 : vector<1x1024xf32> to vector<8x1024xf32>
    %add3A_348 = vector.broadcast %slice3A_346 : vector<8x1xf32> to vector<8x1024xf32>
    %add3A_349 = arith.addf %add3A_347, %add3A_348 : vector<8x1024xf32>
    %slice3A_350 = vector.extract_strided_slice %dot_general3A_12 {offsets = [248, 0], sizes = [8, 1024], strides = [1, 1]} : vector<1024x1024xf32> to vector<8x1024xf32>
    %sub3A_351 = arith.subf %add3A_349, %slice3A_350 : vector<8x1024xf32>
    %lt3A_352 = arith.cmpf olt, %sub3A_351, %select_n3A_342 : vector<8x1024xf32>
    %select_n3A_353 = arith.select %lt3A_352, %sub3A_351, %select_n3A_342 : vector<8x1024xi1>, vector<8x1024xf32>
    %jit3A_354 = arith.constant 31 : i32
    %broadcast_in_dim3A_355 = vector.broadcast %jit3A_354 : i32 to vector<8x1024xi32>
    %select_n3A_356 = arith.select %lt3A_352, %broadcast_in_dim3A_355, %select_n3A_345 : vector<8x1024xi1>, vector<8x1024xi32>
    %slice3A_357 = vector.extract_strided_slice %broadcast_in_dim3A {offsets = [256, 0], sizes = [8, 1], strides = [1, 1]} : vector<1024x1xf32> to vector<8x1xf32>
    %add3A_358 = vector.broadcast %broadcast_in_dim3A_11 : vector<1x1024xf32> to vector<8x1024xf32>
    %add3A_359 = vector.broadcast %slice3A_357 : vector<8x1xf32> to vector<8x1024xf32>
    %add3A_360 = arith.addf %add3A_358, %add3A_359 : vector<8x1024xf32>
    %slice3A_361 = vector.extract_strided_slice %dot_general3A_12 {offsets = [256, 0], sizes = [8, 1024], strides = [1, 1]} : vector<1024x1024xf32> to vector<8x1024xf32>
    %sub3A_362 = arith.subf %add3A_360, %slice3A_361 : vector<8x1024xf32>
    %lt3A_363 = arith.cmpf olt, %sub3A_362, %select_n3A_353 : vector<8x1024xf32>
    %select_n3A_364 = arith.select %lt3A_363, %sub3A_362, %select_n3A_353 : vector<8x1024xi1>, vector<8x1024xf32>
    %jit3A_365 = arith.constant 32 : i32
    %broadcast_in_dim3A_366 = vector.broadcast %jit3A_365 : i32 to vector<8x1024xi32>
    %select_n3A_367 = arith.select %lt3A_363, %broadcast_in_dim3A_366, %select_n3A_356 : vector<8x1024xi1>, vector<8x1024xi32>
    %slice3A_368 = vector.extract_strided_slice %broadcast_in_dim3A {offsets = [264, 0], sizes = [8, 1], strides = [1, 1]} : vector<1024x1xf32> to vector<8x1xf32>
    %add3A_369 = vector.broadcast %broadcast_in_dim3A_11 : vector<1x1024xf32> to vector<8x1024xf32>
    %add3A_370 = vector.broadcast %slice3A_368 : vector<8x1xf32> to vector<8x1024xf32>
    %add3A_371 = arith.addf %add3A_369, %add3A_370 : vector<8x1024xf32>
    %slice3A_372 = vector.extract_strided_slice %dot_general3A_12 {offsets = [264, 0], sizes = [8, 1024], strides = [1, 1]} : vector<1024x1024xf32> to vector<8x1024xf32>
    %sub3A_373 = arith.subf %add3A_371, %slice3A_372 : vector<8x1024xf32>
    %lt3A_374 = arith.cmpf olt, %sub3A_373, %select_n3A_364 : vector<8x1024xf32>
    %select_n3A_375 = arith.select %lt3A_374, %sub3A_373, %select_n3A_364 : vector<8x1024xi1>, vector<8x1024xf32>
    %jit3A_376 = arith.constant 33 : i32
    %broadcast_in_dim3A_377 = vector.broadcast %jit3A_376 : i32 to vector<8x1024xi32>
    %select_n3A_378 = arith.select %lt3A_374, %broadcast_in_dim3A_377, %select_n3A_367 : vector<8x1024xi1>, vector<8x1024xi32>
    %slice3A_379 = vector.extract_strided_slice %broadcast_in_dim3A {offsets = [272, 0], sizes = [8, 1], strides = [1, 1]} : vector<1024x1xf32> to vector<8x1xf32>
    %add3A_380 = vector.broadcast %broadcast_in_dim3A_11 : vector<1x1024xf32> to vector<8x1024xf32>
    %add3A_381 = vector.broadcast %slice3A_379 : vector<8x1xf32> to vector<8x1024xf32>
    %add3A_382 = arith.addf %add3A_380, %add3A_381 : vector<8x1024xf32>
    %slice3A_383 = vector.extract_strided_slice %dot_general3A_12 {offsets = [272, 0], sizes = [8, 1024], strides = [1, 1]} : vector<1024x1024xf32> to vector<8x1024xf32>
    %sub3A_384 = arith.subf %add3A_382, %slice3A_383 : vector<8x1024xf32>
    %lt3A_385 = arith.cmpf olt, %sub3A_384, %select_n3A_375 : vector<8x1024xf32>
    %select_n3A_386 = arith.select %lt3A_385, %sub3A_384, %select_n3A_375 : vector<8x1024xi1>, vector<8x1024xf32>
    %jit3A_387 = arith.constant 34 : i32
    %broadcast_in_dim3A_388 = vector.broadcast %jit3A_387 : i32 to vector<8x1024xi32>
    %select_n3A_389 = arith.select %lt3A_385, %broadcast_in_dim3A_388, %select_n3A_378 : vector<8x1024xi1>, vector<8x1024xi32>
    %slice3A_390 = vector.extract_strided_slice %broadcast_in_dim3A {offsets = [280, 0], sizes = [8, 1], strides = [1, 1]} : vector<1024x1xf32> to vector<8x1xf32>
    %add3A_391 = vector.broadcast %broadcast_in_dim3A_11 : vector<1x1024xf32> to vector<8x1024xf32>
    %add3A_392 = vector.broadcast %slice3A_390 : vector<8x1xf32> to vector<8x1024xf32>
    %add3A_393 = arith.addf %add3A_391, %add3A_392 : vector<8x1024xf32>
    %slice3A_394 = vector.extract_strided_slice %dot_general3A_12 {offsets = [280, 0], sizes = [8, 1024], strides = [1, 1]} : vector<1024x1024xf32> to vector<8x1024xf32>
    %sub3A_395 = arith.subf %add3A_393, %slice3A_394 : vector<8x1024xf32>
    %lt3A_396 = arith.cmpf olt, %sub3A_395, %select_n3A_386 : vector<8x1024xf32>
    %select_n3A_397 = arith.select %lt3A_396, %sub3A_395, %select_n3A_386 : vector<8x1024xi1>, vector<8x1024xf32>
    %jit3A_398 = arith.constant 35 : i32
    %broadcast_in_dim3A_399 = vector.broadcast %jit3A_398 : i32 to vector<8x1024xi32>
    %select_n3A_400 = arith.select %lt3A_396, %broadcast_in_dim3A_399, %select_n3A_389 : vector<8x1024xi1>, vector<8x1024xi32>
    %slice3A_401 = vector.extract_strided_slice %broadcast_in_dim3A {offsets = [288, 0], sizes = [8, 1], strides = [1, 1]} : vector<1024x1xf32> to vector<8x1xf32>
    %add3A_402 = vector.broadcast %broadcast_in_dim3A_11 : vector<1x1024xf32> to vector<8x1024xf32>
    %add3A_403 = vector.broadcast %slice3A_401 : vector<8x1xf32> to vector<8x1024xf32>
    %add3A_404 = arith.addf %add3A_402, %add3A_403 : vector<8x1024xf32>
    %slice3A_405 = vector.extract_strided_slice %dot_general3A_12 {offsets = [288, 0], sizes = [8, 1024], strides = [1, 1]} : vector<1024x1024xf32> to vector<8x1024xf32>
    %sub3A_406 = arith.subf %add3A_404, %slice3A_405 : vector<8x1024xf32>
    %lt3A_407 = arith.cmpf olt, %sub3A_406, %select_n3A_397 : vector<8x1024xf32>
    %select_n3A_408 = arith.select %lt3A_407, %sub3A_406, %select_n3A_397 : vector<8x1024xi1>, vector<8x1024xf32>
    %jit3A_409 = arith.constant 36 : i32
    %broadcast_in_dim3A_410 = vector.broadcast %jit3A_409 : i32 to vector<8x1024xi32>
    %select_n3A_411 = arith.select %lt3A_407, %broadcast_in_dim3A_410, %select_n3A_400 : vector<8x1024xi1>, vector<8x1024xi32>
    %slice3A_412 = vector.extract_strided_slice %broadcast_in_dim3A {offsets = [296, 0], sizes = [8, 1], strides = [1, 1]} : vector<1024x1xf32> to vector<8x1xf32>
    %add3A_413 = vector.broadcast %broadcast_in_dim3A_11 : vector<1x1024xf32> to vector<8x1024xf32>
    %add3A_414 = vector.broadcast %slice3A_412 : vector<8x1xf32> to vector<8x1024xf32>
    %add3A_415 = arith.addf %add3A_413, %add3A_414 : vector<8x1024xf32>
    %slice3A_416 = vector.extract_strided_slice %dot_general3A_12 {offsets = [296, 0], sizes = [8, 1024], strides = [1, 1]} : vector<1024x1024xf32> to vector<8x1024xf32>
    %sub3A_417 = arith.subf %add3A_415, %slice3A_416 : vector<8x1024xf32>
    %lt3A_418 = arith.cmpf olt, %sub3A_417, %select_n3A_408 : vector<8x1024xf32>
    %select_n3A_419 = arith.select %lt3A_418, %sub3A_417, %select_n3A_408 : vector<8x1024xi1>, vector<8x1024xf32>
    %jit3A_420 = arith.constant 37 : i32
    %broadcast_in_dim3A_421 = vector.broadcast %jit3A_420 : i32 to vector<8x1024xi32>
    %select_n3A_422 = arith.select %lt3A_418, %broadcast_in_dim3A_421, %select_n3A_411 : vector<8x1024xi1>, vector<8x1024xi32>
    %slice3A_423 = vector.extract_strided_slice %broadcast_in_dim3A {offsets = [304, 0], sizes = [8, 1], strides = [1, 1]} : vector<1024x1xf32> to vector<8x1xf32>
    %add3A_424 = vector.broadcast %broadcast_in_dim3A_11 : vector<1x1024xf32> to vector<8x1024xf32>
    %add3A_425 = vector.broadcast %slice3A_423 : vector<8x1xf32> to vector<8x1024xf32>
    %add3A_426 = arith.addf %add3A_424, %add3A_425 : vector<8x1024xf32>
    %slice3A_427 = vector.extract_strided_slice %dot_general3A_12 {offsets = [304, 0], sizes = [8, 1024], strides = [1, 1]} : vector<1024x1024xf32> to vector<8x1024xf32>
    %sub3A_428 = arith.subf %add3A_426, %slice3A_427 : vector<8x1024xf32>
    %lt3A_429 = arith.cmpf olt, %sub3A_428, %select_n3A_419 : vector<8x1024xf32>
    %select_n3A_430 = arith.select %lt3A_429, %sub3A_428, %select_n3A_419 : vector<8x1024xi1>, vector<8x1024xf32>
    %jit3A_431 = arith.constant 38 : i32
    %broadcast_in_dim3A_432 = vector.broadcast %jit3A_431 : i32 to vector<8x1024xi32>
    %select_n3A_433 = arith.select %lt3A_429, %broadcast_in_dim3A_432, %select_n3A_422 : vector<8x1024xi1>, vector<8x1024xi32>
    %slice3A_434 = vector.extract_strided_slice %broadcast_in_dim3A {offsets = [312, 0], sizes = [8, 1], strides = [1, 1]} : vector<1024x1xf32> to vector<8x1xf32>
    %add3A_435 = vector.broadcast %broadcast_in_dim3A_11 : vector<1x1024xf32> to vector<8x1024xf32>
    %add3A_436 = vector.broadcast %slice3A_434 : vector<8x1xf32> to vector<8x1024xf32>
    %add3A_437 = arith.addf %add3A_435, %add3A_436 : vector<8x1024xf32>
    %slice3A_438 = vector.extract_strided_slice %dot_general3A_12 {offsets = [312, 0], sizes = [8, 1024], strides = [1, 1]} : vector<1024x1024xf32> to vector<8x1024xf32>
    %sub3A_439 = arith.subf %add3A_437, %slice3A_438 : vector<8x1024xf32>
    %lt3A_440 = arith.cmpf olt, %sub3A_439, %select_n3A_430 : vector<8x1024xf32>
    %select_n3A_441 = arith.select %lt3A_440, %sub3A_439, %select_n3A_430 : vector<8x1024xi1>, vector<8x1024xf32>
    %jit3A_442 = arith.constant 39 : i32
    %broadcast_in_dim3A_443 = vector.broadcast %jit3A_442 : i32 to vector<8x1024xi32>
    %select_n3A_444 = arith.select %lt3A_440, %broadcast_in_dim3A_443, %select_n3A_433 : vector<8x1024xi1>, vector<8x1024xi32>
    %slice3A_445 = vector.extract_strided_slice %broadcast_in_dim3A {offsets = [320, 0], sizes = [8, 1], strides = [1, 1]} : vector<1024x1xf32> to vector<8x1xf32>
    %add3A_446 = vector.broadcast %broadcast_in_dim3A_11 : vector<1x1024xf32> to vector<8x1024xf32>
    %add3A_447 = vector.broadcast %slice3A_445 : vector<8x1xf32> to vector<8x1024xf32>
    %add3A_448 = arith.addf %add3A_446, %add3A_447 : vector<8x1024xf32>
    %slice3A_449 = vector.extract_strided_slice %dot_general3A_12 {offsets = [320, 0], sizes = [8, 1024], strides = [1, 1]} : vector<1024x1024xf32> to vector<8x1024xf32>
    %sub3A_450 = arith.subf %add3A_448, %slice3A_449 : vector<8x1024xf32>
    %lt3A_451 = arith.cmpf olt, %sub3A_450, %select_n3A_441 : vector<8x1024xf32>
    %select_n3A_452 = arith.select %lt3A_451, %sub3A_450, %select_n3A_441 : vector<8x1024xi1>, vector<8x1024xf32>
    %jit3A_453 = arith.constant 40 : i32
    %broadcast_in_dim3A_454 = vector.broadcast %jit3A_453 : i32 to vector<8x1024xi32>
    %select_n3A_455 = arith.select %lt3A_451, %broadcast_in_dim3A_454, %select_n3A_444 : vector<8x1024xi1>, vector<8x1024xi32>
    %slice3A_456 = vector.extract_strided_slice %broadcast_in_dim3A {offsets = [328, 0], sizes = [8, 1], strides = [1, 1]} : vector<1024x1xf32> to vector<8x1xf32>
    %add3A_457 = vector.broadcast %broadcast_in_dim3A_11 : vector<1x1024xf32> to vector<8x1024xf32>
    %add3A_458 = vector.broadcast %slice3A_456 : vector<8x1xf32> to vector<8x1024xf32>
    %add3A_459 = arith.addf %add3A_457, %add3A_458 : vector<8x1024xf32>
    %slice3A_460 = vector.extract_strided_slice %dot_general3A_12 {offsets = [328, 0], sizes = [8, 1024], strides = [1, 1]} : vector<1024x1024xf32> to vector<8x1024xf32>
    %sub3A_461 = arith.subf %add3A_459, %slice3A_460 : vector<8x1024xf32>
    %lt3A_462 = arith.cmpf olt, %sub3A_461, %select_n3A_452 : vector<8x1024xf32>
    %select_n3A_463 = arith.select %lt3A_462, %sub3A_461, %select_n3A_452 : vector<8x1024xi1>, vector<8x1024xf32>
    %jit3A_464 = arith.constant 41 : i32
    %broadcast_in_dim3A_465 = vector.broadcast %jit3A_464 : i32 to vector<8x1024xi32>
    %select_n3A_466 = arith.select %lt3A_462, %broadcast_in_dim3A_465, %select_n3A_455 : vector<8x1024xi1>, vector<8x1024xi32>
    %slice3A_467 = vector.extract_strided_slice %broadcast_in_dim3A {offsets = [336, 0], sizes = [8, 1], strides = [1, 1]} : vector<1024x1xf32> to vector<8x1xf32>
    %add3A_468 = vector.broadcast %broadcast_in_dim3A_11 : vector<1x1024xf32> to vector<8x1024xf32>
    %add3A_469 = vector.broadcast %slice3A_467 : vector<8x1xf32> to vector<8x1024xf32>
    %add3A_470 = arith.addf %add3A_468, %add3A_469 : vector<8x1024xf32>
    %slice3A_471 = vector.extract_strided_slice %dot_general3A_12 {offsets = [336, 0], sizes = [8, 1024], strides = [1, 1]} : vector<1024x1024xf32> to vector<8x1024xf32>
    %sub3A_472 = arith.subf %add3A_470, %slice3A_471 : vector<8x1024xf32>
    %lt3A_473 = arith.cmpf olt, %sub3A_472, %select_n3A_463 : vector<8x1024xf32>
    %select_n3A_474 = arith.select %lt3A_473, %sub3A_472, %select_n3A_463 : vector<8x1024xi1>, vector<8x1024xf32>
    %jit3A_475 = arith.constant 42 : i32
    %broadcast_in_dim3A_476 = vector.broadcast %jit3A_475 : i32 to vector<8x1024xi32>
    %select_n3A_477 = arith.select %lt3A_473, %broadcast_in_dim3A_476, %select_n3A_466 : vector<8x1024xi1>, vector<8x1024xi32>
    %slice3A_478 = vector.extract_strided_slice %broadcast_in_dim3A {offsets = [344, 0], sizes = [8, 1], strides = [1, 1]} : vector<1024x1xf32> to vector<8x1xf32>
    %add3A_479 = vector.broadcast %broadcast_in_dim3A_11 : vector<1x1024xf32> to vector<8x1024xf32>
    %add3A_480 = vector.broadcast %slice3A_478 : vector<8x1xf32> to vector<8x1024xf32>
    %add3A_481 = arith.addf %add3A_479, %add3A_480 : vector<8x1024xf32>
    %slice3A_482 = vector.extract_strided_slice %dot_general3A_12 {offsets = [344, 0], sizes = [8, 1024], strides = [1, 1]} : vector<1024x1024xf32> to vector<8x1024xf32>
    %sub3A_483 = arith.subf %add3A_481, %slice3A_482 : vector<8x1024xf32>
    %lt3A_484 = arith.cmpf olt, %sub3A_483, %select_n3A_474 : vector<8x1024xf32>
    %select_n3A_485 = arith.select %lt3A_484, %sub3A_483, %select_n3A_474 : vector<8x1024xi1>, vector<8x1024xf32>
    %jit3A_486 = arith.constant 43 : i32
    %broadcast_in_dim3A_487 = vector.broadcast %jit3A_486 : i32 to vector<8x1024xi32>
    %select_n3A_488 = arith.select %lt3A_484, %broadcast_in_dim3A_487, %select_n3A_477 : vector<8x1024xi1>, vector<8x1024xi32>
    %slice3A_489 = vector.extract_strided_slice %broadcast_in_dim3A {offsets = [352, 0], sizes = [8, 1], strides = [1, 1]} : vector<1024x1xf32> to vector<8x1xf32>
    %add3A_490 = vector.broadcast %broadcast_in_dim3A_11 : vector<1x1024xf32> to vector<8x1024xf32>
    %add3A_491 = vector.broadcast %slice3A_489 : vector<8x1xf32> to vector<8x1024xf32>
    %add3A_492 = arith.addf %add3A_490, %add3A_491 : vector<8x1024xf32>
    %slice3A_493 = vector.extract_strided_slice %dot_general3A_12 {offsets = [352, 0], sizes = [8, 1024], strides = [1, 1]} : vector<1024x1024xf32> to vector<8x1024xf32>
    %sub3A_494 = arith.subf %add3A_492, %slice3A_493 : vector<8x1024xf32>
    %lt3A_495 = arith.cmpf olt, %sub3A_494, %select_n3A_485 : vector<8x1024xf32>
    %select_n3A_496 = arith.select %lt3A_495, %sub3A_494, %select_n3A_485 : vector<8x1024xi1>, vector<8x1024xf32>
    %jit3A_497 = arith.constant 44 : i32
    %broadcast_in_dim3A_498 = vector.broadcast %jit3A_497 : i32 to vector<8x1024xi32>
    %select_n3A_499 = arith.select %lt3A_495, %broadcast_in_dim3A_498, %select_n3A_488 : vector<8x1024xi1>, vector<8x1024xi32>
    %slice3A_500 = vector.extract_strided_slice %broadcast_in_dim3A {offsets = [360, 0], sizes = [8, 1], strides = [1, 1]} : vector<1024x1xf32> to vector<8x1xf32>
    %add3A_501 = vector.broadcast %broadcast_in_dim3A_11 : vector<1x1024xf32> to vector<8x1024xf32>
    %add3A_502 = vector.broadcast %slice3A_500 : vector<8x1xf32> to vector<8x1024xf32>
    %add3A_503 = arith.addf %add3A_501, %add3A_502 : vector<8x1024xf32>
    %slice3A_504 = vector.extract_strided_slice %dot_general3A_12 {offsets = [360, 0], sizes = [8, 1024], strides = [1, 1]} : vector<1024x1024xf32> to vector<8x1024xf32>
    %sub3A_505 = arith.subf %add3A_503, %slice3A_504 : vector<8x1024xf32>
    %lt3A_506 = arith.cmpf olt, %sub3A_505, %select_n3A_496 : vector<8x1024xf32>
    %select_n3A_507 = arith.select %lt3A_506, %sub3A_505, %select_n3A_496 : vector<8x1024xi1>, vector<8x1024xf32>
    %jit3A_508 = arith.constant 45 : i32
    %broadcast_in_dim3A_509 = vector.broadcast %jit3A_508 : i32 to vector<8x1024xi32>
    %select_n3A_510 = arith.select %lt3A_506, %broadcast_in_dim3A_509, %select_n3A_499 : vector<8x1024xi1>, vector<8x1024xi32>
    %slice3A_511 = vector.extract_strided_slice %broadcast_in_dim3A {offsets = [368, 0], sizes = [8, 1], strides = [1, 1]} : vector<1024x1xf32> to vector<8x1xf32>
    %add3A_512 = vector.broadcast %broadcast_in_dim3A_11 : vector<1x1024xf32> to vector<8x1024xf32>
    %add3A_513 = vector.broadcast %slice3A_511 : vector<8x1xf32> to vector<8x1024xf32>
    %add3A_514 = arith.addf %add3A_512, %add3A_513 : vector<8x1024xf32>
    %slice3A_515 = vector.extract_strided_slice %dot_general3A_12 {offsets = [368, 0], sizes = [8, 1024], strides = [1, 1]} : vector<1024x1024xf32> to vector<8x1024xf32>
    %sub3A_516 = arith.subf %add3A_514, %slice3A_515 : vector<8x1024xf32>
    %lt3A_517 = arith.cmpf olt, %sub3A_516, %select_n3A_507 : vector<8x1024xf32>
    %select_n3A_518 = arith.select %lt3A_517, %sub3A_516, %select_n3A_507 : vector<8x1024xi1>, vector<8x1024xf32>
    %jit3A_519 = arith.constant 46 : i32
    %broadcast_in_dim3A_520 = vector.broadcast %jit3A_519 : i32 to vector<8x1024xi32>
    %select_n3A_521 = arith.select %lt3A_517, %broadcast_in_dim3A_520, %select_n3A_510 : vector<8x1024xi1>, vector<8x1024xi32>
    %slice3A_522 = vector.extract_strided_slice %broadcast_in_dim3A {offsets = [376, 0], sizes = [8, 1], strides = [1, 1]} : vector<1024x1xf32> to vector<8x1xf32>
    %add3A_523 = vector.broadcast %broadcast_in_dim3A_11 : vector<1x1024xf32> to vector<8x1024xf32>
    %add3A_524 = vector.broadcast %slice3A_522 : vector<8x1xf32> to vector<8x1024xf32>
    %add3A_525 = arith.addf %add3A_523, %add3A_524 : vector<8x1024xf32>
    %slice3A_526 = vector.extract_strided_slice %dot_general3A_12 {offsets = [376, 0], sizes = [8, 1024], strides = [1, 1]} : vector<1024x1024xf32> to vector<8x1024xf32>
    %sub3A_527 = arith.subf %add3A_525, %slice3A_526 : vector<8x1024xf32>
    %lt3A_528 = arith.cmpf olt, %sub3A_527, %select_n3A_518 : vector<8x1024xf32>
    %select_n3A_529 = arith.select %lt3A_528, %sub3A_527, %select_n3A_518 : vector<8x1024xi1>, vector<8x1024xf32>
    %jit3A_530 = arith.constant 47 : i32
    %broadcast_in_dim3A_531 = vector.broadcast %jit3A_530 : i32 to vector<8x1024xi32>
    %select_n3A_532 = arith.select %lt3A_528, %broadcast_in_dim3A_531, %select_n3A_521 : vector<8x1024xi1>, vector<8x1024xi32>
    %slice3A_533 = vector.extract_strided_slice %broadcast_in_dim3A {offsets = [384, 0], sizes = [8, 1], strides = [1, 1]} : vector<1024x1xf32> to vector<8x1xf32>
    %add3A_534 = vector.broadcast %broadcast_in_dim3A_11 : vector<1x1024xf32> to vector<8x1024xf32>
    %add3A_535 = vector.broadcast %slice3A_533 : vector<8x1xf32> to vector<8x1024xf32>
    %add3A_536 = arith.addf %add3A_534, %add3A_535 : vector<8x1024xf32>
    %slice3A_537 = vector.extract_strided_slice %dot_general3A_12 {offsets = [384, 0], sizes = [8, 1024], strides = [1, 1]} : vector<1024x1024xf32> to vector<8x1024xf32>
    %sub3A_538 = arith.subf %add3A_536, %slice3A_537 : vector<8x1024xf32>
    %lt3A_539 = arith.cmpf olt, %sub3A_538, %select_n3A_529 : vector<8x1024xf32>
    %select_n3A_540 = arith.select %lt3A_539, %sub3A_538, %select_n3A_529 : vector<8x1024xi1>, vector<8x1024xf32>
    %jit3A_541 = arith.constant 48 : i32
    %broadcast_in_dim3A_542 = vector.broadcast %jit3A_541 : i32 to vector<8x1024xi32>
    %select_n3A_543 = arith.select %lt3A_539, %broadcast_in_dim3A_542, %select_n3A_532 : vector<8x1024xi1>, vector<8x1024xi32>
    %slice3A_544 = vector.extract_strided_slice %broadcast_in_dim3A {offsets = [392, 0], sizes = [8, 1], strides = [1, 1]} : vector<1024x1xf32> to vector<8x1xf32>
    %add3A_545 = vector.broadcast %broadcast_in_dim3A_11 : vector<1x1024xf32> to vector<8x1024xf32>
    %add3A_546 = vector.broadcast %slice3A_544 : vector<8x1xf32> to vector<8x1024xf32>
    %add3A_547 = arith.addf %add3A_545, %add3A_546 : vector<8x1024xf32>
    %slice3A_548 = vector.extract_strided_slice %dot_general3A_12 {offsets = [392, 0], sizes = [8, 1024], strides = [1, 1]} : vector<1024x1024xf32> to vector<8x1024xf32>
    %sub3A_549 = arith.subf %add3A_547, %slice3A_548 : vector<8x1024xf32>
    %lt3A_550 = arith.cmpf olt, %sub3A_549, %select_n3A_540 : vector<8x1024xf32>
    %select_n3A_551 = arith.select %lt3A_550, %sub3A_549, %select_n3A_540 : vector<8x1024xi1>, vector<8x1024xf32>
    %jit3A_552 = arith.constant 49 : i32
    %broadcast_in_dim3A_553 = vector.broadcast %jit3A_552 : i32 to vector<8x1024xi32>
    %select_n3A_554 = arith.select %lt3A_550, %broadcast_in_dim3A_553, %select_n3A_543 : vector<8x1024xi1>, vector<8x1024xi32>
    %slice3A_555 = vector.extract_strided_slice %broadcast_in_dim3A {offsets = [400, 0], sizes = [8, 1], strides = [1, 1]} : vector<1024x1xf32> to vector<8x1xf32>
    %add3A_556 = vector.broadcast %broadcast_in_dim3A_11 : vector<1x1024xf32> to vector<8x1024xf32>
    %add3A_557 = vector.broadcast %slice3A_555 : vector<8x1xf32> to vector<8x1024xf32>
    %add3A_558 = arith.addf %add3A_556, %add3A_557 : vector<8x1024xf32>
    %slice3A_559 = vector.extract_strided_slice %dot_general3A_12 {offsets = [400, 0], sizes = [8, 1024], strides = [1, 1]} : vector<1024x1024xf32> to vector<8x1024xf32>
    %sub3A_560 = arith.subf %add3A_558, %slice3A_559 : vector<8x1024xf32>
    %lt3A_561 = arith.cmpf olt, %sub3A_560, %select_n3A_551 : vector<8x1024xf32>
    %select_n3A_562 = arith.select %lt3A_561, %sub3A_560, %select_n3A_551 : vector<8x1024xi1>, vector<8x1024xf32>
    %jit3A_563 = arith.constant 50 : i32
    %broadcast_in_dim3A_564 = vector.broadcast %jit3A_563 : i32 to vector<8x1024xi32>
    %select_n3A_565 = arith.select %lt3A_561, %broadcast_in_dim3A_564, %select_n3A_554 : vector<8x1024xi1>, vector<8x1024xi32>
    %slice3A_566 = vector.extract_strided_slice %broadcast_in_dim3A {offsets = [408, 0], sizes = [8, 1], strides = [1, 1]} : vector<1024x1xf32> to vector<8x1xf32>
    %add3A_567 = vector.broadcast %broadcast_in_dim3A_11 : vector<1x1024xf32> to vector<8x1024xf32>
    %add3A_568 = vector.broadcast %slice3A_566 : vector<8x1xf32> to vector<8x1024xf32>
    %add3A_569 = arith.addf %add3A_567, %add3A_568 : vector<8x1024xf32>
    %slice3A_570 = vector.extract_strided_slice %dot_general3A_12 {offsets = [408, 0], sizes = [8, 1024], strides = [1, 1]} : vector<1024x1024xf32> to vector<8x1024xf32>
    %sub3A_571 = arith.subf %add3A_569, %slice3A_570 : vector<8x1024xf32>
    %lt3A_572 = arith.cmpf olt, %sub3A_571, %select_n3A_562 : vector<8x1024xf32>
    %select_n3A_573 = arith.select %lt3A_572, %sub3A_571, %select_n3A_562 : vector<8x1024xi1>, vector<8x1024xf32>
    %jit3A_574 = arith.constant 51 : i32
    %broadcast_in_dim3A_575 = vector.broadcast %jit3A_574 : i32 to vector<8x1024xi32>
    %select_n3A_576 = arith.select %lt3A_572, %broadcast_in_dim3A_575, %select_n3A_565 : vector<8x1024xi1>, vector<8x1024xi32>
    %slice3A_577 = vector.extract_strided_slice %broadcast_in_dim3A {offsets = [416, 0], sizes = [8, 1], strides = [1, 1]} : vector<1024x1xf32> to vector<8x1xf32>
    %add3A_578 = vector.broadcast %broadcast_in_dim3A_11 : vector<1x1024xf32> to vector<8x1024xf32>
    %add3A_579 = vector.broadcast %slice3A_577 : vector<8x1xf32> to vector<8x1024xf32>
    %add3A_580 = arith.addf %add3A_578, %add3A_579 : vector<8x1024xf32>
    %slice3A_581 = vector.extract_strided_slice %dot_general3A_12 {offsets = [416, 0], sizes = [8, 1024], strides = [1, 1]} : vector<1024x1024xf32> to vector<8x1024xf32>
    %sub3A_582 = arith.subf %add3A_580, %slice3A_581 : vector<8x1024xf32>
    %lt3A_583 = arith.cmpf olt, %sub3A_582, %select_n3A_573 : vector<8x1024xf32>
    %select_n3A_584 = arith.select %lt3A_583, %sub3A_582, %select_n3A_573 : vector<8x1024xi1>, vector<8x1024xf32>
    %jit3A_585 = arith.constant 52 : i32
    %broadcast_in_dim3A_586 = vector.broadcast %jit3A_585 : i32 to vector<8x1024xi32>
    %select_n3A_587 = arith.select %lt3A_583, %broadcast_in_dim3A_586, %select_n3A_576 : vector<8x1024xi1>, vector<8x1024xi32>
    %slice3A_588 = vector.extract_strided_slice %broadcast_in_dim3A {offsets = [424, 0], sizes = [8, 1], strides = [1, 1]} : vector<1024x1xf32> to vector<8x1xf32>
    %add3A_589 = vector.broadcast %broadcast_in_dim3A_11 : vector<1x1024xf32> to vector<8x1024xf32>
    %add3A_590 = vector.broadcast %slice3A_588 : vector<8x1xf32> to vector<8x1024xf32>
    %add3A_591 = arith.addf %add3A_589, %add3A_590 : vector<8x1024xf32>
    %slice3A_592 = vector.extract_strided_slice %dot_general3A_12 {offsets = [424, 0], sizes = [8, 1024], strides = [1, 1]} : vector<1024x1024xf32> to vector<8x1024xf32>
    %sub3A_593 = arith.subf %add3A_591, %slice3A_592 : vector<8x1024xf32>
    %lt3A_594 = arith.cmpf olt, %sub3A_593, %select_n3A_584 : vector<8x1024xf32>
    %select_n3A_595 = arith.select %lt3A_594, %sub3A_593, %select_n3A_584 : vector<8x1024xi1>, vector<8x1024xf32>
    %jit3A_596 = arith.constant 53 : i32
    %broadcast_in_dim3A_597 = vector.broadcast %jit3A_596 : i32 to vector<8x1024xi32>
    %select_n3A_598 = arith.select %lt3A_594, %broadcast_in_dim3A_597, %select_n3A_587 : vector<8x1024xi1>, vector<8x1024xi32>
    %slice3A_599 = vector.extract_strided_slice %broadcast_in_dim3A {offsets = [432, 0], sizes = [8, 1], strides = [1, 1]} : vector<1024x1xf32> to vector<8x1xf32>
    %add3A_600 = vector.broadcast %broadcast_in_dim3A_11 : vector<1x1024xf32> to vector<8x1024xf32>
    %add3A_601 = vector.broadcast %slice3A_599 : vector<8x1xf32> to vector<8x1024xf32>
    %add3A_602 = arith.addf %add3A_600, %add3A_601 : vector<8x1024xf32>
    %slice3A_603 = vector.extract_strided_slice %dot_general3A_12 {offsets = [432, 0], sizes = [8, 1024], strides = [1, 1]} : vector<1024x1024xf32> to vector<8x1024xf32>
    %sub3A_604 = arith.subf %add3A_602, %slice3A_603 : vector<8x1024xf32>
    %lt3A_605 = arith.cmpf olt, %sub3A_604, %select_n3A_595 : vector<8x1024xf32>
    %select_n3A_606 = arith.select %lt3A_605, %sub3A_604, %select_n3A_595 : vector<8x1024xi1>, vector<8x1024xf32>
    %jit3A_607 = arith.constant 54 : i32
    %broadcast_in_dim3A_608 = vector.broadcast %jit3A_607 : i32 to vector<8x1024xi32>
    %select_n3A_609 = arith.select %lt3A_605, %broadcast_in_dim3A_608, %select_n3A_598 : vector<8x1024xi1>, vector<8x1024xi32>
    %slice3A_610 = vector.extract_strided_slice %broadcast_in_dim3A {offsets = [440, 0], sizes = [8, 1], strides = [1, 1]} : vector<1024x1xf32> to vector<8x1xf32>
    %add3A_611 = vector.broadcast %broadcast_in_dim3A_11 : vector<1x1024xf32> to vector<8x1024xf32>
    %add3A_612 = vector.broadcast %slice3A_610 : vector<8x1xf32> to vector<8x1024xf32>
    %add3A_613 = arith.addf %add3A_611, %add3A_612 : vector<8x1024xf32>
    %slice3A_614 = vector.extract_strided_slice %dot_general3A_12 {offsets = [440, 0], sizes = [8, 1024], strides = [1, 1]} : vector<1024x1024xf32> to vector<8x1024xf32>
    %sub3A_615 = arith.subf %add3A_613, %slice3A_614 : vector<8x1024xf32>
    %lt3A_616 = arith.cmpf olt, %sub3A_615, %select_n3A_606 : vector<8x1024xf32>
    %select_n3A_617 = arith.select %lt3A_616, %sub3A_615, %select_n3A_606 : vector<8x1024xi1>, vector<8x1024xf32>
    %jit3A_618 = arith.constant 55 : i32
    %broadcast_in_dim3A_619 = vector.broadcast %jit3A_618 : i32 to vector<8x1024xi32>
    %select_n3A_620 = arith.select %lt3A_616, %broadcast_in_dim3A_619, %select_n3A_609 : vector<8x1024xi1>, vector<8x1024xi32>
    %slice3A_621 = vector.extract_strided_slice %broadcast_in_dim3A {offsets = [448, 0], sizes = [8, 1], strides = [1, 1]} : vector<1024x1xf32> to vector<8x1xf32>
    %add3A_622 = vector.broadcast %broadcast_in_dim3A_11 : vector<1x1024xf32> to vector<8x1024xf32>
    %add3A_623 = vector.broadcast %slice3A_621 : vector<8x1xf32> to vector<8x1024xf32>
    %add3A_624 = arith.addf %add3A_622, %add3A_623 : vector<8x1024xf32>
    %slice3A_625 = vector.extract_strided_slice %dot_general3A_12 {offsets = [448, 0], sizes = [8, 1024], strides = [1, 1]} : vector<1024x1024xf32> to vector<8x1024xf32>
    %sub3A_626 = arith.subf %add3A_624, %slice3A_625 : vector<8x1024xf32>
    %lt3A_627 = arith.cmpf olt, %sub3A_626, %select_n3A_617 : vector<8x1024xf32>
    %select_n3A_628 = arith.select %lt3A_627, %sub3A_626, %select_n3A_617 : vector<8x1024xi1>, vector<8x1024xf32>
    %jit3A_629 = arith.constant 56 : i32
    %broadcast_in_dim3A_630 = vector.broadcast %jit3A_629 : i32 to vector<8x1024xi32>
    %select_n3A_631 = arith.select %lt3A_627, %broadcast_in_dim3A_630, %select_n3A_620 : vector<8x1024xi1>, vector<8x1024xi32>
    %slice3A_632 = vector.extract_strided_slice %broadcast_in_dim3A {offsets = [456, 0], sizes = [8, 1], strides = [1, 1]} : vector<1024x1xf32> to vector<8x1xf32>
    %add3A_633 = vector.broadcast %broadcast_in_dim3A_11 : vector<1x1024xf32> to vector<8x1024xf32>
    %add3A_634 = vector.broadcast %slice3A_632 : vector<8x1xf32> to vector<8x1024xf32>
    %add3A_635 = arith.addf %add3A_633, %add3A_634 : vector<8x1024xf32>
    %slice3A_636 = vector.extract_strided_slice %dot_general3A_12 {offsets = [456, 0], sizes = [8, 1024], strides = [1, 1]} : vector<1024x1024xf32> to vector<8x1024xf32>
    %sub3A_637 = arith.subf %add3A_635, %slice3A_636 : vector<8x1024xf32>
    %lt3A_638 = arith.cmpf olt, %sub3A_637, %select_n3A_628 : vector<8x1024xf32>
    %select_n3A_639 = arith.select %lt3A_638, %sub3A_637, %select_n3A_628 : vector<8x1024xi1>, vector<8x1024xf32>
    %jit3A_640 = arith.constant 57 : i32
    %broadcast_in_dim3A_641 = vector.broadcast %jit3A_640 : i32 to vector<8x1024xi32>
    %select_n3A_642 = arith.select %lt3A_638, %broadcast_in_dim3A_641, %select_n3A_631 : vector<8x1024xi1>, vector<8x1024xi32>
    %slice3A_643 = vector.extract_strided_slice %broadcast_in_dim3A {offsets = [464, 0], sizes = [8, 1], strides = [1, 1]} : vector<1024x1xf32> to vector<8x1xf32>
    %add3A_644 = vector.broadcast %broadcast_in_dim3A_11 : vector<1x1024xf32> to vector<8x1024xf32>
    %add3A_645 = vector.broadcast %slice3A_643 : vector<8x1xf32> to vector<8x1024xf32>
    %add3A_646 = arith.addf %add3A_644, %add3A_645 : vector<8x1024xf32>
    %slice3A_647 = vector.extract_strided_slice %dot_general3A_12 {offsets = [464, 0], sizes = [8, 1024], strides = [1, 1]} : vector<1024x1024xf32> to vector<8x1024xf32>
    %sub3A_648 = arith.subf %add3A_646, %slice3A_647 : vector<8x1024xf32>
    %lt3A_649 = arith.cmpf olt, %sub3A_648, %select_n3A_639 : vector<8x1024xf32>
    %select_n3A_650 = arith.select %lt3A_649, %sub3A_648, %select_n3A_639 : vector<8x1024xi1>, vector<8x1024xf32>
    %jit3A_651 = arith.constant 58 : i32
    %broadcast_in_dim3A_652 = vector.broadcast %jit3A_651 : i32 to vector<8x1024xi32>
    %select_n3A_653 = arith.select %lt3A_649, %broadcast_in_dim3A_652, %select_n3A_642 : vector<8x1024xi1>, vector<8x1024xi32>
    %slice3A_654 = vector.extract_strided_slice %broadcast_in_dim3A {offsets = [472, 0], sizes = [8, 1], strides = [1, 1]} : vector<1024x1xf32> to vector<8x1xf32>
    %add3A_655 = vector.broadcast %broadcast_in_dim3A_11 : vector<1x1024xf32> to vector<8x1024xf32>
    %add3A_656 = vector.broadcast %slice3A_654 : vector<8x1xf32> to vector<8x1024xf32>
    %add3A_657 = arith.addf %add3A_655, %add3A_656 : vector<8x1024xf32>
    %slice3A_658 = vector.extract_strided_slice %dot_general3A_12 {offsets = [472, 0], sizes = [8, 1024], strides = [1, 1]} : vector<1024x1024xf32> to vector<8x1024xf32>
    %sub3A_659 = arith.subf %add3A_657, %slice3A_658 : vector<8x1024xf32>
    %lt3A_660 = arith.cmpf olt, %sub3A_659, %select_n3A_650 : vector<8x1024xf32>
    %select_n3A_661 = arith.select %lt3A_660, %sub3A_659, %select_n3A_650 : vector<8x1024xi1>, vector<8x1024xf32>
    %jit3A_662 = arith.constant 59 : i32
    %broadcast_in_dim3A_663 = vector.broadcast %jit3A_662 : i32 to vector<8x1024xi32>
    %select_n3A_664 = arith.select %lt3A_660, %broadcast_in_dim3A_663, %select_n3A_653 : vector<8x1024xi1>, vector<8x1024xi32>
    %slice3A_665 = vector.extract_strided_slice %broadcast_in_dim3A {offsets = [480, 0], sizes = [8, 1], strides = [1, 1]} : vector<1024x1xf32> to vector<8x1xf32>
    %add3A_666 = vector.broadcast %broadcast_in_dim3A_11 : vector<1x1024xf32> to vector<8x1024xf32>
    %add3A_667 = vector.broadcast %slice3A_665 : vector<8x1xf32> to vector<8x1024xf32>
    %add3A_668 = arith.addf %add3A_666, %add3A_667 : vector<8x1024xf32>
    %slice3A_669 = vector.extract_strided_slice %dot_general3A_12 {offsets = [480, 0], sizes = [8, 1024], strides = [1, 1]} : vector<1024x1024xf32> to vector<8x1024xf32>
    %sub3A_670 = arith.subf %add3A_668, %slice3A_669 : vector<8x1024xf32>
    %lt3A_671 = arith.cmpf olt, %sub3A_670, %select_n3A_661 : vector<8x1024xf32>
    %select_n3A_672 = arith.select %lt3A_671, %sub3A_670, %select_n3A_661 : vector<8x1024xi1>, vector<8x1024xf32>
    %jit3A_673 = arith.constant 60 : i32
    %broadcast_in_dim3A_674 = vector.broadcast %jit3A_673 : i32 to vector<8x1024xi32>
    %select_n3A_675 = arith.select %lt3A_671, %broadcast_in_dim3A_674, %select_n3A_664 : vector<8x1024xi1>, vector<8x1024xi32>
    %slice3A_676 = vector.extract_strided_slice %broadcast_in_dim3A {offsets = [488, 0], sizes = [8, 1], strides = [1, 1]} : vector<1024x1xf32> to vector<8x1xf32>
    %add3A_677 = vector.broadcast %broadcast_in_dim3A_11 : vector<1x1024xf32> to vector<8x1024xf32>
    %add3A_678 = vector.broadcast %slice3A_676 : vector<8x1xf32> to vector<8x1024xf32>
    %add3A_679 = arith.addf %add3A_677, %add3A_678 : vector<8x1024xf32>
    %slice3A_680 = vector.extract_strided_slice %dot_general3A_12 {offsets = [488, 0], sizes = [8, 1024], strides = [1, 1]} : vector<1024x1024xf32> to vector<8x1024xf32>
    %sub3A_681 = arith.subf %add3A_679, %slice3A_680 : vector<8x1024xf32>
    %lt3A_682 = arith.cmpf olt, %sub3A_681, %select_n3A_672 : vector<8x1024xf32>
    %select_n3A_683 = arith.select %lt3A_682, %sub3A_681, %select_n3A_672 : vector<8x1024xi1>, vector<8x1024xf32>
    %jit3A_684 = arith.constant 61 : i32
    %broadcast_in_dim3A_685 = vector.broadcast %jit3A_684 : i32 to vector<8x1024xi32>
    %select_n3A_686 = arith.select %lt3A_682, %broadcast_in_dim3A_685, %select_n3A_675 : vector<8x1024xi1>, vector<8x1024xi32>
    %slice3A_687 = vector.extract_strided_slice %broadcast_in_dim3A {offsets = [496, 0], sizes = [8, 1], strides = [1, 1]} : vector<1024x1xf32> to vector<8x1xf32>
    %add3A_688 = vector.broadcast %broadcast_in_dim3A_11 : vector<1x1024xf32> to vector<8x1024xf32>
    %add3A_689 = vector.broadcast %slice3A_687 : vector<8x1xf32> to vector<8x1024xf32>
    %add3A_690 = arith.addf %add3A_688, %add3A_689 : vector<8x1024xf32>
    %slice3A_691 = vector.extract_strided_slice %dot_general3A_12 {offsets = [496, 0], sizes = [8, 1024], strides = [1, 1]} : vector<1024x1024xf32> to vector<8x1024xf32>
    %sub3A_692 = arith.subf %add3A_690, %slice3A_691 : vector<8x1024xf32>
    %lt3A_693 = arith.cmpf olt, %sub3A_692, %select_n3A_683 : vector<8x1024xf32>
    %select_n3A_694 = arith.select %lt3A_693, %sub3A_692, %select_n3A_683 : vector<8x1024xi1>, vector<8x1024xf32>
    %jit3A_695 = arith.constant 62 : i32
    %broadcast_in_dim3A_696 = vector.broadcast %jit3A_695 : i32 to vector<8x1024xi32>
    %select_n3A_697 = arith.select %lt3A_693, %broadcast_in_dim3A_696, %select_n3A_686 : vector<8x1024xi1>, vector<8x1024xi32>
    %slice3A_698 = vector.extract_strided_slice %broadcast_in_dim3A {offsets = [504, 0], sizes = [8, 1], strides = [1, 1]} : vector<1024x1xf32> to vector<8x1xf32>
    %add3A_699 = vector.broadcast %broadcast_in_dim3A_11 : vector<1x1024xf32> to vector<8x1024xf32>
    %add3A_700 = vector.broadcast %slice3A_698 : vector<8x1xf32> to vector<8x1024xf32>
    %add3A_701 = arith.addf %add3A_699, %add3A_700 : vector<8x1024xf32>
    %slice3A_702 = vector.extract_strided_slice %dot_general3A_12 {offsets = [504, 0], sizes = [8, 1024], strides = [1, 1]} : vector<1024x1024xf32> to vector<8x1024xf32>
    %sub3A_703 = arith.subf %add3A_701, %slice3A_702 : vector<8x1024xf32>
    %lt3A_704 = arith.cmpf olt, %sub3A_703, %select_n3A_694 : vector<8x1024xf32>
    %select_n3A_705 = arith.select %lt3A_704, %sub3A_703, %select_n3A_694 : vector<8x1024xi1>, vector<8x1024xf32>
    %jit3A_706 = arith.constant 63 : i32
    %broadcast_in_dim3A_707 = vector.broadcast %jit3A_706 : i32 to vector<8x1024xi32>
    %select_n3A_708 = arith.select %lt3A_704, %broadcast_in_dim3A_707, %select_n3A_697 : vector<8x1024xi1>, vector<8x1024xi32>
    %slice3A_709 = vector.extract_strided_slice %broadcast_in_dim3A {offsets = [512, 0], sizes = [8, 1], strides = [1, 1]} : vector<1024x1xf32> to vector<8x1xf32>
    %add3A_710 = vector.broadcast %broadcast_in_dim3A_11 : vector<1x1024xf32> to vector<8x1024xf32>
    %add3A_711 = vector.broadcast %slice3A_709 : vector<8x1xf32> to vector<8x1024xf32>
    %add3A_712 = arith.addf %add3A_710, %add3A_711 : vector<8x1024xf32>
    %slice3A_713 = vector.extract_strided_slice %dot_general3A_12 {offsets = [512, 0], sizes = [8, 1024], strides = [1, 1]} : vector<1024x1024xf32> to vector<8x1024xf32>
    %sub3A_714 = arith.subf %add3A_712, %slice3A_713 : vector<8x1024xf32>
    %lt3A_715 = arith.cmpf olt, %sub3A_714, %select_n3A_705 : vector<8x1024xf32>
    %select_n3A_716 = arith.select %lt3A_715, %sub3A_714, %select_n3A_705 : vector<8x1024xi1>, vector<8x1024xf32>
    %jit3A_717 = arith.constant 64 : i32
    %broadcast_in_dim3A_718 = vector.broadcast %jit3A_717 : i32 to vector<8x1024xi32>
    %select_n3A_719 = arith.select %lt3A_715, %broadcast_in_dim3A_718, %select_n3A_708 : vector<8x1024xi1>, vector<8x1024xi32>
    %slice3A_720 = vector.extract_strided_slice %broadcast_in_dim3A {offsets = [520, 0], sizes = [8, 1], strides = [1, 1]} : vector<1024x1xf32> to vector<8x1xf32>
    %add3A_721 = vector.broadcast %broadcast_in_dim3A_11 : vector<1x1024xf32> to vector<8x1024xf32>
    %add3A_722 = vector.broadcast %slice3A_720 : vector<8x1xf32> to vector<8x1024xf32>
    %add3A_723 = arith.addf %add3A_721, %add3A_722 : vector<8x1024xf32>
    %slice3A_724 = vector.extract_strided_slice %dot_general3A_12 {offsets = [520, 0], sizes = [8, 1024], strides = [1, 1]} : vector<1024x1024xf32> to vector<8x1024xf32>
    %sub3A_725 = arith.subf %add3A_723, %slice3A_724 : vector<8x1024xf32>
    %lt3A_726 = arith.cmpf olt, %sub3A_725, %select_n3A_716 : vector<8x1024xf32>
    %select_n3A_727 = arith.select %lt3A_726, %sub3A_725, %select_n3A_716 : vector<8x1024xi1>, vector<8x1024xf32>
    %jit3A_728 = arith.constant 65 : i32
    %broadcast_in_dim3A_729 = vector.broadcast %jit3A_728 : i32 to vector<8x1024xi32>
    %select_n3A_730 = arith.select %lt3A_726, %broadcast_in_dim3A_729, %select_n3A_719 : vector<8x1024xi1>, vector<8x1024xi32>
    %slice3A_731 = vector.extract_strided_slice %broadcast_in_dim3A {offsets = [528, 0], sizes = [8, 1], strides = [1, 1]} : vector<1024x1xf32> to vector<8x1xf32>
    %add3A_732 = vector.broadcast %broadcast_in_dim3A_11 : vector<1x1024xf32> to vector<8x1024xf32>
    %add3A_733 = vector.broadcast %slice3A_731 : vector<8x1xf32> to vector<8x1024xf32>
    %add3A_734 = arith.addf %add3A_732, %add3A_733 : vector<8x1024xf32>
    %slice3A_735 = vector.extract_strided_slice %dot_general3A_12 {offsets = [528, 0], sizes = [8, 1024], strides = [1, 1]} : vector<1024x1024xf32> to vector<8x1024xf32>
    %sub3A_736 = arith.subf %add3A_734, %slice3A_735 : vector<8x1024xf32>
    %lt3A_737 = arith.cmpf olt, %sub3A_736, %select_n3A_727 : vector<8x1024xf32>
    %select_n3A_738 = arith.select %lt3A_737, %sub3A_736, %select_n3A_727 : vector<8x1024xi1>, vector<8x1024xf32>
    %jit3A_739 = arith.constant 66 : i32
    %broadcast_in_dim3A_740 = vector.broadcast %jit3A_739 : i32 to vector<8x1024xi32>
    %select_n3A_741 = arith.select %lt3A_737, %broadcast_in_dim3A_740, %select_n3A_730 : vector<8x1024xi1>, vector<8x1024xi32>
    %slice3A_742 = vector.extract_strided_slice %broadcast_in_dim3A {offsets = [536, 0], sizes = [8, 1], strides = [1, 1]} : vector<1024x1xf32> to vector<8x1xf32>
    %add3A_743 = vector.broadcast %broadcast_in_dim3A_11 : vector<1x1024xf32> to vector<8x1024xf32>
    %add3A_744 = vector.broadcast %slice3A_742 : vector<8x1xf32> to vector<8x1024xf32>
    %add3A_745 = arith.addf %add3A_743, %add3A_744 : vector<8x1024xf32>
    %slice3A_746 = vector.extract_strided_slice %dot_general3A_12 {offsets = [536, 0], sizes = [8, 1024], strides = [1, 1]} : vector<1024x1024xf32> to vector<8x1024xf32>
    %sub3A_747 = arith.subf %add3A_745, %slice3A_746 : vector<8x1024xf32>
    %lt3A_748 = arith.cmpf olt, %sub3A_747, %select_n3A_738 : vector<8x1024xf32>
    %select_n3A_749 = arith.select %lt3A_748, %sub3A_747, %select_n3A_738 : vector<8x1024xi1>, vector<8x1024xf32>
    %jit3A_750 = arith.constant 67 : i32
    %broadcast_in_dim3A_751 = vector.broadcast %jit3A_750 : i32 to vector<8x1024xi32>
    %select_n3A_752 = arith.select %lt3A_748, %broadcast_in_dim3A_751, %select_n3A_741 : vector<8x1024xi1>, vector<8x1024xi32>
    %slice3A_753 = vector.extract_strided_slice %broadcast_in_dim3A {offsets = [544, 0], sizes = [8, 1], strides = [1, 1]} : vector<1024x1xf32> to vector<8x1xf32>
    %add3A_754 = vector.broadcast %broadcast_in_dim3A_11 : vector<1x1024xf32> to vector<8x1024xf32>
    %add3A_755 = vector.broadcast %slice3A_753 : vector<8x1xf32> to vector<8x1024xf32>
    %add3A_756 = arith.addf %add3A_754, %add3A_755 : vector<8x1024xf32>
    %slice3A_757 = vector.extract_strided_slice %dot_general3A_12 {offsets = [544, 0], sizes = [8, 1024], strides = [1, 1]} : vector<1024x1024xf32> to vector<8x1024xf32>
    %sub3A_758 = arith.subf %add3A_756, %slice3A_757 : vector<8x1024xf32>
    %lt3A_759 = arith.cmpf olt, %sub3A_758, %select_n3A_749 : vector<8x1024xf32>
    %select_n3A_760 = arith.select %lt3A_759, %sub3A_758, %select_n3A_749 : vector<8x1024xi1>, vector<8x1024xf32>
    %jit3A_761 = arith.constant 68 : i32
    %broadcast_in_dim3A_762 = vector.broadcast %jit3A_761 : i32 to vector<8x1024xi32>
    %select_n3A_763 = arith.select %lt3A_759, %broadcast_in_dim3A_762, %select_n3A_752 : vector<8x1024xi1>, vector<8x1024xi32>
    %slice3A_764 = vector.extract_strided_slice %broadcast_in_dim3A {offsets = [552, 0], sizes = [8, 1], strides = [1, 1]} : vector<1024x1xf32> to vector<8x1xf32>
    %add3A_765 = vector.broadcast %broadcast_in_dim3A_11 : vector<1x1024xf32> to vector<8x1024xf32>
    %add3A_766 = vector.broadcast %slice3A_764 : vector<8x1xf32> to vector<8x1024xf32>
    %add3A_767 = arith.addf %add3A_765, %add3A_766 : vector<8x1024xf32>
    %slice3A_768 = vector.extract_strided_slice %dot_general3A_12 {offsets = [552, 0], sizes = [8, 1024], strides = [1, 1]} : vector<1024x1024xf32> to vector<8x1024xf32>
    %sub3A_769 = arith.subf %add3A_767, %slice3A_768 : vector<8x1024xf32>
    %lt3A_770 = arith.cmpf olt, %sub3A_769, %select_n3A_760 : vector<8x1024xf32>
    %select_n3A_771 = arith.select %lt3A_770, %sub3A_769, %select_n3A_760 : vector<8x1024xi1>, vector<8x1024xf32>
    %jit3A_772 = arith.constant 69 : i32
    %broadcast_in_dim3A_773 = vector.broadcast %jit3A_772 : i32 to vector<8x1024xi32>
    %select_n3A_774 = arith.select %lt3A_770, %broadcast_in_dim3A_773, %select_n3A_763 : vector<8x1024xi1>, vector<8x1024xi32>
    %slice3A_775 = vector.extract_strided_slice %broadcast_in_dim3A {offsets = [560, 0], sizes = [8, 1], strides = [1, 1]} : vector<1024x1xf32> to vector<8x1xf32>
    %add3A_776 = vector.broadcast %broadcast_in_dim3A_11 : vector<1x1024xf32> to vector<8x1024xf32>
    %add3A_777 = vector.broadcast %slice3A_775 : vector<8x1xf32> to vector<8x1024xf32>
    %add3A_778 = arith.addf %add3A_776, %add3A_777 : vector<8x1024xf32>
    %slice3A_779 = vector.extract_strided_slice %dot_general3A_12 {offsets = [560, 0], sizes = [8, 1024], strides = [1, 1]} : vector<1024x1024xf32> to vector<8x1024xf32>
    %sub3A_780 = arith.subf %add3A_778, %slice3A_779 : vector<8x1024xf32>
    %lt3A_781 = arith.cmpf olt, %sub3A_780, %select_n3A_771 : vector<8x1024xf32>
    %select_n3A_782 = arith.select %lt3A_781, %sub3A_780, %select_n3A_771 : vector<8x1024xi1>, vector<8x1024xf32>
    %jit3A_783 = arith.constant 70 : i32
    %broadcast_in_dim3A_784 = vector.broadcast %jit3A_783 : i32 to vector<8x1024xi32>
    %select_n3A_785 = arith.select %lt3A_781, %broadcast_in_dim3A_784, %select_n3A_774 : vector<8x1024xi1>, vector<8x1024xi32>
    %slice3A_786 = vector.extract_strided_slice %broadcast_in_dim3A {offsets = [568, 0], sizes = [8, 1], strides = [1, 1]} : vector<1024x1xf32> to vector<8x1xf32>
    %add3A_787 = vector.broadcast %broadcast_in_dim3A_11 : vector<1x1024xf32> to vector<8x1024xf32>
    %add3A_788 = vector.broadcast %slice3A_786 : vector<8x1xf32> to vector<8x1024xf32>
    %add3A_789 = arith.addf %add3A_787, %add3A_788 : vector<8x1024xf32>
    %slice3A_790 = vector.extract_strided_slice %dot_general3A_12 {offsets = [568, 0], sizes = [8, 1024], strides = [1, 1]} : vector<1024x1024xf32> to vector<8x1024xf32>
    %sub3A_791 = arith.subf %add3A_789, %slice3A_790 : vector<8x1024xf32>
    %lt3A_792 = arith.cmpf olt, %sub3A_791, %select_n3A_782 : vector<8x1024xf32>
    %select_n3A_793 = arith.select %lt3A_792, %sub3A_791, %select_n3A_782 : vector<8x1024xi1>, vector<8x1024xf32>
    %jit3A_794 = arith.constant 71 : i32
    %broadcast_in_dim3A_795 = vector.broadcast %jit3A_794 : i32 to vector<8x1024xi32>
    %select_n3A_796 = arith.select %lt3A_792, %broadcast_in_dim3A_795, %select_n3A_785 : vector<8x1024xi1>, vector<8x1024xi32>
    %slice3A_797 = vector.extract_strided_slice %broadcast_in_dim3A {offsets = [576, 0], sizes = [8, 1], strides = [1, 1]} : vector<1024x1xf32> to vector<8x1xf32>
    %add3A_798 = vector.broadcast %broadcast_in_dim3A_11 : vector<1x1024xf32> to vector<8x1024xf32>
    %add3A_799 = vector.broadcast %slice3A_797 : vector<8x1xf32> to vector<8x1024xf32>
    %add3A_800 = arith.addf %add3A_798, %add3A_799 : vector<8x1024xf32>
    %slice3A_801 = vector.extract_strided_slice %dot_general3A_12 {offsets = [576, 0], sizes = [8, 1024], strides = [1, 1]} : vector<1024x1024xf32> to vector<8x1024xf32>
    %sub3A_802 = arith.subf %add3A_800, %slice3A_801 : vector<8x1024xf32>
    %lt3A_803 = arith.cmpf olt, %sub3A_802, %select_n3A_793 : vector<8x1024xf32>
    %select_n3A_804 = arith.select %lt3A_803, %sub3A_802, %select_n3A_793 : vector<8x1024xi1>, vector<8x1024xf32>
    %jit3A_805 = arith.constant 72 : i32
    %broadcast_in_dim3A_806 = vector.broadcast %jit3A_805 : i32 to vector<8x1024xi32>
    %select_n3A_807 = arith.select %lt3A_803, %broadcast_in_dim3A_806, %select_n3A_796 : vector<8x1024xi1>, vector<8x1024xi32>
    %slice3A_808 = vector.extract_strided_slice %broadcast_in_dim3A {offsets = [584, 0], sizes = [8, 1], strides = [1, 1]} : vector<1024x1xf32> to vector<8x1xf32>
    %add3A_809 = vector.broadcast %broadcast_in_dim3A_11 : vector<1x1024xf32> to vector<8x1024xf32>
    %add3A_810 = vector.broadcast %slice3A_808 : vector<8x1xf32> to vector<8x1024xf32>
    %add3A_811 = arith.addf %add3A_809, %add3A_810 : vector<8x1024xf32>
    %slice3A_812 = vector.extract_strided_slice %dot_general3A_12 {offsets = [584, 0], sizes = [8, 1024], strides = [1, 1]} : vector<1024x1024xf32> to vector<8x1024xf32>
    %sub3A_813 = arith.subf %add3A_811, %slice3A_812 : vector<8x1024xf32>
    %lt3A_814 = arith.cmpf olt, %sub3A_813, %select_n3A_804 : vector<8x1024xf32>
    %select_n3A_815 = arith.select %lt3A_814, %sub3A_813, %select_n3A_804 : vector<8x1024xi1>, vector<8x1024xf32>
    %jit3A_816 = arith.constant 73 : i32
    %broadcast_in_dim3A_817 = vector.broadcast %jit3A_816 : i32 to vector<8x1024xi32>
    %select_n3A_818 = arith.select %lt3A_814, %broadcast_in_dim3A_817, %select_n3A_807 : vector<8x1024xi1>, vector<8x1024xi32>
    %slice3A_819 = vector.extract_strided_slice %broadcast_in_dim3A {offsets = [592, 0], sizes = [8, 1], strides = [1, 1]} : vector<1024x1xf32> to vector<8x1xf32>
    %add3A_820 = vector.broadcast %broadcast_in_dim3A_11 : vector<1x1024xf32> to vector<8x1024xf32>
    %add3A_821 = vector.broadcast %slice3A_819 : vector<8x1xf32> to vector<8x1024xf32>
    %add3A_822 = arith.addf %add3A_820, %add3A_821 : vector<8x1024xf32>
    %slice3A_823 = vector.extract_strided_slice %dot_general3A_12 {offsets = [592, 0], sizes = [8, 1024], strides = [1, 1]} : vector<1024x1024xf32> to vector<8x1024xf32>
    %sub3A_824 = arith.subf %add3A_822, %slice3A_823 : vector<8x1024xf32>
    %lt3A_825 = arith.cmpf olt, %sub3A_824, %select_n3A_815 : vector<8x1024xf32>
    %select_n3A_826 = arith.select %lt3A_825, %sub3A_824, %select_n3A_815 : vector<8x1024xi1>, vector<8x1024xf32>
    %jit3A_827 = arith.constant 74 : i32
    %broadcast_in_dim3A_828 = vector.broadcast %jit3A_827 : i32 to vector<8x1024xi32>
    %select_n3A_829 = arith.select %lt3A_825, %broadcast_in_dim3A_828, %select_n3A_818 : vector<8x1024xi1>, vector<8x1024xi32>
    %slice3A_830 = vector.extract_strided_slice %broadcast_in_dim3A {offsets = [600, 0], sizes = [8, 1], strides = [1, 1]} : vector<1024x1xf32> to vector<8x1xf32>
    %add3A_831 = vector.broadcast %broadcast_in_dim3A_11 : vector<1x1024xf32> to vector<8x1024xf32>
    %add3A_832 = vector.broadcast %slice3A_830 : vector<8x1xf32> to vector<8x1024xf32>
    %add3A_833 = arith.addf %add3A_831, %add3A_832 : vector<8x1024xf32>
    %slice3A_834 = vector.extract_strided_slice %dot_general3A_12 {offsets = [600, 0], sizes = [8, 1024], strides = [1, 1]} : vector<1024x1024xf32> to vector<8x1024xf32>
    %sub3A_835 = arith.subf %add3A_833, %slice3A_834 : vector<8x1024xf32>
    %lt3A_836 = arith.cmpf olt, %sub3A_835, %select_n3A_826 : vector<8x1024xf32>
    %select_n3A_837 = arith.select %lt3A_836, %sub3A_835, %select_n3A_826 : vector<8x1024xi1>, vector<8x1024xf32>
    %jit3A_838 = arith.constant 75 : i32
    %broadcast_in_dim3A_839 = vector.broadcast %jit3A_838 : i32 to vector<8x1024xi32>
    %select_n3A_840 = arith.select %lt3A_836, %broadcast_in_dim3A_839, %select_n3A_829 : vector<8x1024xi1>, vector<8x1024xi32>
    %slice3A_841 = vector.extract_strided_slice %broadcast_in_dim3A {offsets = [608, 0], sizes = [8, 1], strides = [1, 1]} : vector<1024x1xf32> to vector<8x1xf32>
    %add3A_842 = vector.broadcast %broadcast_in_dim3A_11 : vector<1x1024xf32> to vector<8x1024xf32>
    %add3A_843 = vector.broadcast %slice3A_841 : vector<8x1xf32> to vector<8x1024xf32>
    %add3A_844 = arith.addf %add3A_842, %add3A_843 : vector<8x1024xf32>
    %slice3A_845 = vector.extract_strided_slice %dot_general3A_12 {offsets = [608, 0], sizes = [8, 1024], strides = [1, 1]} : vector<1024x1024xf32> to vector<8x1024xf32>
    %sub3A_846 = arith.subf %add3A_844, %slice3A_845 : vector<8x1024xf32>
    %lt3A_847 = arith.cmpf olt, %sub3A_846, %select_n3A_837 : vector<8x1024xf32>
    %select_n3A_848 = arith.select %lt3A_847, %sub3A_846, %select_n3A_837 : vector<8x1024xi1>, vector<8x1024xf32>
    %jit3A_849 = arith.constant 76 : i32
    %broadcast_in_dim3A_850 = vector.broadcast %jit3A_849 : i32 to vector<8x1024xi32>
    %select_n3A_851 = arith.select %lt3A_847, %broadcast_in_dim3A_850, %select_n3A_840 : vector<8x1024xi1>, vector<8x1024xi32>
    %slice3A_852 = vector.extract_strided_slice %broadcast_in_dim3A {offsets = [616, 0], sizes = [8, 1], strides = [1, 1]} : vector<1024x1xf32> to vector<8x1xf32>
    %add3A_853 = vector.broadcast %broadcast_in_dim3A_11 : vector<1x1024xf32> to vector<8x1024xf32>
    %add3A_854 = vector.broadcast %slice3A_852 : vector<8x1xf32> to vector<8x1024xf32>
    %add3A_855 = arith.addf %add3A_853, %add3A_854 : vector<8x1024xf32>
    %slice3A_856 = vector.extract_strided_slice %dot_general3A_12 {offsets = [616, 0], sizes = [8, 1024], strides = [1, 1]} : vector<1024x1024xf32> to vector<8x1024xf32>
    %sub3A_857 = arith.subf %add3A_855, %slice3A_856 : vector<8x1024xf32>
    %lt3A_858 = arith.cmpf olt, %sub3A_857, %select_n3A_848 : vector<8x1024xf32>
    %select_n3A_859 = arith.select %lt3A_858, %sub3A_857, %select_n3A_848 : vector<8x1024xi1>, vector<8x1024xf32>
    %jit3A_860 = arith.constant 77 : i32
    %broadcast_in_dim3A_861 = vector.broadcast %jit3A_860 : i32 to vector<8x1024xi32>
    %select_n3A_862 = arith.select %lt3A_858, %broadcast_in_dim3A_861, %select_n3A_851 : vector<8x1024xi1>, vector<8x1024xi32>
    %slice3A_863 = vector.extract_strided_slice %broadcast_in_dim3A {offsets = [624, 0], sizes = [8, 1], strides = [1, 1]} : vector<1024x1xf32> to vector<8x1xf32>
    %add3A_864 = vector.broadcast %broadcast_in_dim3A_11 : vector<1x1024xf32> to vector<8x1024xf32>
    %add3A_865 = vector.broadcast %slice3A_863 : vector<8x1xf32> to vector<8x1024xf32>
    %add3A_866 = arith.addf %add3A_864, %add3A_865 : vector<8x1024xf32>
    %slice3A_867 = vector.extract_strided_slice %dot_general3A_12 {offsets = [624, 0], sizes = [8, 1024], strides = [1, 1]} : vector<1024x1024xf32> to vector<8x1024xf32>
    %sub3A_868 = arith.subf %add3A_866, %slice3A_867 : vector<8x1024xf32>
    %lt3A_869 = arith.cmpf olt, %sub3A_868, %select_n3A_859 : vector<8x1024xf32>
    %select_n3A_870 = arith.select %lt3A_869, %sub3A_868, %select_n3A_859 : vector<8x1024xi1>, vector<8x1024xf32>
    %jit3A_871 = arith.constant 78 : i32
    %broadcast_in_dim3A_872 = vector.broadcast %jit3A_871 : i32 to vector<8x1024xi32>
    %select_n3A_873 = arith.select %lt3A_869, %broadcast_in_dim3A_872, %select_n3A_862 : vector<8x1024xi1>, vector<8x1024xi32>
    %slice3A_874 = vector.extract_strided_slice %broadcast_in_dim3A {offsets = [632, 0], sizes = [8, 1], strides = [1, 1]} : vector<1024x1xf32> to vector<8x1xf32>
    %add3A_875 = vector.broadcast %broadcast_in_dim3A_11 : vector<1x1024xf32> to vector<8x1024xf32>
    %add3A_876 = vector.broadcast %slice3A_874 : vector<8x1xf32> to vector<8x1024xf32>
    %add3A_877 = arith.addf %add3A_875, %add3A_876 : vector<8x1024xf32>
    %slice3A_878 = vector.extract_strided_slice %dot_general3A_12 {offsets = [632, 0], sizes = [8, 1024], strides = [1, 1]} : vector<1024x1024xf32> to vector<8x1024xf32>
    %sub3A_879 = arith.subf %add3A_877, %slice3A_878 : vector<8x1024xf32>
    %lt3A_880 = arith.cmpf olt, %sub3A_879, %select_n3A_870 : vector<8x1024xf32>
    %select_n3A_881 = arith.select %lt3A_880, %sub3A_879, %select_n3A_870 : vector<8x1024xi1>, vector<8x1024xf32>
    %jit3A_882 = arith.constant 79 : i32
    %broadcast_in_dim3A_883 = vector.broadcast %jit3A_882 : i32 to vector<8x1024xi32>
    %select_n3A_884 = arith.select %lt3A_880, %broadcast_in_dim3A_883, %select_n3A_873 : vector<8x1024xi1>, vector<8x1024xi32>
    %slice3A_885 = vector.extract_strided_slice %broadcast_in_dim3A {offsets = [640, 0], sizes = [8, 1], strides = [1, 1]} : vector<1024x1xf32> to vector<8x1xf32>
    %add3A_886 = vector.broadcast %broadcast_in_dim3A_11 : vector<1x1024xf32> to vector<8x1024xf32>
    %add3A_887 = vector.broadcast %slice3A_885 : vector<8x1xf32> to vector<8x1024xf32>
    %add3A_888 = arith.addf %add3A_886, %add3A_887 : vector<8x1024xf32>
    %slice3A_889 = vector.extract_strided_slice %dot_general3A_12 {offsets = [640, 0], sizes = [8, 1024], strides = [1, 1]} : vector<1024x1024xf32> to vector<8x1024xf32>
    %sub3A_890 = arith.subf %add3A_888, %slice3A_889 : vector<8x1024xf32>
    %lt3A_891 = arith.cmpf olt, %sub3A_890, %select_n3A_881 : vector<8x1024xf32>
    %select_n3A_892 = arith.select %lt3A_891, %sub3A_890, %select_n3A_881 : vector<8x1024xi1>, vector<8x1024xf32>
    %jit3A_893 = arith.constant 80 : i32
    %broadcast_in_dim3A_894 = vector.broadcast %jit3A_893 : i32 to vector<8x1024xi32>
    %select_n3A_895 = arith.select %lt3A_891, %broadcast_in_dim3A_894, %select_n3A_884 : vector<8x1024xi1>, vector<8x1024xi32>
    %slice3A_896 = vector.extract_strided_slice %broadcast_in_dim3A {offsets = [648, 0], sizes = [8, 1], strides = [1, 1]} : vector<1024x1xf32> to vector<8x1xf32>
    %add3A_897 = vector.broadcast %broadcast_in_dim3A_11 : vector<1x1024xf32> to vector<8x1024xf32>
    %add3A_898 = vector.broadcast %slice3A_896 : vector<8x1xf32> to vector<8x1024xf32>
    %add3A_899 = arith.addf %add3A_897, %add3A_898 : vector<8x1024xf32>
    %slice3A_900 = vector.extract_strided_slice %dot_general3A_12 {offsets = [648, 0], sizes = [8, 1024], strides = [1, 1]} : vector<1024x1024xf32> to vector<8x1024xf32>
    %sub3A_901 = arith.subf %add3A_899, %slice3A_900 : vector<8x1024xf32>
    %lt3A_902 = arith.cmpf olt, %sub3A_901, %select_n3A_892 : vector<8x1024xf32>
    %select_n3A_903 = arith.select %lt3A_902, %sub3A_901, %select_n3A_892 : vector<8x1024xi1>, vector<8x1024xf32>
    %jit3A_904 = arith.constant 81 : i32
    %broadcast_in_dim3A_905 = vector.broadcast %jit3A_904 : i32 to vector<8x1024xi32>
    %select_n3A_906 = arith.select %lt3A_902, %broadcast_in_dim3A_905, %select_n3A_895 : vector<8x1024xi1>, vector<8x1024xi32>
    %slice3A_907 = vector.extract_strided_slice %broadcast_in_dim3A {offsets = [656, 0], sizes = [8, 1], strides = [1, 1]} : vector<1024x1xf32> to vector<8x1xf32>
    %add3A_908 = vector.broadcast %broadcast_in_dim3A_11 : vector<1x1024xf32> to vector<8x1024xf32>
    %add3A_909 = vector.broadcast %slice3A_907 : vector<8x1xf32> to vector<8x1024xf32>
    %add3A_910 = arith.addf %add3A_908, %add3A_909 : vector<8x1024xf32>
    %slice3A_911 = vector.extract_strided_slice %dot_general3A_12 {offsets = [656, 0], sizes = [8, 1024], strides = [1, 1]} : vector<1024x1024xf32> to vector<8x1024xf32>
    %sub3A_912 = arith.subf %add3A_910, %slice3A_911 : vector<8x1024xf32>
    %lt3A_913 = arith.cmpf olt, %sub3A_912, %select_n3A_903 : vector<8x1024xf32>
    %select_n3A_914 = arith.select %lt3A_913, %sub3A_912, %select_n3A_903 : vector<8x1024xi1>, vector<8x1024xf32>
    %jit3A_915 = arith.constant 82 : i32
    %broadcast_in_dim3A_916 = vector.broadcast %jit3A_915 : i32 to vector<8x1024xi32>
    %select_n3A_917 = arith.select %lt3A_913, %broadcast_in_dim3A_916, %select_n3A_906 : vector<8x1024xi1>, vector<8x1024xi32>
    %slice3A_918 = vector.extract_strided_slice %broadcast_in_dim3A {offsets = [664, 0], sizes = [8, 1], strides = [1, 1]} : vector<1024x1xf32> to vector<8x1xf32>
    %add3A_919 = vector.broadcast %broadcast_in_dim3A_11 : vector<1x1024xf32> to vector<8x1024xf32>
    %add3A_920 = vector.broadcast %slice3A_918 : vector<8x1xf32> to vector<8x1024xf32>
    %add3A_921 = arith.addf %add3A_919, %add3A_920 : vector<8x1024xf32>
    %slice3A_922 = vector.extract_strided_slice %dot_general3A_12 {offsets = [664, 0], sizes = [8, 1024], strides = [1, 1]} : vector<1024x1024xf32> to vector<8x1024xf32>
    %sub3A_923 = arith.subf %add3A_921, %slice3A_922 : vector<8x1024xf32>
    %lt3A_924 = arith.cmpf olt, %sub3A_923, %select_n3A_914 : vector<8x1024xf32>
    %select_n3A_925 = arith.select %lt3A_924, %sub3A_923, %select_n3A_914 : vector<8x1024xi1>, vector<8x1024xf32>
    %jit3A_926 = arith.constant 83 : i32
    %broadcast_in_dim3A_927 = vector.broadcast %jit3A_926 : i32 to vector<8x1024xi32>
    %select_n3A_928 = arith.select %lt3A_924, %broadcast_in_dim3A_927, %select_n3A_917 : vector<8x1024xi1>, vector<8x1024xi32>
    %slice3A_929 = vector.extract_strided_slice %broadcast_in_dim3A {offsets = [672, 0], sizes = [8, 1], strides = [1, 1]} : vector<1024x1xf32> to vector<8x1xf32>
    %add3A_930 = vector.broadcast %broadcast_in_dim3A_11 : vector<1x1024xf32> to vector<8x1024xf32>
    %add3A_931 = vector.broadcast %slice3A_929 : vector<8x1xf32> to vector<8x1024xf32>
    %add3A_932 = arith.addf %add3A_930, %add3A_931 : vector<8x1024xf32>
    %slice3A_933 = vector.extract_strided_slice %dot_general3A_12 {offsets = [672, 0], sizes = [8, 1024], strides = [1, 1]} : vector<1024x1024xf32> to vector<8x1024xf32>
    %sub3A_934 = arith.subf %add3A_932, %slice3A_933 : vector<8x1024xf32>
    %lt3A_935 = arith.cmpf olt, %sub3A_934, %select_n3A_925 : vector<8x1024xf32>
    %select_n3A_936 = arith.select %lt3A_935, %sub3A_934, %select_n3A_925 : vector<8x1024xi1>, vector<8x1024xf32>
    %jit3A_937 = arith.constant 84 : i32
    %broadcast_in_dim3A_938 = vector.broadcast %jit3A_937 : i32 to vector<8x1024xi32>
    %select_n3A_939 = arith.select %lt3A_935, %broadcast_in_dim3A_938, %select_n3A_928 : vector<8x1024xi1>, vector<8x1024xi32>
    %slice3A_940 = vector.extract_strided_slice %broadcast_in_dim3A {offsets = [680, 0], sizes = [8, 1], strides = [1, 1]} : vector<1024x1xf32> to vector<8x1xf32>
    %add3A_941 = vector.broadcast %broadcast_in_dim3A_11 : vector<1x1024xf32> to vector<8x1024xf32>
    %add3A_942 = vector.broadcast %slice3A_940 : vector<8x1xf32> to vector<8x1024xf32>
    %add3A_943 = arith.addf %add3A_941, %add3A_942 : vector<8x1024xf32>
    %slice3A_944 = vector.extract_strided_slice %dot_general3A_12 {offsets = [680, 0], sizes = [8, 1024], strides = [1, 1]} : vector<1024x1024xf32> to vector<8x1024xf32>
    %sub3A_945 = arith.subf %add3A_943, %slice3A_944 : vector<8x1024xf32>
    %lt3A_946 = arith.cmpf olt, %sub3A_945, %select_n3A_936 : vector<8x1024xf32>
    %select_n3A_947 = arith.select %lt3A_946, %sub3A_945, %select_n3A_936 : vector<8x1024xi1>, vector<8x1024xf32>
    %jit3A_948 = arith.constant 85 : i32
    %broadcast_in_dim3A_949 = vector.broadcast %jit3A_948 : i32 to vector<8x1024xi32>
    %select_n3A_950 = arith.select %lt3A_946, %broadcast_in_dim3A_949, %select_n3A_939 : vector<8x1024xi1>, vector<8x1024xi32>
    %slice3A_951 = vector.extract_strided_slice %broadcast_in_dim3A {offsets = [688, 0], sizes = [8, 1], strides = [1, 1]} : vector<1024x1xf32> to vector<8x1xf32>
    %add3A_952 = vector.broadcast %broadcast_in_dim3A_11 : vector<1x1024xf32> to vector<8x1024xf32>
    %add3A_953 = vector.broadcast %slice3A_951 : vector<8x1xf32> to vector<8x1024xf32>
    %add3A_954 = arith.addf %add3A_952, %add3A_953 : vector<8x1024xf32>
    %slice3A_955 = vector.extract_strided_slice %dot_general3A_12 {offsets = [688, 0], sizes = [8, 1024], strides = [1, 1]} : vector<1024x1024xf32> to vector<8x1024xf32>
    %sub3A_956 = arith.subf %add3A_954, %slice3A_955 : vector<8x1024xf32>
    %lt3A_957 = arith.cmpf olt, %sub3A_956, %select_n3A_947 : vector<8x1024xf32>
    %select_n3A_958 = arith.select %lt3A_957, %sub3A_956, %select_n3A_947 : vector<8x1024xi1>, vector<8x1024xf32>
    %jit3A_959 = arith.constant 86 : i32
    %broadcast_in_dim3A_960 = vector.broadcast %jit3A_959 : i32 to vector<8x1024xi32>
    %select_n3A_961 = arith.select %lt3A_957, %broadcast_in_dim3A_960, %select_n3A_950 : vector<8x1024xi1>, vector<8x1024xi32>
    %slice3A_962 = vector.extract_strided_slice %broadcast_in_dim3A {offsets = [696, 0], sizes = [8, 1], strides = [1, 1]} : vector<1024x1xf32> to vector<8x1xf32>
    %add3A_963 = vector.broadcast %broadcast_in_dim3A_11 : vector<1x1024xf32> to vector<8x1024xf32>
    %add3A_964 = vector.broadcast %slice3A_962 : vector<8x1xf32> to vector<8x1024xf32>
    %add3A_965 = arith.addf %add3A_963, %add3A_964 : vector<8x1024xf32>
    %slice3A_966 = vector.extract_strided_slice %dot_general3A_12 {offsets = [696, 0], sizes = [8, 1024], strides = [1, 1]} : vector<1024x1024xf32> to vector<8x1024xf32>
    %sub3A_967 = arith.subf %add3A_965, %slice3A_966 : vector<8x1024xf32>
    %lt3A_968 = arith.cmpf olt, %sub3A_967, %select_n3A_958 : vector<8x1024xf32>
    %select_n3A_969 = arith.select %lt3A_968, %sub3A_967, %select_n3A_958 : vector<8x1024xi1>, vector<8x1024xf32>
    %jit3A_970 = arith.constant 87 : i32
    %broadcast_in_dim3A_971 = vector.broadcast %jit3A_970 : i32 to vector<8x1024xi32>
    %select_n3A_972 = arith.select %lt3A_968, %broadcast_in_dim3A_971, %select_n3A_961 : vector<8x1024xi1>, vector<8x1024xi32>
    %slice3A_973 = vector.extract_strided_slice %broadcast_in_dim3A {offsets = [704, 0], sizes = [8, 1], strides = [1, 1]} : vector<1024x1xf32> to vector<8x1xf32>
    %add3A_974 = vector.broadcast %broadcast_in_dim3A_11 : vector<1x1024xf32> to vector<8x1024xf32>
    %add3A_975 = vector.broadcast %slice3A_973 : vector<8x1xf32> to vector<8x1024xf32>
    %add3A_976 = arith.addf %add3A_974, %add3A_975 : vector<8x1024xf32>
    %slice3A_977 = vector.extract_strided_slice %dot_general3A_12 {offsets = [704, 0], sizes = [8, 1024], strides = [1, 1]} : vector<1024x1024xf32> to vector<8x1024xf32>
    %sub3A_978 = arith.subf %add3A_976, %slice3A_977 : vector<8x1024xf32>
    %lt3A_979 = arith.cmpf olt, %sub3A_978, %select_n3A_969 : vector<8x1024xf32>
    %select_n3A_980 = arith.select %lt3A_979, %sub3A_978, %select_n3A_969 : vector<8x1024xi1>, vector<8x1024xf32>
    %jit3A_981 = arith.constant 88 : i32
    %broadcast_in_dim3A_982 = vector.broadcast %jit3A_981 : i32 to vector<8x1024xi32>
    %select_n3A_983 = arith.select %lt3A_979, %broadcast_in_dim3A_982, %select_n3A_972 : vector<8x1024xi1>, vector<8x1024xi32>
    %slice3A_984 = vector.extract_strided_slice %broadcast_in_dim3A {offsets = [712, 0], sizes = [8, 1], strides = [1, 1]} : vector<1024x1xf32> to vector<8x1xf32>
    %add3A_985 = vector.broadcast %broadcast_in_dim3A_11 : vector<1x1024xf32> to vector<8x1024xf32>
    %add3A_986 = vector.broadcast %slice3A_984 : vector<8x1xf32> to vector<8x1024xf32>
    %add3A_987 = arith.addf %add3A_985, %add3A_986 : vector<8x1024xf32>
    %slice3A_988 = vector.extract_strided_slice %dot_general3A_12 {offsets = [712, 0], sizes = [8, 1024], strides = [1, 1]} : vector<1024x1024xf32> to vector<8x1024xf32>
    %sub3A_989 = arith.subf %add3A_987, %slice3A_988 : vector<8x1024xf32>
    %lt3A_990 = arith.cmpf olt, %sub3A_989, %select_n3A_980 : vector<8x1024xf32>
    %select_n3A_991 = arith.select %lt3A_990, %sub3A_989, %select_n3A_980 : vector<8x1024xi1>, vector<8x1024xf32>
    %jit3A_992 = arith.constant 89 : i32
    %broadcast_in_dim3A_993 = vector.broadcast %jit3A_992 : i32 to vector<8x1024xi32>
    %select_n3A_994 = arith.select %lt3A_990, %broadcast_in_dim3A_993, %select_n3A_983 : vector<8x1024xi1>, vector<8x1024xi32>
    %slice3A_995 = vector.extract_strided_slice %broadcast_in_dim3A {offsets = [720, 0], sizes = [8, 1], strides = [1, 1]} : vector<1024x1xf32> to vector<8x1xf32>
    %add3A_996 = vector.broadcast %broadcast_in_dim3A_11 : vector<1x1024xf32> to vector<8x1024xf32>
    %add3A_997 = vector.broadcast %slice3A_995 : vector<8x1xf32> to vector<8x1024xf32>
    %add3A_998 = arith.addf %add3A_996, %add3A_997 : vector<8x1024xf32>
    %slice3A_999 = vector.extract_strided_slice %dot_general3A_12 {offsets = [720, 0], sizes = [8, 1024], strides = [1, 1]} : vector<1024x1024xf32> to vector<8x1024xf32>
    %sub3A_1000 = arith.subf %add3A_998, %slice3A_999 : vector<8x1024xf32>
    %lt3A_1001 = arith.cmpf olt, %sub3A_1000, %select_n3A_991 : vector<8x1024xf32>
    %select_n3A_1002 = arith.select %lt3A_1001, %sub3A_1000, %select_n3A_991 : vector<8x1024xi1>, vector<8x1024xf32>
    %jit3A_1003 = arith.constant 90 : i32
    %broadcast_in_dim3A_1004 = vector.broadcast %jit3A_1003 : i32 to vector<8x1024xi32>
    %select_n3A_1005 = arith.select %lt3A_1001, %broadcast_in_dim3A_1004, %select_n3A_994 : vector<8x1024xi1>, vector<8x1024xi32>
    %slice3A_1006 = vector.extract_strided_slice %broadcast_in_dim3A {offsets = [728, 0], sizes = [8, 1], strides = [1, 1]} : vector<1024x1xf32> to vector<8x1xf32>
    %add3A_1007 = vector.broadcast %broadcast_in_dim3A_11 : vector<1x1024xf32> to vector<8x1024xf32>
    %add3A_1008 = vector.broadcast %slice3A_1006 : vector<8x1xf32> to vector<8x1024xf32>
    %add3A_1009 = arith.addf %add3A_1007, %add3A_1008 : vector<8x1024xf32>
    %slice3A_1010 = vector.extract_strided_slice %dot_general3A_12 {offsets = [728, 0], sizes = [8, 1024], strides = [1, 1]} : vector<1024x1024xf32> to vector<8x1024xf32>
    %sub3A_1011 = arith.subf %add3A_1009, %slice3A_1010 : vector<8x1024xf32>
    %lt3A_1012 = arith.cmpf olt, %sub3A_1011, %select_n3A_1002 : vector<8x1024xf32>
    %select_n3A_1013 = arith.select %lt3A_1012, %sub3A_1011, %select_n3A_1002 : vector<8x1024xi1>, vector<8x1024xf32>
    %jit3A_1014 = arith.constant 91 : i32
    %broadcast_in_dim3A_1015 = vector.broadcast %jit3A_1014 : i32 to vector<8x1024xi32>
    %select_n3A_1016 = arith.select %lt3A_1012, %broadcast_in_dim3A_1015, %select_n3A_1005 : vector<8x1024xi1>, vector<8x1024xi32>
    %slice3A_1017 = vector.extract_strided_slice %broadcast_in_dim3A {offsets = [736, 0], sizes = [8, 1], strides = [1, 1]} : vector<1024x1xf32> to vector<8x1xf32>
    %add3A_1018 = vector.broadcast %broadcast_in_dim3A_11 : vector<1x1024xf32> to vector<8x1024xf32>
    %add3A_1019 = vector.broadcast %slice3A_1017 : vector<8x1xf32> to vector<8x1024xf32>
    %add3A_1020 = arith.addf %add3A_1018, %add3A_1019 : vector<8x1024xf32>
    %slice3A_1021 = vector.extract_strided_slice %dot_general3A_12 {offsets = [736, 0], sizes = [8, 1024], strides = [1, 1]} : vector<1024x1024xf32> to vector<8x1024xf32>
    %sub3A_1022 = arith.subf %add3A_1020, %slice3A_1021 : vector<8x1024xf32>
    %lt3A_1023 = arith.cmpf olt, %sub3A_1022, %select_n3A_1013 : vector<8x1024xf32>
    %select_n3A_1024 = arith.select %lt3A_1023, %sub3A_1022, %select_n3A_1013 : vector<8x1024xi1>, vector<8x1024xf32>
    %jit3A_1025 = arith.constant 92 : i32
    %broadcast_in_dim3A_1026 = vector.broadcast %jit3A_1025 : i32 to vector<8x1024xi32>
    %select_n3A_1027 = arith.select %lt3A_1023, %broadcast_in_dim3A_1026, %select_n3A_1016 : vector<8x1024xi1>, vector<8x1024xi32>
    %slice3A_1028 = vector.extract_strided_slice %broadcast_in_dim3A {offsets = [744, 0], sizes = [8, 1], strides = [1, 1]} : vector<1024x1xf32> to vector<8x1xf32>
    %add3A_1029 = vector.broadcast %broadcast_in_dim3A_11 : vector<1x1024xf32> to vector<8x1024xf32>
    %add3A_1030 = vector.broadcast %slice3A_1028 : vector<8x1xf32> to vector<8x1024xf32>
    %add3A_1031 = arith.addf %add3A_1029, %add3A_1030 : vector<8x1024xf32>
    %slice3A_1032 = vector.extract_strided_slice %dot_general3A_12 {offsets = [744, 0], sizes = [8, 1024], strides = [1, 1]} : vector<1024x1024xf32> to vector<8x1024xf32>
    %sub3A_1033 = arith.subf %add3A_1031, %slice3A_1032 : vector<8x1024xf32>
    %lt3A_1034 = arith.cmpf olt, %sub3A_1033, %select_n3A_1024 : vector<8x1024xf32>
    %select_n3A_1035 = arith.select %lt3A_1034, %sub3A_1033, %select_n3A_1024 : vector<8x1024xi1>, vector<8x1024xf32>
    %jit3A_1036 = arith.constant 93 : i32
    %broadcast_in_dim3A_1037 = vector.broadcast %jit3A_1036 : i32 to vector<8x1024xi32>
    %select_n3A_1038 = arith.select %lt3A_1034, %broadcast_in_dim3A_1037, %select_n3A_1027 : vector<8x1024xi1>, vector<8x1024xi32>
    %slice3A_1039 = vector.extract_strided_slice %broadcast_in_dim3A {offsets = [752, 0], sizes = [8, 1], strides = [1, 1]} : vector<1024x1xf32> to vector<8x1xf32>
    %add3A_1040 = vector.broadcast %broadcast_in_dim3A_11 : vector<1x1024xf32> to vector<8x1024xf32>
    %add3A_1041 = vector.broadcast %slice3A_1039 : vector<8x1xf32> to vector<8x1024xf32>
    %add3A_1042 = arith.addf %add3A_1040, %add3A_1041 : vector<8x1024xf32>
    %slice3A_1043 = vector.extract_strided_slice %dot_general3A_12 {offsets = [752, 0], sizes = [8, 1024], strides = [1, 1]} : vector<1024x1024xf32> to vector<8x1024xf32>
    %sub3A_1044 = arith.subf %add3A_1042, %slice3A_1043 : vector<8x1024xf32>
    %lt3A_1045 = arith.cmpf olt, %sub3A_1044, %select_n3A_1035 : vector<8x1024xf32>
    %select_n3A_1046 = arith.select %lt3A_1045, %sub3A_1044, %select_n3A_1035 : vector<8x1024xi1>, vector<8x1024xf32>
    %jit3A_1047 = arith.constant 94 : i32
    %broadcast_in_dim3A_1048 = vector.broadcast %jit3A_1047 : i32 to vector<8x1024xi32>
    %select_n3A_1049 = arith.select %lt3A_1045, %broadcast_in_dim3A_1048, %select_n3A_1038 : vector<8x1024xi1>, vector<8x1024xi32>
    %slice3A_1050 = vector.extract_strided_slice %broadcast_in_dim3A {offsets = [760, 0], sizes = [8, 1], strides = [1, 1]} : vector<1024x1xf32> to vector<8x1xf32>
    %add3A_1051 = vector.broadcast %broadcast_in_dim3A_11 : vector<1x1024xf32> to vector<8x1024xf32>
    %add3A_1052 = vector.broadcast %slice3A_1050 : vector<8x1xf32> to vector<8x1024xf32>
    %add3A_1053 = arith.addf %add3A_1051, %add3A_1052 : vector<8x1024xf32>
    %slice3A_1054 = vector.extract_strided_slice %dot_general3A_12 {offsets = [760, 0], sizes = [8, 1024], strides = [1, 1]} : vector<1024x1024xf32> to vector<8x1024xf32>
    %sub3A_1055 = arith.subf %add3A_1053, %slice3A_1054 : vector<8x1024xf32>
    %lt3A_1056 = arith.cmpf olt, %sub3A_1055, %select_n3A_1046 : vector<8x1024xf32>
    %select_n3A_1057 = arith.select %lt3A_1056, %sub3A_1055, %select_n3A_1046 : vector<8x1024xi1>, vector<8x1024xf32>
    %jit3A_1058 = arith.constant 95 : i32
    %broadcast_in_dim3A_1059 = vector.broadcast %jit3A_1058 : i32 to vector<8x1024xi32>
    %select_n3A_1060 = arith.select %lt3A_1056, %broadcast_in_dim3A_1059, %select_n3A_1049 : vector<8x1024xi1>, vector<8x1024xi32>
    %slice3A_1061 = vector.extract_strided_slice %broadcast_in_dim3A {offsets = [768, 0], sizes = [8, 1], strides = [1, 1]} : vector<1024x1xf32> to vector<8x1xf32>
    %add3A_1062 = vector.broadcast %broadcast_in_dim3A_11 : vector<1x1024xf32> to vector<8x1024xf32>
    %add3A_1063 = vector.broadcast %slice3A_1061 : vector<8x1xf32> to vector<8x1024xf32>
    %add3A_1064 = arith.addf %add3A_1062, %add3A_1063 : vector<8x1024xf32>
    %slice3A_1065 = vector.extract_strided_slice %dot_general3A_12 {offsets = [768, 0], sizes = [8, 1024], strides = [1, 1]} : vector<1024x1024xf32> to vector<8x1024xf32>
    %sub3A_1066 = arith.subf %add3A_1064, %slice3A_1065 : vector<8x1024xf32>
    %lt3A_1067 = arith.cmpf olt, %sub3A_1066, %select_n3A_1057 : vector<8x1024xf32>
    %select_n3A_1068 = arith.select %lt3A_1067, %sub3A_1066, %select_n3A_1057 : vector<8x1024xi1>, vector<8x1024xf32>
    %jit3A_1069 = arith.constant 96 : i32
    %broadcast_in_dim3A_1070 = vector.broadcast %jit3A_1069 : i32 to vector<8x1024xi32>
    %select_n3A_1071 = arith.select %lt3A_1067, %broadcast_in_dim3A_1070, %select_n3A_1060 : vector<8x1024xi1>, vector<8x1024xi32>
    %slice3A_1072 = vector.extract_strided_slice %broadcast_in_dim3A {offsets = [776, 0], sizes = [8, 1], strides = [1, 1]} : vector<1024x1xf32> to vector<8x1xf32>
    %add3A_1073 = vector.broadcast %broadcast_in_dim3A_11 : vector<1x1024xf32> to vector<8x1024xf32>
    %add3A_1074 = vector.broadcast %slice3A_1072 : vector<8x1xf32> to vector<8x1024xf32>
    %add3A_1075 = arith.addf %add3A_1073, %add3A_1074 : vector<8x1024xf32>
    %slice3A_1076 = vector.extract_strided_slice %dot_general3A_12 {offsets = [776, 0], sizes = [8, 1024], strides = [1, 1]} : vector<1024x1024xf32> to vector<8x1024xf32>
    %sub3A_1077 = arith.subf %add3A_1075, %slice3A_1076 : vector<8x1024xf32>
    %lt3A_1078 = arith.cmpf olt, %sub3A_1077, %select_n3A_1068 : vector<8x1024xf32>
    %select_n3A_1079 = arith.select %lt3A_1078, %sub3A_1077, %select_n3A_1068 : vector<8x1024xi1>, vector<8x1024xf32>
    %jit3A_1080 = arith.constant 97 : i32
    %broadcast_in_dim3A_1081 = vector.broadcast %jit3A_1080 : i32 to vector<8x1024xi32>
    %select_n3A_1082 = arith.select %lt3A_1078, %broadcast_in_dim3A_1081, %select_n3A_1071 : vector<8x1024xi1>, vector<8x1024xi32>
    %slice3A_1083 = vector.extract_strided_slice %broadcast_in_dim3A {offsets = [784, 0], sizes = [8, 1], strides = [1, 1]} : vector<1024x1xf32> to vector<8x1xf32>
    %add3A_1084 = vector.broadcast %broadcast_in_dim3A_11 : vector<1x1024xf32> to vector<8x1024xf32>
    %add3A_1085 = vector.broadcast %slice3A_1083 : vector<8x1xf32> to vector<8x1024xf32>
    %add3A_1086 = arith.addf %add3A_1084, %add3A_1085 : vector<8x1024xf32>
    %slice3A_1087 = vector.extract_strided_slice %dot_general3A_12 {offsets = [784, 0], sizes = [8, 1024], strides = [1, 1]} : vector<1024x1024xf32> to vector<8x1024xf32>
    %sub3A_1088 = arith.subf %add3A_1086, %slice3A_1087 : vector<8x1024xf32>
    %lt3A_1089 = arith.cmpf olt, %sub3A_1088, %select_n3A_1079 : vector<8x1024xf32>
    %select_n3A_1090 = arith.select %lt3A_1089, %sub3A_1088, %select_n3A_1079 : vector<8x1024xi1>, vector<8x1024xf32>
    %jit3A_1091 = arith.constant 98 : i32
    %broadcast_in_dim3A_1092 = vector.broadcast %jit3A_1091 : i32 to vector<8x1024xi32>
    %select_n3A_1093 = arith.select %lt3A_1089, %broadcast_in_dim3A_1092, %select_n3A_1082 : vector<8x1024xi1>, vector<8x1024xi32>
    %slice3A_1094 = vector.extract_strided_slice %broadcast_in_dim3A {offsets = [792, 0], sizes = [8, 1], strides = [1, 1]} : vector<1024x1xf32> to vector<8x1xf32>
    %add3A_1095 = vector.broadcast %broadcast_in_dim3A_11 : vector<1x1024xf32> to vector<8x1024xf32>
    %add3A_1096 = vector.broadcast %slice3A_1094 : vector<8x1xf32> to vector<8x1024xf32>
    %add3A_1097 = arith.addf %add3A_1095, %add3A_1096 : vector<8x1024xf32>
    %slice3A_1098 = vector.extract_strided_slice %dot_general3A_12 {offsets = [792, 0], sizes = [8, 1024], strides = [1, 1]} : vector<1024x1024xf32> to vector<8x1024xf32>
    %sub3A_1099 = arith.subf %add3A_1097, %slice3A_1098 : vector<8x1024xf32>
    %lt3A_1100 = arith.cmpf olt, %sub3A_1099, %select_n3A_1090 : vector<8x1024xf32>
    %select_n3A_1101 = arith.select %lt3A_1100, %sub3A_1099, %select_n3A_1090 : vector<8x1024xi1>, vector<8x1024xf32>
    %jit3A_1102 = arith.constant 99 : i32
    %broadcast_in_dim3A_1103 = vector.broadcast %jit3A_1102 : i32 to vector<8x1024xi32>
    %select_n3A_1104 = arith.select %lt3A_1100, %broadcast_in_dim3A_1103, %select_n3A_1093 : vector<8x1024xi1>, vector<8x1024xi32>
    %slice3A_1105 = vector.extract_strided_slice %broadcast_in_dim3A {offsets = [800, 0], sizes = [8, 1], strides = [1, 1]} : vector<1024x1xf32> to vector<8x1xf32>
    %add3A_1106 = vector.broadcast %broadcast_in_dim3A_11 : vector<1x1024xf32> to vector<8x1024xf32>
    %add3A_1107 = vector.broadcast %slice3A_1105 : vector<8x1xf32> to vector<8x1024xf32>
    %add3A_1108 = arith.addf %add3A_1106, %add3A_1107 : vector<8x1024xf32>
    %slice3A_1109 = vector.extract_strided_slice %dot_general3A_12 {offsets = [800, 0], sizes = [8, 1024], strides = [1, 1]} : vector<1024x1024xf32> to vector<8x1024xf32>
    %sub3A_1110 = arith.subf %add3A_1108, %slice3A_1109 : vector<8x1024xf32>
    %lt3A_1111 = arith.cmpf olt, %sub3A_1110, %select_n3A_1101 : vector<8x1024xf32>
    %select_n3A_1112 = arith.select %lt3A_1111, %sub3A_1110, %select_n3A_1101 : vector<8x1024xi1>, vector<8x1024xf32>
    %jit3A_1113 = arith.constant 100 : i32
    %broadcast_in_dim3A_1114 = vector.broadcast %jit3A_1113 : i32 to vector<8x1024xi32>
    %select_n3A_1115 = arith.select %lt3A_1111, %broadcast_in_dim3A_1114, %select_n3A_1104 : vector<8x1024xi1>, vector<8x1024xi32>
    %slice3A_1116 = vector.extract_strided_slice %broadcast_in_dim3A {offsets = [808, 0], sizes = [8, 1], strides = [1, 1]} : vector<1024x1xf32> to vector<8x1xf32>
    %add3A_1117 = vector.broadcast %broadcast_in_dim3A_11 : vector<1x1024xf32> to vector<8x1024xf32>
    %add3A_1118 = vector.broadcast %slice3A_1116 : vector<8x1xf32> to vector<8x1024xf32>
    %add3A_1119 = arith.addf %add3A_1117, %add3A_1118 : vector<8x1024xf32>
    %slice3A_1120 = vector.extract_strided_slice %dot_general3A_12 {offsets = [808, 0], sizes = [8, 1024], strides = [1, 1]} : vector<1024x1024xf32> to vector<8x1024xf32>
    %sub3A_1121 = arith.subf %add3A_1119, %slice3A_1120 : vector<8x1024xf32>
    %lt3A_1122 = arith.cmpf olt, %sub3A_1121, %select_n3A_1112 : vector<8x1024xf32>
    %select_n3A_1123 = arith.select %lt3A_1122, %sub3A_1121, %select_n3A_1112 : vector<8x1024xi1>, vector<8x1024xf32>
    %jit3A_1124 = arith.constant 101 : i32
    %broadcast_in_dim3A_1125 = vector.broadcast %jit3A_1124 : i32 to vector<8x1024xi32>
    %select_n3A_1126 = arith.select %lt3A_1122, %broadcast_in_dim3A_1125, %select_n3A_1115 : vector<8x1024xi1>, vector<8x1024xi32>
    %slice3A_1127 = vector.extract_strided_slice %broadcast_in_dim3A {offsets = [816, 0], sizes = [8, 1], strides = [1, 1]} : vector<1024x1xf32> to vector<8x1xf32>
    %add3A_1128 = vector.broadcast %broadcast_in_dim3A_11 : vector<1x1024xf32> to vector<8x1024xf32>
    %add3A_1129 = vector.broadcast %slice3A_1127 : vector<8x1xf32> to vector<8x1024xf32>
    %add3A_1130 = arith.addf %add3A_1128, %add3A_1129 : vector<8x1024xf32>
    %slice3A_1131 = vector.extract_strided_slice %dot_general3A_12 {offsets = [816, 0], sizes = [8, 1024], strides = [1, 1]} : vector<1024x1024xf32> to vector<8x1024xf32>
    %sub3A_1132 = arith.subf %add3A_1130, %slice3A_1131 : vector<8x1024xf32>
    %lt3A_1133 = arith.cmpf olt, %sub3A_1132, %select_n3A_1123 : vector<8x1024xf32>
    %select_n3A_1134 = arith.select %lt3A_1133, %sub3A_1132, %select_n3A_1123 : vector<8x1024xi1>, vector<8x1024xf32>
    %jit3A_1135 = arith.constant 102 : i32
    %broadcast_in_dim3A_1136 = vector.broadcast %jit3A_1135 : i32 to vector<8x1024xi32>
    %select_n3A_1137 = arith.select %lt3A_1133, %broadcast_in_dim3A_1136, %select_n3A_1126 : vector<8x1024xi1>, vector<8x1024xi32>
    %slice3A_1138 = vector.extract_strided_slice %broadcast_in_dim3A {offsets = [824, 0], sizes = [8, 1], strides = [1, 1]} : vector<1024x1xf32> to vector<8x1xf32>
    %add3A_1139 = vector.broadcast %broadcast_in_dim3A_11 : vector<1x1024xf32> to vector<8x1024xf32>
    %add3A_1140 = vector.broadcast %slice3A_1138 : vector<8x1xf32> to vector<8x1024xf32>
    %add3A_1141 = arith.addf %add3A_1139, %add3A_1140 : vector<8x1024xf32>
    %slice3A_1142 = vector.extract_strided_slice %dot_general3A_12 {offsets = [824, 0], sizes = [8, 1024], strides = [1, 1]} : vector<1024x1024xf32> to vector<8x1024xf32>
    %sub3A_1143 = arith.subf %add3A_1141, %slice3A_1142 : vector<8x1024xf32>
    %lt3A_1144 = arith.cmpf olt, %sub3A_1143, %select_n3A_1134 : vector<8x1024xf32>
    %select_n3A_1145 = arith.select %lt3A_1144, %sub3A_1143, %select_n3A_1134 : vector<8x1024xi1>, vector<8x1024xf32>
    %jit3A_1146 = arith.constant 103 : i32
    %broadcast_in_dim3A_1147 = vector.broadcast %jit3A_1146 : i32 to vector<8x1024xi32>
    %select_n3A_1148 = arith.select %lt3A_1144, %broadcast_in_dim3A_1147, %select_n3A_1137 : vector<8x1024xi1>, vector<8x1024xi32>
    %slice3A_1149 = vector.extract_strided_slice %broadcast_in_dim3A {offsets = [832, 0], sizes = [8, 1], strides = [1, 1]} : vector<1024x1xf32> to vector<8x1xf32>
    %add3A_1150 = vector.broadcast %broadcast_in_dim3A_11 : vector<1x1024xf32> to vector<8x1024xf32>
    %add3A_1151 = vector.broadcast %slice3A_1149 : vector<8x1xf32> to vector<8x1024xf32>
    %add3A_1152 = arith.addf %add3A_1150, %add3A_1151 : vector<8x1024xf32>
    %slice3A_1153 = vector.extract_strided_slice %dot_general3A_12 {offsets = [832, 0], sizes = [8, 1024], strides = [1, 1]} : vector<1024x1024xf32> to vector<8x1024xf32>
    %sub3A_1154 = arith.subf %add3A_1152, %slice3A_1153 : vector<8x1024xf32>
    %lt3A_1155 = arith.cmpf olt, %sub3A_1154, %select_n3A_1145 : vector<8x1024xf32>
    %select_n3A_1156 = arith.select %lt3A_1155, %sub3A_1154, %select_n3A_1145 : vector<8x1024xi1>, vector<8x1024xf32>
    %jit3A_1157 = arith.constant 104 : i32
    %broadcast_in_dim3A_1158 = vector.broadcast %jit3A_1157 : i32 to vector<8x1024xi32>
    %select_n3A_1159 = arith.select %lt3A_1155, %broadcast_in_dim3A_1158, %select_n3A_1148 : vector<8x1024xi1>, vector<8x1024xi32>
    %slice3A_1160 = vector.extract_strided_slice %broadcast_in_dim3A {offsets = [840, 0], sizes = [8, 1], strides = [1, 1]} : vector<1024x1xf32> to vector<8x1xf32>
    %add3A_1161 = vector.broadcast %broadcast_in_dim3A_11 : vector<1x1024xf32> to vector<8x1024xf32>
    %add3A_1162 = vector.broadcast %slice3A_1160 : vector<8x1xf32> to vector<8x1024xf32>
    %add3A_1163 = arith.addf %add3A_1161, %add3A_1162 : vector<8x1024xf32>
    %slice3A_1164 = vector.extract_strided_slice %dot_general3A_12 {offsets = [840, 0], sizes = [8, 1024], strides = [1, 1]} : vector<1024x1024xf32> to vector<8x1024xf32>
    %sub3A_1165 = arith.subf %add3A_1163, %slice3A_1164 : vector<8x1024xf32>
    %lt3A_1166 = arith.cmpf olt, %sub3A_1165, %select_n3A_1156 : vector<8x1024xf32>
    %select_n3A_1167 = arith.select %lt3A_1166, %sub3A_1165, %select_n3A_1156 : vector<8x1024xi1>, vector<8x1024xf32>
    %jit3A_1168 = arith.constant 105 : i32
    %broadcast_in_dim3A_1169 = vector.broadcast %jit3A_1168 : i32 to vector<8x1024xi32>
    %select_n3A_1170 = arith.select %lt3A_1166, %broadcast_in_dim3A_1169, %select_n3A_1159 : vector<8x1024xi1>, vector<8x1024xi32>
    %slice3A_1171 = vector.extract_strided_slice %broadcast_in_dim3A {offsets = [848, 0], sizes = [8, 1], strides = [1, 1]} : vector<1024x1xf32> to vector<8x1xf32>
    %add3A_1172 = vector.broadcast %broadcast_in_dim3A_11 : vector<1x1024xf32> to vector<8x1024xf32>
    %add3A_1173 = vector.broadcast %slice3A_1171 : vector<8x1xf32> to vector<8x1024xf32>
    %add3A_1174 = arith.addf %add3A_1172, %add3A_1173 : vector<8x1024xf32>
    %slice3A_1175 = vector.extract_strided_slice %dot_general3A_12 {offsets = [848, 0], sizes = [8, 1024], strides = [1, 1]} : vector<1024x1024xf32> to vector<8x1024xf32>
    %sub3A_1176 = arith.subf %add3A_1174, %slice3A_1175 : vector<8x1024xf32>
    %lt3A_1177 = arith.cmpf olt, %sub3A_1176, %select_n3A_1167 : vector<8x1024xf32>
    %select_n3A_1178 = arith.select %lt3A_1177, %sub3A_1176, %select_n3A_1167 : vector<8x1024xi1>, vector<8x1024xf32>
    %jit3A_1179 = arith.constant 106 : i32
    %broadcast_in_dim3A_1180 = vector.broadcast %jit3A_1179 : i32 to vector<8x1024xi32>
    %select_n3A_1181 = arith.select %lt3A_1177, %broadcast_in_dim3A_1180, %select_n3A_1170 : vector<8x1024xi1>, vector<8x1024xi32>
    %slice3A_1182 = vector.extract_strided_slice %broadcast_in_dim3A {offsets = [856, 0], sizes = [8, 1], strides = [1, 1]} : vector<1024x1xf32> to vector<8x1xf32>
    %add3A_1183 = vector.broadcast %broadcast_in_dim3A_11 : vector<1x1024xf32> to vector<8x1024xf32>
    %add3A_1184 = vector.broadcast %slice3A_1182 : vector<8x1xf32> to vector<8x1024xf32>
    %add3A_1185 = arith.addf %add3A_1183, %add3A_1184 : vector<8x1024xf32>
    %slice3A_1186 = vector.extract_strided_slice %dot_general3A_12 {offsets = [856, 0], sizes = [8, 1024], strides = [1, 1]} : vector<1024x1024xf32> to vector<8x1024xf32>
    %sub3A_1187 = arith.subf %add3A_1185, %slice3A_1186 : vector<8x1024xf32>
    %lt3A_1188 = arith.cmpf olt, %sub3A_1187, %select_n3A_1178 : vector<8x1024xf32>
    %select_n3A_1189 = arith.select %lt3A_1188, %sub3A_1187, %select_n3A_1178 : vector<8x1024xi1>, vector<8x1024xf32>
    %jit3A_1190 = arith.constant 107 : i32
    %broadcast_in_dim3A_1191 = vector.broadcast %jit3A_1190 : i32 to vector<8x1024xi32>
    %select_n3A_1192 = arith.select %lt3A_1188, %broadcast_in_dim3A_1191, %select_n3A_1181 : vector<8x1024xi1>, vector<8x1024xi32>
    %slice3A_1193 = vector.extract_strided_slice %broadcast_in_dim3A {offsets = [864, 0], sizes = [8, 1], strides = [1, 1]} : vector<1024x1xf32> to vector<8x1xf32>
    %add3A_1194 = vector.broadcast %broadcast_in_dim3A_11 : vector<1x1024xf32> to vector<8x1024xf32>
    %add3A_1195 = vector.broadcast %slice3A_1193 : vector<8x1xf32> to vector<8x1024xf32>
    %add3A_1196 = arith.addf %add3A_1194, %add3A_1195 : vector<8x1024xf32>
    %slice3A_1197 = vector.extract_strided_slice %dot_general3A_12 {offsets = [864, 0], sizes = [8, 1024], strides = [1, 1]} : vector<1024x1024xf32> to vector<8x1024xf32>
    %sub3A_1198 = arith.subf %add3A_1196, %slice3A_1197 : vector<8x1024xf32>
    %lt3A_1199 = arith.cmpf olt, %sub3A_1198, %select_n3A_1189 : vector<8x1024xf32>
    %select_n3A_1200 = arith.select %lt3A_1199, %sub3A_1198, %select_n3A_1189 : vector<8x1024xi1>, vector<8x1024xf32>
    %jit3A_1201 = arith.constant 108 : i32
    %broadcast_in_dim3A_1202 = vector.broadcast %jit3A_1201 : i32 to vector<8x1024xi32>
    %select_n3A_1203 = arith.select %lt3A_1199, %broadcast_in_dim3A_1202, %select_n3A_1192 : vector<8x1024xi1>, vector<8x1024xi32>
    %slice3A_1204 = vector.extract_strided_slice %broadcast_in_dim3A {offsets = [872, 0], sizes = [8, 1], strides = [1, 1]} : vector<1024x1xf32> to vector<8x1xf32>
    %add3A_1205 = vector.broadcast %broadcast_in_dim3A_11 : vector<1x1024xf32> to vector<8x1024xf32>
    %add3A_1206 = vector.broadcast %slice3A_1204 : vector<8x1xf32> to vector<8x1024xf32>
    %add3A_1207 = arith.addf %add3A_1205, %add3A_1206 : vector<8x1024xf32>
    %slice3A_1208 = vector.extract_strided_slice %dot_general3A_12 {offsets = [872, 0], sizes = [8, 1024], strides = [1, 1]} : vector<1024x1024xf32> to vector<8x1024xf32>
    %sub3A_1209 = arith.subf %add3A_1207, %slice3A_1208 : vector<8x1024xf32>
    %lt3A_1210 = arith.cmpf olt, %sub3A_1209, %select_n3A_1200 : vector<8x1024xf32>
    %select_n3A_1211 = arith.select %lt3A_1210, %sub3A_1209, %select_n3A_1200 : vector<8x1024xi1>, vector<8x1024xf32>
    %jit3A_1212 = arith.constant 109 : i32
    %broadcast_in_dim3A_1213 = vector.broadcast %jit3A_1212 : i32 to vector<8x1024xi32>
    %select_n3A_1214 = arith.select %lt3A_1210, %broadcast_in_dim3A_1213, %select_n3A_1203 : vector<8x1024xi1>, vector<8x1024xi32>
    %slice3A_1215 = vector.extract_strided_slice %broadcast_in_dim3A {offsets = [880, 0], sizes = [8, 1], strides = [1, 1]} : vector<1024x1xf32> to vector<8x1xf32>
    %add3A_1216 = vector.broadcast %broadcast_in_dim3A_11 : vector<1x1024xf32> to vector<8x1024xf32>
    %add3A_1217 = vector.broadcast %slice3A_1215 : vector<8x1xf32> to vector<8x1024xf32>
    %add3A_1218 = arith.addf %add3A_1216, %add3A_1217 : vector<8x1024xf32>
    %slice3A_1219 = vector.extract_strided_slice %dot_general3A_12 {offsets = [880, 0], sizes = [8, 1024], strides = [1, 1]} : vector<1024x1024xf32> to vector<8x1024xf32>
    %sub3A_1220 = arith.subf %add3A_1218, %slice3A_1219 : vector<8x1024xf32>
    %lt3A_1221 = arith.cmpf olt, %sub3A_1220, %select_n3A_1211 : vector<8x1024xf32>
    %select_n3A_1222 = arith.select %lt3A_1221, %sub3A_1220, %select_n3A_1211 : vector<8x1024xi1>, vector<8x1024xf32>
    %jit3A_1223 = arith.constant 110 : i32
    %broadcast_in_dim3A_1224 = vector.broadcast %jit3A_1223 : i32 to vector<8x1024xi32>
    %select_n3A_1225 = arith.select %lt3A_1221, %broadcast_in_dim3A_1224, %select_n3A_1214 : vector<8x1024xi1>, vector<8x1024xi32>
    %slice3A_1226 = vector.extract_strided_slice %broadcast_in_dim3A {offsets = [888, 0], sizes = [8, 1], strides = [1, 1]} : vector<1024x1xf32> to vector<8x1xf32>
    %add3A_1227 = vector.broadcast %broadcast_in_dim3A_11 : vector<1x1024xf32> to vector<8x1024xf32>
    %add3A_1228 = vector.broadcast %slice3A_1226 : vector<8x1xf32> to vector<8x1024xf32>
    %add3A_1229 = arith.addf %add3A_1227, %add3A_1228 : vector<8x1024xf32>
    %slice3A_1230 = vector.extract_strided_slice %dot_general3A_12 {offsets = [888, 0], sizes = [8, 1024], strides = [1, 1]} : vector<1024x1024xf32> to vector<8x1024xf32>
    %sub3A_1231 = arith.subf %add3A_1229, %slice3A_1230 : vector<8x1024xf32>
    %lt3A_1232 = arith.cmpf olt, %sub3A_1231, %select_n3A_1222 : vector<8x1024xf32>
    %select_n3A_1233 = arith.select %lt3A_1232, %sub3A_1231, %select_n3A_1222 : vector<8x1024xi1>, vector<8x1024xf32>
    %jit3A_1234 = arith.constant 111 : i32
    %broadcast_in_dim3A_1235 = vector.broadcast %jit3A_1234 : i32 to vector<8x1024xi32>
    %select_n3A_1236 = arith.select %lt3A_1232, %broadcast_in_dim3A_1235, %select_n3A_1225 : vector<8x1024xi1>, vector<8x1024xi32>
    %slice3A_1237 = vector.extract_strided_slice %broadcast_in_dim3A {offsets = [896, 0], sizes = [8, 1], strides = [1, 1]} : vector<1024x1xf32> to vector<8x1xf32>
    %add3A_1238 = vector.broadcast %broadcast_in_dim3A_11 : vector<1x1024xf32> to vector<8x1024xf32>
    %add3A_1239 = vector.broadcast %slice3A_1237 : vector<8x1xf32> to vector<8x1024xf32>
    %add3A_1240 = arith.addf %add3A_1238, %add3A_1239 : vector<8x1024xf32>
    %slice3A_1241 = vector.extract_strided_slice %dot_general3A_12 {offsets = [896, 0], sizes = [8, 1024], strides = [1, 1]} : vector<1024x1024xf32> to vector<8x1024xf32>
    %sub3A_1242 = arith.subf %add3A_1240, %slice3A_1241 : vector<8x1024xf32>
    %lt3A_1243 = arith.cmpf olt, %sub3A_1242, %select_n3A_1233 : vector<8x1024xf32>
    %select_n3A_1244 = arith.select %lt3A_1243, %sub3A_1242, %select_n3A_1233 : vector<8x1024xi1>, vector<8x1024xf32>
    %jit3A_1245 = arith.constant 112 : i32
    %broadcast_in_dim3A_1246 = vector.broadcast %jit3A_1245 : i32 to vector<8x1024xi32>
    %select_n3A_1247 = arith.select %lt3A_1243, %broadcast_in_dim3A_1246, %select_n3A_1236 : vector<8x1024xi1>, vector<8x1024xi32>
    %slice3A_1248 = vector.extract_strided_slice %broadcast_in_dim3A {offsets = [904, 0], sizes = [8, 1], strides = [1, 1]} : vector<1024x1xf32> to vector<8x1xf32>
    %add3A_1249 = vector.broadcast %broadcast_in_dim3A_11 : vector<1x1024xf32> to vector<8x1024xf32>
    %add3A_1250 = vector.broadcast %slice3A_1248 : vector<8x1xf32> to vector<8x1024xf32>
    %add3A_1251 = arith.addf %add3A_1249, %add3A_1250 : vector<8x1024xf32>
    %slice3A_1252 = vector.extract_strided_slice %dot_general3A_12 {offsets = [904, 0], sizes = [8, 1024], strides = [1, 1]} : vector<1024x1024xf32> to vector<8x1024xf32>
    %sub3A_1253 = arith.subf %add3A_1251, %slice3A_1252 : vector<8x1024xf32>
    %lt3A_1254 = arith.cmpf olt, %sub3A_1253, %select_n3A_1244 : vector<8x1024xf32>
    %select_n3A_1255 = arith.select %lt3A_1254, %sub3A_1253, %select_n3A_1244 : vector<8x1024xi1>, vector<8x1024xf32>
    %jit3A_1256 = arith.constant 113 : i32
    %broadcast_in_dim3A_1257 = vector.broadcast %jit3A_1256 : i32 to vector<8x1024xi32>
    %select_n3A_1258 = arith.select %lt3A_1254, %broadcast_in_dim3A_1257, %select_n3A_1247 : vector<8x1024xi1>, vector<8x1024xi32>
    %slice3A_1259 = vector.extract_strided_slice %broadcast_in_dim3A {offsets = [912, 0], sizes = [8, 1], strides = [1, 1]} : vector<1024x1xf32> to vector<8x1xf32>
    %add3A_1260 = vector.broadcast %broadcast_in_dim3A_11 : vector<1x1024xf32> to vector<8x1024xf32>
    %add3A_1261 = vector.broadcast %slice3A_1259 : vector<8x1xf32> to vector<8x1024xf32>
    %add3A_1262 = arith.addf %add3A_1260, %add3A_1261 : vector<8x1024xf32>
    %slice3A_1263 = vector.extract_strided_slice %dot_general3A_12 {offsets = [912, 0], sizes = [8, 1024], strides = [1, 1]} : vector<1024x1024xf32> to vector<8x1024xf32>
    %sub3A_1264 = arith.subf %add3A_1262, %slice3A_1263 : vector<8x1024xf32>
    %lt3A_1265 = arith.cmpf olt, %sub3A_1264, %select_n3A_1255 : vector<8x1024xf32>
    %select_n3A_1266 = arith.select %lt3A_1265, %sub3A_1264, %select_n3A_1255 : vector<8x1024xi1>, vector<8x1024xf32>
    %jit3A_1267 = arith.constant 114 : i32
    %broadcast_in_dim3A_1268 = vector.broadcast %jit3A_1267 : i32 to vector<8x1024xi32>
    %select_n3A_1269 = arith.select %lt3A_1265, %broadcast_in_dim3A_1268, %select_n3A_1258 : vector<8x1024xi1>, vector<8x1024xi32>
    %slice3A_1270 = vector.extract_strided_slice %broadcast_in_dim3A {offsets = [920, 0], sizes = [8, 1], strides = [1, 1]} : vector<1024x1xf32> to vector<8x1xf32>
    %add3A_1271 = vector.broadcast %broadcast_in_dim3A_11 : vector<1x1024xf32> to vector<8x1024xf32>
    %add3A_1272 = vector.broadcast %slice3A_1270 : vector<8x1xf32> to vector<8x1024xf32>
    %add3A_1273 = arith.addf %add3A_1271, %add3A_1272 : vector<8x1024xf32>
    %slice3A_1274 = vector.extract_strided_slice %dot_general3A_12 {offsets = [920, 0], sizes = [8, 1024], strides = [1, 1]} : vector<1024x1024xf32> to vector<8x1024xf32>
    %sub3A_1275 = arith.subf %add3A_1273, %slice3A_1274 : vector<8x1024xf32>
    %lt3A_1276 = arith.cmpf olt, %sub3A_1275, %select_n3A_1266 : vector<8x1024xf32>
    %select_n3A_1277 = arith.select %lt3A_1276, %sub3A_1275, %select_n3A_1266 : vector<8x1024xi1>, vector<8x1024xf32>
    %jit3A_1278 = arith.constant 115 : i32
    %broadcast_in_dim3A_1279 = vector.broadcast %jit3A_1278 : i32 to vector<8x1024xi32>
    %select_n3A_1280 = arith.select %lt3A_1276, %broadcast_in_dim3A_1279, %select_n3A_1269 : vector<8x1024xi1>, vector<8x1024xi32>
    %slice3A_1281 = vector.extract_strided_slice %broadcast_in_dim3A {offsets = [928, 0], sizes = [8, 1], strides = [1, 1]} : vector<1024x1xf32> to vector<8x1xf32>
    %add3A_1282 = vector.broadcast %broadcast_in_dim3A_11 : vector<1x1024xf32> to vector<8x1024xf32>
    %add3A_1283 = vector.broadcast %slice3A_1281 : vector<8x1xf32> to vector<8x1024xf32>
    %add3A_1284 = arith.addf %add3A_1282, %add3A_1283 : vector<8x1024xf32>
    %slice3A_1285 = vector.extract_strided_slice %dot_general3A_12 {offsets = [928, 0], sizes = [8, 1024], strides = [1, 1]} : vector<1024x1024xf32> to vector<8x1024xf32>
    %sub3A_1286 = arith.subf %add3A_1284, %slice3A_1285 : vector<8x1024xf32>
    %lt3A_1287 = arith.cmpf olt, %sub3A_1286, %select_n3A_1277 : vector<8x1024xf32>
    %select_n3A_1288 = arith.select %lt3A_1287, %sub3A_1286, %select_n3A_1277 : vector<8x1024xi1>, vector<8x1024xf32>
    %jit3A_1289 = arith.constant 116 : i32
    %broadcast_in_dim3A_1290 = vector.broadcast %jit3A_1289 : i32 to vector<8x1024xi32>
    %select_n3A_1291 = arith.select %lt3A_1287, %broadcast_in_dim3A_1290, %select_n3A_1280 : vector<8x1024xi1>, vector<8x1024xi32>
    %slice3A_1292 = vector.extract_strided_slice %broadcast_in_dim3A {offsets = [936, 0], sizes = [8, 1], strides = [1, 1]} : vector<1024x1xf32> to vector<8x1xf32>
    %add3A_1293 = vector.broadcast %broadcast_in_dim3A_11 : vector<1x1024xf32> to vector<8x1024xf32>
    %add3A_1294 = vector.broadcast %slice3A_1292 : vector<8x1xf32> to vector<8x1024xf32>
    %add3A_1295 = arith.addf %add3A_1293, %add3A_1294 : vector<8x1024xf32>
    %slice3A_1296 = vector.extract_strided_slice %dot_general3A_12 {offsets = [936, 0], sizes = [8, 1024], strides = [1, 1]} : vector<1024x1024xf32> to vector<8x1024xf32>
    %sub3A_1297 = arith.subf %add3A_1295, %slice3A_1296 : vector<8x1024xf32>
    %lt3A_1298 = arith.cmpf olt, %sub3A_1297, %select_n3A_1288 : vector<8x1024xf32>
    %select_n3A_1299 = arith.select %lt3A_1298, %sub3A_1297, %select_n3A_1288 : vector<8x1024xi1>, vector<8x1024xf32>
    %jit3A_1300 = arith.constant 117 : i32
    %broadcast_in_dim3A_1301 = vector.broadcast %jit3A_1300 : i32 to vector<8x1024xi32>
    %select_n3A_1302 = arith.select %lt3A_1298, %broadcast_in_dim3A_1301, %select_n3A_1291 : vector<8x1024xi1>, vector<8x1024xi32>
    %slice3A_1303 = vector.extract_strided_slice %broadcast_in_dim3A {offsets = [944, 0], sizes = [8, 1], strides = [1, 1]} : vector<1024x1xf32> to vector<8x1xf32>
    %add3A_1304 = vector.broadcast %broadcast_in_dim3A_11 : vector<1x1024xf32> to vector<8x1024xf32>
    %add3A_1305 = vector.broadcast %slice3A_1303 : vector<8x1xf32> to vector<8x1024xf32>
    %add3A_1306 = arith.addf %add3A_1304, %add3A_1305 : vector<8x1024xf32>
    %slice3A_1307 = vector.extract_strided_slice %dot_general3A_12 {offsets = [944, 0], sizes = [8, 1024], strides = [1, 1]} : vector<1024x1024xf32> to vector<8x1024xf32>
    %sub3A_1308 = arith.subf %add3A_1306, %slice3A_1307 : vector<8x1024xf32>
    %lt3A_1309 = arith.cmpf olt, %sub3A_1308, %select_n3A_1299 : vector<8x1024xf32>
    %select_n3A_1310 = arith.select %lt3A_1309, %sub3A_1308, %select_n3A_1299 : vector<8x1024xi1>, vector<8x1024xf32>
    %jit3A_1311 = arith.constant 118 : i32
    %broadcast_in_dim3A_1312 = vector.broadcast %jit3A_1311 : i32 to vector<8x1024xi32>
    %select_n3A_1313 = arith.select %lt3A_1309, %broadcast_in_dim3A_1312, %select_n3A_1302 : vector<8x1024xi1>, vector<8x1024xi32>
    %slice3A_1314 = vector.extract_strided_slice %broadcast_in_dim3A {offsets = [952, 0], sizes = [8, 1], strides = [1, 1]} : vector<1024x1xf32> to vector<8x1xf32>
    %add3A_1315 = vector.broadcast %broadcast_in_dim3A_11 : vector<1x1024xf32> to vector<8x1024xf32>
    %add3A_1316 = vector.broadcast %slice3A_1314 : vector<8x1xf32> to vector<8x1024xf32>
    %add3A_1317 = arith.addf %add3A_1315, %add3A_1316 : vector<8x1024xf32>
    %slice3A_1318 = vector.extract_strided_slice %dot_general3A_12 {offsets = [952, 0], sizes = [8, 1024], strides = [1, 1]} : vector<1024x1024xf32> to vector<8x1024xf32>
    %sub3A_1319 = arith.subf %add3A_1317, %slice3A_1318 : vector<8x1024xf32>
    %lt3A_1320 = arith.cmpf olt, %sub3A_1319, %select_n3A_1310 : vector<8x1024xf32>
    %select_n3A_1321 = arith.select %lt3A_1320, %sub3A_1319, %select_n3A_1310 : vector<8x1024xi1>, vector<8x1024xf32>
    %jit3A_1322 = arith.constant 119 : i32
    %broadcast_in_dim3A_1323 = vector.broadcast %jit3A_1322 : i32 to vector<8x1024xi32>
    %select_n3A_1324 = arith.select %lt3A_1320, %broadcast_in_dim3A_1323, %select_n3A_1313 : vector<8x1024xi1>, vector<8x1024xi32>
    %slice3A_1325 = vector.extract_strided_slice %broadcast_in_dim3A {offsets = [960, 0], sizes = [8, 1], strides = [1, 1]} : vector<1024x1xf32> to vector<8x1xf32>
    %add3A_1326 = vector.broadcast %broadcast_in_dim3A_11 : vector<1x1024xf32> to vector<8x1024xf32>
    %add3A_1327 = vector.broadcast %slice3A_1325 : vector<8x1xf32> to vector<8x1024xf32>
    %add3A_1328 = arith.addf %add3A_1326, %add3A_1327 : vector<8x1024xf32>
    %slice3A_1329 = vector.extract_strided_slice %dot_general3A_12 {offsets = [960, 0], sizes = [8, 1024], strides = [1, 1]} : vector<1024x1024xf32> to vector<8x1024xf32>
    %sub3A_1330 = arith.subf %add3A_1328, %slice3A_1329 : vector<8x1024xf32>
    %lt3A_1331 = arith.cmpf olt, %sub3A_1330, %select_n3A_1321 : vector<8x1024xf32>
    %select_n3A_1332 = arith.select %lt3A_1331, %sub3A_1330, %select_n3A_1321 : vector<8x1024xi1>, vector<8x1024xf32>
    %jit3A_1333 = arith.constant 120 : i32
    %broadcast_in_dim3A_1334 = vector.broadcast %jit3A_1333 : i32 to vector<8x1024xi32>
    %select_n3A_1335 = arith.select %lt3A_1331, %broadcast_in_dim3A_1334, %select_n3A_1324 : vector<8x1024xi1>, vector<8x1024xi32>
    %slice3A_1336 = vector.extract_strided_slice %broadcast_in_dim3A {offsets = [968, 0], sizes = [8, 1], strides = [1, 1]} : vector<1024x1xf32> to vector<8x1xf32>
    %add3A_1337 = vector.broadcast %broadcast_in_dim3A_11 : vector<1x1024xf32> to vector<8x1024xf32>
    %add3A_1338 = vector.broadcast %slice3A_1336 : vector<8x1xf32> to vector<8x1024xf32>
    %add3A_1339 = arith.addf %add3A_1337, %add3A_1338 : vector<8x1024xf32>
    %slice3A_1340 = vector.extract_strided_slice %dot_general3A_12 {offsets = [968, 0], sizes = [8, 1024], strides = [1, 1]} : vector<1024x1024xf32> to vector<8x1024xf32>
    %sub3A_1341 = arith.subf %add3A_1339, %slice3A_1340 : vector<8x1024xf32>
    %lt3A_1342 = arith.cmpf olt, %sub3A_1341, %select_n3A_1332 : vector<8x1024xf32>
    %select_n3A_1343 = arith.select %lt3A_1342, %sub3A_1341, %select_n3A_1332 : vector<8x1024xi1>, vector<8x1024xf32>
    %jit3A_1344 = arith.constant 121 : i32
    %broadcast_in_dim3A_1345 = vector.broadcast %jit3A_1344 : i32 to vector<8x1024xi32>
    %select_n3A_1346 = arith.select %lt3A_1342, %broadcast_in_dim3A_1345, %select_n3A_1335 : vector<8x1024xi1>, vector<8x1024xi32>
    %slice3A_1347 = vector.extract_strided_slice %broadcast_in_dim3A {offsets = [976, 0], sizes = [8, 1], strides = [1, 1]} : vector<1024x1xf32> to vector<8x1xf32>
    %add3A_1348 = vector.broadcast %broadcast_in_dim3A_11 : vector<1x1024xf32> to vector<8x1024xf32>
    %add3A_1349 = vector.broadcast %slice3A_1347 : vector<8x1xf32> to vector<8x1024xf32>
    %add3A_1350 = arith.addf %add3A_1348, %add3A_1349 : vector<8x1024xf32>
    %slice3A_1351 = vector.extract_strided_slice %dot_general3A_12 {offsets = [976, 0], sizes = [8, 1024], strides = [1, 1]} : vector<1024x1024xf32> to vector<8x1024xf32>
    %sub3A_1352 = arith.subf %add3A_1350, %slice3A_1351 : vector<8x1024xf32>
    %lt3A_1353 = arith.cmpf olt, %sub3A_1352, %select_n3A_1343 : vector<8x1024xf32>
    %select_n3A_1354 = arith.select %lt3A_1353, %sub3A_1352, %select_n3A_1343 : vector<8x1024xi1>, vector<8x1024xf32>
    %jit3A_1355 = arith.constant 122 : i32
    %broadcast_in_dim3A_1356 = vector.broadcast %jit3A_1355 : i32 to vector<8x1024xi32>
    %select_n3A_1357 = arith.select %lt3A_1353, %broadcast_in_dim3A_1356, %select_n3A_1346 : vector<8x1024xi1>, vector<8x1024xi32>
    %slice3A_1358 = vector.extract_strided_slice %broadcast_in_dim3A {offsets = [984, 0], sizes = [8, 1], strides = [1, 1]} : vector<1024x1xf32> to vector<8x1xf32>
    %add3A_1359 = vector.broadcast %broadcast_in_dim3A_11 : vector<1x1024xf32> to vector<8x1024xf32>
    %add3A_1360 = vector.broadcast %slice3A_1358 : vector<8x1xf32> to vector<8x1024xf32>
    %add3A_1361 = arith.addf %add3A_1359, %add3A_1360 : vector<8x1024xf32>
    %slice3A_1362 = vector.extract_strided_slice %dot_general3A_12 {offsets = [984, 0], sizes = [8, 1024], strides = [1, 1]} : vector<1024x1024xf32> to vector<8x1024xf32>
    %sub3A_1363 = arith.subf %add3A_1361, %slice3A_1362 : vector<8x1024xf32>
    %lt3A_1364 = arith.cmpf olt, %sub3A_1363, %select_n3A_1354 : vector<8x1024xf32>
    %select_n3A_1365 = arith.select %lt3A_1364, %sub3A_1363, %select_n3A_1354 : vector<8x1024xi1>, vector<8x1024xf32>
    %jit3A_1366 = arith.constant 123 : i32
    %broadcast_in_dim3A_1367 = vector.broadcast %jit3A_1366 : i32 to vector<8x1024xi32>
    %select_n3A_1368 = arith.select %lt3A_1364, %broadcast_in_dim3A_1367, %select_n3A_1357 : vector<8x1024xi1>, vector<8x1024xi32>
    %slice3A_1369 = vector.extract_strided_slice %broadcast_in_dim3A {offsets = [992, 0], sizes = [8, 1], strides = [1, 1]} : vector<1024x1xf32> to vector<8x1xf32>
    %add3A_1370 = vector.broadcast %broadcast_in_dim3A_11 : vector<1x1024xf32> to vector<8x1024xf32>
    %add3A_1371 = vector.broadcast %slice3A_1369 : vector<8x1xf32> to vector<8x1024xf32>
    %add3A_1372 = arith.addf %add3A_1370, %add3A_1371 : vector<8x1024xf32>
    %slice3A_1373 = vector.extract_strided_slice %dot_general3A_12 {offsets = [992, 0], sizes = [8, 1024], strides = [1, 1]} : vector<1024x1024xf32> to vector<8x1024xf32>
    %sub3A_1374 = arith.subf %add3A_1372, %slice3A_1373 : vector<8x1024xf32>
    %lt3A_1375 = arith.cmpf olt, %sub3A_1374, %select_n3A_1365 : vector<8x1024xf32>
    %select_n3A_1376 = arith.select %lt3A_1375, %sub3A_1374, %select_n3A_1365 : vector<8x1024xi1>, vector<8x1024xf32>
    %jit3A_1377 = arith.constant 124 : i32
    %broadcast_in_dim3A_1378 = vector.broadcast %jit3A_1377 : i32 to vector<8x1024xi32>
    %select_n3A_1379 = arith.select %lt3A_1375, %broadcast_in_dim3A_1378, %select_n3A_1368 : vector<8x1024xi1>, vector<8x1024xi32>
    %slice3A_1380 = vector.extract_strided_slice %broadcast_in_dim3A {offsets = [1000, 0], sizes = [8, 1], strides = [1, 1]} : vector<1024x1xf32> to vector<8x1xf32>
    %add3A_1381 = vector.broadcast %broadcast_in_dim3A_11 : vector<1x1024xf32> to vector<8x1024xf32>
    %add3A_1382 = vector.broadcast %slice3A_1380 : vector<8x1xf32> to vector<8x1024xf32>
    %add3A_1383 = arith.addf %add3A_1381, %add3A_1382 : vector<8x1024xf32>
    %slice3A_1384 = vector.extract_strided_slice %dot_general3A_12 {offsets = [1000, 0], sizes = [8, 1024], strides = [1, 1]} : vector<1024x1024xf32> to vector<8x1024xf32>
    %sub3A_1385 = arith.subf %add3A_1383, %slice3A_1384 : vector<8x1024xf32>
    %lt3A_1386 = arith.cmpf olt, %sub3A_1385, %select_n3A_1376 : vector<8x1024xf32>
    %select_n3A_1387 = arith.select %lt3A_1386, %sub3A_1385, %select_n3A_1376 : vector<8x1024xi1>, vector<8x1024xf32>
    %jit3A_1388 = arith.constant 125 : i32
    %broadcast_in_dim3A_1389 = vector.broadcast %jit3A_1388 : i32 to vector<8x1024xi32>
    %select_n3A_1390 = arith.select %lt3A_1386, %broadcast_in_dim3A_1389, %select_n3A_1379 : vector<8x1024xi1>, vector<8x1024xi32>
    %slice3A_1391 = vector.extract_strided_slice %broadcast_in_dim3A {offsets = [1008, 0], sizes = [8, 1], strides = [1, 1]} : vector<1024x1xf32> to vector<8x1xf32>
    %add3A_1392 = vector.broadcast %broadcast_in_dim3A_11 : vector<1x1024xf32> to vector<8x1024xf32>
    %add3A_1393 = vector.broadcast %slice3A_1391 : vector<8x1xf32> to vector<8x1024xf32>
    %add3A_1394 = arith.addf %add3A_1392, %add3A_1393 : vector<8x1024xf32>
    %slice3A_1395 = vector.extract_strided_slice %dot_general3A_12 {offsets = [1008, 0], sizes = [8, 1024], strides = [1, 1]} : vector<1024x1024xf32> to vector<8x1024xf32>
    %sub3A_1396 = arith.subf %add3A_1394, %slice3A_1395 : vector<8x1024xf32>
    %lt3A_1397 = arith.cmpf olt, %sub3A_1396, %select_n3A_1387 : vector<8x1024xf32>
    %select_n3A_1398 = arith.select %lt3A_1397, %sub3A_1396, %select_n3A_1387 : vector<8x1024xi1>, vector<8x1024xf32>
    %jit3A_1399 = arith.constant 126 : i32
    %broadcast_in_dim3A_1400 = vector.broadcast %jit3A_1399 : i32 to vector<8x1024xi32>
    %select_n3A_1401 = arith.select %lt3A_1397, %broadcast_in_dim3A_1400, %select_n3A_1390 : vector<8x1024xi1>, vector<8x1024xi32>
    %slice3A_1402 = vector.extract_strided_slice %broadcast_in_dim3A {offsets = [1016, 0], sizes = [8, 1], strides = [1, 1]} : vector<1024x1xf32> to vector<8x1xf32>
    %add3A_1403 = vector.broadcast %broadcast_in_dim3A_11 : vector<1x1024xf32> to vector<8x1024xf32>
    %add3A_1404 = vector.broadcast %slice3A_1402 : vector<8x1xf32> to vector<8x1024xf32>
    %add3A_1405 = arith.addf %add3A_1403, %add3A_1404 : vector<8x1024xf32>
    %slice3A_1406 = vector.extract_strided_slice %dot_general3A_12 {offsets = [1016, 0], sizes = [8, 1024], strides = [1, 1]} : vector<1024x1024xf32> to vector<8x1024xf32>
    %sub3A_1407 = arith.subf %add3A_1405, %slice3A_1406 : vector<8x1024xf32>
    %lt3A_1408 = arith.cmpf olt, %sub3A_1407, %select_n3A_1398 : vector<8x1024xf32>
    %select_n3A_1409 = arith.select %lt3A_1408, %sub3A_1407, %select_n3A_1398 : vector<8x1024xi1>, vector<8x1024xf32>
    %jit3A_1410 = arith.constant 127 : i32
    %broadcast_in_dim3A_1411 = vector.broadcast %jit3A_1410 : i32 to vector<8x1024xi32>
    %select_n3A_1412 = arith.select %lt3A_1408, %broadcast_in_dim3A_1411, %select_n3A_1401 : vector<8x1024xi1>, vector<8x1024xi32>
    %mul3A_1413 = arith.constant 8 : i32
    %mul3A_1414 = vector.broadcast %mul3A_1413 : i32 to vector<8x1024xi32>
    %mul3A_1415 = arith.muli %select_n3A_1412, %mul3A_1414 : vector<8x1024xi32>
    %iota3A = tpu.iota {dimensions = array<i32: 0>} : vector<8x1024xi32>
    %add3A_1416 = arith.addi %mul3A_1415, %iota3A : vector<8x1024xi32>
    %slice3A_1417 = vector.extract_strided_slice %select_n3A_1409 {offsets = [0, 0], sizes = [4, 1024], strides = [1, 1]} : vector<8x1024xf32> to vector<4x1024xf32>
    %slice3A_1418 = vector.extract_strided_slice %select_n3A_1409 {offsets = [4, 0], sizes = [4, 1024], strides = [1, 1]} : vector<8x1024xf32> to vector<4x1024xf32>
    %slice3A_1419 = vector.extract_strided_slice %add3A_1416 {offsets = [0, 0], sizes = [4, 1024], strides = [1, 1]} : vector<8x1024xi32> to vector<4x1024xi32>
    %slice3A_1420 = vector.extract_strided_slice %add3A_1416 {offsets = [4, 0], sizes = [4, 1024], strides = [1, 1]} : vector<8x1024xi32> to vector<4x1024xi32>
    %lt3A_1421 = arith.cmpf olt, %slice3A_1418, %slice3A_1417 : vector<4x1024xf32>
    %eq3A = arith.cmpf oeq, %slice3A_1418, %slice3A_1417 : vector<4x1024xf32>
    %lt3A_1422 = arith.cmpi slt, %slice3A_1420, %slice3A_1419 : vector<4x1024xi32>
    %and3A = arith.andi %eq3A, %lt3A_1422 : vector<4x1024xi1>
    %or3A = arith.ori %lt3A_1421, %and3A : vector<4x1024xi1>
    %select_n3A_1423 = arith.select %or3A, %slice3A_1418, %slice3A_1417 : vector<4x1024xi1>, vector<4x1024xf32>
    %select_n3A_1424 = arith.select %or3A, %slice3A_1420, %slice3A_1419 : vector<4x1024xi1>, vector<4x1024xi32>
    %slice3A_1425 = vector.extract_strided_slice %select_n3A_1423 {offsets = [0, 0], sizes = [2, 1024], strides = [1, 1]} : vector<4x1024xf32> to vector<2x1024xf32>
    %slice3A_1426 = vector.extract_strided_slice %select_n3A_1423 {offsets = [2, 0], sizes = [2, 1024], strides = [1, 1]} : vector<4x1024xf32> to vector<2x1024xf32>
    %slice3A_1427 = vector.extract_strided_slice %select_n3A_1424 {offsets = [0, 0], sizes = [2, 1024], strides = [1, 1]} : vector<4x1024xi32> to vector<2x1024xi32>
    %slice3A_1428 = vector.extract_strided_slice %select_n3A_1424 {offsets = [2, 0], sizes = [2, 1024], strides = [1, 1]} : vector<4x1024xi32> to vector<2x1024xi32>
    %lt3A_1429 = arith.cmpf olt, %slice3A_1426, %slice3A_1425 : vector<2x1024xf32>
    %eq3A_1430 = arith.cmpf oeq, %slice3A_1426, %slice3A_1425 : vector<2x1024xf32>
    %lt3A_1431 = arith.cmpi slt, %slice3A_1428, %slice3A_1427 : vector<2x1024xi32>
    %and3A_1432 = arith.andi %eq3A_1430, %lt3A_1431 : vector<2x1024xi1>
    %or3A_1433 = arith.ori %lt3A_1429, %and3A_1432 : vector<2x1024xi1>
    %select_n3A_1434 = arith.select %or3A_1433, %slice3A_1426, %slice3A_1425 : vector<2x1024xi1>, vector<2x1024xf32>
    %select_n3A_1435 = arith.select %or3A_1433, %slice3A_1428, %slice3A_1427 : vector<2x1024xi1>, vector<2x1024xi32>
    %slice3A_1436 = vector.extract_strided_slice %select_n3A_1434 {offsets = [0, 0], sizes = [1, 1024], strides = [1, 1]} : vector<2x1024xf32> to vector<1x1024xf32>
    %slice3A_1437 = vector.extract_strided_slice %select_n3A_1434 {offsets = [1, 0], sizes = [1, 1024], strides = [1, 1]} : vector<2x1024xf32> to vector<1x1024xf32>
    %slice3A_1438 = vector.extract_strided_slice %select_n3A_1435 {offsets = [0, 0], sizes = [1, 1024], strides = [1, 1]} : vector<2x1024xi32> to vector<1x1024xi32>
    %slice3A_1439 = vector.extract_strided_slice %select_n3A_1435 {offsets = [1, 0], sizes = [1, 1024], strides = [1, 1]} : vector<2x1024xi32> to vector<1x1024xi32>
    %lt3A_1440 = arith.cmpf olt, %slice3A_1437, %slice3A_1436 : vector<1x1024xf32>
    %eq3A_1441 = arith.cmpf oeq, %slice3A_1437, %slice3A_1436 : vector<1x1024xf32>
    %lt3A_1442 = arith.cmpi slt, %slice3A_1439, %slice3A_1438 : vector<1x1024xi32>
    %and3A_1443 = arith.andi %eq3A_1441, %lt3A_1442 : vector<1x1024xi1>
    %or3A_1444 = arith.ori %lt3A_1440, %and3A_1443 : vector<1x1024xi1>
    %select_n3A_1445 = arith.select %or3A_1444, %slice3A_1437, %slice3A_1436 : vector<1x1024xi1>, vector<1x1024xf32>
    %select_n3A_1446 = arith.select %or3A_1444, %slice3A_1439, %slice3A_1438 : vector<1x1024xi1>, vector<1x1024xi32>
    %swap3A = arith.constant 0 : index
    %swap3A_1447 = arith.constant 0 : index
    %swap3A_1448 = arith.constant 0 : index
    %swap3A_1449 = vector.load %arg3[%swap3A, %swap3A_1447, %swap3A_1448] : memref<2x1x1024xi32, #tpu.memory_space<vmem>>, vector<1x1x1024xi32>
    %swap3A_1450 = vector.shape_cast %swap3A_1449 : vector<1x1x1024xi32> to vector<1x1024xi32>
    %swap3A_1451 = vector.shape_cast %select_n3A_1446 : vector<1x1024xi32> to vector<1x1x1024xi32>
    tpu.vector_store %arg3[%swap3A, %swap3A_1447, %swap3A_1448], %swap3A_1451 {strides = array<i32>} : memref<2x1x1024xi32, #tpu.memory_space<vmem>>, vector<1x1x1024xi32>,
    %reduce_sum3A_1452 = vector.shape_cast %select_n3A_1445 : vector<1x1024xf32> to vector<1x1x1024xf32>
    %reduce_sum3A_1453 = arith.constant dense<0.000000e+00> : vector<1xf32>
    %reduce_sum3A_1454 = vector.multi_reduction <add>, %reduce_sum3A_1452, %reduce_sum3A_1453 [1, 2] : vector<1x1x1024xf32> to vector<1xf32>
    %reduce_sum3A_1455 = vector.shape_cast %reduce_sum3A_1454 : vector<1xf32> to vector<1x1x1xf32>
    %reduce_sum3A_1456 = vector.extract %reduce_sum3A_1455[0, 0, 0] : f32 from vector<1x1x1xf32>
    %add3A_1457 = arith.constant 0.000000e+00 : f32
    %add3A_1458 = arith.addf %add3A_1457, %reduce_sum3A_1456 : f32
    %get3A_1459 = arith.constant 1 : index
    %get3A_1460 = arith.constant 0 : index
    %get3A_1461 = arith.constant 0 : index
    %get3A_1462 = vector.load %arg1[%get3A_1459, %get3A_1460, %get3A_1461] : memref<2x64x1024xf32, #tpu.memory_space<vmem>>, vector<1x64x1024xf32>
    %get3A_1463 = vector.shape_cast %get3A_1462 : vector<1x64x1024xf32> to vector<64x1024xf32>
    %mul3A_1464 = arith.mulf %get3A_1463, %get3A_1463 : vector<64x1024xf32>
    %reduce_sum3A_1465 = arith.constant dense<0.000000e+00> : vector<1024xf32>
    %reduce_sum3A_1466 = vector.multi_reduction <add>, %mul3A_1464, %reduce_sum3A_1465 [0] : vector<64x1024xf32> to vector<1024xf32>
    %broadcast_in_dim3A_1467 = vector.shape_cast %reduce_sum3A_1466 : vector<1024xf32> to vector<1x1024xf32>
    %dot_general3A_1468 = arith.constant dense<0.000000e+00> : vector<1024x1024xf32>
    %dot_general3A_1469 = tpu.matmul %add3A, %get3A_1463, %dot_general3A_1468 {dimension_numbers = #tpu.dot_dimension_numbers<[1], [0], [0], [1], [0, 0, 1, 1], [], []>, transpose_lhs_hint = false} : vector<1024x64xf32>, vector<64x1024xf32>, vector<1024x1024xf32> -> vector<1024x1024xf32>
    %slice3A_1470 = vector.extract_strided_slice %broadcast_in_dim3A {offsets = [0, 0], sizes = [8, 1], strides = [1, 1]} : vector<1024x1xf32> to vector<8x1xf32>
    %add3A_1471 = vector.broadcast %broadcast_in_dim3A_1467 : vector<1x1024xf32> to vector<8x1024xf32>
    %add3A_1472 = vector.broadcast %slice3A_1470 : vector<8x1xf32> to vector<8x1024xf32>
    %add3A_1473 = arith.addf %add3A_1471, %add3A_1472 : vector<8x1024xf32>
    %slice3A_1474 = vector.extract_strided_slice %dot_general3A_1469 {offsets = [0, 0], sizes = [8, 1024], strides = [1, 1]} : vector<1024x1024xf32> to vector<8x1024xf32>
    %sub3A_1475 = arith.subf %add3A_1473, %slice3A_1474 : vector<8x1024xf32>
    %broadcast_in_dim3A_1476 = arith.constant 0 : i32
    %broadcast_in_dim3A_1477 = vector.broadcast %broadcast_in_dim3A_1476 : i32 to vector<8x1024xi32>
    %slice3A_1478 = vector.extract_strided_slice %broadcast_in_dim3A {offsets = [8, 0], sizes = [8, 1], strides = [1, 1]} : vector<1024x1xf32> to vector<8x1xf32>
    %add3A_1479 = vector.broadcast %broadcast_in_dim3A_1467 : vector<1x1024xf32> to vector<8x1024xf32>
    %add3A_1480 = vector.broadcast %slice3A_1478 : vector<8x1xf32> to vector<8x1024xf32>
    %add3A_1481 = arith.addf %add3A_1479, %add3A_1480 : vector<8x1024xf32>
    %slice3A_1482 = vector.extract_strided_slice %dot_general3A_1469 {offsets = [8, 0], sizes = [8, 1024], strides = [1, 1]} : vector<1024x1024xf32> to vector<8x1024xf32>
    %sub3A_1483 = arith.subf %add3A_1481, %slice3A_1482 : vector<8x1024xf32>
    %lt3A_1484 = arith.cmpf olt, %sub3A_1483, %sub3A_1475 : vector<8x1024xf32>
    %select_n3A_1485 = arith.select %lt3A_1484, %sub3A_1483, %sub3A_1475 : vector<8x1024xi1>, vector<8x1024xf32>
    %jit3A_1486 = arith.constant 1 : i32
    %broadcast_in_dim3A_1487 = vector.broadcast %jit3A_1486 : i32 to vector<8x1024xi32>
    %select_n3A_1488 = arith.select %lt3A_1484, %broadcast_in_dim3A_1487, %broadcast_in_dim3A_1477 : vector<8x1024xi1>, vector<8x1024xi32>
    %slice3A_1489 = vector.extract_strided_slice %broadcast_in_dim3A {offsets = [16, 0], sizes = [8, 1], strides = [1, 1]} : vector<1024x1xf32> to vector<8x1xf32>
    %add3A_1490 = vector.broadcast %broadcast_in_dim3A_1467 : vector<1x1024xf32> to vector<8x1024xf32>
    %add3A_1491 = vector.broadcast %slice3A_1489 : vector<8x1xf32> to vector<8x1024xf32>
    %add3A_1492 = arith.addf %add3A_1490, %add3A_1491 : vector<8x1024xf32>
    %slice3A_1493 = vector.extract_strided_slice %dot_general3A_1469 {offsets = [16, 0], sizes = [8, 1024], strides = [1, 1]} : vector<1024x1024xf32> to vector<8x1024xf32>
    %sub3A_1494 = arith.subf %add3A_1492, %slice3A_1493 : vector<8x1024xf32>
    %lt3A_1495 = arith.cmpf olt, %sub3A_1494, %select_n3A_1485 : vector<8x1024xf32>
    %select_n3A_1496 = arith.select %lt3A_1495, %sub3A_1494, %select_n3A_1485 : vector<8x1024xi1>, vector<8x1024xf32>
    %jit3A_1497 = arith.constant 2 : i32
    %broadcast_in_dim3A_1498 = vector.broadcast %jit3A_1497 : i32 to vector<8x1024xi32>
    %select_n3A_1499 = arith.select %lt3A_1495, %broadcast_in_dim3A_1498, %select_n3A_1488 : vector<8x1024xi1>, vector<8x1024xi32>
    %slice3A_1500 = vector.extract_strided_slice %broadcast_in_dim3A {offsets = [24, 0], sizes = [8, 1], strides = [1, 1]} : vector<1024x1xf32> to vector<8x1xf32>
    %add3A_1501 = vector.broadcast %broadcast_in_dim3A_1467 : vector<1x1024xf32> to vector<8x1024xf32>
    %add3A_1502 = vector.broadcast %slice3A_1500 : vector<8x1xf32> to vector<8x1024xf32>
    %add3A_1503 = arith.addf %add3A_1501, %add3A_1502 : vector<8x1024xf32>
    %slice3A_1504 = vector.extract_strided_slice %dot_general3A_1469 {offsets = [24, 0], sizes = [8, 1024], strides = [1, 1]} : vector<1024x1024xf32> to vector<8x1024xf32>
    %sub3A_1505 = arith.subf %add3A_1503, %slice3A_1504 : vector<8x1024xf32>
    %lt3A_1506 = arith.cmpf olt, %sub3A_1505, %select_n3A_1496 : vector<8x1024xf32>
    %select_n3A_1507 = arith.select %lt3A_1506, %sub3A_1505, %select_n3A_1496 : vector<8x1024xi1>, vector<8x1024xf32>
    %jit3A_1508 = arith.constant 3 : i32
    %broadcast_in_dim3A_1509 = vector.broadcast %jit3A_1508 : i32 to vector<8x1024xi32>
    %select_n3A_1510 = arith.select %lt3A_1506, %broadcast_in_dim3A_1509, %select_n3A_1499 : vector<8x1024xi1>, vector<8x1024xi32>
    %slice3A_1511 = vector.extract_strided_slice %broadcast_in_dim3A {offsets = [32, 0], sizes = [8, 1], strides = [1, 1]} : vector<1024x1xf32> to vector<8x1xf32>
    %add3A_1512 = vector.broadcast %broadcast_in_dim3A_1467 : vector<1x1024xf32> to vector<8x1024xf32>
    %add3A_1513 = vector.broadcast %slice3A_1511 : vector<8x1xf32> to vector<8x1024xf32>
    %add3A_1514 = arith.addf %add3A_1512, %add3A_1513 : vector<8x1024xf32>
    %slice3A_1515 = vector.extract_strided_slice %dot_general3A_1469 {offsets = [32, 0], sizes = [8, 1024], strides = [1, 1]} : vector<1024x1024xf32> to vector<8x1024xf32>
    %sub3A_1516 = arith.subf %add3A_1514, %slice3A_1515 : vector<8x1024xf32>
    %lt3A_1517 = arith.cmpf olt, %sub3A_1516, %select_n3A_1507 : vector<8x1024xf32>
    %select_n3A_1518 = arith.select %lt3A_1517, %sub3A_1516, %select_n3A_1507 : vector<8x1024xi1>, vector<8x1024xf32>
    %jit3A_1519 = arith.constant 4 : i32
    %broadcast_in_dim3A_1520 = vector.broadcast %jit3A_1519 : i32 to vector<8x1024xi32>
    %select_n3A_1521 = arith.select %lt3A_1517, %broadcast_in_dim3A_1520, %select_n3A_1510 : vector<8x1024xi1>, vector<8x1024xi32>
    %slice3A_1522 = vector.extract_strided_slice %broadcast_in_dim3A {offsets = [40, 0], sizes = [8, 1], strides = [1, 1]} : vector<1024x1xf32> to vector<8x1xf32>
    %add3A_1523 = vector.broadcast %broadcast_in_dim3A_1467 : vector<1x1024xf32> to vector<8x1024xf32>
    %add3A_1524 = vector.broadcast %slice3A_1522 : vector<8x1xf32> to vector<8x1024xf32>
    %add3A_1525 = arith.addf %add3A_1523, %add3A_1524 : vector<8x1024xf32>
    %slice3A_1526 = vector.extract_strided_slice %dot_general3A_1469 {offsets = [40, 0], sizes = [8, 1024], strides = [1, 1]} : vector<1024x1024xf32> to vector<8x1024xf32>
    %sub3A_1527 = arith.subf %add3A_1525, %slice3A_1526 : vector<8x1024xf32>
    %lt3A_1528 = arith.cmpf olt, %sub3A_1527, %select_n3A_1518 : vector<8x1024xf32>
    %select_n3A_1529 = arith.select %lt3A_1528, %sub3A_1527, %select_n3A_1518 : vector<8x1024xi1>, vector<8x1024xf32>
    %jit3A_1530 = arith.constant 5 : i32
    %broadcast_in_dim3A_1531 = vector.broadcast %jit3A_1530 : i32 to vector<8x1024xi32>
    %select_n3A_1532 = arith.select %lt3A_1528, %broadcast_in_dim3A_1531, %select_n3A_1521 : vector<8x1024xi1>, vector<8x1024xi32>
    %slice3A_1533 = vector.extract_strided_slice %broadcast_in_dim3A {offsets = [48, 0], sizes = [8, 1], strides = [1, 1]} : vector<1024x1xf32> to vector<8x1xf32>
    %add3A_1534 = vector.broadcast %broadcast_in_dim3A_1467 : vector<1x1024xf32> to vector<8x1024xf32>
    %add3A_1535 = vector.broadcast %slice3A_1533 : vector<8x1xf32> to vector<8x1024xf32>
    %add3A_1536 = arith.addf %add3A_1534, %add3A_1535 : vector<8x1024xf32>
    %slice3A_1537 = vector.extract_strided_slice %dot_general3A_1469 {offsets = [48, 0], sizes = [8, 1024], strides = [1, 1]} : vector<1024x1024xf32> to vector<8x1024xf32>
    %sub3A_1538 = arith.subf %add3A_1536, %slice3A_1537 : vector<8x1024xf32>
    %lt3A_1539 = arith.cmpf olt, %sub3A_1538, %select_n3A_1529 : vector<8x1024xf32>
    %select_n3A_1540 = arith.select %lt3A_1539, %sub3A_1538, %select_n3A_1529 : vector<8x1024xi1>, vector<8x1024xf32>
    %jit3A_1541 = arith.constant 6 : i32
    %broadcast_in_dim3A_1542 = vector.broadcast %jit3A_1541 : i32 to vector<8x1024xi32>
    %select_n3A_1543 = arith.select %lt3A_1539, %broadcast_in_dim3A_1542, %select_n3A_1532 : vector<8x1024xi1>, vector<8x1024xi32>
    %slice3A_1544 = vector.extract_strided_slice %broadcast_in_dim3A {offsets = [56, 0], sizes = [8, 1], strides = [1, 1]} : vector<1024x1xf32> to vector<8x1xf32>
    %add3A_1545 = vector.broadcast %broadcast_in_dim3A_1467 : vector<1x1024xf32> to vector<8x1024xf32>
    %add3A_1546 = vector.broadcast %slice3A_1544 : vector<8x1xf32> to vector<8x1024xf32>
    %add3A_1547 = arith.addf %add3A_1545, %add3A_1546 : vector<8x1024xf32>
    %slice3A_1548 = vector.extract_strided_slice %dot_general3A_1469 {offsets = [56, 0], sizes = [8, 1024], strides = [1, 1]} : vector<1024x1024xf32> to vector<8x1024xf32>
    %sub3A_1549 = arith.subf %add3A_1547, %slice3A_1548 : vector<8x1024xf32>
    %lt3A_1550 = arith.cmpf olt, %sub3A_1549, %select_n3A_1540 : vector<8x1024xf32>
    %select_n3A_1551 = arith.select %lt3A_1550, %sub3A_1549, %select_n3A_1540 : vector<8x1024xi1>, vector<8x1024xf32>
    %jit3A_1552 = arith.constant 7 : i32
    %broadcast_in_dim3A_1553 = vector.broadcast %jit3A_1552 : i32 to vector<8x1024xi32>
    %select_n3A_1554 = arith.select %lt3A_1550, %broadcast_in_dim3A_1553, %select_n3A_1543 : vector<8x1024xi1>, vector<8x1024xi32>
    %slice3A_1555 = vector.extract_strided_slice %broadcast_in_dim3A {offsets = [64, 0], sizes = [8, 1], strides = [1, 1]} : vector<1024x1xf32> to vector<8x1xf32>
    %add3A_1556 = vector.broadcast %broadcast_in_dim3A_1467 : vector<1x1024xf32> to vector<8x1024xf32>
    %add3A_1557 = vector.broadcast %slice3A_1555 : vector<8x1xf32> to vector<8x1024xf32>
    %add3A_1558 = arith.addf %add3A_1556, %add3A_1557 : vector<8x1024xf32>
    %slice3A_1559 = vector.extract_strided_slice %dot_general3A_1469 {offsets = [64, 0], sizes = [8, 1024], strides = [1, 1]} : vector<1024x1024xf32> to vector<8x1024xf32>
    %sub3A_1560 = arith.subf %add3A_1558, %slice3A_1559 : vector<8x1024xf32>
    %lt3A_1561 = arith.cmpf olt, %sub3A_1560, %select_n3A_1551 : vector<8x1024xf32>
    %select_n3A_1562 = arith.select %lt3A_1561, %sub3A_1560, %select_n3A_1551 : vector<8x1024xi1>, vector<8x1024xf32>
    %jit3A_1563 = arith.constant 8 : i32
    %broadcast_in_dim3A_1564 = vector.broadcast %jit3A_1563 : i32 to vector<8x1024xi32>
    %select_n3A_1565 = arith.select %lt3A_1561, %broadcast_in_dim3A_1564, %select_n3A_1554 : vector<8x1024xi1>, vector<8x1024xi32>
    %slice3A_1566 = vector.extract_strided_slice %broadcast_in_dim3A {offsets = [72, 0], sizes = [8, 1], strides = [1, 1]} : vector<1024x1xf32> to vector<8x1xf32>
    %add3A_1567 = vector.broadcast %broadcast_in_dim3A_1467 : vector<1x1024xf32> to vector<8x1024xf32>
    %add3A_1568 = vector.broadcast %slice3A_1566 : vector<8x1xf32> to vector<8x1024xf32>
    %add3A_1569 = arith.addf %add3A_1567, %add3A_1568 : vector<8x1024xf32>
    %slice3A_1570 = vector.extract_strided_slice %dot_general3A_1469 {offsets = [72, 0], sizes = [8, 1024], strides = [1, 1]} : vector<1024x1024xf32> to vector<8x1024xf32>
    %sub3A_1571 = arith.subf %add3A_1569, %slice3A_1570 : vector<8x1024xf32>
    %lt3A_1572 = arith.cmpf olt, %sub3A_1571, %select_n3A_1562 : vector<8x1024xf32>
    %select_n3A_1573 = arith.select %lt3A_1572, %sub3A_1571, %select_n3A_1562 : vector<8x1024xi1>, vector<8x1024xf32>
    %jit3A_1574 = arith.constant 9 : i32
    %broadcast_in_dim3A_1575 = vector.broadcast %jit3A_1574 : i32 to vector<8x1024xi32>
    %select_n3A_1576 = arith.select %lt3A_1572, %broadcast_in_dim3A_1575, %select_n3A_1565 : vector<8x1024xi1>, vector<8x1024xi32>
    %slice3A_1577 = vector.extract_strided_slice %broadcast_in_dim3A {offsets = [80, 0], sizes = [8, 1], strides = [1, 1]} : vector<1024x1xf32> to vector<8x1xf32>
    %add3A_1578 = vector.broadcast %broadcast_in_dim3A_1467 : vector<1x1024xf32> to vector<8x1024xf32>
    %add3A_1579 = vector.broadcast %slice3A_1577 : vector<8x1xf32> to vector<8x1024xf32>
    %add3A_1580 = arith.addf %add3A_1578, %add3A_1579 : vector<8x1024xf32>
    %slice3A_1581 = vector.extract_strided_slice %dot_general3A_1469 {offsets = [80, 0], sizes = [8, 1024], strides = [1, 1]} : vector<1024x1024xf32> to vector<8x1024xf32>
    %sub3A_1582 = arith.subf %add3A_1580, %slice3A_1581 : vector<8x1024xf32>
    %lt3A_1583 = arith.cmpf olt, %sub3A_1582, %select_n3A_1573 : vector<8x1024xf32>
    %select_n3A_1584 = arith.select %lt3A_1583, %sub3A_1582, %select_n3A_1573 : vector<8x1024xi1>, vector<8x1024xf32>
    %jit3A_1585 = arith.constant 10 : i32
    %broadcast_in_dim3A_1586 = vector.broadcast %jit3A_1585 : i32 to vector<8x1024xi32>
    %select_n3A_1587 = arith.select %lt3A_1583, %broadcast_in_dim3A_1586, %select_n3A_1576 : vector<8x1024xi1>, vector<8x1024xi32>
    %slice3A_1588 = vector.extract_strided_slice %broadcast_in_dim3A {offsets = [88, 0], sizes = [8, 1], strides = [1, 1]} : vector<1024x1xf32> to vector<8x1xf32>
    %add3A_1589 = vector.broadcast %broadcast_in_dim3A_1467 : vector<1x1024xf32> to vector<8x1024xf32>
    %add3A_1590 = vector.broadcast %slice3A_1588 : vector<8x1xf32> to vector<8x1024xf32>
    %add3A_1591 = arith.addf %add3A_1589, %add3A_1590 : vector<8x1024xf32>
    %slice3A_1592 = vector.extract_strided_slice %dot_general3A_1469 {offsets = [88, 0], sizes = [8, 1024], strides = [1, 1]} : vector<1024x1024xf32> to vector<8x1024xf32>
    %sub3A_1593 = arith.subf %add3A_1591, %slice3A_1592 : vector<8x1024xf32>
    %lt3A_1594 = arith.cmpf olt, %sub3A_1593, %select_n3A_1584 : vector<8x1024xf32>
    %select_n3A_1595 = arith.select %lt3A_1594, %sub3A_1593, %select_n3A_1584 : vector<8x1024xi1>, vector<8x1024xf32>
    %jit3A_1596 = arith.constant 11 : i32
    %broadcast_in_dim3A_1597 = vector.broadcast %jit3A_1596 : i32 to vector<8x1024xi32>
    %select_n3A_1598 = arith.select %lt3A_1594, %broadcast_in_dim3A_1597, %select_n3A_1587 : vector<8x1024xi1>, vector<8x1024xi32>
    %slice3A_1599 = vector.extract_strided_slice %broadcast_in_dim3A {offsets = [96, 0], sizes = [8, 1], strides = [1, 1]} : vector<1024x1xf32> to vector<8x1xf32>
    %add3A_1600 = vector.broadcast %broadcast_in_dim3A_1467 : vector<1x1024xf32> to vector<8x1024xf32>
    %add3A_1601 = vector.broadcast %slice3A_1599 : vector<8x1xf32> to vector<8x1024xf32>
    %add3A_1602 = arith.addf %add3A_1600, %add3A_1601 : vector<8x1024xf32>
    %slice3A_1603 = vector.extract_strided_slice %dot_general3A_1469 {offsets = [96, 0], sizes = [8, 1024], strides = [1, 1]} : vector<1024x1024xf32> to vector<8x1024xf32>
    %sub3A_1604 = arith.subf %add3A_1602, %slice3A_1603 : vector<8x1024xf32>
    %lt3A_1605 = arith.cmpf olt, %sub3A_1604, %select_n3A_1595 : vector<8x1024xf32>
    %select_n3A_1606 = arith.select %lt3A_1605, %sub3A_1604, %select_n3A_1595 : vector<8x1024xi1>, vector<8x1024xf32>
    %jit3A_1607 = arith.constant 12 : i32
    %broadcast_in_dim3A_1608 = vector.broadcast %jit3A_1607 : i32 to vector<8x1024xi32>
    %select_n3A_1609 = arith.select %lt3A_1605, %broadcast_in_dim3A_1608, %select_n3A_1598 : vector<8x1024xi1>, vector<8x1024xi32>
    %slice3A_1610 = vector.extract_strided_slice %broadcast_in_dim3A {offsets = [104, 0], sizes = [8, 1], strides = [1, 1]} : vector<1024x1xf32> to vector<8x1xf32>
    %add3A_1611 = vector.broadcast %broadcast_in_dim3A_1467 : vector<1x1024xf32> to vector<8x1024xf32>
    %add3A_1612 = vector.broadcast %slice3A_1610 : vector<8x1xf32> to vector<8x1024xf32>
    %add3A_1613 = arith.addf %add3A_1611, %add3A_1612 : vector<8x1024xf32>
    %slice3A_1614 = vector.extract_strided_slice %dot_general3A_1469 {offsets = [104, 0], sizes = [8, 1024], strides = [1, 1]} : vector<1024x1024xf32> to vector<8x1024xf32>
    %sub3A_1615 = arith.subf %add3A_1613, %slice3A_1614 : vector<8x1024xf32>
    %lt3A_1616 = arith.cmpf olt, %sub3A_1615, %select_n3A_1606 : vector<8x1024xf32>
    %select_n3A_1617 = arith.select %lt3A_1616, %sub3A_1615, %select_n3A_1606 : vector<8x1024xi1>, vector<8x1024xf32>
    %jit3A_1618 = arith.constant 13 : i32
    %broadcast_in_dim3A_1619 = vector.broadcast %jit3A_1618 : i32 to vector<8x1024xi32>
    %select_n3A_1620 = arith.select %lt3A_1616, %broadcast_in_dim3A_1619, %select_n3A_1609 : vector<8x1024xi1>, vector<8x1024xi32>
    %slice3A_1621 = vector.extract_strided_slice %broadcast_in_dim3A {offsets = [112, 0], sizes = [8, 1], strides = [1, 1]} : vector<1024x1xf32> to vector<8x1xf32>
    %add3A_1622 = vector.broadcast %broadcast_in_dim3A_1467 : vector<1x1024xf32> to vector<8x1024xf32>
    %add3A_1623 = vector.broadcast %slice3A_1621 : vector<8x1xf32> to vector<8x1024xf32>
    %add3A_1624 = arith.addf %add3A_1622, %add3A_1623 : vector<8x1024xf32>
    %slice3A_1625 = vector.extract_strided_slice %dot_general3A_1469 {offsets = [112, 0], sizes = [8, 1024], strides = [1, 1]} : vector<1024x1024xf32> to vector<8x1024xf32>
    %sub3A_1626 = arith.subf %add3A_1624, %slice3A_1625 : vector<8x1024xf32>
    %lt3A_1627 = arith.cmpf olt, %sub3A_1626, %select_n3A_1617 : vector<8x1024xf32>
    %select_n3A_1628 = arith.select %lt3A_1627, %sub3A_1626, %select_n3A_1617 : vector<8x1024xi1>, vector<8x1024xf32>
    %jit3A_1629 = arith.constant 14 : i32
    %broadcast_in_dim3A_1630 = vector.broadcast %jit3A_1629 : i32 to vector<8x1024xi32>
    %select_n3A_1631 = arith.select %lt3A_1627, %broadcast_in_dim3A_1630, %select_n3A_1620 : vector<8x1024xi1>, vector<8x1024xi32>
    %slice3A_1632 = vector.extract_strided_slice %broadcast_in_dim3A {offsets = [120, 0], sizes = [8, 1], strides = [1, 1]} : vector<1024x1xf32> to vector<8x1xf32>
    %add3A_1633 = vector.broadcast %broadcast_in_dim3A_1467 : vector<1x1024xf32> to vector<8x1024xf32>
    %add3A_1634 = vector.broadcast %slice3A_1632 : vector<8x1xf32> to vector<8x1024xf32>
    %add3A_1635 = arith.addf %add3A_1633, %add3A_1634 : vector<8x1024xf32>
    %slice3A_1636 = vector.extract_strided_slice %dot_general3A_1469 {offsets = [120, 0], sizes = [8, 1024], strides = [1, 1]} : vector<1024x1024xf32> to vector<8x1024xf32>
    %sub3A_1637 = arith.subf %add3A_1635, %slice3A_1636 : vector<8x1024xf32>
    %lt3A_1638 = arith.cmpf olt, %sub3A_1637, %select_n3A_1628 : vector<8x1024xf32>
    %select_n3A_1639 = arith.select %lt3A_1638, %sub3A_1637, %select_n3A_1628 : vector<8x1024xi1>, vector<8x1024xf32>
    %jit3A_1640 = arith.constant 15 : i32
    %broadcast_in_dim3A_1641 = vector.broadcast %jit3A_1640 : i32 to vector<8x1024xi32>
    %select_n3A_1642 = arith.select %lt3A_1638, %broadcast_in_dim3A_1641, %select_n3A_1631 : vector<8x1024xi1>, vector<8x1024xi32>
    %slice3A_1643 = vector.extract_strided_slice %broadcast_in_dim3A {offsets = [128, 0], sizes = [8, 1], strides = [1, 1]} : vector<1024x1xf32> to vector<8x1xf32>
    %add3A_1644 = vector.broadcast %broadcast_in_dim3A_1467 : vector<1x1024xf32> to vector<8x1024xf32>
    %add3A_1645 = vector.broadcast %slice3A_1643 : vector<8x1xf32> to vector<8x1024xf32>
    %add3A_1646 = arith.addf %add3A_1644, %add3A_1645 : vector<8x1024xf32>
    %slice3A_1647 = vector.extract_strided_slice %dot_general3A_1469 {offsets = [128, 0], sizes = [8, 1024], strides = [1, 1]} : vector<1024x1024xf32> to vector<8x1024xf32>
    %sub3A_1648 = arith.subf %add3A_1646, %slice3A_1647 : vector<8x1024xf32>
    %lt3A_1649 = arith.cmpf olt, %sub3A_1648, %select_n3A_1639 : vector<8x1024xf32>
    %select_n3A_1650 = arith.select %lt3A_1649, %sub3A_1648, %select_n3A_1639 : vector<8x1024xi1>, vector<8x1024xf32>
    %jit3A_1651 = arith.constant 16 : i32
    %broadcast_in_dim3A_1652 = vector.broadcast %jit3A_1651 : i32 to vector<8x1024xi32>
    %select_n3A_1653 = arith.select %lt3A_1649, %broadcast_in_dim3A_1652, %select_n3A_1642 : vector<8x1024xi1>, vector<8x1024xi32>
    %slice3A_1654 = vector.extract_strided_slice %broadcast_in_dim3A {offsets = [136, 0], sizes = [8, 1], strides = [1, 1]} : vector<1024x1xf32> to vector<8x1xf32>
    %add3A_1655 = vector.broadcast %broadcast_in_dim3A_1467 : vector<1x1024xf32> to vector<8x1024xf32>
    %add3A_1656 = vector.broadcast %slice3A_1654 : vector<8x1xf32> to vector<8x1024xf32>
    %add3A_1657 = arith.addf %add3A_1655, %add3A_1656 : vector<8x1024xf32>
    %slice3A_1658 = vector.extract_strided_slice %dot_general3A_1469 {offsets = [136, 0], sizes = [8, 1024], strides = [1, 1]} : vector<1024x1024xf32> to vector<8x1024xf32>
    %sub3A_1659 = arith.subf %add3A_1657, %slice3A_1658 : vector<8x1024xf32>
    %lt3A_1660 = arith.cmpf olt, %sub3A_1659, %select_n3A_1650 : vector<8x1024xf32>
    %select_n3A_1661 = arith.select %lt3A_1660, %sub3A_1659, %select_n3A_1650 : vector<8x1024xi1>, vector<8x1024xf32>
    %jit3A_1662 = arith.constant 17 : i32
    %broadcast_in_dim3A_1663 = vector.broadcast %jit3A_1662 : i32 to vector<8x1024xi32>
    %select_n3A_1664 = arith.select %lt3A_1660, %broadcast_in_dim3A_1663, %select_n3A_1653 : vector<8x1024xi1>, vector<8x1024xi32>
    %slice3A_1665 = vector.extract_strided_slice %broadcast_in_dim3A {offsets = [144, 0], sizes = [8, 1], strides = [1, 1]} : vector<1024x1xf32> to vector<8x1xf32>
    %add3A_1666 = vector.broadcast %broadcast_in_dim3A_1467 : vector<1x1024xf32> to vector<8x1024xf32>
    %add3A_1667 = vector.broadcast %slice3A_1665 : vector<8x1xf32> to vector<8x1024xf32>
    %add3A_1668 = arith.addf %add3A_1666, %add3A_1667 : vector<8x1024xf32>
    %slice3A_1669 = vector.extract_strided_slice %dot_general3A_1469 {offsets = [144, 0], sizes = [8, 1024], strides = [1, 1]} : vector<1024x1024xf32> to vector<8x1024xf32>
    %sub3A_1670 = arith.subf %add3A_1668, %slice3A_1669 : vector<8x1024xf32>
    %lt3A_1671 = arith.cmpf olt, %sub3A_1670, %select_n3A_1661 : vector<8x1024xf32>
    %select_n3A_1672 = arith.select %lt3A_1671, %sub3A_1670, %select_n3A_1661 : vector<8x1024xi1>, vector<8x1024xf32>
    %jit3A_1673 = arith.constant 18 : i32
    %broadcast_in_dim3A_1674 = vector.broadcast %jit3A_1673 : i32 to vector<8x1024xi32>
    %select_n3A_1675 = arith.select %lt3A_1671, %broadcast_in_dim3A_1674, %select_n3A_1664 : vector<8x1024xi1>, vector<8x1024xi32>
    %slice3A_1676 = vector.extract_strided_slice %broadcast_in_dim3A {offsets = [152, 0], sizes = [8, 1], strides = [1, 1]} : vector<1024x1xf32> to vector<8x1xf32>
    %add3A_1677 = vector.broadcast %broadcast_in_dim3A_1467 : vector<1x1024xf32> to vector<8x1024xf32>
    %add3A_1678 = vector.broadcast %slice3A_1676 : vector<8x1xf32> to vector<8x1024xf32>
    %add3A_1679 = arith.addf %add3A_1677, %add3A_1678 : vector<8x1024xf32>
    %slice3A_1680 = vector.extract_strided_slice %dot_general3A_1469 {offsets = [152, 0], sizes = [8, 1024], strides = [1, 1]} : vector<1024x1024xf32> to vector<8x1024xf32>
    %sub3A_1681 = arith.subf %add3A_1679, %slice3A_1680 : vector<8x1024xf32>
    %lt3A_1682 = arith.cmpf olt, %sub3A_1681, %select_n3A_1672 : vector<8x1024xf32>
    %select_n3A_1683 = arith.select %lt3A_1682, %sub3A_1681, %select_n3A_1672 : vector<8x1024xi1>, vector<8x1024xf32>
    %jit3A_1684 = arith.constant 19 : i32
    %broadcast_in_dim3A_1685 = vector.broadcast %jit3A_1684 : i32 to vector<8x1024xi32>
    %select_n3A_1686 = arith.select %lt3A_1682, %broadcast_in_dim3A_1685, %select_n3A_1675 : vector<8x1024xi1>, vector<8x1024xi32>
    %slice3A_1687 = vector.extract_strided_slice %broadcast_in_dim3A {offsets = [160, 0], sizes = [8, 1], strides = [1, 1]} : vector<1024x1xf32> to vector<8x1xf32>
    %add3A_1688 = vector.broadcast %broadcast_in_dim3A_1467 : vector<1x1024xf32> to vector<8x1024xf32>
    %add3A_1689 = vector.broadcast %slice3A_1687 : vector<8x1xf32> to vector<8x1024xf32>
    %add3A_1690 = arith.addf %add3A_1688, %add3A_1689 : vector<8x1024xf32>
    %slice3A_1691 = vector.extract_strided_slice %dot_general3A_1469 {offsets = [160, 0], sizes = [8, 1024], strides = [1, 1]} : vector<1024x1024xf32> to vector<8x1024xf32>
    %sub3A_1692 = arith.subf %add3A_1690, %slice3A_1691 : vector<8x1024xf32>
    %lt3A_1693 = arith.cmpf olt, %sub3A_1692, %select_n3A_1683 : vector<8x1024xf32>
    %select_n3A_1694 = arith.select %lt3A_1693, %sub3A_1692, %select_n3A_1683 : vector<8x1024xi1>, vector<8x1024xf32>
    %jit3A_1695 = arith.constant 20 : i32
    %broadcast_in_dim3A_1696 = vector.broadcast %jit3A_1695 : i32 to vector<8x1024xi32>
    %select_n3A_1697 = arith.select %lt3A_1693, %broadcast_in_dim3A_1696, %select_n3A_1686 : vector<8x1024xi1>, vector<8x1024xi32>
    %slice3A_1698 = vector.extract_strided_slice %broadcast_in_dim3A {offsets = [168, 0], sizes = [8, 1], strides = [1, 1]} : vector<1024x1xf32> to vector<8x1xf32>
    %add3A_1699 = vector.broadcast %broadcast_in_dim3A_1467 : vector<1x1024xf32> to vector<8x1024xf32>
    %add3A_1700 = vector.broadcast %slice3A_1698 : vector<8x1xf32> to vector<8x1024xf32>
    %add3A_1701 = arith.addf %add3A_1699, %add3A_1700 : vector<8x1024xf32>
    %slice3A_1702 = vector.extract_strided_slice %dot_general3A_1469 {offsets = [168, 0], sizes = [8, 1024], strides = [1, 1]} : vector<1024x1024xf32> to vector<8x1024xf32>
    %sub3A_1703 = arith.subf %add3A_1701, %slice3A_1702 : vector<8x1024xf32>
    %lt3A_1704 = arith.cmpf olt, %sub3A_1703, %select_n3A_1694 : vector<8x1024xf32>
    %select_n3A_1705 = arith.select %lt3A_1704, %sub3A_1703, %select_n3A_1694 : vector<8x1024xi1>, vector<8x1024xf32>
    %jit3A_1706 = arith.constant 21 : i32
    %broadcast_in_dim3A_1707 = vector.broadcast %jit3A_1706 : i32 to vector<8x1024xi32>
    %select_n3A_1708 = arith.select %lt3A_1704, %broadcast_in_dim3A_1707, %select_n3A_1697 : vector<8x1024xi1>, vector<8x1024xi32>
    %slice3A_1709 = vector.extract_strided_slice %broadcast_in_dim3A {offsets = [176, 0], sizes = [8, 1], strides = [1, 1]} : vector<1024x1xf32> to vector<8x1xf32>
    %add3A_1710 = vector.broadcast %broadcast_in_dim3A_1467 : vector<1x1024xf32> to vector<8x1024xf32>
    %add3A_1711 = vector.broadcast %slice3A_1709 : vector<8x1xf32> to vector<8x1024xf32>
    %add3A_1712 = arith.addf %add3A_1710, %add3A_1711 : vector<8x1024xf32>
    %slice3A_1713 = vector.extract_strided_slice %dot_general3A_1469 {offsets = [176, 0], sizes = [8, 1024], strides = [1, 1]} : vector<1024x1024xf32> to vector<8x1024xf32>
    %sub3A_1714 = arith.subf %add3A_1712, %slice3A_1713 : vector<8x1024xf32>
    %lt3A_1715 = arith.cmpf olt, %sub3A_1714, %select_n3A_1705 : vector<8x1024xf32>
    %select_n3A_1716 = arith.select %lt3A_1715, %sub3A_1714, %select_n3A_1705 : vector<8x1024xi1>, vector<8x1024xf32>
    %jit3A_1717 = arith.constant 22 : i32
    %broadcast_in_dim3A_1718 = vector.broadcast %jit3A_1717 : i32 to vector<8x1024xi32>
    %select_n3A_1719 = arith.select %lt3A_1715, %broadcast_in_dim3A_1718, %select_n3A_1708 : vector<8x1024xi1>, vector<8x1024xi32>
    %slice3A_1720 = vector.extract_strided_slice %broadcast_in_dim3A {offsets = [184, 0], sizes = [8, 1], strides = [1, 1]} : vector<1024x1xf32> to vector<8x1xf32>
    %add3A_1721 = vector.broadcast %broadcast_in_dim3A_1467 : vector<1x1024xf32> to vector<8x1024xf32>
    %add3A_1722 = vector.broadcast %slice3A_1720 : vector<8x1xf32> to vector<8x1024xf32>
    %add3A_1723 = arith.addf %add3A_1721, %add3A_1722 : vector<8x1024xf32>
    %slice3A_1724 = vector.extract_strided_slice %dot_general3A_1469 {offsets = [184, 0], sizes = [8, 1024], strides = [1, 1]} : vector<1024x1024xf32> to vector<8x1024xf32>
    %sub3A_1725 = arith.subf %add3A_1723, %slice3A_1724 : vector<8x1024xf32>
    %lt3A_1726 = arith.cmpf olt, %sub3A_1725, %select_n3A_1716 : vector<8x1024xf32>
    %select_n3A_1727 = arith.select %lt3A_1726, %sub3A_1725, %select_n3A_1716 : vector<8x1024xi1>, vector<8x1024xf32>
    %jit3A_1728 = arith.constant 23 : i32
    %broadcast_in_dim3A_1729 = vector.broadcast %jit3A_1728 : i32 to vector<8x1024xi32>
    %select_n3A_1730 = arith.select %lt3A_1726, %broadcast_in_dim3A_1729, %select_n3A_1719 : vector<8x1024xi1>, vector<8x1024xi32>
    %slice3A_1731 = vector.extract_strided_slice %broadcast_in_dim3A {offsets = [192, 0], sizes = [8, 1], strides = [1, 1]} : vector<1024x1xf32> to vector<8x1xf32>
    %add3A_1732 = vector.broadcast %broadcast_in_dim3A_1467 : vector<1x1024xf32> to vector<8x1024xf32>
    %add3A_1733 = vector.broadcast %slice3A_1731 : vector<8x1xf32> to vector<8x1024xf32>
    %add3A_1734 = arith.addf %add3A_1732, %add3A_1733 : vector<8x1024xf32>
    %slice3A_1735 = vector.extract_strided_slice %dot_general3A_1469 {offsets = [192, 0], sizes = [8, 1024], strides = [1, 1]} : vector<1024x1024xf32> to vector<8x1024xf32>
    %sub3A_1736 = arith.subf %add3A_1734, %slice3A_1735 : vector<8x1024xf32>
    %lt3A_1737 = arith.cmpf olt, %sub3A_1736, %select_n3A_1727 : vector<8x1024xf32>
    %select_n3A_1738 = arith.select %lt3A_1737, %sub3A_1736, %select_n3A_1727 : vector<8x1024xi1>, vector<8x1024xf32>
    %jit3A_1739 = arith.constant 24 : i32
    %broadcast_in_dim3A_1740 = vector.broadcast %jit3A_1739 : i32 to vector<8x1024xi32>
    %select_n3A_1741 = arith.select %lt3A_1737, %broadcast_in_dim3A_1740, %select_n3A_1730 : vector<8x1024xi1>, vector<8x1024xi32>
    %slice3A_1742 = vector.extract_strided_slice %broadcast_in_dim3A {offsets = [200, 0], sizes = [8, 1], strides = [1, 1]} : vector<1024x1xf32> to vector<8x1xf32>
    %add3A_1743 = vector.broadcast %broadcast_in_dim3A_1467 : vector<1x1024xf32> to vector<8x1024xf32>
    %add3A_1744 = vector.broadcast %slice3A_1742 : vector<8x1xf32> to vector<8x1024xf32>
    %add3A_1745 = arith.addf %add3A_1743, %add3A_1744 : vector<8x1024xf32>
    %slice3A_1746 = vector.extract_strided_slice %dot_general3A_1469 {offsets = [200, 0], sizes = [8, 1024], strides = [1, 1]} : vector<1024x1024xf32> to vector<8x1024xf32>
    %sub3A_1747 = arith.subf %add3A_1745, %slice3A_1746 : vector<8x1024xf32>
    %lt3A_1748 = arith.cmpf olt, %sub3A_1747, %select_n3A_1738 : vector<8x1024xf32>
    %select_n3A_1749 = arith.select %lt3A_1748, %sub3A_1747, %select_n3A_1738 : vector<8x1024xi1>, vector<8x1024xf32>
    %jit3A_1750 = arith.constant 25 : i32
    %broadcast_in_dim3A_1751 = vector.broadcast %jit3A_1750 : i32 to vector<8x1024xi32>
    %select_n3A_1752 = arith.select %lt3A_1748, %broadcast_in_dim3A_1751, %select_n3A_1741 : vector<8x1024xi1>, vector<8x1024xi32>
    %slice3A_1753 = vector.extract_strided_slice %broadcast_in_dim3A {offsets = [208, 0], sizes = [8, 1], strides = [1, 1]} : vector<1024x1xf32> to vector<8x1xf32>
    %add3A_1754 = vector.broadcast %broadcast_in_dim3A_1467 : vector<1x1024xf32> to vector<8x1024xf32>
    %add3A_1755 = vector.broadcast %slice3A_1753 : vector<8x1xf32> to vector<8x1024xf32>
    %add3A_1756 = arith.addf %add3A_1754, %add3A_1755 : vector<8x1024xf32>
    %slice3A_1757 = vector.extract_strided_slice %dot_general3A_1469 {offsets = [208, 0], sizes = [8, 1024], strides = [1, 1]} : vector<1024x1024xf32> to vector<8x1024xf32>
    %sub3A_1758 = arith.subf %add3A_1756, %slice3A_1757 : vector<8x1024xf32>
    %lt3A_1759 = arith.cmpf olt, %sub3A_1758, %select_n3A_1749 : vector<8x1024xf32>
    %select_n3A_1760 = arith.select %lt3A_1759, %sub3A_1758, %select_n3A_1749 : vector<8x1024xi1>, vector<8x1024xf32>
    %jit3A_1761 = arith.constant 26 : i32
    %broadcast_in_dim3A_1762 = vector.broadcast %jit3A_1761 : i32 to vector<8x1024xi32>
    %select_n3A_1763 = arith.select %lt3A_1759, %broadcast_in_dim3A_1762, %select_n3A_1752 : vector<8x1024xi1>, vector<8x1024xi32>
    %slice3A_1764 = vector.extract_strided_slice %broadcast_in_dim3A {offsets = [216, 0], sizes = [8, 1], strides = [1, 1]} : vector<1024x1xf32> to vector<8x1xf32>
    %add3A_1765 = vector.broadcast %broadcast_in_dim3A_1467 : vector<1x1024xf32> to vector<8x1024xf32>
    %add3A_1766 = vector.broadcast %slice3A_1764 : vector<8x1xf32> to vector<8x1024xf32>
    %add3A_1767 = arith.addf %add3A_1765, %add3A_1766 : vector<8x1024xf32>
    %slice3A_1768 = vector.extract_strided_slice %dot_general3A_1469 {offsets = [216, 0], sizes = [8, 1024], strides = [1, 1]} : vector<1024x1024xf32> to vector<8x1024xf32>
    %sub3A_1769 = arith.subf %add3A_1767, %slice3A_1768 : vector<8x1024xf32>
    %lt3A_1770 = arith.cmpf olt, %sub3A_1769, %select_n3A_1760 : vector<8x1024xf32>
    %select_n3A_1771 = arith.select %lt3A_1770, %sub3A_1769, %select_n3A_1760 : vector<8x1024xi1>, vector<8x1024xf32>
    %jit3A_1772 = arith.constant 27 : i32
    %broadcast_in_dim3A_1773 = vector.broadcast %jit3A_1772 : i32 to vector<8x1024xi32>
    %select_n3A_1774 = arith.select %lt3A_1770, %broadcast_in_dim3A_1773, %select_n3A_1763 : vector<8x1024xi1>, vector<8x1024xi32>
    %slice3A_1775 = vector.extract_strided_slice %broadcast_in_dim3A {offsets = [224, 0], sizes = [8, 1], strides = [1, 1]} : vector<1024x1xf32> to vector<8x1xf32>
    %add3A_1776 = vector.broadcast %broadcast_in_dim3A_1467 : vector<1x1024xf32> to vector<8x1024xf32>
    %add3A_1777 = vector.broadcast %slice3A_1775 : vector<8x1xf32> to vector<8x1024xf32>
    %add3A_1778 = arith.addf %add3A_1776, %add3A_1777 : vector<8x1024xf32>
    %slice3A_1779 = vector.extract_strided_slice %dot_general3A_1469 {offsets = [224, 0], sizes = [8, 1024], strides = [1, 1]} : vector<1024x1024xf32> to vector<8x1024xf32>
    %sub3A_1780 = arith.subf %add3A_1778, %slice3A_1779 : vector<8x1024xf32>
    %lt3A_1781 = arith.cmpf olt, %sub3A_1780, %select_n3A_1771 : vector<8x1024xf32>
    %select_n3A_1782 = arith.select %lt3A_1781, %sub3A_1780, %select_n3A_1771 : vector<8x1024xi1>, vector<8x1024xf32>
    %jit3A_1783 = arith.constant 28 : i32
    %broadcast_in_dim3A_1784 = vector.broadcast %jit3A_1783 : i32 to vector<8x1024xi32>
    %select_n3A_1785 = arith.select %lt3A_1781, %broadcast_in_dim3A_1784, %select_n3A_1774 : vector<8x1024xi1>, vector<8x1024xi32>
    %slice3A_1786 = vector.extract_strided_slice %broadcast_in_dim3A {offsets = [232, 0], sizes = [8, 1], strides = [1, 1]} : vector<1024x1xf32> to vector<8x1xf32>
    %add3A_1787 = vector.broadcast %broadcast_in_dim3A_1467 : vector<1x1024xf32> to vector<8x1024xf32>
    %add3A_1788 = vector.broadcast %slice3A_1786 : vector<8x1xf32> to vector<8x1024xf32>
    %add3A_1789 = arith.addf %add3A_1787, %add3A_1788 : vector<8x1024xf32>
    %slice3A_1790 = vector.extract_strided_slice %dot_general3A_1469 {offsets = [232, 0], sizes = [8, 1024], strides = [1, 1]} : vector<1024x1024xf32> to vector<8x1024xf32>
    %sub3A_1791 = arith.subf %add3A_1789, %slice3A_1790 : vector<8x1024xf32>
    %lt3A_1792 = arith.cmpf olt, %sub3A_1791, %select_n3A_1782 : vector<8x1024xf32>
    %select_n3A_1793 = arith.select %lt3A_1792, %sub3A_1791, %select_n3A_1782 : vector<8x1024xi1>, vector<8x1024xf32>
    %jit3A_1794 = arith.constant 29 : i32
    %broadcast_in_dim3A_1795 = vector.broadcast %jit3A_1794 : i32 to vector<8x1024xi32>
    %select_n3A_1796 = arith.select %lt3A_1792, %broadcast_in_dim3A_1795, %select_n3A_1785 : vector<8x1024xi1>, vector<8x1024xi32>
    %slice3A_1797 = vector.extract_strided_slice %broadcast_in_dim3A {offsets = [240, 0], sizes = [8, 1], strides = [1, 1]} : vector<1024x1xf32> to vector<8x1xf32>
    %add3A_1798 = vector.broadcast %broadcast_in_dim3A_1467 : vector<1x1024xf32> to vector<8x1024xf32>
    %add3A_1799 = vector.broadcast %slice3A_1797 : vector<8x1xf32> to vector<8x1024xf32>
    %add3A_1800 = arith.addf %add3A_1798, %add3A_1799 : vector<8x1024xf32>
    %slice3A_1801 = vector.extract_strided_slice %dot_general3A_1469 {offsets = [240, 0], sizes = [8, 1024], strides = [1, 1]} : vector<1024x1024xf32> to vector<8x1024xf32>
    %sub3A_1802 = arith.subf %add3A_1800, %slice3A_1801 : vector<8x1024xf32>
    %lt3A_1803 = arith.cmpf olt, %sub3A_1802, %select_n3A_1793 : vector<8x1024xf32>
    %select_n3A_1804 = arith.select %lt3A_1803, %sub3A_1802, %select_n3A_1793 : vector<8x1024xi1>, vector<8x1024xf32>
    %jit3A_1805 = arith.constant 30 : i32
    %broadcast_in_dim3A_1806 = vector.broadcast %jit3A_1805 : i32 to vector<8x1024xi32>
    %select_n3A_1807 = arith.select %lt3A_1803, %broadcast_in_dim3A_1806, %select_n3A_1796 : vector<8x1024xi1>, vector<8x1024xi32>
    %slice3A_1808 = vector.extract_strided_slice %broadcast_in_dim3A {offsets = [248, 0], sizes = [8, 1], strides = [1, 1]} : vector<1024x1xf32> to vector<8x1xf32>
    %add3A_1809 = vector.broadcast %broadcast_in_dim3A_1467 : vector<1x1024xf32> to vector<8x1024xf32>
    %add3A_1810 = vector.broadcast %slice3A_1808 : vector<8x1xf32> to vector<8x1024xf32>
    %add3A_1811 = arith.addf %add3A_1809, %add3A_1810 : vector<8x1024xf32>
    %slice3A_1812 = vector.extract_strided_slice %dot_general3A_1469 {offsets = [248, 0], sizes = [8, 1024], strides = [1, 1]} : vector<1024x1024xf32> to vector<8x1024xf32>
    %sub3A_1813 = arith.subf %add3A_1811, %slice3A_1812 : vector<8x1024xf32>
    %lt3A_1814 = arith.cmpf olt, %sub3A_1813, %select_n3A_1804 : vector<8x1024xf32>
    %select_n3A_1815 = arith.select %lt3A_1814, %sub3A_1813, %select_n3A_1804 : vector<8x1024xi1>, vector<8x1024xf32>
    %jit3A_1816 = arith.constant 31 : i32
    %broadcast_in_dim3A_1817 = vector.broadcast %jit3A_1816 : i32 to vector<8x1024xi32>
    %select_n3A_1818 = arith.select %lt3A_1814, %broadcast_in_dim3A_1817, %select_n3A_1807 : vector<8x1024xi1>, vector<8x1024xi32>
    %slice3A_1819 = vector.extract_strided_slice %broadcast_in_dim3A {offsets = [256, 0], sizes = [8, 1], strides = [1, 1]} : vector<1024x1xf32> to vector<8x1xf32>
    %add3A_1820 = vector.broadcast %broadcast_in_dim3A_1467 : vector<1x1024xf32> to vector<8x1024xf32>
    %add3A_1821 = vector.broadcast %slice3A_1819 : vector<8x1xf32> to vector<8x1024xf32>
    %add3A_1822 = arith.addf %add3A_1820, %add3A_1821 : vector<8x1024xf32>
    %slice3A_1823 = vector.extract_strided_slice %dot_general3A_1469 {offsets = [256, 0], sizes = [8, 1024], strides = [1, 1]} : vector<1024x1024xf32> to vector<8x1024xf32>
    %sub3A_1824 = arith.subf %add3A_1822, %slice3A_1823 : vector<8x1024xf32>
    %lt3A_1825 = arith.cmpf olt, %sub3A_1824, %select_n3A_1815 : vector<8x1024xf32>
    %select_n3A_1826 = arith.select %lt3A_1825, %sub3A_1824, %select_n3A_1815 : vector<8x1024xi1>, vector<8x1024xf32>
    %jit3A_1827 = arith.constant 32 : i32
    %broadcast_in_dim3A_1828 = vector.broadcast %jit3A_1827 : i32 to vector<8x1024xi32>
    %select_n3A_1829 = arith.select %lt3A_1825, %broadcast_in_dim3A_1828, %select_n3A_1818 : vector<8x1024xi1>, vector<8x1024xi32>
    %slice3A_1830 = vector.extract_strided_slice %broadcast_in_dim3A {offsets = [264, 0], sizes = [8, 1], strides = [1, 1]} : vector<1024x1xf32> to vector<8x1xf32>
    %add3A_1831 = vector.broadcast %broadcast_in_dim3A_1467 : vector<1x1024xf32> to vector<8x1024xf32>
    %add3A_1832 = vector.broadcast %slice3A_1830 : vector<8x1xf32> to vector<8x1024xf32>
    %add3A_1833 = arith.addf %add3A_1831, %add3A_1832 : vector<8x1024xf32>
    %slice3A_1834 = vector.extract_strided_slice %dot_general3A_1469 {offsets = [264, 0], sizes = [8, 1024], strides = [1, 1]} : vector<1024x1024xf32> to vector<8x1024xf32>
    %sub3A_1835 = arith.subf %add3A_1833, %slice3A_1834 : vector<8x1024xf32>
    %lt3A_1836 = arith.cmpf olt, %sub3A_1835, %select_n3A_1826 : vector<8x1024xf32>
    %select_n3A_1837 = arith.select %lt3A_1836, %sub3A_1835, %select_n3A_1826 : vector<8x1024xi1>, vector<8x1024xf32>
    %jit3A_1838 = arith.constant 33 : i32
    %broadcast_in_dim3A_1839 = vector.broadcast %jit3A_1838 : i32 to vector<8x1024xi32>
    %select_n3A_1840 = arith.select %lt3A_1836, %broadcast_in_dim3A_1839, %select_n3A_1829 : vector<8x1024xi1>, vector<8x1024xi32>
    %slice3A_1841 = vector.extract_strided_slice %broadcast_in_dim3A {offsets = [272, 0], sizes = [8, 1], strides = [1, 1]} : vector<1024x1xf32> to vector<8x1xf32>
    %add3A_1842 = vector.broadcast %broadcast_in_dim3A_1467 : vector<1x1024xf32> to vector<8x1024xf32>
    %add3A_1843 = vector.broadcast %slice3A_1841 : vector<8x1xf32> to vector<8x1024xf32>
    %add3A_1844 = arith.addf %add3A_1842, %add3A_1843 : vector<8x1024xf32>
    %slice3A_1845 = vector.extract_strided_slice %dot_general3A_1469 {offsets = [272, 0], sizes = [8, 1024], strides = [1, 1]} : vector<1024x1024xf32> to vector<8x1024xf32>
    %sub3A_1846 = arith.subf %add3A_1844, %slice3A_1845 : vector<8x1024xf32>
    %lt3A_1847 = arith.cmpf olt, %sub3A_1846, %select_n3A_1837 : vector<8x1024xf32>
    %select_n3A_1848 = arith.select %lt3A_1847, %sub3A_1846, %select_n3A_1837 : vector<8x1024xi1>, vector<8x1024xf32>
    %jit3A_1849 = arith.constant 34 : i32
    %broadcast_in_dim3A_1850 = vector.broadcast %jit3A_1849 : i32 to vector<8x1024xi32>
    %select_n3A_1851 = arith.select %lt3A_1847, %broadcast_in_dim3A_1850, %select_n3A_1840 : vector<8x1024xi1>, vector<8x1024xi32>
    %slice3A_1852 = vector.extract_strided_slice %broadcast_in_dim3A {offsets = [280, 0], sizes = [8, 1], strides = [1, 1]} : vector<1024x1xf32> to vector<8x1xf32>
    %add3A_1853 = vector.broadcast %broadcast_in_dim3A_1467 : vector<1x1024xf32> to vector<8x1024xf32>
    %add3A_1854 = vector.broadcast %slice3A_1852 : vector<8x1xf32> to vector<8x1024xf32>
    %add3A_1855 = arith.addf %add3A_1853, %add3A_1854 : vector<8x1024xf32>
    %slice3A_1856 = vector.extract_strided_slice %dot_general3A_1469 {offsets = [280, 0], sizes = [8, 1024], strides = [1, 1]} : vector<1024x1024xf32> to vector<8x1024xf32>
    %sub3A_1857 = arith.subf %add3A_1855, %slice3A_1856 : vector<8x1024xf32>
    %lt3A_1858 = arith.cmpf olt, %sub3A_1857, %select_n3A_1848 : vector<8x1024xf32>
    %select_n3A_1859 = arith.select %lt3A_1858, %sub3A_1857, %select_n3A_1848 : vector<8x1024xi1>, vector<8x1024xf32>
    %jit3A_1860 = arith.constant 35 : i32
    %broadcast_in_dim3A_1861 = vector.broadcast %jit3A_1860 : i32 to vector<8x1024xi32>
    %select_n3A_1862 = arith.select %lt3A_1858, %broadcast_in_dim3A_1861, %select_n3A_1851 : vector<8x1024xi1>, vector<8x1024xi32>
    %slice3A_1863 = vector.extract_strided_slice %broadcast_in_dim3A {offsets = [288, 0], sizes = [8, 1], strides = [1, 1]} : vector<1024x1xf32> to vector<8x1xf32>
    %add3A_1864 = vector.broadcast %broadcast_in_dim3A_1467 : vector<1x1024xf32> to vector<8x1024xf32>
    %add3A_1865 = vector.broadcast %slice3A_1863 : vector<8x1xf32> to vector<8x1024xf32>
    %add3A_1866 = arith.addf %add3A_1864, %add3A_1865 : vector<8x1024xf32>
    %slice3A_1867 = vector.extract_strided_slice %dot_general3A_1469 {offsets = [288, 0], sizes = [8, 1024], strides = [1, 1]} : vector<1024x1024xf32> to vector<8x1024xf32>
    %sub3A_1868 = arith.subf %add3A_1866, %slice3A_1867 : vector<8x1024xf32>
    %lt3A_1869 = arith.cmpf olt, %sub3A_1868, %select_n3A_1859 : vector<8x1024xf32>
    %select_n3A_1870 = arith.select %lt3A_1869, %sub3A_1868, %select_n3A_1859 : vector<8x1024xi1>, vector<8x1024xf32>
    %jit3A_1871 = arith.constant 36 : i32
    %broadcast_in_dim3A_1872 = vector.broadcast %jit3A_1871 : i32 to vector<8x1024xi32>
    %select_n3A_1873 = arith.select %lt3A_1869, %broadcast_in_dim3A_1872, %select_n3A_1862 : vector<8x1024xi1>, vector<8x1024xi32>
    %slice3A_1874 = vector.extract_strided_slice %broadcast_in_dim3A {offsets = [296, 0], sizes = [8, 1], strides = [1, 1]} : vector<1024x1xf32> to vector<8x1xf32>
    %add3A_1875 = vector.broadcast %broadcast_in_dim3A_1467 : vector<1x1024xf32> to vector<8x1024xf32>
    %add3A_1876 = vector.broadcast %slice3A_1874 : vector<8x1xf32> to vector<8x1024xf32>
    %add3A_1877 = arith.addf %add3A_1875, %add3A_1876 : vector<8x1024xf32>
    %slice3A_1878 = vector.extract_strided_slice %dot_general3A_1469 {offsets = [296, 0], sizes = [8, 1024], strides = [1, 1]} : vector<1024x1024xf32> to vector<8x1024xf32>
    %sub3A_1879 = arith.subf %add3A_1877, %slice3A_1878 : vector<8x1024xf32>
    %lt3A_1880 = arith.cmpf olt, %sub3A_1879, %select_n3A_1870 : vector<8x1024xf32>
    %select_n3A_1881 = arith.select %lt3A_1880, %sub3A_1879, %select_n3A_1870 : vector<8x1024xi1>, vector<8x1024xf32>
    %jit3A_1882 = arith.constant 37 : i32
    %broadcast_in_dim3A_1883 = vector.broadcast %jit3A_1882 : i32 to vector<8x1024xi32>
    %select_n3A_1884 = arith.select %lt3A_1880, %broadcast_in_dim3A_1883, %select_n3A_1873 : vector<8x1024xi1>, vector<8x1024xi32>
    %slice3A_1885 = vector.extract_strided_slice %broadcast_in_dim3A {offsets = [304, 0], sizes = [8, 1], strides = [1, 1]} : vector<1024x1xf32> to vector<8x1xf32>
    %add3A_1886 = vector.broadcast %broadcast_in_dim3A_1467 : vector<1x1024xf32> to vector<8x1024xf32>
    %add3A_1887 = vector.broadcast %slice3A_1885 : vector<8x1xf32> to vector<8x1024xf32>
    %add3A_1888 = arith.addf %add3A_1886, %add3A_1887 : vector<8x1024xf32>
    %slice3A_1889 = vector.extract_strided_slice %dot_general3A_1469 {offsets = [304, 0], sizes = [8, 1024], strides = [1, 1]} : vector<1024x1024xf32> to vector<8x1024xf32>
    %sub3A_1890 = arith.subf %add3A_1888, %slice3A_1889 : vector<8x1024xf32>
    %lt3A_1891 = arith.cmpf olt, %sub3A_1890, %select_n3A_1881 : vector<8x1024xf32>
    %select_n3A_1892 = arith.select %lt3A_1891, %sub3A_1890, %select_n3A_1881 : vector<8x1024xi1>, vector<8x1024xf32>
    %jit3A_1893 = arith.constant 38 : i32
    %broadcast_in_dim3A_1894 = vector.broadcast %jit3A_1893 : i32 to vector<8x1024xi32>
    %select_n3A_1895 = arith.select %lt3A_1891, %broadcast_in_dim3A_1894, %select_n3A_1884 : vector<8x1024xi1>, vector<8x1024xi32>
    %slice3A_1896 = vector.extract_strided_slice %broadcast_in_dim3A {offsets = [312, 0], sizes = [8, 1], strides = [1, 1]} : vector<1024x1xf32> to vector<8x1xf32>
    %add3A_1897 = vector.broadcast %broadcast_in_dim3A_1467 : vector<1x1024xf32> to vector<8x1024xf32>
    %add3A_1898 = vector.broadcast %slice3A_1896 : vector<8x1xf32> to vector<8x1024xf32>
    %add3A_1899 = arith.addf %add3A_1897, %add3A_1898 : vector<8x1024xf32>
    %slice3A_1900 = vector.extract_strided_slice %dot_general3A_1469 {offsets = [312, 0], sizes = [8, 1024], strides = [1, 1]} : vector<1024x1024xf32> to vector<8x1024xf32>
    %sub3A_1901 = arith.subf %add3A_1899, %slice3A_1900 : vector<8x1024xf32>
    %lt3A_1902 = arith.cmpf olt, %sub3A_1901, %select_n3A_1892 : vector<8x1024xf32>
    %select_n3A_1903 = arith.select %lt3A_1902, %sub3A_1901, %select_n3A_1892 : vector<8x1024xi1>, vector<8x1024xf32>
    %jit3A_1904 = arith.constant 39 : i32
    %broadcast_in_dim3A_1905 = vector.broadcast %jit3A_1904 : i32 to vector<8x1024xi32>
    %select_n3A_1906 = arith.select %lt3A_1902, %broadcast_in_dim3A_1905, %select_n3A_1895 : vector<8x1024xi1>, vector<8x1024xi32>
    %slice3A_1907 = vector.extract_strided_slice %broadcast_in_dim3A {offsets = [320, 0], sizes = [8, 1], strides = [1, 1]} : vector<1024x1xf32> to vector<8x1xf32>
    %add3A_1908 = vector.broadcast %broadcast_in_dim3A_1467 : vector<1x1024xf32> to vector<8x1024xf32>
    %add3A_1909 = vector.broadcast %slice3A_1907 : vector<8x1xf32> to vector<8x1024xf32>
    %add3A_1910 = arith.addf %add3A_1908, %add3A_1909 : vector<8x1024xf32>
    %slice3A_1911 = vector.extract_strided_slice %dot_general3A_1469 {offsets = [320, 0], sizes = [8, 1024], strides = [1, 1]} : vector<1024x1024xf32> to vector<8x1024xf32>
    %sub3A_1912 = arith.subf %add3A_1910, %slice3A_1911 : vector<8x1024xf32>
    %lt3A_1913 = arith.cmpf olt, %sub3A_1912, %select_n3A_1903 : vector<8x1024xf32>
    %select_n3A_1914 = arith.select %lt3A_1913, %sub3A_1912, %select_n3A_1903 : vector<8x1024xi1>, vector<8x1024xf32>
    %jit3A_1915 = arith.constant 40 : i32
    %broadcast_in_dim3A_1916 = vector.broadcast %jit3A_1915 : i32 to vector<8x1024xi32>
    %select_n3A_1917 = arith.select %lt3A_1913, %broadcast_in_dim3A_1916, %select_n3A_1906 : vector<8x1024xi1>, vector<8x1024xi32>
    %slice3A_1918 = vector.extract_strided_slice %broadcast_in_dim3A {offsets = [328, 0], sizes = [8, 1], strides = [1, 1]} : vector<1024x1xf32> to vector<8x1xf32>
    %add3A_1919 = vector.broadcast %broadcast_in_dim3A_1467 : vector<1x1024xf32> to vector<8x1024xf32>
    %add3A_1920 = vector.broadcast %slice3A_1918 : vector<8x1xf32> to vector<8x1024xf32>
    %add3A_1921 = arith.addf %add3A_1919, %add3A_1920 : vector<8x1024xf32>
    %slice3A_1922 = vector.extract_strided_slice %dot_general3A_1469 {offsets = [328, 0], sizes = [8, 1024], strides = [1, 1]} : vector<1024x1024xf32> to vector<8x1024xf32>
    %sub3A_1923 = arith.subf %add3A_1921, %slice3A_1922 : vector<8x1024xf32>
    %lt3A_1924 = arith.cmpf olt, %sub3A_1923, %select_n3A_1914 : vector<8x1024xf32>
    %select_n3A_1925 = arith.select %lt3A_1924, %sub3A_1923, %select_n3A_1914 : vector<8x1024xi1>, vector<8x1024xf32>
    %jit3A_1926 = arith.constant 41 : i32
    %broadcast_in_dim3A_1927 = vector.broadcast %jit3A_1926 : i32 to vector<8x1024xi32>
    %select_n3A_1928 = arith.select %lt3A_1924, %broadcast_in_dim3A_1927, %select_n3A_1917 : vector<8x1024xi1>, vector<8x1024xi32>
    %slice3A_1929 = vector.extract_strided_slice %broadcast_in_dim3A {offsets = [336, 0], sizes = [8, 1], strides = [1, 1]} : vector<1024x1xf32> to vector<8x1xf32>
    %add3A_1930 = vector.broadcast %broadcast_in_dim3A_1467 : vector<1x1024xf32> to vector<8x1024xf32>
    %add3A_1931 = vector.broadcast %slice3A_1929 : vector<8x1xf32> to vector<8x1024xf32>
    %add3A_1932 = arith.addf %add3A_1930, %add3A_1931 : vector<8x1024xf32>
    %slice3A_1933 = vector.extract_strided_slice %dot_general3A_1469 {offsets = [336, 0], sizes = [8, 1024], strides = [1, 1]} : vector<1024x1024xf32> to vector<8x1024xf32>
    %sub3A_1934 = arith.subf %add3A_1932, %slice3A_1933 : vector<8x1024xf32>
    %lt3A_1935 = arith.cmpf olt, %sub3A_1934, %select_n3A_1925 : vector<8x1024xf32>
    %select_n3A_1936 = arith.select %lt3A_1935, %sub3A_1934, %select_n3A_1925 : vector<8x1024xi1>, vector<8x1024xf32>
    %jit3A_1937 = arith.constant 42 : i32
    %broadcast_in_dim3A_1938 = vector.broadcast %jit3A_1937 : i32 to vector<8x1024xi32>
    %select_n3A_1939 = arith.select %lt3A_1935, %broadcast_in_dim3A_1938, %select_n3A_1928 : vector<8x1024xi1>, vector<8x1024xi32>
    %slice3A_1940 = vector.extract_strided_slice %broadcast_in_dim3A {offsets = [344, 0], sizes = [8, 1], strides = [1, 1]} : vector<1024x1xf32> to vector<8x1xf32>
    %add3A_1941 = vector.broadcast %broadcast_in_dim3A_1467 : vector<1x1024xf32> to vector<8x1024xf32>
    %add3A_1942 = vector.broadcast %slice3A_1940 : vector<8x1xf32> to vector<8x1024xf32>
    %add3A_1943 = arith.addf %add3A_1941, %add3A_1942 : vector<8x1024xf32>
    %slice3A_1944 = vector.extract_strided_slice %dot_general3A_1469 {offsets = [344, 0], sizes = [8, 1024], strides = [1, 1]} : vector<1024x1024xf32> to vector<8x1024xf32>
    %sub3A_1945 = arith.subf %add3A_1943, %slice3A_1944 : vector<8x1024xf32>
    %lt3A_1946 = arith.cmpf olt, %sub3A_1945, %select_n3A_1936 : vector<8x1024xf32>
    %select_n3A_1947 = arith.select %lt3A_1946, %sub3A_1945, %select_n3A_1936 : vector<8x1024xi1>, vector<8x1024xf32>
    %jit3A_1948 = arith.constant 43 : i32
    %broadcast_in_dim3A_1949 = vector.broadcast %jit3A_1948 : i32 to vector<8x1024xi32>
    %select_n3A_1950 = arith.select %lt3A_1946, %broadcast_in_dim3A_1949, %select_n3A_1939 : vector<8x1024xi1>, vector<8x1024xi32>
    %slice3A_1951 = vector.extract_strided_slice %broadcast_in_dim3A {offsets = [352, 0], sizes = [8, 1], strides = [1, 1]} : vector<1024x1xf32> to vector<8x1xf32>
    %add3A_1952 = vector.broadcast %broadcast_in_dim3A_1467 : vector<1x1024xf32> to vector<8x1024xf32>
    %add3A_1953 = vector.broadcast %slice3A_1951 : vector<8x1xf32> to vector<8x1024xf32>
    %add3A_1954 = arith.addf %add3A_1952, %add3A_1953 : vector<8x1024xf32>
    %slice3A_1955 = vector.extract_strided_slice %dot_general3A_1469 {offsets = [352, 0], sizes = [8, 1024], strides = [1, 1]} : vector<1024x1024xf32> to vector<8x1024xf32>
    %sub3A_1956 = arith.subf %add3A_1954, %slice3A_1955 : vector<8x1024xf32>
    %lt3A_1957 = arith.cmpf olt, %sub3A_1956, %select_n3A_1947 : vector<8x1024xf32>
    %select_n3A_1958 = arith.select %lt3A_1957, %sub3A_1956, %select_n3A_1947 : vector<8x1024xi1>, vector<8x1024xf32>
    %jit3A_1959 = arith.constant 44 : i32
    %broadcast_in_dim3A_1960 = vector.broadcast %jit3A_1959 : i32 to vector<8x1024xi32>
    %select_n3A_1961 = arith.select %lt3A_1957, %broadcast_in_dim3A_1960, %select_n3A_1950 : vector<8x1024xi1>, vector<8x1024xi32>
    %slice3A_1962 = vector.extract_strided_slice %broadcast_in_dim3A {offsets = [360, 0], sizes = [8, 1], strides = [1, 1]} : vector<1024x1xf32> to vector<8x1xf32>
    %add3A_1963 = vector.broadcast %broadcast_in_dim3A_1467 : vector<1x1024xf32> to vector<8x1024xf32>
    %add3A_1964 = vector.broadcast %slice3A_1962 : vector<8x1xf32> to vector<8x1024xf32>
    %add3A_1965 = arith.addf %add3A_1963, %add3A_1964 : vector<8x1024xf32>
    %slice3A_1966 = vector.extract_strided_slice %dot_general3A_1469 {offsets = [360, 0], sizes = [8, 1024], strides = [1, 1]} : vector<1024x1024xf32> to vector<8x1024xf32>
    %sub3A_1967 = arith.subf %add3A_1965, %slice3A_1966 : vector<8x1024xf32>
    %lt3A_1968 = arith.cmpf olt, %sub3A_1967, %select_n3A_1958 : vector<8x1024xf32>
    %select_n3A_1969 = arith.select %lt3A_1968, %sub3A_1967, %select_n3A_1958 : vector<8x1024xi1>, vector<8x1024xf32>
    %jit3A_1970 = arith.constant 45 : i32
    %broadcast_in_dim3A_1971 = vector.broadcast %jit3A_1970 : i32 to vector<8x1024xi32>
    %select_n3A_1972 = arith.select %lt3A_1968, %broadcast_in_dim3A_1971, %select_n3A_1961 : vector<8x1024xi1>, vector<8x1024xi32>
    %slice3A_1973 = vector.extract_strided_slice %broadcast_in_dim3A {offsets = [368, 0], sizes = [8, 1], strides = [1, 1]} : vector<1024x1xf32> to vector<8x1xf32>
    %add3A_1974 = vector.broadcast %broadcast_in_dim3A_1467 : vector<1x1024xf32> to vector<8x1024xf32>
    %add3A_1975 = vector.broadcast %slice3A_1973 : vector<8x1xf32> to vector<8x1024xf32>
    %add3A_1976 = arith.addf %add3A_1974, %add3A_1975 : vector<8x1024xf32>
    %slice3A_1977 = vector.extract_strided_slice %dot_general3A_1469 {offsets = [368, 0], sizes = [8, 1024], strides = [1, 1]} : vector<1024x1024xf32> to vector<8x1024xf32>
    %sub3A_1978 = arith.subf %add3A_1976, %slice3A_1977 : vector<8x1024xf32>
    %lt3A_1979 = arith.cmpf olt, %sub3A_1978, %select_n3A_1969 : vector<8x1024xf32>
    %select_n3A_1980 = arith.select %lt3A_1979, %sub3A_1978, %select_n3A_1969 : vector<8x1024xi1>, vector<8x1024xf32>
    %jit3A_1981 = arith.constant 46 : i32
    %broadcast_in_dim3A_1982 = vector.broadcast %jit3A_1981 : i32 to vector<8x1024xi32>
    %select_n3A_1983 = arith.select %lt3A_1979, %broadcast_in_dim3A_1982, %select_n3A_1972 : vector<8x1024xi1>, vector<8x1024xi32>
    %slice3A_1984 = vector.extract_strided_slice %broadcast_in_dim3A {offsets = [376, 0], sizes = [8, 1], strides = [1, 1]} : vector<1024x1xf32> to vector<8x1xf32>
    %add3A_1985 = vector.broadcast %broadcast_in_dim3A_1467 : vector<1x1024xf32> to vector<8x1024xf32>
    %add3A_1986 = vector.broadcast %slice3A_1984 : vector<8x1xf32> to vector<8x1024xf32>
    %add3A_1987 = arith.addf %add3A_1985, %add3A_1986 : vector<8x1024xf32>
    %slice3A_1988 = vector.extract_strided_slice %dot_general3A_1469 {offsets = [376, 0], sizes = [8, 1024], strides = [1, 1]} : vector<1024x1024xf32> to vector<8x1024xf32>
    %sub3A_1989 = arith.subf %add3A_1987, %slice3A_1988 : vector<8x1024xf32>
    %lt3A_1990 = arith.cmpf olt, %sub3A_1989, %select_n3A_1980 : vector<8x1024xf32>
    %select_n3A_1991 = arith.select %lt3A_1990, %sub3A_1989, %select_n3A_1980 : vector<8x1024xi1>, vector<8x1024xf32>
    %jit3A_1992 = arith.constant 47 : i32
    %broadcast_in_dim3A_1993 = vector.broadcast %jit3A_1992 : i32 to vector<8x1024xi32>
    %select_n3A_1994 = arith.select %lt3A_1990, %broadcast_in_dim3A_1993, %select_n3A_1983 : vector<8x1024xi1>, vector<8x1024xi32>
    %slice3A_1995 = vector.extract_strided_slice %broadcast_in_dim3A {offsets = [384, 0], sizes = [8, 1], strides = [1, 1]} : vector<1024x1xf32> to vector<8x1xf32>
    %add3A_1996 = vector.broadcast %broadcast_in_dim3A_1467 : vector<1x1024xf32> to vector<8x1024xf32>
    %add3A_1997 = vector.broadcast %slice3A_1995 : vector<8x1xf32> to vector<8x1024xf32>
    %add3A_1998 = arith.addf %add3A_1996, %add3A_1997 : vector<8x1024xf32>
    %slice3A_1999 = vector.extract_strided_slice %dot_general3A_1469 {offsets = [384, 0], sizes = [8, 1024], strides = [1, 1]} : vector<1024x1024xf32> to vector<8x1024xf32>
    %sub3A_2000 = arith.subf %add3A_1998, %slice3A_1999 : vector<8x1024xf32>
    %lt3A_2001 = arith.cmpf olt, %sub3A_2000, %select_n3A_1991 : vector<8x1024xf32>
    %select_n3A_2002 = arith.select %lt3A_2001, %sub3A_2000, %select_n3A_1991 : vector<8x1024xi1>, vector<8x1024xf32>
    %jit3A_2003 = arith.constant 48 : i32
    %broadcast_in_dim3A_2004 = vector.broadcast %jit3A_2003 : i32 to vector<8x1024xi32>
    %select_n3A_2005 = arith.select %lt3A_2001, %broadcast_in_dim3A_2004, %select_n3A_1994 : vector<8x1024xi1>, vector<8x1024xi32>
    %slice3A_2006 = vector.extract_strided_slice %broadcast_in_dim3A {offsets = [392, 0], sizes = [8, 1], strides = [1, 1]} : vector<1024x1xf32> to vector<8x1xf32>
    %add3A_2007 = vector.broadcast %broadcast_in_dim3A_1467 : vector<1x1024xf32> to vector<8x1024xf32>
    %add3A_2008 = vector.broadcast %slice3A_2006 : vector<8x1xf32> to vector<8x1024xf32>
    %add3A_2009 = arith.addf %add3A_2007, %add3A_2008 : vector<8x1024xf32>
    %slice3A_2010 = vector.extract_strided_slice %dot_general3A_1469 {offsets = [392, 0], sizes = [8, 1024], strides = [1, 1]} : vector<1024x1024xf32> to vector<8x1024xf32>
    %sub3A_2011 = arith.subf %add3A_2009, %slice3A_2010 : vector<8x1024xf32>
    %lt3A_2012 = arith.cmpf olt, %sub3A_2011, %select_n3A_2002 : vector<8x1024xf32>
    %select_n3A_2013 = arith.select %lt3A_2012, %sub3A_2011, %select_n3A_2002 : vector<8x1024xi1>, vector<8x1024xf32>
    %jit3A_2014 = arith.constant 49 : i32
    %broadcast_in_dim3A_2015 = vector.broadcast %jit3A_2014 : i32 to vector<8x1024xi32>
    %select_n3A_2016 = arith.select %lt3A_2012, %broadcast_in_dim3A_2015, %select_n3A_2005 : vector<8x1024xi1>, vector<8x1024xi32>
    %slice3A_2017 = vector.extract_strided_slice %broadcast_in_dim3A {offsets = [400, 0], sizes = [8, 1], strides = [1, 1]} : vector<1024x1xf32> to vector<8x1xf32>
    %add3A_2018 = vector.broadcast %broadcast_in_dim3A_1467 : vector<1x1024xf32> to vector<8x1024xf32>
    %add3A_2019 = vector.broadcast %slice3A_2017 : vector<8x1xf32> to vector<8x1024xf32>
    %add3A_2020 = arith.addf %add3A_2018, %add3A_2019 : vector<8x1024xf32>
    %slice3A_2021 = vector.extract_strided_slice %dot_general3A_1469 {offsets = [400, 0], sizes = [8, 1024], strides = [1, 1]} : vector<1024x1024xf32> to vector<8x1024xf32>
    %sub3A_2022 = arith.subf %add3A_2020, %slice3A_2021 : vector<8x1024xf32>
    %lt3A_2023 = arith.cmpf olt, %sub3A_2022, %select_n3A_2013 : vector<8x1024xf32>
    %select_n3A_2024 = arith.select %lt3A_2023, %sub3A_2022, %select_n3A_2013 : vector<8x1024xi1>, vector<8x1024xf32>
    %jit3A_2025 = arith.constant 50 : i32
    %broadcast_in_dim3A_2026 = vector.broadcast %jit3A_2025 : i32 to vector<8x1024xi32>
    %select_n3A_2027 = arith.select %lt3A_2023, %broadcast_in_dim3A_2026, %select_n3A_2016 : vector<8x1024xi1>, vector<8x1024xi32>
    %slice3A_2028 = vector.extract_strided_slice %broadcast_in_dim3A {offsets = [408, 0], sizes = [8, 1], strides = [1, 1]} : vector<1024x1xf32> to vector<8x1xf32>
    %add3A_2029 = vector.broadcast %broadcast_in_dim3A_1467 : vector<1x1024xf32> to vector<8x1024xf32>
    %add3A_2030 = vector.broadcast %slice3A_2028 : vector<8x1xf32> to vector<8x1024xf32>
    %add3A_2031 = arith.addf %add3A_2029, %add3A_2030 : vector<8x1024xf32>
    %slice3A_2032 = vector.extract_strided_slice %dot_general3A_1469 {offsets = [408, 0], sizes = [8, 1024], strides = [1, 1]} : vector<1024x1024xf32> to vector<8x1024xf32>
    %sub3A_2033 = arith.subf %add3A_2031, %slice3A_2032 : vector<8x1024xf32>
    %lt3A_2034 = arith.cmpf olt, %sub3A_2033, %select_n3A_2024 : vector<8x1024xf32>
    %select_n3A_2035 = arith.select %lt3A_2034, %sub3A_2033, %select_n3A_2024 : vector<8x1024xi1>, vector<8x1024xf32>
    %jit3A_2036 = arith.constant 51 : i32
    %broadcast_in_dim3A_2037 = vector.broadcast %jit3A_2036 : i32 to vector<8x1024xi32>
    %select_n3A_2038 = arith.select %lt3A_2034, %broadcast_in_dim3A_2037, %select_n3A_2027 : vector<8x1024xi1>, vector<8x1024xi32>
    %slice3A_2039 = vector.extract_strided_slice %broadcast_in_dim3A {offsets = [416, 0], sizes = [8, 1], strides = [1, 1]} : vector<1024x1xf32> to vector<8x1xf32>
    %add3A_2040 = vector.broadcast %broadcast_in_dim3A_1467 : vector<1x1024xf32> to vector<8x1024xf32>
    %add3A_2041 = vector.broadcast %slice3A_2039 : vector<8x1xf32> to vector<8x1024xf32>
    %add3A_2042 = arith.addf %add3A_2040, %add3A_2041 : vector<8x1024xf32>
    %slice3A_2043 = vector.extract_strided_slice %dot_general3A_1469 {offsets = [416, 0], sizes = [8, 1024], strides = [1, 1]} : vector<1024x1024xf32> to vector<8x1024xf32>
    %sub3A_2044 = arith.subf %add3A_2042, %slice3A_2043 : vector<8x1024xf32>
    %lt3A_2045 = arith.cmpf olt, %sub3A_2044, %select_n3A_2035 : vector<8x1024xf32>
    %select_n3A_2046 = arith.select %lt3A_2045, %sub3A_2044, %select_n3A_2035 : vector<8x1024xi1>, vector<8x1024xf32>
    %jit3A_2047 = arith.constant 52 : i32
    %broadcast_in_dim3A_2048 = vector.broadcast %jit3A_2047 : i32 to vector<8x1024xi32>
    %select_n3A_2049 = arith.select %lt3A_2045, %broadcast_in_dim3A_2048, %select_n3A_2038 : vector<8x1024xi1>, vector<8x1024xi32>
    %slice3A_2050 = vector.extract_strided_slice %broadcast_in_dim3A {offsets = [424, 0], sizes = [8, 1], strides = [1, 1]} : vector<1024x1xf32> to vector<8x1xf32>
    %add3A_2051 = vector.broadcast %broadcast_in_dim3A_1467 : vector<1x1024xf32> to vector<8x1024xf32>
    %add3A_2052 = vector.broadcast %slice3A_2050 : vector<8x1xf32> to vector<8x1024xf32>
    %add3A_2053 = arith.addf %add3A_2051, %add3A_2052 : vector<8x1024xf32>
    %slice3A_2054 = vector.extract_strided_slice %dot_general3A_1469 {offsets = [424, 0], sizes = [8, 1024], strides = [1, 1]} : vector<1024x1024xf32> to vector<8x1024xf32>
    %sub3A_2055 = arith.subf %add3A_2053, %slice3A_2054 : vector<8x1024xf32>
    %lt3A_2056 = arith.cmpf olt, %sub3A_2055, %select_n3A_2046 : vector<8x1024xf32>
    %select_n3A_2057 = arith.select %lt3A_2056, %sub3A_2055, %select_n3A_2046 : vector<8x1024xi1>, vector<8x1024xf32>
    %jit3A_2058 = arith.constant 53 : i32
    %broadcast_in_dim3A_2059 = vector.broadcast %jit3A_2058 : i32 to vector<8x1024xi32>
    %select_n3A_2060 = arith.select %lt3A_2056, %broadcast_in_dim3A_2059, %select_n3A_2049 : vector<8x1024xi1>, vector<8x1024xi32>
    %slice3A_2061 = vector.extract_strided_slice %broadcast_in_dim3A {offsets = [432, 0], sizes = [8, 1], strides = [1, 1]} : vector<1024x1xf32> to vector<8x1xf32>
    %add3A_2062 = vector.broadcast %broadcast_in_dim3A_1467 : vector<1x1024xf32> to vector<8x1024xf32>
    %add3A_2063 = vector.broadcast %slice3A_2061 : vector<8x1xf32> to vector<8x1024xf32>
    %add3A_2064 = arith.addf %add3A_2062, %add3A_2063 : vector<8x1024xf32>
    %slice3A_2065 = vector.extract_strided_slice %dot_general3A_1469 {offsets = [432, 0], sizes = [8, 1024], strides = [1, 1]} : vector<1024x1024xf32> to vector<8x1024xf32>
    %sub3A_2066 = arith.subf %add3A_2064, %slice3A_2065 : vector<8x1024xf32>
    %lt3A_2067 = arith.cmpf olt, %sub3A_2066, %select_n3A_2057 : vector<8x1024xf32>
    %select_n3A_2068 = arith.select %lt3A_2067, %sub3A_2066, %select_n3A_2057 : vector<8x1024xi1>, vector<8x1024xf32>
    %jit3A_2069 = arith.constant 54 : i32
    %broadcast_in_dim3A_2070 = vector.broadcast %jit3A_2069 : i32 to vector<8x1024xi32>
    %select_n3A_2071 = arith.select %lt3A_2067, %broadcast_in_dim3A_2070, %select_n3A_2060 : vector<8x1024xi1>, vector<8x1024xi32>
    %slice3A_2072 = vector.extract_strided_slice %broadcast_in_dim3A {offsets = [440, 0], sizes = [8, 1], strides = [1, 1]} : vector<1024x1xf32> to vector<8x1xf32>
    %add3A_2073 = vector.broadcast %broadcast_in_dim3A_1467 : vector<1x1024xf32> to vector<8x1024xf32>
    %add3A_2074 = vector.broadcast %slice3A_2072 : vector<8x1xf32> to vector<8x1024xf32>
    %add3A_2075 = arith.addf %add3A_2073, %add3A_2074 : vector<8x1024xf32>
    %slice3A_2076 = vector.extract_strided_slice %dot_general3A_1469 {offsets = [440, 0], sizes = [8, 1024], strides = [1, 1]} : vector<1024x1024xf32> to vector<8x1024xf32>
    %sub3A_2077 = arith.subf %add3A_2075, %slice3A_2076 : vector<8x1024xf32>
    %lt3A_2078 = arith.cmpf olt, %sub3A_2077, %select_n3A_2068 : vector<8x1024xf32>
    %select_n3A_2079 = arith.select %lt3A_2078, %sub3A_2077, %select_n3A_2068 : vector<8x1024xi1>, vector<8x1024xf32>
    %jit3A_2080 = arith.constant 55 : i32
    %broadcast_in_dim3A_2081 = vector.broadcast %jit3A_2080 : i32 to vector<8x1024xi32>
    %select_n3A_2082 = arith.select %lt3A_2078, %broadcast_in_dim3A_2081, %select_n3A_2071 : vector<8x1024xi1>, vector<8x1024xi32>
    %slice3A_2083 = vector.extract_strided_slice %broadcast_in_dim3A {offsets = [448, 0], sizes = [8, 1], strides = [1, 1]} : vector<1024x1xf32> to vector<8x1xf32>
    %add3A_2084 = vector.broadcast %broadcast_in_dim3A_1467 : vector<1x1024xf32> to vector<8x1024xf32>
    %add3A_2085 = vector.broadcast %slice3A_2083 : vector<8x1xf32> to vector<8x1024xf32>
    %add3A_2086 = arith.addf %add3A_2084, %add3A_2085 : vector<8x1024xf32>
    %slice3A_2087 = vector.extract_strided_slice %dot_general3A_1469 {offsets = [448, 0], sizes = [8, 1024], strides = [1, 1]} : vector<1024x1024xf32> to vector<8x1024xf32>
    %sub3A_2088 = arith.subf %add3A_2086, %slice3A_2087 : vector<8x1024xf32>
    %lt3A_2089 = arith.cmpf olt, %sub3A_2088, %select_n3A_2079 : vector<8x1024xf32>
    %select_n3A_2090 = arith.select %lt3A_2089, %sub3A_2088, %select_n3A_2079 : vector<8x1024xi1>, vector<8x1024xf32>
    %jit3A_2091 = arith.constant 56 : i32
    %broadcast_in_dim3A_2092 = vector.broadcast %jit3A_2091 : i32 to vector<8x1024xi32>
    %select_n3A_2093 = arith.select %lt3A_2089, %broadcast_in_dim3A_2092, %select_n3A_2082 : vector<8x1024xi1>, vector<8x1024xi32>
    %slice3A_2094 = vector.extract_strided_slice %broadcast_in_dim3A {offsets = [456, 0], sizes = [8, 1], strides = [1, 1]} : vector<1024x1xf32> to vector<8x1xf32>
    %add3A_2095 = vector.broadcast %broadcast_in_dim3A_1467 : vector<1x1024xf32> to vector<8x1024xf32>
    %add3A_2096 = vector.broadcast %slice3A_2094 : vector<8x1xf32> to vector<8x1024xf32>
    %add3A_2097 = arith.addf %add3A_2095, %add3A_2096 : vector<8x1024xf32>
    %slice3A_2098 = vector.extract_strided_slice %dot_general3A_1469 {offsets = [456, 0], sizes = [8, 1024], strides = [1, 1]} : vector<1024x1024xf32> to vector<8x1024xf32>
    %sub3A_2099 = arith.subf %add3A_2097, %slice3A_2098 : vector<8x1024xf32>
    %lt3A_2100 = arith.cmpf olt, %sub3A_2099, %select_n3A_2090 : vector<8x1024xf32>
    %select_n3A_2101 = arith.select %lt3A_2100, %sub3A_2099, %select_n3A_2090 : vector<8x1024xi1>, vector<8x1024xf32>
    %jit3A_2102 = arith.constant 57 : i32
    %broadcast_in_dim3A_2103 = vector.broadcast %jit3A_2102 : i32 to vector<8x1024xi32>
    %select_n3A_2104 = arith.select %lt3A_2100, %broadcast_in_dim3A_2103, %select_n3A_2093 : vector<8x1024xi1>, vector<8x1024xi32>
    %slice3A_2105 = vector.extract_strided_slice %broadcast_in_dim3A {offsets = [464, 0], sizes = [8, 1], strides = [1, 1]} : vector<1024x1xf32> to vector<8x1xf32>
    %add3A_2106 = vector.broadcast %broadcast_in_dim3A_1467 : vector<1x1024xf32> to vector<8x1024xf32>
    %add3A_2107 = vector.broadcast %slice3A_2105 : vector<8x1xf32> to vector<8x1024xf32>
    %add3A_2108 = arith.addf %add3A_2106, %add3A_2107 : vector<8x1024xf32>
    %slice3A_2109 = vector.extract_strided_slice %dot_general3A_1469 {offsets = [464, 0], sizes = [8, 1024], strides = [1, 1]} : vector<1024x1024xf32> to vector<8x1024xf32>
    %sub3A_2110 = arith.subf %add3A_2108, %slice3A_2109 : vector<8x1024xf32>
    %lt3A_2111 = arith.cmpf olt, %sub3A_2110, %select_n3A_2101 : vector<8x1024xf32>
    %select_n3A_2112 = arith.select %lt3A_2111, %sub3A_2110, %select_n3A_2101 : vector<8x1024xi1>, vector<8x1024xf32>
    %jit3A_2113 = arith.constant 58 : i32
    %broadcast_in_dim3A_2114 = vector.broadcast %jit3A_2113 : i32 to vector<8x1024xi32>
    %select_n3A_2115 = arith.select %lt3A_2111, %broadcast_in_dim3A_2114, %select_n3A_2104 : vector<8x1024xi1>, vector<8x1024xi32>
    %slice3A_2116 = vector.extract_strided_slice %broadcast_in_dim3A {offsets = [472, 0], sizes = [8, 1], strides = [1, 1]} : vector<1024x1xf32> to vector<8x1xf32>
    %add3A_2117 = vector.broadcast %broadcast_in_dim3A_1467 : vector<1x1024xf32> to vector<8x1024xf32>
    %add3A_2118 = vector.broadcast %slice3A_2116 : vector<8x1xf32> to vector<8x1024xf32>
    %add3A_2119 = arith.addf %add3A_2117, %add3A_2118 : vector<8x1024xf32>
    %slice3A_2120 = vector.extract_strided_slice %dot_general3A_1469 {offsets = [472, 0], sizes = [8, 1024], strides = [1, 1]} : vector<1024x1024xf32> to vector<8x1024xf32>
    %sub3A_2121 = arith.subf %add3A_2119, %slice3A_2120 : vector<8x1024xf32>
    %lt3A_2122 = arith.cmpf olt, %sub3A_2121, %select_n3A_2112 : vector<8x1024xf32>
    %select_n3A_2123 = arith.select %lt3A_2122, %sub3A_2121, %select_n3A_2112 : vector<8x1024xi1>, vector<8x1024xf32>
    %jit3A_2124 = arith.constant 59 : i32
    %broadcast_in_dim3A_2125 = vector.broadcast %jit3A_2124 : i32 to vector<8x1024xi32>
    %select_n3A_2126 = arith.select %lt3A_2122, %broadcast_in_dim3A_2125, %select_n3A_2115 : vector<8x1024xi1>, vector<8x1024xi32>
    %slice3A_2127 = vector.extract_strided_slice %broadcast_in_dim3A {offsets = [480, 0], sizes = [8, 1], strides = [1, 1]} : vector<1024x1xf32> to vector<8x1xf32>
    %add3A_2128 = vector.broadcast %broadcast_in_dim3A_1467 : vector<1x1024xf32> to vector<8x1024xf32>
    %add3A_2129 = vector.broadcast %slice3A_2127 : vector<8x1xf32> to vector<8x1024xf32>
    %add3A_2130 = arith.addf %add3A_2128, %add3A_2129 : vector<8x1024xf32>
    %slice3A_2131 = vector.extract_strided_slice %dot_general3A_1469 {offsets = [480, 0], sizes = [8, 1024], strides = [1, 1]} : vector<1024x1024xf32> to vector<8x1024xf32>
    %sub3A_2132 = arith.subf %add3A_2130, %slice3A_2131 : vector<8x1024xf32>
    %lt3A_2133 = arith.cmpf olt, %sub3A_2132, %select_n3A_2123 : vector<8x1024xf32>
    %select_n3A_2134 = arith.select %lt3A_2133, %sub3A_2132, %select_n3A_2123 : vector<8x1024xi1>, vector<8x1024xf32>
    %jit3A_2135 = arith.constant 60 : i32
    %broadcast_in_dim3A_2136 = vector.broadcast %jit3A_2135 : i32 to vector<8x1024xi32>
    %select_n3A_2137 = arith.select %lt3A_2133, %broadcast_in_dim3A_2136, %select_n3A_2126 : vector<8x1024xi1>, vector<8x1024xi32>
    %slice3A_2138 = vector.extract_strided_slice %broadcast_in_dim3A {offsets = [488, 0], sizes = [8, 1], strides = [1, 1]} : vector<1024x1xf32> to vector<8x1xf32>
    %add3A_2139 = vector.broadcast %broadcast_in_dim3A_1467 : vector<1x1024xf32> to vector<8x1024xf32>
    %add3A_2140 = vector.broadcast %slice3A_2138 : vector<8x1xf32> to vector<8x1024xf32>
    %add3A_2141 = arith.addf %add3A_2139, %add3A_2140 : vector<8x1024xf32>
    %slice3A_2142 = vector.extract_strided_slice %dot_general3A_1469 {offsets = [488, 0], sizes = [8, 1024], strides = [1, 1]} : vector<1024x1024xf32> to vector<8x1024xf32>
    %sub3A_2143 = arith.subf %add3A_2141, %slice3A_2142 : vector<8x1024xf32>
    %lt3A_2144 = arith.cmpf olt, %sub3A_2143, %select_n3A_2134 : vector<8x1024xf32>
    %select_n3A_2145 = arith.select %lt3A_2144, %sub3A_2143, %select_n3A_2134 : vector<8x1024xi1>, vector<8x1024xf32>
    %jit3A_2146 = arith.constant 61 : i32
    %broadcast_in_dim3A_2147 = vector.broadcast %jit3A_2146 : i32 to vector<8x1024xi32>
    %select_n3A_2148 = arith.select %lt3A_2144, %broadcast_in_dim3A_2147, %select_n3A_2137 : vector<8x1024xi1>, vector<8x1024xi32>
    %slice3A_2149 = vector.extract_strided_slice %broadcast_in_dim3A {offsets = [496, 0], sizes = [8, 1], strides = [1, 1]} : vector<1024x1xf32> to vector<8x1xf32>
    %add3A_2150 = vector.broadcast %broadcast_in_dim3A_1467 : vector<1x1024xf32> to vector<8x1024xf32>
    %add3A_2151 = vector.broadcast %slice3A_2149 : vector<8x1xf32> to vector<8x1024xf32>
    %add3A_2152 = arith.addf %add3A_2150, %add3A_2151 : vector<8x1024xf32>
    %slice3A_2153 = vector.extract_strided_slice %dot_general3A_1469 {offsets = [496, 0], sizes = [8, 1024], strides = [1, 1]} : vector<1024x1024xf32> to vector<8x1024xf32>
    %sub3A_2154 = arith.subf %add3A_2152, %slice3A_2153 : vector<8x1024xf32>
    %lt3A_2155 = arith.cmpf olt, %sub3A_2154, %select_n3A_2145 : vector<8x1024xf32>
    %select_n3A_2156 = arith.select %lt3A_2155, %sub3A_2154, %select_n3A_2145 : vector<8x1024xi1>, vector<8x1024xf32>
    %jit3A_2157 = arith.constant 62 : i32
    %broadcast_in_dim3A_2158 = vector.broadcast %jit3A_2157 : i32 to vector<8x1024xi32>
    %select_n3A_2159 = arith.select %lt3A_2155, %broadcast_in_dim3A_2158, %select_n3A_2148 : vector<8x1024xi1>, vector<8x1024xi32>
    %slice3A_2160 = vector.extract_strided_slice %broadcast_in_dim3A {offsets = [504, 0], sizes = [8, 1], strides = [1, 1]} : vector<1024x1xf32> to vector<8x1xf32>
    %add3A_2161 = vector.broadcast %broadcast_in_dim3A_1467 : vector<1x1024xf32> to vector<8x1024xf32>
    %add3A_2162 = vector.broadcast %slice3A_2160 : vector<8x1xf32> to vector<8x1024xf32>
    %add3A_2163 = arith.addf %add3A_2161, %add3A_2162 : vector<8x1024xf32>
    %slice3A_2164 = vector.extract_strided_slice %dot_general3A_1469 {offsets = [504, 0], sizes = [8, 1024], strides = [1, 1]} : vector<1024x1024xf32> to vector<8x1024xf32>
    %sub3A_2165 = arith.subf %add3A_2163, %slice3A_2164 : vector<8x1024xf32>
    %lt3A_2166 = arith.cmpf olt, %sub3A_2165, %select_n3A_2156 : vector<8x1024xf32>
    %select_n3A_2167 = arith.select %lt3A_2166, %sub3A_2165, %select_n3A_2156 : vector<8x1024xi1>, vector<8x1024xf32>
    %jit3A_2168 = arith.constant 63 : i32
    %broadcast_in_dim3A_2169 = vector.broadcast %jit3A_2168 : i32 to vector<8x1024xi32>
    %select_n3A_2170 = arith.select %lt3A_2166, %broadcast_in_dim3A_2169, %select_n3A_2159 : vector<8x1024xi1>, vector<8x1024xi32>
    %slice3A_2171 = vector.extract_strided_slice %broadcast_in_dim3A {offsets = [512, 0], sizes = [8, 1], strides = [1, 1]} : vector<1024x1xf32> to vector<8x1xf32>
    %add3A_2172 = vector.broadcast %broadcast_in_dim3A_1467 : vector<1x1024xf32> to vector<8x1024xf32>
    %add3A_2173 = vector.broadcast %slice3A_2171 : vector<8x1xf32> to vector<8x1024xf32>
    %add3A_2174 = arith.addf %add3A_2172, %add3A_2173 : vector<8x1024xf32>
    %slice3A_2175 = vector.extract_strided_slice %dot_general3A_1469 {offsets = [512, 0], sizes = [8, 1024], strides = [1, 1]} : vector<1024x1024xf32> to vector<8x1024xf32>
    %sub3A_2176 = arith.subf %add3A_2174, %slice3A_2175 : vector<8x1024xf32>
    %lt3A_2177 = arith.cmpf olt, %sub3A_2176, %select_n3A_2167 : vector<8x1024xf32>
    %select_n3A_2178 = arith.select %lt3A_2177, %sub3A_2176, %select_n3A_2167 : vector<8x1024xi1>, vector<8x1024xf32>
    %jit3A_2179 = arith.constant 64 : i32
    %broadcast_in_dim3A_2180 = vector.broadcast %jit3A_2179 : i32 to vector<8x1024xi32>
    %select_n3A_2181 = arith.select %lt3A_2177, %broadcast_in_dim3A_2180, %select_n3A_2170 : vector<8x1024xi1>, vector<8x1024xi32>
    %slice3A_2182 = vector.extract_strided_slice %broadcast_in_dim3A {offsets = [520, 0], sizes = [8, 1], strides = [1, 1]} : vector<1024x1xf32> to vector<8x1xf32>
    %add3A_2183 = vector.broadcast %broadcast_in_dim3A_1467 : vector<1x1024xf32> to vector<8x1024xf32>
    %add3A_2184 = vector.broadcast %slice3A_2182 : vector<8x1xf32> to vector<8x1024xf32>
    %add3A_2185 = arith.addf %add3A_2183, %add3A_2184 : vector<8x1024xf32>
    %slice3A_2186 = vector.extract_strided_slice %dot_general3A_1469 {offsets = [520, 0], sizes = [8, 1024], strides = [1, 1]} : vector<1024x1024xf32> to vector<8x1024xf32>
    %sub3A_2187 = arith.subf %add3A_2185, %slice3A_2186 : vector<8x1024xf32>
    %lt3A_2188 = arith.cmpf olt, %sub3A_2187, %select_n3A_2178 : vector<8x1024xf32>
    %select_n3A_2189 = arith.select %lt3A_2188, %sub3A_2187, %select_n3A_2178 : vector<8x1024xi1>, vector<8x1024xf32>
    %jit3A_2190 = arith.constant 65 : i32
    %broadcast_in_dim3A_2191 = vector.broadcast %jit3A_2190 : i32 to vector<8x1024xi32>
    %select_n3A_2192 = arith.select %lt3A_2188, %broadcast_in_dim3A_2191, %select_n3A_2181 : vector<8x1024xi1>, vector<8x1024xi32>
    %slice3A_2193 = vector.extract_strided_slice %broadcast_in_dim3A {offsets = [528, 0], sizes = [8, 1], strides = [1, 1]} : vector<1024x1xf32> to vector<8x1xf32>
    %add3A_2194 = vector.broadcast %broadcast_in_dim3A_1467 : vector<1x1024xf32> to vector<8x1024xf32>
    %add3A_2195 = vector.broadcast %slice3A_2193 : vector<8x1xf32> to vector<8x1024xf32>
    %add3A_2196 = arith.addf %add3A_2194, %add3A_2195 : vector<8x1024xf32>
    %slice3A_2197 = vector.extract_strided_slice %dot_general3A_1469 {offsets = [528, 0], sizes = [8, 1024], strides = [1, 1]} : vector<1024x1024xf32> to vector<8x1024xf32>
    %sub3A_2198 = arith.subf %add3A_2196, %slice3A_2197 : vector<8x1024xf32>
    %lt3A_2199 = arith.cmpf olt, %sub3A_2198, %select_n3A_2189 : vector<8x1024xf32>
    %select_n3A_2200 = arith.select %lt3A_2199, %sub3A_2198, %select_n3A_2189 : vector<8x1024xi1>, vector<8x1024xf32>
    %jit3A_2201 = arith.constant 66 : i32
    %broadcast_in_dim3A_2202 = vector.broadcast %jit3A_2201 : i32 to vector<8x1024xi32>
    %select_n3A_2203 = arith.select %lt3A_2199, %broadcast_in_dim3A_2202, %select_n3A_2192 : vector<8x1024xi1>, vector<8x1024xi32>
    %slice3A_2204 = vector.extract_strided_slice %broadcast_in_dim3A {offsets = [536, 0], sizes = [8, 1], strides = [1, 1]} : vector<1024x1xf32> to vector<8x1xf32>
    %add3A_2205 = vector.broadcast %broadcast_in_dim3A_1467 : vector<1x1024xf32> to vector<8x1024xf32>
    %add3A_2206 = vector.broadcast %slice3A_2204 : vector<8x1xf32> to vector<8x1024xf32>
    %add3A_2207 = arith.addf %add3A_2205, %add3A_2206 : vector<8x1024xf32>
    %slice3A_2208 = vector.extract_strided_slice %dot_general3A_1469 {offsets = [536, 0], sizes = [8, 1024], strides = [1, 1]} : vector<1024x1024xf32> to vector<8x1024xf32>
    %sub3A_2209 = arith.subf %add3A_2207, %slice3A_2208 : vector<8x1024xf32>
    %lt3A_2210 = arith.cmpf olt, %sub3A_2209, %select_n3A_2200 : vector<8x1024xf32>
    %select_n3A_2211 = arith.select %lt3A_2210, %sub3A_2209, %select_n3A_2200 : vector<8x1024xi1>, vector<8x1024xf32>
    %jit3A_2212 = arith.constant 67 : i32
    %broadcast_in_dim3A_2213 = vector.broadcast %jit3A_2212 : i32 to vector<8x1024xi32>
    %select_n3A_2214 = arith.select %lt3A_2210, %broadcast_in_dim3A_2213, %select_n3A_2203 : vector<8x1024xi1>, vector<8x1024xi32>
    %slice3A_2215 = vector.extract_strided_slice %broadcast_in_dim3A {offsets = [544, 0], sizes = [8, 1], strides = [1, 1]} : vector<1024x1xf32> to vector<8x1xf32>
    %add3A_2216 = vector.broadcast %broadcast_in_dim3A_1467 : vector<1x1024xf32> to vector<8x1024xf32>
    %add3A_2217 = vector.broadcast %slice3A_2215 : vector<8x1xf32> to vector<8x1024xf32>
    %add3A_2218 = arith.addf %add3A_2216, %add3A_2217 : vector<8x1024xf32>
    %slice3A_2219 = vector.extract_strided_slice %dot_general3A_1469 {offsets = [544, 0], sizes = [8, 1024], strides = [1, 1]} : vector<1024x1024xf32> to vector<8x1024xf32>
    %sub3A_2220 = arith.subf %add3A_2218, %slice3A_2219 : vector<8x1024xf32>
    %lt3A_2221 = arith.cmpf olt, %sub3A_2220, %select_n3A_2211 : vector<8x1024xf32>
    %select_n3A_2222 = arith.select %lt3A_2221, %sub3A_2220, %select_n3A_2211 : vector<8x1024xi1>, vector<8x1024xf32>
    %jit3A_2223 = arith.constant 68 : i32
    %broadcast_in_dim3A_2224 = vector.broadcast %jit3A_2223 : i32 to vector<8x1024xi32>
    %select_n3A_2225 = arith.select %lt3A_2221, %broadcast_in_dim3A_2224, %select_n3A_2214 : vector<8x1024xi1>, vector<8x1024xi32>
    %slice3A_2226 = vector.extract_strided_slice %broadcast_in_dim3A {offsets = [552, 0], sizes = [8, 1], strides = [1, 1]} : vector<1024x1xf32> to vector<8x1xf32>
    %add3A_2227 = vector.broadcast %broadcast_in_dim3A_1467 : vector<1x1024xf32> to vector<8x1024xf32>
    %add3A_2228 = vector.broadcast %slice3A_2226 : vector<8x1xf32> to vector<8x1024xf32>
    %add3A_2229 = arith.addf %add3A_2227, %add3A_2228 : vector<8x1024xf32>
    %slice3A_2230 = vector.extract_strided_slice %dot_general3A_1469 {offsets = [552, 0], sizes = [8, 1024], strides = [1, 1]} : vector<1024x1024xf32> to vector<8x1024xf32>
    %sub3A_2231 = arith.subf %add3A_2229, %slice3A_2230 : vector<8x1024xf32>
    %lt3A_2232 = arith.cmpf olt, %sub3A_2231, %select_n3A_2222 : vector<8x1024xf32>
    %select_n3A_2233 = arith.select %lt3A_2232, %sub3A_2231, %select_n3A_2222 : vector<8x1024xi1>, vector<8x1024xf32>
    %jit3A_2234 = arith.constant 69 : i32
    %broadcast_in_dim3A_2235 = vector.broadcast %jit3A_2234 : i32 to vector<8x1024xi32>
    %select_n3A_2236 = arith.select %lt3A_2232, %broadcast_in_dim3A_2235, %select_n3A_2225 : vector<8x1024xi1>, vector<8x1024xi32>
    %slice3A_2237 = vector.extract_strided_slice %broadcast_in_dim3A {offsets = [560, 0], sizes = [8, 1], strides = [1, 1]} : vector<1024x1xf32> to vector<8x1xf32>
    %add3A_2238 = vector.broadcast %broadcast_in_dim3A_1467 : vector<1x1024xf32> to vector<8x1024xf32>
    %add3A_2239 = vector.broadcast %slice3A_2237 : vector<8x1xf32> to vector<8x1024xf32>
    %add3A_2240 = arith.addf %add3A_2238, %add3A_2239 : vector<8x1024xf32>
    %slice3A_2241 = vector.extract_strided_slice %dot_general3A_1469 {offsets = [560, 0], sizes = [8, 1024], strides = [1, 1]} : vector<1024x1024xf32> to vector<8x1024xf32>
    %sub3A_2242 = arith.subf %add3A_2240, %slice3A_2241 : vector<8x1024xf32>
    %lt3A_2243 = arith.cmpf olt, %sub3A_2242, %select_n3A_2233 : vector<8x1024xf32>
    %select_n3A_2244 = arith.select %lt3A_2243, %sub3A_2242, %select_n3A_2233 : vector<8x1024xi1>, vector<8x1024xf32>
    %jit3A_2245 = arith.constant 70 : i32
    %broadcast_in_dim3A_2246 = vector.broadcast %jit3A_2245 : i32 to vector<8x1024xi32>
    %select_n3A_2247 = arith.select %lt3A_2243, %broadcast_in_dim3A_2246, %select_n3A_2236 : vector<8x1024xi1>, vector<8x1024xi32>
    %slice3A_2248 = vector.extract_strided_slice %broadcast_in_dim3A {offsets = [568, 0], sizes = [8, 1], strides = [1, 1]} : vector<1024x1xf32> to vector<8x1xf32>
    %add3A_2249 = vector.broadcast %broadcast_in_dim3A_1467 : vector<1x1024xf32> to vector<8x1024xf32>
    %add3A_2250 = vector.broadcast %slice3A_2248 : vector<8x1xf32> to vector<8x1024xf32>
    %add3A_2251 = arith.addf %add3A_2249, %add3A_2250 : vector<8x1024xf32>
    %slice3A_2252 = vector.extract_strided_slice %dot_general3A_1469 {offsets = [568, 0], sizes = [8, 1024], strides = [1, 1]} : vector<1024x1024xf32> to vector<8x1024xf32>
    %sub3A_2253 = arith.subf %add3A_2251, %slice3A_2252 : vector<8x1024xf32>
    %lt3A_2254 = arith.cmpf olt, %sub3A_2253, %select_n3A_2244 : vector<8x1024xf32>
    %select_n3A_2255 = arith.select %lt3A_2254, %sub3A_2253, %select_n3A_2244 : vector<8x1024xi1>, vector<8x1024xf32>
    %jit3A_2256 = arith.constant 71 : i32
    %broadcast_in_dim3A_2257 = vector.broadcast %jit3A_2256 : i32 to vector<8x1024xi32>
    %select_n3A_2258 = arith.select %lt3A_2254, %broadcast_in_dim3A_2257, %select_n3A_2247 : vector<8x1024xi1>, vector<8x1024xi32>
    %slice3A_2259 = vector.extract_strided_slice %broadcast_in_dim3A {offsets = [576, 0], sizes = [8, 1], strides = [1, 1]} : vector<1024x1xf32> to vector<8x1xf32>
    %add3A_2260 = vector.broadcast %broadcast_in_dim3A_1467 : vector<1x1024xf32> to vector<8x1024xf32>
    %add3A_2261 = vector.broadcast %slice3A_2259 : vector<8x1xf32> to vector<8x1024xf32>
    %add3A_2262 = arith.addf %add3A_2260, %add3A_2261 : vector<8x1024xf32>
    %slice3A_2263 = vector.extract_strided_slice %dot_general3A_1469 {offsets = [576, 0], sizes = [8, 1024], strides = [1, 1]} : vector<1024x1024xf32> to vector<8x1024xf32>
    %sub3A_2264 = arith.subf %add3A_2262, %slice3A_2263 : vector<8x1024xf32>
    %lt3A_2265 = arith.cmpf olt, %sub3A_2264, %select_n3A_2255 : vector<8x1024xf32>
    %select_n3A_2266 = arith.select %lt3A_2265, %sub3A_2264, %select_n3A_2255 : vector<8x1024xi1>, vector<8x1024xf32>
    %jit3A_2267 = arith.constant 72 : i32
    %broadcast_in_dim3A_2268 = vector.broadcast %jit3A_2267 : i32 to vector<8x1024xi32>
    %select_n3A_2269 = arith.select %lt3A_2265, %broadcast_in_dim3A_2268, %select_n3A_2258 : vector<8x1024xi1>, vector<8x1024xi32>
    %slice3A_2270 = vector.extract_strided_slice %broadcast_in_dim3A {offsets = [584, 0], sizes = [8, 1], strides = [1, 1]} : vector<1024x1xf32> to vector<8x1xf32>
    %add3A_2271 = vector.broadcast %broadcast_in_dim3A_1467 : vector<1x1024xf32> to vector<8x1024xf32>
    %add3A_2272 = vector.broadcast %slice3A_2270 : vector<8x1xf32> to vector<8x1024xf32>
    %add3A_2273 = arith.addf %add3A_2271, %add3A_2272 : vector<8x1024xf32>
    %slice3A_2274 = vector.extract_strided_slice %dot_general3A_1469 {offsets = [584, 0], sizes = [8, 1024], strides = [1, 1]} : vector<1024x1024xf32> to vector<8x1024xf32>
    %sub3A_2275 = arith.subf %add3A_2273, %slice3A_2274 : vector<8x1024xf32>
    %lt3A_2276 = arith.cmpf olt, %sub3A_2275, %select_n3A_2266 : vector<8x1024xf32>
    %select_n3A_2277 = arith.select %lt3A_2276, %sub3A_2275, %select_n3A_2266 : vector<8x1024xi1>, vector<8x1024xf32>
    %jit3A_2278 = arith.constant 73 : i32
    %broadcast_in_dim3A_2279 = vector.broadcast %jit3A_2278 : i32 to vector<8x1024xi32>
    %select_n3A_2280 = arith.select %lt3A_2276, %broadcast_in_dim3A_2279, %select_n3A_2269 : vector<8x1024xi1>, vector<8x1024xi32>
    %slice3A_2281 = vector.extract_strided_slice %broadcast_in_dim3A {offsets = [592, 0], sizes = [8, 1], strides = [1, 1]} : vector<1024x1xf32> to vector<8x1xf32>
    %add3A_2282 = vector.broadcast %broadcast_in_dim3A_1467 : vector<1x1024xf32> to vector<8x1024xf32>
    %add3A_2283 = vector.broadcast %slice3A_2281 : vector<8x1xf32> to vector<8x1024xf32>
    %add3A_2284 = arith.addf %add3A_2282, %add3A_2283 : vector<8x1024xf32>
    %slice3A_2285 = vector.extract_strided_slice %dot_general3A_1469 {offsets = [592, 0], sizes = [8, 1024], strides = [1, 1]} : vector<1024x1024xf32> to vector<8x1024xf32>
    %sub3A_2286 = arith.subf %add3A_2284, %slice3A_2285 : vector<8x1024xf32>
    %lt3A_2287 = arith.cmpf olt, %sub3A_2286, %select_n3A_2277 : vector<8x1024xf32>
    %select_n3A_2288 = arith.select %lt3A_2287, %sub3A_2286, %select_n3A_2277 : vector<8x1024xi1>, vector<8x1024xf32>
    %jit3A_2289 = arith.constant 74 : i32
    %broadcast_in_dim3A_2290 = vector.broadcast %jit3A_2289 : i32 to vector<8x1024xi32>
    %select_n3A_2291 = arith.select %lt3A_2287, %broadcast_in_dim3A_2290, %select_n3A_2280 : vector<8x1024xi1>, vector<8x1024xi32>
    %slice3A_2292 = vector.extract_strided_slice %broadcast_in_dim3A {offsets = [600, 0], sizes = [8, 1], strides = [1, 1]} : vector<1024x1xf32> to vector<8x1xf32>
    %add3A_2293 = vector.broadcast %broadcast_in_dim3A_1467 : vector<1x1024xf32> to vector<8x1024xf32>
    %add3A_2294 = vector.broadcast %slice3A_2292 : vector<8x1xf32> to vector<8x1024xf32>
    %add3A_2295 = arith.addf %add3A_2293, %add3A_2294 : vector<8x1024xf32>
    %slice3A_2296 = vector.extract_strided_slice %dot_general3A_1469 {offsets = [600, 0], sizes = [8, 1024], strides = [1, 1]} : vector<1024x1024xf32> to vector<8x1024xf32>
    %sub3A_2297 = arith.subf %add3A_2295, %slice3A_2296 : vector<8x1024xf32>
    %lt3A_2298 = arith.cmpf olt, %sub3A_2297, %select_n3A_2288 : vector<8x1024xf32>
    %select_n3A_2299 = arith.select %lt3A_2298, %sub3A_2297, %select_n3A_2288 : vector<8x1024xi1>, vector<8x1024xf32>
    %jit3A_2300 = arith.constant 75 : i32
    %broadcast_in_dim3A_2301 = vector.broadcast %jit3A_2300 : i32 to vector<8x1024xi32>
    %select_n3A_2302 = arith.select %lt3A_2298, %broadcast_in_dim3A_2301, %select_n3A_2291 : vector<8x1024xi1>, vector<8x1024xi32>
    %slice3A_2303 = vector.extract_strided_slice %broadcast_in_dim3A {offsets = [608, 0], sizes = [8, 1], strides = [1, 1]} : vector<1024x1xf32> to vector<8x1xf32>
    %add3A_2304 = vector.broadcast %broadcast_in_dim3A_1467 : vector<1x1024xf32> to vector<8x1024xf32>
    %add3A_2305 = vector.broadcast %slice3A_2303 : vector<8x1xf32> to vector<8x1024xf32>
    %add3A_2306 = arith.addf %add3A_2304, %add3A_2305 : vector<8x1024xf32>
    %slice3A_2307 = vector.extract_strided_slice %dot_general3A_1469 {offsets = [608, 0], sizes = [8, 1024], strides = [1, 1]} : vector<1024x1024xf32> to vector<8x1024xf32>
    %sub3A_2308 = arith.subf %add3A_2306, %slice3A_2307 : vector<8x1024xf32>
    %lt3A_2309 = arith.cmpf olt, %sub3A_2308, %select_n3A_2299 : vector<8x1024xf32>
    %select_n3A_2310 = arith.select %lt3A_2309, %sub3A_2308, %select_n3A_2299 : vector<8x1024xi1>, vector<8x1024xf32>
    %jit3A_2311 = arith.constant 76 : i32
    %broadcast_in_dim3A_2312 = vector.broadcast %jit3A_2311 : i32 to vector<8x1024xi32>
    %select_n3A_2313 = arith.select %lt3A_2309, %broadcast_in_dim3A_2312, %select_n3A_2302 : vector<8x1024xi1>, vector<8x1024xi32>
    %slice3A_2314 = vector.extract_strided_slice %broadcast_in_dim3A {offsets = [616, 0], sizes = [8, 1], strides = [1, 1]} : vector<1024x1xf32> to vector<8x1xf32>
    %add3A_2315 = vector.broadcast %broadcast_in_dim3A_1467 : vector<1x1024xf32> to vector<8x1024xf32>
    %add3A_2316 = vector.broadcast %slice3A_2314 : vector<8x1xf32> to vector<8x1024xf32>
    %add3A_2317 = arith.addf %add3A_2315, %add3A_2316 : vector<8x1024xf32>
    %slice3A_2318 = vector.extract_strided_slice %dot_general3A_1469 {offsets = [616, 0], sizes = [8, 1024], strides = [1, 1]} : vector<1024x1024xf32> to vector<8x1024xf32>
    %sub3A_2319 = arith.subf %add3A_2317, %slice3A_2318 : vector<8x1024xf32>
    %lt3A_2320 = arith.cmpf olt, %sub3A_2319, %select_n3A_2310 : vector<8x1024xf32>
    %select_n3A_2321 = arith.select %lt3A_2320, %sub3A_2319, %select_n3A_2310 : vector<8x1024xi1>, vector<8x1024xf32>
    %jit3A_2322 = arith.constant 77 : i32
    %broadcast_in_dim3A_2323 = vector.broadcast %jit3A_2322 : i32 to vector<8x1024xi32>
    %select_n3A_2324 = arith.select %lt3A_2320, %broadcast_in_dim3A_2323, %select_n3A_2313 : vector<8x1024xi1>, vector<8x1024xi32>
    %slice3A_2325 = vector.extract_strided_slice %broadcast_in_dim3A {offsets = [624, 0], sizes = [8, 1], strides = [1, 1]} : vector<1024x1xf32> to vector<8x1xf32>
    %add3A_2326 = vector.broadcast %broadcast_in_dim3A_1467 : vector<1x1024xf32> to vector<8x1024xf32>
    %add3A_2327 = vector.broadcast %slice3A_2325 : vector<8x1xf32> to vector<8x1024xf32>
    %add3A_2328 = arith.addf %add3A_2326, %add3A_2327 : vector<8x1024xf32>
    %slice3A_2329 = vector.extract_strided_slice %dot_general3A_1469 {offsets = [624, 0], sizes = [8, 1024], strides = [1, 1]} : vector<1024x1024xf32> to vector<8x1024xf32>
    %sub3A_2330 = arith.subf %add3A_2328, %slice3A_2329 : vector<8x1024xf32>
    %lt3A_2331 = arith.cmpf olt, %sub3A_2330, %select_n3A_2321 : vector<8x1024xf32>
    %select_n3A_2332 = arith.select %lt3A_2331, %sub3A_2330, %select_n3A_2321 : vector<8x1024xi1>, vector<8x1024xf32>
    %jit3A_2333 = arith.constant 78 : i32
    %broadcast_in_dim3A_2334 = vector.broadcast %jit3A_2333 : i32 to vector<8x1024xi32>
    %select_n3A_2335 = arith.select %lt3A_2331, %broadcast_in_dim3A_2334, %select_n3A_2324 : vector<8x1024xi1>, vector<8x1024xi32>
    %slice3A_2336 = vector.extract_strided_slice %broadcast_in_dim3A {offsets = [632, 0], sizes = [8, 1], strides = [1, 1]} : vector<1024x1xf32> to vector<8x1xf32>
    %add3A_2337 = vector.broadcast %broadcast_in_dim3A_1467 : vector<1x1024xf32> to vector<8x1024xf32>
    %add3A_2338 = vector.broadcast %slice3A_2336 : vector<8x1xf32> to vector<8x1024xf32>
    %add3A_2339 = arith.addf %add3A_2337, %add3A_2338 : vector<8x1024xf32>
    %slice3A_2340 = vector.extract_strided_slice %dot_general3A_1469 {offsets = [632, 0], sizes = [8, 1024], strides = [1, 1]} : vector<1024x1024xf32> to vector<8x1024xf32>
    %sub3A_2341 = arith.subf %add3A_2339, %slice3A_2340 : vector<8x1024xf32>
    %lt3A_2342 = arith.cmpf olt, %sub3A_2341, %select_n3A_2332 : vector<8x1024xf32>
    %select_n3A_2343 = arith.select %lt3A_2342, %sub3A_2341, %select_n3A_2332 : vector<8x1024xi1>, vector<8x1024xf32>
    %jit3A_2344 = arith.constant 79 : i32
    %broadcast_in_dim3A_2345 = vector.broadcast %jit3A_2344 : i32 to vector<8x1024xi32>
    %select_n3A_2346 = arith.select %lt3A_2342, %broadcast_in_dim3A_2345, %select_n3A_2335 : vector<8x1024xi1>, vector<8x1024xi32>
    %slice3A_2347 = vector.extract_strided_slice %broadcast_in_dim3A {offsets = [640, 0], sizes = [8, 1], strides = [1, 1]} : vector<1024x1xf32> to vector<8x1xf32>
    %add3A_2348 = vector.broadcast %broadcast_in_dim3A_1467 : vector<1x1024xf32> to vector<8x1024xf32>
    %add3A_2349 = vector.broadcast %slice3A_2347 : vector<8x1xf32> to vector<8x1024xf32>
    %add3A_2350 = arith.addf %add3A_2348, %add3A_2349 : vector<8x1024xf32>
    %slice3A_2351 = vector.extract_strided_slice %dot_general3A_1469 {offsets = [640, 0], sizes = [8, 1024], strides = [1, 1]} : vector<1024x1024xf32> to vector<8x1024xf32>
    %sub3A_2352 = arith.subf %add3A_2350, %slice3A_2351 : vector<8x1024xf32>
    %lt3A_2353 = arith.cmpf olt, %sub3A_2352, %select_n3A_2343 : vector<8x1024xf32>
    %select_n3A_2354 = arith.select %lt3A_2353, %sub3A_2352, %select_n3A_2343 : vector<8x1024xi1>, vector<8x1024xf32>
    %jit3A_2355 = arith.constant 80 : i32
    %broadcast_in_dim3A_2356 = vector.broadcast %jit3A_2355 : i32 to vector<8x1024xi32>
    %select_n3A_2357 = arith.select %lt3A_2353, %broadcast_in_dim3A_2356, %select_n3A_2346 : vector<8x1024xi1>, vector<8x1024xi32>
    %slice3A_2358 = vector.extract_strided_slice %broadcast_in_dim3A {offsets = [648, 0], sizes = [8, 1], strides = [1, 1]} : vector<1024x1xf32> to vector<8x1xf32>
    %add3A_2359 = vector.broadcast %broadcast_in_dim3A_1467 : vector<1x1024xf32> to vector<8x1024xf32>
    %add3A_2360 = vector.broadcast %slice3A_2358 : vector<8x1xf32> to vector<8x1024xf32>
    %add3A_2361 = arith.addf %add3A_2359, %add3A_2360 : vector<8x1024xf32>
    %slice3A_2362 = vector.extract_strided_slice %dot_general3A_1469 {offsets = [648, 0], sizes = [8, 1024], strides = [1, 1]} : vector<1024x1024xf32> to vector<8x1024xf32>
    %sub3A_2363 = arith.subf %add3A_2361, %slice3A_2362 : vector<8x1024xf32>
    %lt3A_2364 = arith.cmpf olt, %sub3A_2363, %select_n3A_2354 : vector<8x1024xf32>
    %select_n3A_2365 = arith.select %lt3A_2364, %sub3A_2363, %select_n3A_2354 : vector<8x1024xi1>, vector<8x1024xf32>
    %jit3A_2366 = arith.constant 81 : i32
    %broadcast_in_dim3A_2367 = vector.broadcast %jit3A_2366 : i32 to vector<8x1024xi32>
    %select_n3A_2368 = arith.select %lt3A_2364, %broadcast_in_dim3A_2367, %select_n3A_2357 : vector<8x1024xi1>, vector<8x1024xi32>
    %slice3A_2369 = vector.extract_strided_slice %broadcast_in_dim3A {offsets = [656, 0], sizes = [8, 1], strides = [1, 1]} : vector<1024x1xf32> to vector<8x1xf32>
    %add3A_2370 = vector.broadcast %broadcast_in_dim3A_1467 : vector<1x1024xf32> to vector<8x1024xf32>
    %add3A_2371 = vector.broadcast %slice3A_2369 : vector<8x1xf32> to vector<8x1024xf32>
    %add3A_2372 = arith.addf %add3A_2370, %add3A_2371 : vector<8x1024xf32>
    %slice3A_2373 = vector.extract_strided_slice %dot_general3A_1469 {offsets = [656, 0], sizes = [8, 1024], strides = [1, 1]} : vector<1024x1024xf32> to vector<8x1024xf32>
    %sub3A_2374 = arith.subf %add3A_2372, %slice3A_2373 : vector<8x1024xf32>
    %lt3A_2375 = arith.cmpf olt, %sub3A_2374, %select_n3A_2365 : vector<8x1024xf32>
    %select_n3A_2376 = arith.select %lt3A_2375, %sub3A_2374, %select_n3A_2365 : vector<8x1024xi1>, vector<8x1024xf32>
    %jit3A_2377 = arith.constant 82 : i32
    %broadcast_in_dim3A_2378 = vector.broadcast %jit3A_2377 : i32 to vector<8x1024xi32>
    %select_n3A_2379 = arith.select %lt3A_2375, %broadcast_in_dim3A_2378, %select_n3A_2368 : vector<8x1024xi1>, vector<8x1024xi32>
    %slice3A_2380 = vector.extract_strided_slice %broadcast_in_dim3A {offsets = [664, 0], sizes = [8, 1], strides = [1, 1]} : vector<1024x1xf32> to vector<8x1xf32>
    %add3A_2381 = vector.broadcast %broadcast_in_dim3A_1467 : vector<1x1024xf32> to vector<8x1024xf32>
    %add3A_2382 = vector.broadcast %slice3A_2380 : vector<8x1xf32> to vector<8x1024xf32>
    %add3A_2383 = arith.addf %add3A_2381, %add3A_2382 : vector<8x1024xf32>
    %slice3A_2384 = vector.extract_strided_slice %dot_general3A_1469 {offsets = [664, 0], sizes = [8, 1024], strides = [1, 1]} : vector<1024x1024xf32> to vector<8x1024xf32>
    %sub3A_2385 = arith.subf %add3A_2383, %slice3A_2384 : vector<8x1024xf32>
    %lt3A_2386 = arith.cmpf olt, %sub3A_2385, %select_n3A_2376 : vector<8x1024xf32>
    %select_n3A_2387 = arith.select %lt3A_2386, %sub3A_2385, %select_n3A_2376 : vector<8x1024xi1>, vector<8x1024xf32>
    %jit3A_2388 = arith.constant 83 : i32
    %broadcast_in_dim3A_2389 = vector.broadcast %jit3A_2388 : i32 to vector<8x1024xi32>
    %select_n3A_2390 = arith.select %lt3A_2386, %broadcast_in_dim3A_2389, %select_n3A_2379 : vector<8x1024xi1>, vector<8x1024xi32>
    %slice3A_2391 = vector.extract_strided_slice %broadcast_in_dim3A {offsets = [672, 0], sizes = [8, 1], strides = [1, 1]} : vector<1024x1xf32> to vector<8x1xf32>
    %add3A_2392 = vector.broadcast %broadcast_in_dim3A_1467 : vector<1x1024xf32> to vector<8x1024xf32>
    %add3A_2393 = vector.broadcast %slice3A_2391 : vector<8x1xf32> to vector<8x1024xf32>
    %add3A_2394 = arith.addf %add3A_2392, %add3A_2393 : vector<8x1024xf32>
    %slice3A_2395 = vector.extract_strided_slice %dot_general3A_1469 {offsets = [672, 0], sizes = [8, 1024], strides = [1, 1]} : vector<1024x1024xf32> to vector<8x1024xf32>
    %sub3A_2396 = arith.subf %add3A_2394, %slice3A_2395 : vector<8x1024xf32>
    %lt3A_2397 = arith.cmpf olt, %sub3A_2396, %select_n3A_2387 : vector<8x1024xf32>
    %select_n3A_2398 = arith.select %lt3A_2397, %sub3A_2396, %select_n3A_2387 : vector<8x1024xi1>, vector<8x1024xf32>
    %jit3A_2399 = arith.constant 84 : i32
    %broadcast_in_dim3A_2400 = vector.broadcast %jit3A_2399 : i32 to vector<8x1024xi32>
    %select_n3A_2401 = arith.select %lt3A_2397, %broadcast_in_dim3A_2400, %select_n3A_2390 : vector<8x1024xi1>, vector<8x1024xi32>
    %slice3A_2402 = vector.extract_strided_slice %broadcast_in_dim3A {offsets = [680, 0], sizes = [8, 1], strides = [1, 1]} : vector<1024x1xf32> to vector<8x1xf32>
    %add3A_2403 = vector.broadcast %broadcast_in_dim3A_1467 : vector<1x1024xf32> to vector<8x1024xf32>
    %add3A_2404 = vector.broadcast %slice3A_2402 : vector<8x1xf32> to vector<8x1024xf32>
    %add3A_2405 = arith.addf %add3A_2403, %add3A_2404 : vector<8x1024xf32>
    %slice3A_2406 = vector.extract_strided_slice %dot_general3A_1469 {offsets = [680, 0], sizes = [8, 1024], strides = [1, 1]} : vector<1024x1024xf32> to vector<8x1024xf32>
    %sub3A_2407 = arith.subf %add3A_2405, %slice3A_2406 : vector<8x1024xf32>
    %lt3A_2408 = arith.cmpf olt, %sub3A_2407, %select_n3A_2398 : vector<8x1024xf32>
    %select_n3A_2409 = arith.select %lt3A_2408, %sub3A_2407, %select_n3A_2398 : vector<8x1024xi1>, vector<8x1024xf32>
    %jit3A_2410 = arith.constant 85 : i32
    %broadcast_in_dim3A_2411 = vector.broadcast %jit3A_2410 : i32 to vector<8x1024xi32>
    %select_n3A_2412 = arith.select %lt3A_2408, %broadcast_in_dim3A_2411, %select_n3A_2401 : vector<8x1024xi1>, vector<8x1024xi32>
    %slice3A_2413 = vector.extract_strided_slice %broadcast_in_dim3A {offsets = [688, 0], sizes = [8, 1], strides = [1, 1]} : vector<1024x1xf32> to vector<8x1xf32>
    %add3A_2414 = vector.broadcast %broadcast_in_dim3A_1467 : vector<1x1024xf32> to vector<8x1024xf32>
    %add3A_2415 = vector.broadcast %slice3A_2413 : vector<8x1xf32> to vector<8x1024xf32>
    %add3A_2416 = arith.addf %add3A_2414, %add3A_2415 : vector<8x1024xf32>
    %slice3A_2417 = vector.extract_strided_slice %dot_general3A_1469 {offsets = [688, 0], sizes = [8, 1024], strides = [1, 1]} : vector<1024x1024xf32> to vector<8x1024xf32>
    %sub3A_2418 = arith.subf %add3A_2416, %slice3A_2417 : vector<8x1024xf32>
    %lt3A_2419 = arith.cmpf olt, %sub3A_2418, %select_n3A_2409 : vector<8x1024xf32>
    %select_n3A_2420 = arith.select %lt3A_2419, %sub3A_2418, %select_n3A_2409 : vector<8x1024xi1>, vector<8x1024xf32>
    %jit3A_2421 = arith.constant 86 : i32
    %broadcast_in_dim3A_2422 = vector.broadcast %jit3A_2421 : i32 to vector<8x1024xi32>
    %select_n3A_2423 = arith.select %lt3A_2419, %broadcast_in_dim3A_2422, %select_n3A_2412 : vector<8x1024xi1>, vector<8x1024xi32>
    %slice3A_2424 = vector.extract_strided_slice %broadcast_in_dim3A {offsets = [696, 0], sizes = [8, 1], strides = [1, 1]} : vector<1024x1xf32> to vector<8x1xf32>
    %add3A_2425 = vector.broadcast %broadcast_in_dim3A_1467 : vector<1x1024xf32> to vector<8x1024xf32>
    %add3A_2426 = vector.broadcast %slice3A_2424 : vector<8x1xf32> to vector<8x1024xf32>
    %add3A_2427 = arith.addf %add3A_2425, %add3A_2426 : vector<8x1024xf32>
    %slice3A_2428 = vector.extract_strided_slice %dot_general3A_1469 {offsets = [696, 0], sizes = [8, 1024], strides = [1, 1]} : vector<1024x1024xf32> to vector<8x1024xf32>
    %sub3A_2429 = arith.subf %add3A_2427, %slice3A_2428 : vector<8x1024xf32>
    %lt3A_2430 = arith.cmpf olt, %sub3A_2429, %select_n3A_2420 : vector<8x1024xf32>
    %select_n3A_2431 = arith.select %lt3A_2430, %sub3A_2429, %select_n3A_2420 : vector<8x1024xi1>, vector<8x1024xf32>
    %jit3A_2432 = arith.constant 87 : i32
    %broadcast_in_dim3A_2433 = vector.broadcast %jit3A_2432 : i32 to vector<8x1024xi32>
    %select_n3A_2434 = arith.select %lt3A_2430, %broadcast_in_dim3A_2433, %select_n3A_2423 : vector<8x1024xi1>, vector<8x1024xi32>
    %slice3A_2435 = vector.extract_strided_slice %broadcast_in_dim3A {offsets = [704, 0], sizes = [8, 1], strides = [1, 1]} : vector<1024x1xf32> to vector<8x1xf32>
    %add3A_2436 = vector.broadcast %broadcast_in_dim3A_1467 : vector<1x1024xf32> to vector<8x1024xf32>
    %add3A_2437 = vector.broadcast %slice3A_2435 : vector<8x1xf32> to vector<8x1024xf32>
    %add3A_2438 = arith.addf %add3A_2436, %add3A_2437 : vector<8x1024xf32>
    %slice3A_2439 = vector.extract_strided_slice %dot_general3A_1469 {offsets = [704, 0], sizes = [8, 1024], strides = [1, 1]} : vector<1024x1024xf32> to vector<8x1024xf32>
    %sub3A_2440 = arith.subf %add3A_2438, %slice3A_2439 : vector<8x1024xf32>
    %lt3A_2441 = arith.cmpf olt, %sub3A_2440, %select_n3A_2431 : vector<8x1024xf32>
    %select_n3A_2442 = arith.select %lt3A_2441, %sub3A_2440, %select_n3A_2431 : vector<8x1024xi1>, vector<8x1024xf32>
    %jit3A_2443 = arith.constant 88 : i32
    %broadcast_in_dim3A_2444 = vector.broadcast %jit3A_2443 : i32 to vector<8x1024xi32>
    %select_n3A_2445 = arith.select %lt3A_2441, %broadcast_in_dim3A_2444, %select_n3A_2434 : vector<8x1024xi1>, vector<8x1024xi32>
    %slice3A_2446 = vector.extract_strided_slice %broadcast_in_dim3A {offsets = [712, 0], sizes = [8, 1], strides = [1, 1]} : vector<1024x1xf32> to vector<8x1xf32>
    %add3A_2447 = vector.broadcast %broadcast_in_dim3A_1467 : vector<1x1024xf32> to vector<8x1024xf32>
    %add3A_2448 = vector.broadcast %slice3A_2446 : vector<8x1xf32> to vector<8x1024xf32>
    %add3A_2449 = arith.addf %add3A_2447, %add3A_2448 : vector<8x1024xf32>
    %slice3A_2450 = vector.extract_strided_slice %dot_general3A_1469 {offsets = [712, 0], sizes = [8, 1024], strides = [1, 1]} : vector<1024x1024xf32> to vector<8x1024xf32>
    %sub3A_2451 = arith.subf %add3A_2449, %slice3A_2450 : vector<8x1024xf32>
    %lt3A_2452 = arith.cmpf olt, %sub3A_2451, %select_n3A_2442 : vector<8x1024xf32>
    %select_n3A_2453 = arith.select %lt3A_2452, %sub3A_2451, %select_n3A_2442 : vector<8x1024xi1>, vector<8x1024xf32>
    %jit3A_2454 = arith.constant 89 : i32
    %broadcast_in_dim3A_2455 = vector.broadcast %jit3A_2454 : i32 to vector<8x1024xi32>
    %select_n3A_2456 = arith.select %lt3A_2452, %broadcast_in_dim3A_2455, %select_n3A_2445 : vector<8x1024xi1>, vector<8x1024xi32>
    %slice3A_2457 = vector.extract_strided_slice %broadcast_in_dim3A {offsets = [720, 0], sizes = [8, 1], strides = [1, 1]} : vector<1024x1xf32> to vector<8x1xf32>
    %add3A_2458 = vector.broadcast %broadcast_in_dim3A_1467 : vector<1x1024xf32> to vector<8x1024xf32>
    %add3A_2459 = vector.broadcast %slice3A_2457 : vector<8x1xf32> to vector<8x1024xf32>
    %add3A_2460 = arith.addf %add3A_2458, %add3A_2459 : vector<8x1024xf32>
    %slice3A_2461 = vector.extract_strided_slice %dot_general3A_1469 {offsets = [720, 0], sizes = [8, 1024], strides = [1, 1]} : vector<1024x1024xf32> to vector<8x1024xf32>
    %sub3A_2462 = arith.subf %add3A_2460, %slice3A_2461 : vector<8x1024xf32>
    %lt3A_2463 = arith.cmpf olt, %sub3A_2462, %select_n3A_2453 : vector<8x1024xf32>
    %select_n3A_2464 = arith.select %lt3A_2463, %sub3A_2462, %select_n3A_2453 : vector<8x1024xi1>, vector<8x1024xf32>
    %jit3A_2465 = arith.constant 90 : i32
    %broadcast_in_dim3A_2466 = vector.broadcast %jit3A_2465 : i32 to vector<8x1024xi32>
    %select_n3A_2467 = arith.select %lt3A_2463, %broadcast_in_dim3A_2466, %select_n3A_2456 : vector<8x1024xi1>, vector<8x1024xi32>
    %slice3A_2468 = vector.extract_strided_slice %broadcast_in_dim3A {offsets = [728, 0], sizes = [8, 1], strides = [1, 1]} : vector<1024x1xf32> to vector<8x1xf32>
    %add3A_2469 = vector.broadcast %broadcast_in_dim3A_1467 : vector<1x1024xf32> to vector<8x1024xf32>
    %add3A_2470 = vector.broadcast %slice3A_2468 : vector<8x1xf32> to vector<8x1024xf32>
    %add3A_2471 = arith.addf %add3A_2469, %add3A_2470 : vector<8x1024xf32>
    %slice3A_2472 = vector.extract_strided_slice %dot_general3A_1469 {offsets = [728, 0], sizes = [8, 1024], strides = [1, 1]} : vector<1024x1024xf32> to vector<8x1024xf32>
    %sub3A_2473 = arith.subf %add3A_2471, %slice3A_2472 : vector<8x1024xf32>
    %lt3A_2474 = arith.cmpf olt, %sub3A_2473, %select_n3A_2464 : vector<8x1024xf32>
    %select_n3A_2475 = arith.select %lt3A_2474, %sub3A_2473, %select_n3A_2464 : vector<8x1024xi1>, vector<8x1024xf32>
    %jit3A_2476 = arith.constant 91 : i32
    %broadcast_in_dim3A_2477 = vector.broadcast %jit3A_2476 : i32 to vector<8x1024xi32>
    %select_n3A_2478 = arith.select %lt3A_2474, %broadcast_in_dim3A_2477, %select_n3A_2467 : vector<8x1024xi1>, vector<8x1024xi32>
    %slice3A_2479 = vector.extract_strided_slice %broadcast_in_dim3A {offsets = [736, 0], sizes = [8, 1], strides = [1, 1]} : vector<1024x1xf32> to vector<8x1xf32>
    %add3A_2480 = vector.broadcast %broadcast_in_dim3A_1467 : vector<1x1024xf32> to vector<8x1024xf32>
    %add3A_2481 = vector.broadcast %slice3A_2479 : vector<8x1xf32> to vector<8x1024xf32>
    %add3A_2482 = arith.addf %add3A_2480, %add3A_2481 : vector<8x1024xf32>
    %slice3A_2483 = vector.extract_strided_slice %dot_general3A_1469 {offsets = [736, 0], sizes = [8, 1024], strides = [1, 1]} : vector<1024x1024xf32> to vector<8x1024xf32>
    %sub3A_2484 = arith.subf %add3A_2482, %slice3A_2483 : vector<8x1024xf32>
    %lt3A_2485 = arith.cmpf olt, %sub3A_2484, %select_n3A_2475 : vector<8x1024xf32>
    %select_n3A_2486 = arith.select %lt3A_2485, %sub3A_2484, %select_n3A_2475 : vector<8x1024xi1>, vector<8x1024xf32>
    %jit3A_2487 = arith.constant 92 : i32
    %broadcast_in_dim3A_2488 = vector.broadcast %jit3A_2487 : i32 to vector<8x1024xi32>
    %select_n3A_2489 = arith.select %lt3A_2485, %broadcast_in_dim3A_2488, %select_n3A_2478 : vector<8x1024xi1>, vector<8x1024xi32>
    %slice3A_2490 = vector.extract_strided_slice %broadcast_in_dim3A {offsets = [744, 0], sizes = [8, 1], strides = [1, 1]} : vector<1024x1xf32> to vector<8x1xf32>
    %add3A_2491 = vector.broadcast %broadcast_in_dim3A_1467 : vector<1x1024xf32> to vector<8x1024xf32>
    %add3A_2492 = vector.broadcast %slice3A_2490 : vector<8x1xf32> to vector<8x1024xf32>
    %add3A_2493 = arith.addf %add3A_2491, %add3A_2492 : vector<8x1024xf32>
    %slice3A_2494 = vector.extract_strided_slice %dot_general3A_1469 {offsets = [744, 0], sizes = [8, 1024], strides = [1, 1]} : vector<1024x1024xf32> to vector<8x1024xf32>
    %sub3A_2495 = arith.subf %add3A_2493, %slice3A_2494 : vector<8x1024xf32>
    %lt3A_2496 = arith.cmpf olt, %sub3A_2495, %select_n3A_2486 : vector<8x1024xf32>
    %select_n3A_2497 = arith.select %lt3A_2496, %sub3A_2495, %select_n3A_2486 : vector<8x1024xi1>, vector<8x1024xf32>
    %jit3A_2498 = arith.constant 93 : i32
    %broadcast_in_dim3A_2499 = vector.broadcast %jit3A_2498 : i32 to vector<8x1024xi32>
    %select_n3A_2500 = arith.select %lt3A_2496, %broadcast_in_dim3A_2499, %select_n3A_2489 : vector<8x1024xi1>, vector<8x1024xi32>
    %slice3A_2501 = vector.extract_strided_slice %broadcast_in_dim3A {offsets = [752, 0], sizes = [8, 1], strides = [1, 1]} : vector<1024x1xf32> to vector<8x1xf32>
    %add3A_2502 = vector.broadcast %broadcast_in_dim3A_1467 : vector<1x1024xf32> to vector<8x1024xf32>
    %add3A_2503 = vector.broadcast %slice3A_2501 : vector<8x1xf32> to vector<8x1024xf32>
    %add3A_2504 = arith.addf %add3A_2502, %add3A_2503 : vector<8x1024xf32>
    %slice3A_2505 = vector.extract_strided_slice %dot_general3A_1469 {offsets = [752, 0], sizes = [8, 1024], strides = [1, 1]} : vector<1024x1024xf32> to vector<8x1024xf32>
    %sub3A_2506 = arith.subf %add3A_2504, %slice3A_2505 : vector<8x1024xf32>
    %lt3A_2507 = arith.cmpf olt, %sub3A_2506, %select_n3A_2497 : vector<8x1024xf32>
    %select_n3A_2508 = arith.select %lt3A_2507, %sub3A_2506, %select_n3A_2497 : vector<8x1024xi1>, vector<8x1024xf32>
    %jit3A_2509 = arith.constant 94 : i32
    %broadcast_in_dim3A_2510 = vector.broadcast %jit3A_2509 : i32 to vector<8x1024xi32>
    %select_n3A_2511 = arith.select %lt3A_2507, %broadcast_in_dim3A_2510, %select_n3A_2500 : vector<8x1024xi1>, vector<8x1024xi32>
    %slice3A_2512 = vector.extract_strided_slice %broadcast_in_dim3A {offsets = [760, 0], sizes = [8, 1], strides = [1, 1]} : vector<1024x1xf32> to vector<8x1xf32>
    %add3A_2513 = vector.broadcast %broadcast_in_dim3A_1467 : vector<1x1024xf32> to vector<8x1024xf32>
    %add3A_2514 = vector.broadcast %slice3A_2512 : vector<8x1xf32> to vector<8x1024xf32>
    %add3A_2515 = arith.addf %add3A_2513, %add3A_2514 : vector<8x1024xf32>
    %slice3A_2516 = vector.extract_strided_slice %dot_general3A_1469 {offsets = [760, 0], sizes = [8, 1024], strides = [1, 1]} : vector<1024x1024xf32> to vector<8x1024xf32>
    %sub3A_2517 = arith.subf %add3A_2515, %slice3A_2516 : vector<8x1024xf32>
    %lt3A_2518 = arith.cmpf olt, %sub3A_2517, %select_n3A_2508 : vector<8x1024xf32>
    %select_n3A_2519 = arith.select %lt3A_2518, %sub3A_2517, %select_n3A_2508 : vector<8x1024xi1>, vector<8x1024xf32>
    %jit3A_2520 = arith.constant 95 : i32
    %broadcast_in_dim3A_2521 = vector.broadcast %jit3A_2520 : i32 to vector<8x1024xi32>
    %select_n3A_2522 = arith.select %lt3A_2518, %broadcast_in_dim3A_2521, %select_n3A_2511 : vector<8x1024xi1>, vector<8x1024xi32>
    %slice3A_2523 = vector.extract_strided_slice %broadcast_in_dim3A {offsets = [768, 0], sizes = [8, 1], strides = [1, 1]} : vector<1024x1xf32> to vector<8x1xf32>
    %add3A_2524 = vector.broadcast %broadcast_in_dim3A_1467 : vector<1x1024xf32> to vector<8x1024xf32>
    %add3A_2525 = vector.broadcast %slice3A_2523 : vector<8x1xf32> to vector<8x1024xf32>
    %add3A_2526 = arith.addf %add3A_2524, %add3A_2525 : vector<8x1024xf32>
    %slice3A_2527 = vector.extract_strided_slice %dot_general3A_1469 {offsets = [768, 0], sizes = [8, 1024], strides = [1, 1]} : vector<1024x1024xf32> to vector<8x1024xf32>
    %sub3A_2528 = arith.subf %add3A_2526, %slice3A_2527 : vector<8x1024xf32>
    %lt3A_2529 = arith.cmpf olt, %sub3A_2528, %select_n3A_2519 : vector<8x1024xf32>
    %select_n3A_2530 = arith.select %lt3A_2529, %sub3A_2528, %select_n3A_2519 : vector<8x1024xi1>, vector<8x1024xf32>
    %jit3A_2531 = arith.constant 96 : i32
    %broadcast_in_dim3A_2532 = vector.broadcast %jit3A_2531 : i32 to vector<8x1024xi32>
    %select_n3A_2533 = arith.select %lt3A_2529, %broadcast_in_dim3A_2532, %select_n3A_2522 : vector<8x1024xi1>, vector<8x1024xi32>
    %slice3A_2534 = vector.extract_strided_slice %broadcast_in_dim3A {offsets = [776, 0], sizes = [8, 1], strides = [1, 1]} : vector<1024x1xf32> to vector<8x1xf32>
    %add3A_2535 = vector.broadcast %broadcast_in_dim3A_1467 : vector<1x1024xf32> to vector<8x1024xf32>
    %add3A_2536 = vector.broadcast %slice3A_2534 : vector<8x1xf32> to vector<8x1024xf32>
    %add3A_2537 = arith.addf %add3A_2535, %add3A_2536 : vector<8x1024xf32>
    %slice3A_2538 = vector.extract_strided_slice %dot_general3A_1469 {offsets = [776, 0], sizes = [8, 1024], strides = [1, 1]} : vector<1024x1024xf32> to vector<8x1024xf32>
    %sub3A_2539 = arith.subf %add3A_2537, %slice3A_2538 : vector<8x1024xf32>
    %lt3A_2540 = arith.cmpf olt, %sub3A_2539, %select_n3A_2530 : vector<8x1024xf32>
    %select_n3A_2541 = arith.select %lt3A_2540, %sub3A_2539, %select_n3A_2530 : vector<8x1024xi1>, vector<8x1024xf32>
    %jit3A_2542 = arith.constant 97 : i32
    %broadcast_in_dim3A_2543 = vector.broadcast %jit3A_2542 : i32 to vector<8x1024xi32>
    %select_n3A_2544 = arith.select %lt3A_2540, %broadcast_in_dim3A_2543, %select_n3A_2533 : vector<8x1024xi1>, vector<8x1024xi32>
    %slice3A_2545 = vector.extract_strided_slice %broadcast_in_dim3A {offsets = [784, 0], sizes = [8, 1], strides = [1, 1]} : vector<1024x1xf32> to vector<8x1xf32>
    %add3A_2546 = vector.broadcast %broadcast_in_dim3A_1467 : vector<1x1024xf32> to vector<8x1024xf32>
    %add3A_2547 = vector.broadcast %slice3A_2545 : vector<8x1xf32> to vector<8x1024xf32>
    %add3A_2548 = arith.addf %add3A_2546, %add3A_2547 : vector<8x1024xf32>
    %slice3A_2549 = vector.extract_strided_slice %dot_general3A_1469 {offsets = [784, 0], sizes = [8, 1024], strides = [1, 1]} : vector<1024x1024xf32> to vector<8x1024xf32>
    %sub3A_2550 = arith.subf %add3A_2548, %slice3A_2549 : vector<8x1024xf32>
    %lt3A_2551 = arith.cmpf olt, %sub3A_2550, %select_n3A_2541 : vector<8x1024xf32>
    %select_n3A_2552 = arith.select %lt3A_2551, %sub3A_2550, %select_n3A_2541 : vector<8x1024xi1>, vector<8x1024xf32>
    %jit3A_2553 = arith.constant 98 : i32
    %broadcast_in_dim3A_2554 = vector.broadcast %jit3A_2553 : i32 to vector<8x1024xi32>
    %select_n3A_2555 = arith.select %lt3A_2551, %broadcast_in_dim3A_2554, %select_n3A_2544 : vector<8x1024xi1>, vector<8x1024xi32>
    %slice3A_2556 = vector.extract_strided_slice %broadcast_in_dim3A {offsets = [792, 0], sizes = [8, 1], strides = [1, 1]} : vector<1024x1xf32> to vector<8x1xf32>
    %add3A_2557 = vector.broadcast %broadcast_in_dim3A_1467 : vector<1x1024xf32> to vector<8x1024xf32>
    %add3A_2558 = vector.broadcast %slice3A_2556 : vector<8x1xf32> to vector<8x1024xf32>
    %add3A_2559 = arith.addf %add3A_2557, %add3A_2558 : vector<8x1024xf32>
    %slice3A_2560 = vector.extract_strided_slice %dot_general3A_1469 {offsets = [792, 0], sizes = [8, 1024], strides = [1, 1]} : vector<1024x1024xf32> to vector<8x1024xf32>
    %sub3A_2561 = arith.subf %add3A_2559, %slice3A_2560 : vector<8x1024xf32>
    %lt3A_2562 = arith.cmpf olt, %sub3A_2561, %select_n3A_2552 : vector<8x1024xf32>
    %select_n3A_2563 = arith.select %lt3A_2562, %sub3A_2561, %select_n3A_2552 : vector<8x1024xi1>, vector<8x1024xf32>
    %jit3A_2564 = arith.constant 99 : i32
    %broadcast_in_dim3A_2565 = vector.broadcast %jit3A_2564 : i32 to vector<8x1024xi32>
    %select_n3A_2566 = arith.select %lt3A_2562, %broadcast_in_dim3A_2565, %select_n3A_2555 : vector<8x1024xi1>, vector<8x1024xi32>
    %slice3A_2567 = vector.extract_strided_slice %broadcast_in_dim3A {offsets = [800, 0], sizes = [8, 1], strides = [1, 1]} : vector<1024x1xf32> to vector<8x1xf32>
    %add3A_2568 = vector.broadcast %broadcast_in_dim3A_1467 : vector<1x1024xf32> to vector<8x1024xf32>
    %add3A_2569 = vector.broadcast %slice3A_2567 : vector<8x1xf32> to vector<8x1024xf32>
    %add3A_2570 = arith.addf %add3A_2568, %add3A_2569 : vector<8x1024xf32>
    %slice3A_2571 = vector.extract_strided_slice %dot_general3A_1469 {offsets = [800, 0], sizes = [8, 1024], strides = [1, 1]} : vector<1024x1024xf32> to vector<8x1024xf32>
    %sub3A_2572 = arith.subf %add3A_2570, %slice3A_2571 : vector<8x1024xf32>
    %lt3A_2573 = arith.cmpf olt, %sub3A_2572, %select_n3A_2563 : vector<8x1024xf32>
    %select_n3A_2574 = arith.select %lt3A_2573, %sub3A_2572, %select_n3A_2563 : vector<8x1024xi1>, vector<8x1024xf32>
    %jit3A_2575 = arith.constant 100 : i32
    %broadcast_in_dim3A_2576 = vector.broadcast %jit3A_2575 : i32 to vector<8x1024xi32>
    %select_n3A_2577 = arith.select %lt3A_2573, %broadcast_in_dim3A_2576, %select_n3A_2566 : vector<8x1024xi1>, vector<8x1024xi32>
    %slice3A_2578 = vector.extract_strided_slice %broadcast_in_dim3A {offsets = [808, 0], sizes = [8, 1], strides = [1, 1]} : vector<1024x1xf32> to vector<8x1xf32>
    %add3A_2579 = vector.broadcast %broadcast_in_dim3A_1467 : vector<1x1024xf32> to vector<8x1024xf32>
    %add3A_2580 = vector.broadcast %slice3A_2578 : vector<8x1xf32> to vector<8x1024xf32>
    %add3A_2581 = arith.addf %add3A_2579, %add3A_2580 : vector<8x1024xf32>
    %slice3A_2582 = vector.extract_strided_slice %dot_general3A_1469 {offsets = [808, 0], sizes = [8, 1024], strides = [1, 1]} : vector<1024x1024xf32> to vector<8x1024xf32>
    %sub3A_2583 = arith.subf %add3A_2581, %slice3A_2582 : vector<8x1024xf32>
    %lt3A_2584 = arith.cmpf olt, %sub3A_2583, %select_n3A_2574 : vector<8x1024xf32>
    %select_n3A_2585 = arith.select %lt3A_2584, %sub3A_2583, %select_n3A_2574 : vector<8x1024xi1>, vector<8x1024xf32>
    %jit3A_2586 = arith.constant 101 : i32
    %broadcast_in_dim3A_2587 = vector.broadcast %jit3A_2586 : i32 to vector<8x1024xi32>
    %select_n3A_2588 = arith.select %lt3A_2584, %broadcast_in_dim3A_2587, %select_n3A_2577 : vector<8x1024xi1>, vector<8x1024xi32>
    %slice3A_2589 = vector.extract_strided_slice %broadcast_in_dim3A {offsets = [816, 0], sizes = [8, 1], strides = [1, 1]} : vector<1024x1xf32> to vector<8x1xf32>
    %add3A_2590 = vector.broadcast %broadcast_in_dim3A_1467 : vector<1x1024xf32> to vector<8x1024xf32>
    %add3A_2591 = vector.broadcast %slice3A_2589 : vector<8x1xf32> to vector<8x1024xf32>
    %add3A_2592 = arith.addf %add3A_2590, %add3A_2591 : vector<8x1024xf32>
    %slice3A_2593 = vector.extract_strided_slice %dot_general3A_1469 {offsets = [816, 0], sizes = [8, 1024], strides = [1, 1]} : vector<1024x1024xf32> to vector<8x1024xf32>
    %sub3A_2594 = arith.subf %add3A_2592, %slice3A_2593 : vector<8x1024xf32>
    %lt3A_2595 = arith.cmpf olt, %sub3A_2594, %select_n3A_2585 : vector<8x1024xf32>
    %select_n3A_2596 = arith.select %lt3A_2595, %sub3A_2594, %select_n3A_2585 : vector<8x1024xi1>, vector<8x1024xf32>
    %jit3A_2597 = arith.constant 102 : i32
    %broadcast_in_dim3A_2598 = vector.broadcast %jit3A_2597 : i32 to vector<8x1024xi32>
    %select_n3A_2599 = arith.select %lt3A_2595, %broadcast_in_dim3A_2598, %select_n3A_2588 : vector<8x1024xi1>, vector<8x1024xi32>
    %slice3A_2600 = vector.extract_strided_slice %broadcast_in_dim3A {offsets = [824, 0], sizes = [8, 1], strides = [1, 1]} : vector<1024x1xf32> to vector<8x1xf32>
    %add3A_2601 = vector.broadcast %broadcast_in_dim3A_1467 : vector<1x1024xf32> to vector<8x1024xf32>
    %add3A_2602 = vector.broadcast %slice3A_2600 : vector<8x1xf32> to vector<8x1024xf32>
    %add3A_2603 = arith.addf %add3A_2601, %add3A_2602 : vector<8x1024xf32>
    %slice3A_2604 = vector.extract_strided_slice %dot_general3A_1469 {offsets = [824, 0], sizes = [8, 1024], strides = [1, 1]} : vector<1024x1024xf32> to vector<8x1024xf32>
    %sub3A_2605 = arith.subf %add3A_2603, %slice3A_2604 : vector<8x1024xf32>
    %lt3A_2606 = arith.cmpf olt, %sub3A_2605, %select_n3A_2596 : vector<8x1024xf32>
    %select_n3A_2607 = arith.select %lt3A_2606, %sub3A_2605, %select_n3A_2596 : vector<8x1024xi1>, vector<8x1024xf32>
    %jit3A_2608 = arith.constant 103 : i32
    %broadcast_in_dim3A_2609 = vector.broadcast %jit3A_2608 : i32 to vector<8x1024xi32>
    %select_n3A_2610 = arith.select %lt3A_2606, %broadcast_in_dim3A_2609, %select_n3A_2599 : vector<8x1024xi1>, vector<8x1024xi32>
    %slice3A_2611 = vector.extract_strided_slice %broadcast_in_dim3A {offsets = [832, 0], sizes = [8, 1], strides = [1, 1]} : vector<1024x1xf32> to vector<8x1xf32>
    %add3A_2612 = vector.broadcast %broadcast_in_dim3A_1467 : vector<1x1024xf32> to vector<8x1024xf32>
    %add3A_2613 = vector.broadcast %slice3A_2611 : vector<8x1xf32> to vector<8x1024xf32>
    %add3A_2614 = arith.addf %add3A_2612, %add3A_2613 : vector<8x1024xf32>
    %slice3A_2615 = vector.extract_strided_slice %dot_general3A_1469 {offsets = [832, 0], sizes = [8, 1024], strides = [1, 1]} : vector<1024x1024xf32> to vector<8x1024xf32>
    %sub3A_2616 = arith.subf %add3A_2614, %slice3A_2615 : vector<8x1024xf32>
    %lt3A_2617 = arith.cmpf olt, %sub3A_2616, %select_n3A_2607 : vector<8x1024xf32>
    %select_n3A_2618 = arith.select %lt3A_2617, %sub3A_2616, %select_n3A_2607 : vector<8x1024xi1>, vector<8x1024xf32>
    %jit3A_2619 = arith.constant 104 : i32
    %broadcast_in_dim3A_2620 = vector.broadcast %jit3A_2619 : i32 to vector<8x1024xi32>
    %select_n3A_2621 = arith.select %lt3A_2617, %broadcast_in_dim3A_2620, %select_n3A_2610 : vector<8x1024xi1>, vector<8x1024xi32>
    %slice3A_2622 = vector.extract_strided_slice %broadcast_in_dim3A {offsets = [840, 0], sizes = [8, 1], strides = [1, 1]} : vector<1024x1xf32> to vector<8x1xf32>
    %add3A_2623 = vector.broadcast %broadcast_in_dim3A_1467 : vector<1x1024xf32> to vector<8x1024xf32>
    %add3A_2624 = vector.broadcast %slice3A_2622 : vector<8x1xf32> to vector<8x1024xf32>
    %add3A_2625 = arith.addf %add3A_2623, %add3A_2624 : vector<8x1024xf32>
    %slice3A_2626 = vector.extract_strided_slice %dot_general3A_1469 {offsets = [840, 0], sizes = [8, 1024], strides = [1, 1]} : vector<1024x1024xf32> to vector<8x1024xf32>
    %sub3A_2627 = arith.subf %add3A_2625, %slice3A_2626 : vector<8x1024xf32>
    %lt3A_2628 = arith.cmpf olt, %sub3A_2627, %select_n3A_2618 : vector<8x1024xf32>
    %select_n3A_2629 = arith.select %lt3A_2628, %sub3A_2627, %select_n3A_2618 : vector<8x1024xi1>, vector<8x1024xf32>
    %jit3A_2630 = arith.constant 105 : i32
    %broadcast_in_dim3A_2631 = vector.broadcast %jit3A_2630 : i32 to vector<8x1024xi32>
    %select_n3A_2632 = arith.select %lt3A_2628, %broadcast_in_dim3A_2631, %select_n3A_2621 : vector<8x1024xi1>, vector<8x1024xi32>
    %slice3A_2633 = vector.extract_strided_slice %broadcast_in_dim3A {offsets = [848, 0], sizes = [8, 1], strides = [1, 1]} : vector<1024x1xf32> to vector<8x1xf32>
    %add3A_2634 = vector.broadcast %broadcast_in_dim3A_1467 : vector<1x1024xf32> to vector<8x1024xf32>
    %add3A_2635 = vector.broadcast %slice3A_2633 : vector<8x1xf32> to vector<8x1024xf32>
    %add3A_2636 = arith.addf %add3A_2634, %add3A_2635 : vector<8x1024xf32>
    %slice3A_2637 = vector.extract_strided_slice %dot_general3A_1469 {offsets = [848, 0], sizes = [8, 1024], strides = [1, 1]} : vector<1024x1024xf32> to vector<8x1024xf32>
    %sub3A_2638 = arith.subf %add3A_2636, %slice3A_2637 : vector<8x1024xf32>
    %lt3A_2639 = arith.cmpf olt, %sub3A_2638, %select_n3A_2629 : vector<8x1024xf32>
    %select_n3A_2640 = arith.select %lt3A_2639, %sub3A_2638, %select_n3A_2629 : vector<8x1024xi1>, vector<8x1024xf32>
    %jit3A_2641 = arith.constant 106 : i32
    %broadcast_in_dim3A_2642 = vector.broadcast %jit3A_2641 : i32 to vector<8x1024xi32>
    %select_n3A_2643 = arith.select %lt3A_2639, %broadcast_in_dim3A_2642, %select_n3A_2632 : vector<8x1024xi1>, vector<8x1024xi32>
    %slice3A_2644 = vector.extract_strided_slice %broadcast_in_dim3A {offsets = [856, 0], sizes = [8, 1], strides = [1, 1]} : vector<1024x1xf32> to vector<8x1xf32>
    %add3A_2645 = vector.broadcast %broadcast_in_dim3A_1467 : vector<1x1024xf32> to vector<8x1024xf32>
    %add3A_2646 = vector.broadcast %slice3A_2644 : vector<8x1xf32> to vector<8x1024xf32>
    %add3A_2647 = arith.addf %add3A_2645, %add3A_2646 : vector<8x1024xf32>
    %slice3A_2648 = vector.extract_strided_slice %dot_general3A_1469 {offsets = [856, 0], sizes = [8, 1024], strides = [1, 1]} : vector<1024x1024xf32> to vector<8x1024xf32>
    %sub3A_2649 = arith.subf %add3A_2647, %slice3A_2648 : vector<8x1024xf32>
    %lt3A_2650 = arith.cmpf olt, %sub3A_2649, %select_n3A_2640 : vector<8x1024xf32>
    %select_n3A_2651 = arith.select %lt3A_2650, %sub3A_2649, %select_n3A_2640 : vector<8x1024xi1>, vector<8x1024xf32>
    %jit3A_2652 = arith.constant 107 : i32
    %broadcast_in_dim3A_2653 = vector.broadcast %jit3A_2652 : i32 to vector<8x1024xi32>
    %select_n3A_2654 = arith.select %lt3A_2650, %broadcast_in_dim3A_2653, %select_n3A_2643 : vector<8x1024xi1>, vector<8x1024xi32>
    %slice3A_2655 = vector.extract_strided_slice %broadcast_in_dim3A {offsets = [864, 0], sizes = [8, 1], strides = [1, 1]} : vector<1024x1xf32> to vector<8x1xf32>
    %add3A_2656 = vector.broadcast %broadcast_in_dim3A_1467 : vector<1x1024xf32> to vector<8x1024xf32>
    %add3A_2657 = vector.broadcast %slice3A_2655 : vector<8x1xf32> to vector<8x1024xf32>
    %add3A_2658 = arith.addf %add3A_2656, %add3A_2657 : vector<8x1024xf32>
    %slice3A_2659 = vector.extract_strided_slice %dot_general3A_1469 {offsets = [864, 0], sizes = [8, 1024], strides = [1, 1]} : vector<1024x1024xf32> to vector<8x1024xf32>
    %sub3A_2660 = arith.subf %add3A_2658, %slice3A_2659 : vector<8x1024xf32>
    %lt3A_2661 = arith.cmpf olt, %sub3A_2660, %select_n3A_2651 : vector<8x1024xf32>
    %select_n3A_2662 = arith.select %lt3A_2661, %sub3A_2660, %select_n3A_2651 : vector<8x1024xi1>, vector<8x1024xf32>
    %jit3A_2663 = arith.constant 108 : i32
    %broadcast_in_dim3A_2664 = vector.broadcast %jit3A_2663 : i32 to vector<8x1024xi32>
    %select_n3A_2665 = arith.select %lt3A_2661, %broadcast_in_dim3A_2664, %select_n3A_2654 : vector<8x1024xi1>, vector<8x1024xi32>
    %slice3A_2666 = vector.extract_strided_slice %broadcast_in_dim3A {offsets = [872, 0], sizes = [8, 1], strides = [1, 1]} : vector<1024x1xf32> to vector<8x1xf32>
    %add3A_2667 = vector.broadcast %broadcast_in_dim3A_1467 : vector<1x1024xf32> to vector<8x1024xf32>
    %add3A_2668 = vector.broadcast %slice3A_2666 : vector<8x1xf32> to vector<8x1024xf32>
    %add3A_2669 = arith.addf %add3A_2667, %add3A_2668 : vector<8x1024xf32>
    %slice3A_2670 = vector.extract_strided_slice %dot_general3A_1469 {offsets = [872, 0], sizes = [8, 1024], strides = [1, 1]} : vector<1024x1024xf32> to vector<8x1024xf32>
    %sub3A_2671 = arith.subf %add3A_2669, %slice3A_2670 : vector<8x1024xf32>
    %lt3A_2672 = arith.cmpf olt, %sub3A_2671, %select_n3A_2662 : vector<8x1024xf32>
    %select_n3A_2673 = arith.select %lt3A_2672, %sub3A_2671, %select_n3A_2662 : vector<8x1024xi1>, vector<8x1024xf32>
    %jit3A_2674 = arith.constant 109 : i32
    %broadcast_in_dim3A_2675 = vector.broadcast %jit3A_2674 : i32 to vector<8x1024xi32>
    %select_n3A_2676 = arith.select %lt3A_2672, %broadcast_in_dim3A_2675, %select_n3A_2665 : vector<8x1024xi1>, vector<8x1024xi32>
    %slice3A_2677 = vector.extract_strided_slice %broadcast_in_dim3A {offsets = [880, 0], sizes = [8, 1], strides = [1, 1]} : vector<1024x1xf32> to vector<8x1xf32>
    %add3A_2678 = vector.broadcast %broadcast_in_dim3A_1467 : vector<1x1024xf32> to vector<8x1024xf32>
    %add3A_2679 = vector.broadcast %slice3A_2677 : vector<8x1xf32> to vector<8x1024xf32>
    %add3A_2680 = arith.addf %add3A_2678, %add3A_2679 : vector<8x1024xf32>
    %slice3A_2681 = vector.extract_strided_slice %dot_general3A_1469 {offsets = [880, 0], sizes = [8, 1024], strides = [1, 1]} : vector<1024x1024xf32> to vector<8x1024xf32>
    %sub3A_2682 = arith.subf %add3A_2680, %slice3A_2681 : vector<8x1024xf32>
    %lt3A_2683 = arith.cmpf olt, %sub3A_2682, %select_n3A_2673 : vector<8x1024xf32>
    %select_n3A_2684 = arith.select %lt3A_2683, %sub3A_2682, %select_n3A_2673 : vector<8x1024xi1>, vector<8x1024xf32>
    %jit3A_2685 = arith.constant 110 : i32
    %broadcast_in_dim3A_2686 = vector.broadcast %jit3A_2685 : i32 to vector<8x1024xi32>
    %select_n3A_2687 = arith.select %lt3A_2683, %broadcast_in_dim3A_2686, %select_n3A_2676 : vector<8x1024xi1>, vector<8x1024xi32>
    %slice3A_2688 = vector.extract_strided_slice %broadcast_in_dim3A {offsets = [888, 0], sizes = [8, 1], strides = [1, 1]} : vector<1024x1xf32> to vector<8x1xf32>
    %add3A_2689 = vector.broadcast %broadcast_in_dim3A_1467 : vector<1x1024xf32> to vector<8x1024xf32>
    %add3A_2690 = vector.broadcast %slice3A_2688 : vector<8x1xf32> to vector<8x1024xf32>
    %add3A_2691 = arith.addf %add3A_2689, %add3A_2690 : vector<8x1024xf32>
    %slice3A_2692 = vector.extract_strided_slice %dot_general3A_1469 {offsets = [888, 0], sizes = [8, 1024], strides = [1, 1]} : vector<1024x1024xf32> to vector<8x1024xf32>
    %sub3A_2693 = arith.subf %add3A_2691, %slice3A_2692 : vector<8x1024xf32>
    %lt3A_2694 = arith.cmpf olt, %sub3A_2693, %select_n3A_2684 : vector<8x1024xf32>
    %select_n3A_2695 = arith.select %lt3A_2694, %sub3A_2693, %select_n3A_2684 : vector<8x1024xi1>, vector<8x1024xf32>
    %jit3A_2696 = arith.constant 111 : i32
    %broadcast_in_dim3A_2697 = vector.broadcast %jit3A_2696 : i32 to vector<8x1024xi32>
    %select_n3A_2698 = arith.select %lt3A_2694, %broadcast_in_dim3A_2697, %select_n3A_2687 : vector<8x1024xi1>, vector<8x1024xi32>
    %slice3A_2699 = vector.extract_strided_slice %broadcast_in_dim3A {offsets = [896, 0], sizes = [8, 1], strides = [1, 1]} : vector<1024x1xf32> to vector<8x1xf32>
    %add3A_2700 = vector.broadcast %broadcast_in_dim3A_1467 : vector<1x1024xf32> to vector<8x1024xf32>
    %add3A_2701 = vector.broadcast %slice3A_2699 : vector<8x1xf32> to vector<8x1024xf32>
    %add3A_2702 = arith.addf %add3A_2700, %add3A_2701 : vector<8x1024xf32>
    %slice3A_2703 = vector.extract_strided_slice %dot_general3A_1469 {offsets = [896, 0], sizes = [8, 1024], strides = [1, 1]} : vector<1024x1024xf32> to vector<8x1024xf32>
    %sub3A_2704 = arith.subf %add3A_2702, %slice3A_2703 : vector<8x1024xf32>
    %lt3A_2705 = arith.cmpf olt, %sub3A_2704, %select_n3A_2695 : vector<8x1024xf32>
    %select_n3A_2706 = arith.select %lt3A_2705, %sub3A_2704, %select_n3A_2695 : vector<8x1024xi1>, vector<8x1024xf32>
    %jit3A_2707 = arith.constant 112 : i32
    %broadcast_in_dim3A_2708 = vector.broadcast %jit3A_2707 : i32 to vector<8x1024xi32>
    %select_n3A_2709 = arith.select %lt3A_2705, %broadcast_in_dim3A_2708, %select_n3A_2698 : vector<8x1024xi1>, vector<8x1024xi32>
    %slice3A_2710 = vector.extract_strided_slice %broadcast_in_dim3A {offsets = [904, 0], sizes = [8, 1], strides = [1, 1]} : vector<1024x1xf32> to vector<8x1xf32>
    %add3A_2711 = vector.broadcast %broadcast_in_dim3A_1467 : vector<1x1024xf32> to vector<8x1024xf32>
    %add3A_2712 = vector.broadcast %slice3A_2710 : vector<8x1xf32> to vector<8x1024xf32>
    %add3A_2713 = arith.addf %add3A_2711, %add3A_2712 : vector<8x1024xf32>
    %slice3A_2714 = vector.extract_strided_slice %dot_general3A_1469 {offsets = [904, 0], sizes = [8, 1024], strides = [1, 1]} : vector<1024x1024xf32> to vector<8x1024xf32>
    %sub3A_2715 = arith.subf %add3A_2713, %slice3A_2714 : vector<8x1024xf32>
    %lt3A_2716 = arith.cmpf olt, %sub3A_2715, %select_n3A_2706 : vector<8x1024xf32>
    %select_n3A_2717 = arith.select %lt3A_2716, %sub3A_2715, %select_n3A_2706 : vector<8x1024xi1>, vector<8x1024xf32>
    %jit3A_2718 = arith.constant 113 : i32
    %broadcast_in_dim3A_2719 = vector.broadcast %jit3A_2718 : i32 to vector<8x1024xi32>
    %select_n3A_2720 = arith.select %lt3A_2716, %broadcast_in_dim3A_2719, %select_n3A_2709 : vector<8x1024xi1>, vector<8x1024xi32>
    %slice3A_2721 = vector.extract_strided_slice %broadcast_in_dim3A {offsets = [912, 0], sizes = [8, 1], strides = [1, 1]} : vector<1024x1xf32> to vector<8x1xf32>
    %add3A_2722 = vector.broadcast %broadcast_in_dim3A_1467 : vector<1x1024xf32> to vector<8x1024xf32>
    %add3A_2723 = vector.broadcast %slice3A_2721 : vector<8x1xf32> to vector<8x1024xf32>
    %add3A_2724 = arith.addf %add3A_2722, %add3A_2723 : vector<8x1024xf32>
    %slice3A_2725 = vector.extract_strided_slice %dot_general3A_1469 {offsets = [912, 0], sizes = [8, 1024], strides = [1, 1]} : vector<1024x1024xf32> to vector<8x1024xf32>
    %sub3A_2726 = arith.subf %add3A_2724, %slice3A_2725 : vector<8x1024xf32>
    %lt3A_2727 = arith.cmpf olt, %sub3A_2726, %select_n3A_2717 : vector<8x1024xf32>
    %select_n3A_2728 = arith.select %lt3A_2727, %sub3A_2726, %select_n3A_2717 : vector<8x1024xi1>, vector<8x1024xf32>
    %jit3A_2729 = arith.constant 114 : i32
    %broadcast_in_dim3A_2730 = vector.broadcast %jit3A_2729 : i32 to vector<8x1024xi32>
    %select_n3A_2731 = arith.select %lt3A_2727, %broadcast_in_dim3A_2730, %select_n3A_2720 : vector<8x1024xi1>, vector<8x1024xi32>
    %slice3A_2732 = vector.extract_strided_slice %broadcast_in_dim3A {offsets = [920, 0], sizes = [8, 1], strides = [1, 1]} : vector<1024x1xf32> to vector<8x1xf32>
    %add3A_2733 = vector.broadcast %broadcast_in_dim3A_1467 : vector<1x1024xf32> to vector<8x1024xf32>
    %add3A_2734 = vector.broadcast %slice3A_2732 : vector<8x1xf32> to vector<8x1024xf32>
    %add3A_2735 = arith.addf %add3A_2733, %add3A_2734 : vector<8x1024xf32>
    %slice3A_2736 = vector.extract_strided_slice %dot_general3A_1469 {offsets = [920, 0], sizes = [8, 1024], strides = [1, 1]} : vector<1024x1024xf32> to vector<8x1024xf32>
    %sub3A_2737 = arith.subf %add3A_2735, %slice3A_2736 : vector<8x1024xf32>
    %lt3A_2738 = arith.cmpf olt, %sub3A_2737, %select_n3A_2728 : vector<8x1024xf32>
    %select_n3A_2739 = arith.select %lt3A_2738, %sub3A_2737, %select_n3A_2728 : vector<8x1024xi1>, vector<8x1024xf32>
    %jit3A_2740 = arith.constant 115 : i32
    %broadcast_in_dim3A_2741 = vector.broadcast %jit3A_2740 : i32 to vector<8x1024xi32>
    %select_n3A_2742 = arith.select %lt3A_2738, %broadcast_in_dim3A_2741, %select_n3A_2731 : vector<8x1024xi1>, vector<8x1024xi32>
    %slice3A_2743 = vector.extract_strided_slice %broadcast_in_dim3A {offsets = [928, 0], sizes = [8, 1], strides = [1, 1]} : vector<1024x1xf32> to vector<8x1xf32>
    %add3A_2744 = vector.broadcast %broadcast_in_dim3A_1467 : vector<1x1024xf32> to vector<8x1024xf32>
    %add3A_2745 = vector.broadcast %slice3A_2743 : vector<8x1xf32> to vector<8x1024xf32>
    %add3A_2746 = arith.addf %add3A_2744, %add3A_2745 : vector<8x1024xf32>
    %slice3A_2747 = vector.extract_strided_slice %dot_general3A_1469 {offsets = [928, 0], sizes = [8, 1024], strides = [1, 1]} : vector<1024x1024xf32> to vector<8x1024xf32>
    %sub3A_2748 = arith.subf %add3A_2746, %slice3A_2747 : vector<8x1024xf32>
    %lt3A_2749 = arith.cmpf olt, %sub3A_2748, %select_n3A_2739 : vector<8x1024xf32>
    %select_n3A_2750 = arith.select %lt3A_2749, %sub3A_2748, %select_n3A_2739 : vector<8x1024xi1>, vector<8x1024xf32>
    %jit3A_2751 = arith.constant 116 : i32
    %broadcast_in_dim3A_2752 = vector.broadcast %jit3A_2751 : i32 to vector<8x1024xi32>
    %select_n3A_2753 = arith.select %lt3A_2749, %broadcast_in_dim3A_2752, %select_n3A_2742 : vector<8x1024xi1>, vector<8x1024xi32>
    %slice3A_2754 = vector.extract_strided_slice %broadcast_in_dim3A {offsets = [936, 0], sizes = [8, 1], strides = [1, 1]} : vector<1024x1xf32> to vector<8x1xf32>
    %add3A_2755 = vector.broadcast %broadcast_in_dim3A_1467 : vector<1x1024xf32> to vector<8x1024xf32>
    %add3A_2756 = vector.broadcast %slice3A_2754 : vector<8x1xf32> to vector<8x1024xf32>
    %add3A_2757 = arith.addf %add3A_2755, %add3A_2756 : vector<8x1024xf32>
    %slice3A_2758 = vector.extract_strided_slice %dot_general3A_1469 {offsets = [936, 0], sizes = [8, 1024], strides = [1, 1]} : vector<1024x1024xf32> to vector<8x1024xf32>
    %sub3A_2759 = arith.subf %add3A_2757, %slice3A_2758 : vector<8x1024xf32>
    %lt3A_2760 = arith.cmpf olt, %sub3A_2759, %select_n3A_2750 : vector<8x1024xf32>
    %select_n3A_2761 = arith.select %lt3A_2760, %sub3A_2759, %select_n3A_2750 : vector<8x1024xi1>, vector<8x1024xf32>
    %jit3A_2762 = arith.constant 117 : i32
    %broadcast_in_dim3A_2763 = vector.broadcast %jit3A_2762 : i32 to vector<8x1024xi32>
    %select_n3A_2764 = arith.select %lt3A_2760, %broadcast_in_dim3A_2763, %select_n3A_2753 : vector<8x1024xi1>, vector<8x1024xi32>
    %slice3A_2765 = vector.extract_strided_slice %broadcast_in_dim3A {offsets = [944, 0], sizes = [8, 1], strides = [1, 1]} : vector<1024x1xf32> to vector<8x1xf32>
    %add3A_2766 = vector.broadcast %broadcast_in_dim3A_1467 : vector<1x1024xf32> to vector<8x1024xf32>
    %add3A_2767 = vector.broadcast %slice3A_2765 : vector<8x1xf32> to vector<8x1024xf32>
    %add3A_2768 = arith.addf %add3A_2766, %add3A_2767 : vector<8x1024xf32>
    %slice3A_2769 = vector.extract_strided_slice %dot_general3A_1469 {offsets = [944, 0], sizes = [8, 1024], strides = [1, 1]} : vector<1024x1024xf32> to vector<8x1024xf32>
    %sub3A_2770 = arith.subf %add3A_2768, %slice3A_2769 : vector<8x1024xf32>
    %lt3A_2771 = arith.cmpf olt, %sub3A_2770, %select_n3A_2761 : vector<8x1024xf32>
    %select_n3A_2772 = arith.select %lt3A_2771, %sub3A_2770, %select_n3A_2761 : vector<8x1024xi1>, vector<8x1024xf32>
    %jit3A_2773 = arith.constant 118 : i32
    %broadcast_in_dim3A_2774 = vector.broadcast %jit3A_2773 : i32 to vector<8x1024xi32>
    %select_n3A_2775 = arith.select %lt3A_2771, %broadcast_in_dim3A_2774, %select_n3A_2764 : vector<8x1024xi1>, vector<8x1024xi32>
    %slice3A_2776 = vector.extract_strided_slice %broadcast_in_dim3A {offsets = [952, 0], sizes = [8, 1], strides = [1, 1]} : vector<1024x1xf32> to vector<8x1xf32>
    %add3A_2777 = vector.broadcast %broadcast_in_dim3A_1467 : vector<1x1024xf32> to vector<8x1024xf32>
    %add3A_2778 = vector.broadcast %slice3A_2776 : vector<8x1xf32> to vector<8x1024xf32>
    %add3A_2779 = arith.addf %add3A_2777, %add3A_2778 : vector<8x1024xf32>
    %slice3A_2780 = vector.extract_strided_slice %dot_general3A_1469 {offsets = [952, 0], sizes = [8, 1024], strides = [1, 1]} : vector<1024x1024xf32> to vector<8x1024xf32>
    %sub3A_2781 = arith.subf %add3A_2779, %slice3A_2780 : vector<8x1024xf32>
    %lt3A_2782 = arith.cmpf olt, %sub3A_2781, %select_n3A_2772 : vector<8x1024xf32>
    %select_n3A_2783 = arith.select %lt3A_2782, %sub3A_2781, %select_n3A_2772 : vector<8x1024xi1>, vector<8x1024xf32>
    %jit3A_2784 = arith.constant 119 : i32
    %broadcast_in_dim3A_2785 = vector.broadcast %jit3A_2784 : i32 to vector<8x1024xi32>
    %select_n3A_2786 = arith.select %lt3A_2782, %broadcast_in_dim3A_2785, %select_n3A_2775 : vector<8x1024xi1>, vector<8x1024xi32>
    %slice3A_2787 = vector.extract_strided_slice %broadcast_in_dim3A {offsets = [960, 0], sizes = [8, 1], strides = [1, 1]} : vector<1024x1xf32> to vector<8x1xf32>
    %add3A_2788 = vector.broadcast %broadcast_in_dim3A_1467 : vector<1x1024xf32> to vector<8x1024xf32>
    %add3A_2789 = vector.broadcast %slice3A_2787 : vector<8x1xf32> to vector<8x1024xf32>
    %add3A_2790 = arith.addf %add3A_2788, %add3A_2789 : vector<8x1024xf32>
    %slice3A_2791 = vector.extract_strided_slice %dot_general3A_1469 {offsets = [960, 0], sizes = [8, 1024], strides = [1, 1]} : vector<1024x1024xf32> to vector<8x1024xf32>
    %sub3A_2792 = arith.subf %add3A_2790, %slice3A_2791 : vector<8x1024xf32>
    %lt3A_2793 = arith.cmpf olt, %sub3A_2792, %select_n3A_2783 : vector<8x1024xf32>
    %select_n3A_2794 = arith.select %lt3A_2793, %sub3A_2792, %select_n3A_2783 : vector<8x1024xi1>, vector<8x1024xf32>
    %jit3A_2795 = arith.constant 120 : i32
    %broadcast_in_dim3A_2796 = vector.broadcast %jit3A_2795 : i32 to vector<8x1024xi32>
    %select_n3A_2797 = arith.select %lt3A_2793, %broadcast_in_dim3A_2796, %select_n3A_2786 : vector<8x1024xi1>, vector<8x1024xi32>
    %slice3A_2798 = vector.extract_strided_slice %broadcast_in_dim3A {offsets = [968, 0], sizes = [8, 1], strides = [1, 1]} : vector<1024x1xf32> to vector<8x1xf32>
    %add3A_2799 = vector.broadcast %broadcast_in_dim3A_1467 : vector<1x1024xf32> to vector<8x1024xf32>
    %add3A_2800 = vector.broadcast %slice3A_2798 : vector<8x1xf32> to vector<8x1024xf32>
    %add3A_2801 = arith.addf %add3A_2799, %add3A_2800 : vector<8x1024xf32>
    %slice3A_2802 = vector.extract_strided_slice %dot_general3A_1469 {offsets = [968, 0], sizes = [8, 1024], strides = [1, 1]} : vector<1024x1024xf32> to vector<8x1024xf32>
    %sub3A_2803 = arith.subf %add3A_2801, %slice3A_2802 : vector<8x1024xf32>
    %lt3A_2804 = arith.cmpf olt, %sub3A_2803, %select_n3A_2794 : vector<8x1024xf32>
    %select_n3A_2805 = arith.select %lt3A_2804, %sub3A_2803, %select_n3A_2794 : vector<8x1024xi1>, vector<8x1024xf32>
    %jit3A_2806 = arith.constant 121 : i32
    %broadcast_in_dim3A_2807 = vector.broadcast %jit3A_2806 : i32 to vector<8x1024xi32>
    %select_n3A_2808 = arith.select %lt3A_2804, %broadcast_in_dim3A_2807, %select_n3A_2797 : vector<8x1024xi1>, vector<8x1024xi32>
    %slice3A_2809 = vector.extract_strided_slice %broadcast_in_dim3A {offsets = [976, 0], sizes = [8, 1], strides = [1, 1]} : vector<1024x1xf32> to vector<8x1xf32>
    %add3A_2810 = vector.broadcast %broadcast_in_dim3A_1467 : vector<1x1024xf32> to vector<8x1024xf32>
    %add3A_2811 = vector.broadcast %slice3A_2809 : vector<8x1xf32> to vector<8x1024xf32>
    %add3A_2812 = arith.addf %add3A_2810, %add3A_2811 : vector<8x1024xf32>
    %slice3A_2813 = vector.extract_strided_slice %dot_general3A_1469 {offsets = [976, 0], sizes = [8, 1024], strides = [1, 1]} : vector<1024x1024xf32> to vector<8x1024xf32>
    %sub3A_2814 = arith.subf %add3A_2812, %slice3A_2813 : vector<8x1024xf32>
    %lt3A_2815 = arith.cmpf olt, %sub3A_2814, %select_n3A_2805 : vector<8x1024xf32>
    %select_n3A_2816 = arith.select %lt3A_2815, %sub3A_2814, %select_n3A_2805 : vector<8x1024xi1>, vector<8x1024xf32>
    %jit3A_2817 = arith.constant 122 : i32
    %broadcast_in_dim3A_2818 = vector.broadcast %jit3A_2817 : i32 to vector<8x1024xi32>
    %select_n3A_2819 = arith.select %lt3A_2815, %broadcast_in_dim3A_2818, %select_n3A_2808 : vector<8x1024xi1>, vector<8x1024xi32>
    %slice3A_2820 = vector.extract_strided_slice %broadcast_in_dim3A {offsets = [984, 0], sizes = [8, 1], strides = [1, 1]} : vector<1024x1xf32> to vector<8x1xf32>
    %add3A_2821 = vector.broadcast %broadcast_in_dim3A_1467 : vector<1x1024xf32> to vector<8x1024xf32>
    %add3A_2822 = vector.broadcast %slice3A_2820 : vector<8x1xf32> to vector<8x1024xf32>
    %add3A_2823 = arith.addf %add3A_2821, %add3A_2822 : vector<8x1024xf32>
    %slice3A_2824 = vector.extract_strided_slice %dot_general3A_1469 {offsets = [984, 0], sizes = [8, 1024], strides = [1, 1]} : vector<1024x1024xf32> to vector<8x1024xf32>
    %sub3A_2825 = arith.subf %add3A_2823, %slice3A_2824 : vector<8x1024xf32>
    %lt3A_2826 = arith.cmpf olt, %sub3A_2825, %select_n3A_2816 : vector<8x1024xf32>
    %select_n3A_2827 = arith.select %lt3A_2826, %sub3A_2825, %select_n3A_2816 : vector<8x1024xi1>, vector<8x1024xf32>
    %jit3A_2828 = arith.constant 123 : i32
    %broadcast_in_dim3A_2829 = vector.broadcast %jit3A_2828 : i32 to vector<8x1024xi32>
    %select_n3A_2830 = arith.select %lt3A_2826, %broadcast_in_dim3A_2829, %select_n3A_2819 : vector<8x1024xi1>, vector<8x1024xi32>
    %slice3A_2831 = vector.extract_strided_slice %broadcast_in_dim3A {offsets = [992, 0], sizes = [8, 1], strides = [1, 1]} : vector<1024x1xf32> to vector<8x1xf32>
    %add3A_2832 = vector.broadcast %broadcast_in_dim3A_1467 : vector<1x1024xf32> to vector<8x1024xf32>
    %add3A_2833 = vector.broadcast %slice3A_2831 : vector<8x1xf32> to vector<8x1024xf32>
    %add3A_2834 = arith.addf %add3A_2832, %add3A_2833 : vector<8x1024xf32>
    %slice3A_2835 = vector.extract_strided_slice %dot_general3A_1469 {offsets = [992, 0], sizes = [8, 1024], strides = [1, 1]} : vector<1024x1024xf32> to vector<8x1024xf32>
    %sub3A_2836 = arith.subf %add3A_2834, %slice3A_2835 : vector<8x1024xf32>
    %lt3A_2837 = arith.cmpf olt, %sub3A_2836, %select_n3A_2827 : vector<8x1024xf32>
    %select_n3A_2838 = arith.select %lt3A_2837, %sub3A_2836, %select_n3A_2827 : vector<8x1024xi1>, vector<8x1024xf32>
    %jit3A_2839 = arith.constant 124 : i32
    %broadcast_in_dim3A_2840 = vector.broadcast %jit3A_2839 : i32 to vector<8x1024xi32>
    %select_n3A_2841 = arith.select %lt3A_2837, %broadcast_in_dim3A_2840, %select_n3A_2830 : vector<8x1024xi1>, vector<8x1024xi32>
    %slice3A_2842 = vector.extract_strided_slice %broadcast_in_dim3A {offsets = [1000, 0], sizes = [8, 1], strides = [1, 1]} : vector<1024x1xf32> to vector<8x1xf32>
    %add3A_2843 = vector.broadcast %broadcast_in_dim3A_1467 : vector<1x1024xf32> to vector<8x1024xf32>
    %add3A_2844 = vector.broadcast %slice3A_2842 : vector<8x1xf32> to vector<8x1024xf32>
    %add3A_2845 = arith.addf %add3A_2843, %add3A_2844 : vector<8x1024xf32>
    %slice3A_2846 = vector.extract_strided_slice %dot_general3A_1469 {offsets = [1000, 0], sizes = [8, 1024], strides = [1, 1]} : vector<1024x1024xf32> to vector<8x1024xf32>
    %sub3A_2847 = arith.subf %add3A_2845, %slice3A_2846 : vector<8x1024xf32>
    %lt3A_2848 = arith.cmpf olt, %sub3A_2847, %select_n3A_2838 : vector<8x1024xf32>
    %select_n3A_2849 = arith.select %lt3A_2848, %sub3A_2847, %select_n3A_2838 : vector<8x1024xi1>, vector<8x1024xf32>
    %jit3A_2850 = arith.constant 125 : i32
    %broadcast_in_dim3A_2851 = vector.broadcast %jit3A_2850 : i32 to vector<8x1024xi32>
    %select_n3A_2852 = arith.select %lt3A_2848, %broadcast_in_dim3A_2851, %select_n3A_2841 : vector<8x1024xi1>, vector<8x1024xi32>
    %slice3A_2853 = vector.extract_strided_slice %broadcast_in_dim3A {offsets = [1008, 0], sizes = [8, 1], strides = [1, 1]} : vector<1024x1xf32> to vector<8x1xf32>
    %add3A_2854 = vector.broadcast %broadcast_in_dim3A_1467 : vector<1x1024xf32> to vector<8x1024xf32>
    %add3A_2855 = vector.broadcast %slice3A_2853 : vector<8x1xf32> to vector<8x1024xf32>
    %add3A_2856 = arith.addf %add3A_2854, %add3A_2855 : vector<8x1024xf32>
    %slice3A_2857 = vector.extract_strided_slice %dot_general3A_1469 {offsets = [1008, 0], sizes = [8, 1024], strides = [1, 1]} : vector<1024x1024xf32> to vector<8x1024xf32>
    %sub3A_2858 = arith.subf %add3A_2856, %slice3A_2857 : vector<8x1024xf32>
    %lt3A_2859 = arith.cmpf olt, %sub3A_2858, %select_n3A_2849 : vector<8x1024xf32>
    %select_n3A_2860 = arith.select %lt3A_2859, %sub3A_2858, %select_n3A_2849 : vector<8x1024xi1>, vector<8x1024xf32>
    %jit3A_2861 = arith.constant 126 : i32
    %broadcast_in_dim3A_2862 = vector.broadcast %jit3A_2861 : i32 to vector<8x1024xi32>
    %select_n3A_2863 = arith.select %lt3A_2859, %broadcast_in_dim3A_2862, %select_n3A_2852 : vector<8x1024xi1>, vector<8x1024xi32>
    %slice3A_2864 = vector.extract_strided_slice %broadcast_in_dim3A {offsets = [1016, 0], sizes = [8, 1], strides = [1, 1]} : vector<1024x1xf32> to vector<8x1xf32>
    %add3A_2865 = vector.broadcast %broadcast_in_dim3A_1467 : vector<1x1024xf32> to vector<8x1024xf32>
    %add3A_2866 = vector.broadcast %slice3A_2864 : vector<8x1xf32> to vector<8x1024xf32>
    %add3A_2867 = arith.addf %add3A_2865, %add3A_2866 : vector<8x1024xf32>
    %slice3A_2868 = vector.extract_strided_slice %dot_general3A_1469 {offsets = [1016, 0], sizes = [8, 1024], strides = [1, 1]} : vector<1024x1024xf32> to vector<8x1024xf32>
    %sub3A_2869 = arith.subf %add3A_2867, %slice3A_2868 : vector<8x1024xf32>
    %lt3A_2870 = arith.cmpf olt, %sub3A_2869, %select_n3A_2860 : vector<8x1024xf32>
    %select_n3A_2871 = arith.select %lt3A_2870, %sub3A_2869, %select_n3A_2860 : vector<8x1024xi1>, vector<8x1024xf32>
    %jit3A_2872 = arith.constant 127 : i32
    %broadcast_in_dim3A_2873 = vector.broadcast %jit3A_2872 : i32 to vector<8x1024xi32>
    %select_n3A_2874 = arith.select %lt3A_2870, %broadcast_in_dim3A_2873, %select_n3A_2863 : vector<8x1024xi1>, vector<8x1024xi32>
    %mul3A_2875 = arith.constant 8 : i32
    %mul3A_2876 = vector.broadcast %mul3A_2875 : i32 to vector<8x1024xi32>
    %mul3A_2877 = arith.muli %select_n3A_2874, %mul3A_2876 : vector<8x1024xi32>
    %iota3A_2878 = tpu.iota {dimensions = array<i32: 0>} : vector<8x1024xi32>
    %add3A_2879 = arith.addi %mul3A_2877, %iota3A_2878 : vector<8x1024xi32>
    %slice3A_2880 = vector.extract_strided_slice %select_n3A_2871 {offsets = [0, 0], sizes = [4, 1024], strides = [1, 1]} : vector<8x1024xf32> to vector<4x1024xf32>
    %slice3A_2881 = vector.extract_strided_slice %select_n3A_2871 {offsets = [4, 0], sizes = [4, 1024], strides = [1, 1]} : vector<8x1024xf32> to vector<4x1024xf32>
    %slice3A_2882 = vector.extract_strided_slice %add3A_2879 {offsets = [0, 0], sizes = [4, 1024], strides = [1, 1]} : vector<8x1024xi32> to vector<4x1024xi32>
    %slice3A_2883 = vector.extract_strided_slice %add3A_2879 {offsets = [4, 0], sizes = [4, 1024], strides = [1, 1]} : vector<8x1024xi32> to vector<4x1024xi32>
    %lt3A_2884 = arith.cmpf olt, %slice3A_2881, %slice3A_2880 : vector<4x1024xf32>
    %eq3A_2885 = arith.cmpf oeq, %slice3A_2881, %slice3A_2880 : vector<4x1024xf32>
    %lt3A_2886 = arith.cmpi slt, %slice3A_2883, %slice3A_2882 : vector<4x1024xi32>
    %and3A_2887 = arith.andi %eq3A_2885, %lt3A_2886 : vector<4x1024xi1>
    %or3A_2888 = arith.ori %lt3A_2884, %and3A_2887 : vector<4x1024xi1>
    %select_n3A_2889 = arith.select %or3A_2888, %slice3A_2881, %slice3A_2880 : vector<4x1024xi1>, vector<4x1024xf32>
    %select_n3A_2890 = arith.select %or3A_2888, %slice3A_2883, %slice3A_2882 : vector<4x1024xi1>, vector<4x1024xi32>
    %slice3A_2891 = vector.extract_strided_slice %select_n3A_2889 {offsets = [0, 0], sizes = [2, 1024], strides = [1, 1]} : vector<4x1024xf32> to vector<2x1024xf32>
    %slice3A_2892 = vector.extract_strided_slice %select_n3A_2889 {offsets = [2, 0], sizes = [2, 1024], strides = [1, 1]} : vector<4x1024xf32> to vector<2x1024xf32>
    %slice3A_2893 = vector.extract_strided_slice %select_n3A_2890 {offsets = [0, 0], sizes = [2, 1024], strides = [1, 1]} : vector<4x1024xi32> to vector<2x1024xi32>
    %slice3A_2894 = vector.extract_strided_slice %select_n3A_2890 {offsets = [2, 0], sizes = [2, 1024], strides = [1, 1]} : vector<4x1024xi32> to vector<2x1024xi32>
    %lt3A_2895 = arith.cmpf olt, %slice3A_2892, %slice3A_2891 : vector<2x1024xf32>
    %eq3A_2896 = arith.cmpf oeq, %slice3A_2892, %slice3A_2891 : vector<2x1024xf32>
    %lt3A_2897 = arith.cmpi slt, %slice3A_2894, %slice3A_2893 : vector<2x1024xi32>
    %and3A_2898 = arith.andi %eq3A_2896, %lt3A_2897 : vector<2x1024xi1>
    %or3A_2899 = arith.ori %lt3A_2895, %and3A_2898 : vector<2x1024xi1>
    %select_n3A_2900 = arith.select %or3A_2899, %slice3A_2892, %slice3A_2891 : vector<2x1024xi1>, vector<2x1024xf32>
    %select_n3A_2901 = arith.select %or3A_2899, %slice3A_2894, %slice3A_2893 : vector<2x1024xi1>, vector<2x1024xi32>
    %slice3A_2902 = vector.extract_strided_slice %select_n3A_2900 {offsets = [0, 0], sizes = [1, 1024], strides = [1, 1]} : vector<2x1024xf32> to vector<1x1024xf32>
    %slice3A_2903 = vector.extract_strided_slice %select_n3A_2900 {offsets = [1, 0], sizes = [1, 1024], strides = [1, 1]} : vector<2x1024xf32> to vector<1x1024xf32>
    %slice3A_2904 = vector.extract_strided_slice %select_n3A_2901 {offsets = [0, 0], sizes = [1, 1024], strides = [1, 1]} : vector<2x1024xi32> to vector<1x1024xi32>
    %slice3A_2905 = vector.extract_strided_slice %select_n3A_2901 {offsets = [1, 0], sizes = [1, 1024], strides = [1, 1]} : vector<2x1024xi32> to vector<1x1024xi32>
    %lt3A_2906 = arith.cmpf olt, %slice3A_2903, %slice3A_2902 : vector<1x1024xf32>
    %eq3A_2907 = arith.cmpf oeq, %slice3A_2903, %slice3A_2902 : vector<1x1024xf32>
    %lt3A_2908 = arith.cmpi slt, %slice3A_2905, %slice3A_2904 : vector<1x1024xi32>
    %and3A_2909 = arith.andi %eq3A_2907, %lt3A_2908 : vector<1x1024xi1>
    %or3A_2910 = arith.ori %lt3A_2906, %and3A_2909 : vector<1x1024xi1>
    %select_n3A_2911 = arith.select %or3A_2910, %slice3A_2903, %slice3A_2902 : vector<1x1024xi1>, vector<1x1024xf32>
    %select_n3A_2912 = arith.select %or3A_2910, %slice3A_2905, %slice3A_2904 : vector<1x1024xi1>, vector<1x1024xi32>
    %swap3A_2913 = arith.constant 1 : index
    %swap3A_2914 = arith.constant 0 : index
    %swap3A_2915 = arith.constant 0 : index
    %swap3A_2916 = vector.load %arg3[%swap3A_2913, %swap3A_2914, %swap3A_2915] : memref<2x1x1024xi32, #tpu.memory_space<vmem>>, vector<1x1x1024xi32>
    %swap3A_2917 = vector.shape_cast %swap3A_2916 : vector<1x1x1024xi32> to vector<1x1024xi32>
    %swap3A_2918 = vector.shape_cast %select_n3A_2912 : vector<1x1024xi32> to vector<1x1x1024xi32>
    tpu.vector_store %arg3[%swap3A_2913, %swap3A_2914, %swap3A_2915], %swap3A_2918 {strides = array<i32>} : memref<2x1x1024xi32, #tpu.memory_space<vmem>>, vector<1x1x1024xi32>,
    %reduce_sum3A_2919 = vector.shape_cast %select_n3A_2911 : vector<1x1024xf32> to vector<1x1x1024xf32>
    %reduce_sum3A_2920 = arith.constant dense<0.000000e+00> : vector<1xf32>
    %reduce_sum3A_2921 = vector.multi_reduction <add>, %reduce_sum3A_2919, %reduce_sum3A_2920 [1, 2] : vector<1x1x1024xf32> to vector<1xf32>
    %reduce_sum3A_2922 = vector.shape_cast %reduce_sum3A_2921 : vector<1xf32> to vector<1x1x1xf32>
    %reduce_sum3A_2923 = vector.extract %reduce_sum3A_2922[0, 0, 0] : f32 from vector<1x1x1xf32>
    %add3A_2924 = arith.addf %add3A_1458, %reduce_sum3A_2923 : f32
    %eq3A_2925 = arith.constant 0 : i32
    %eq3A_2926 = arith.cmpi eq, %arg0, %eq3A_2925 : i32
    %get3A_2927 = arith.constant 0 : index
    %get3A_2928 = arith.constant 0 : index
    %get3A_2929 = memref.load %arg4[%get3A_2927, %get3A_2928] : memref<1x1xf32, #tpu.memory_space<smem>>
    %jit3A_2930 = arith.constant 0.000000e+00 : f32
    %select_n3A_2931 = arith.select %eq3A_2926, %jit3A_2930, %get3A_2929 : f32
    %add3A_2932 = arith.addf %select_n3A_2931, %add3A_2924 : f32
    %swap3A_2933 = arith.constant 0 : index
    %swap3A_2934 = arith.constant 0 : index
    %swap3A_2935 = memref.load %arg4[%swap3A_2933, %swap3A_2934] : memref<1x1xf32, #tpu.memory_space<smem>>
    memref.store %add3A_2932, %arg4[%swap3A_2933, %swap3A_2934] : memref<1x1xf32, #tpu.memory_space<smem>>
    return
  }
  func.func @transform_0(%arg0: i32) -> (i32, i32, i32) {
    %c0_i32 = arith.constant 0 : i32
    %c0_i32_0 = arith.constant 0 : i32
    %c0_i32_1 = arith.constant 0 : i32
    return %arg0, %c0_i32, %c0_i32_0 : i32, i32, i32
  }
  func.func @transform_1(%arg0: i32) -> (i32, i32) {
    %c0_i32 = arith.constant 0 : i32
    %c0_i32_0 = arith.constant 0 : i32
    %c0_i32_1 = arith.constant 0 : i32
    return %c0_i32, %c0_i32_0 : i32, i32
  }
  func.func @transform_2(%arg0: i32) -> (i32, i32, i32) {
    %c0_i32 = arith.constant 0 : i32
    %c0_i32_0 = arith.constant 0 : i32
    %c0_i32_1 = arith.constant 0 : i32
    return %arg0, %c0_i32, %c0_i32_0 : i32, i32, i32
  }
  func.func @transform_3(%arg0: i32) -> (i32, i32) {
    %c0_i32 = arith.constant 0 : i32
    %c0_i32_0 = arith.constant 0 : i32
    %c0_i32_1 = arith.constant 0 : i32
    return %c0_i32, %c0_i32_0 : i32, i32
  }
}

</mosaic_0001>

<sc_bundles>
// kernel: kernel.4.cloned.1.call-start
scs
__scs_entry_jumppad:
0x0: {  	(pc) =	sbr.rel $0x88, $3  }
0x1: {  	(tag) =	ssettag $0x0;
	lr =	simm.s32 $0x1  }
0x2: {  	[smem:$0x3F9F] =	sst lr;
	_ =	strace $0xD0000000  }
0x3: {  	_ = 	snop  }
0x4: {  	_ = 	snop  }
0x5: {  	_ = 	snop  }
0x6: {  	_ = 	snop  }
0x7: {  	_ = 	snop  }
__scs_overlays_trampoline_lowered:
0x8: {  	[smem:$0x3FAE] =	sst s0  }
0x9: {  	[smem:$0x3FAF] =	sst s1  }
0xa: {  	[smem:$0x3FB0] =	sst s2  }
0xb: {  	[smem:$0x3FB1] =	sst s3  }
0xc: {  	[smem:$0x3FB2] =	sst s4  }
0xd: {  	[smem:$0x3FB3] =	sst s5  }
0xe: {  	[smem:$0x3FB4] =	sst s6  }
0xf: {  	[smem:$0x3FB5] =	sst s7  }
0x10: {  	[smem:$0x3FB6] =	sst s8  }
0x11: {  	[smem:$0x3FB7] =	sst s9;
	s0 =	simm.s32 @!p0 $0x0  }
0x12: {  	s1 =	sld [smem:$0x3F9D];
	s0 =	simm.s32 @p0 $0x1  }
0x13: {  	[smem:$0x3FB8] =	sst s0;
	s0 =	simm.s32 @!p1 $0x0  }
0x14: {  	s2 =	sld [smem:$0x3F9C];
	s0 =	simm.s32 @p1 $0x1  }
0x15: {  	[smem:$0x3FB9] =	sst s0;
	s0 =	simm.s32 @!p2 $0x0  }
0x16: {  	s3 =	sld [smem:$0x3FDB];
	s0 =	simm.s32 @p2 $0x1  }
0x17: {  	s4 =	simm.s32 $0x1BF5;
	[smem:$0x3FBB] =	sst s0  }
0x18: {  	s0 =	sld [smem:$0x3F9E];
	_ =	swait.ge [sflag:s4], $0x0  }
0x19: {  	s7 =	sld [smem:$0x3F9F]  }
0x1a: {  	s8 =	sadd.s32 $0xFFFFE003, lr  }
0x1b: {  	s9 =	sadd.s32 $0xFFFFFEF7, lr;
	s5 =	simm.s32 $0xFFFFFFFF;
	p2 =	slt.u32 s8, $0xFFFFF086  }
0x1c: {  	p1 =	slt.u32 s9, $0xF7A;
	s5 =	simm.s32 @!p2 $0x0  }
0x1d: {  	s5 =	simm.s32 @p1 $0x1;
	p0 =	seq.s32 s7, s2  }
0x1e: {  	s7 =	smul.u32 @!p0 $0xF7A, s2;
	p2 =	seq.s32 @!p0 s5, $0x0  }
0x1f: {  	s9 =	smul.u32 $0xF7A, s1;
	s8 =	simm.s32 @!p0 $0x1BF5;
	p2 =	por !p2, p0  }
0x20: {  	[sflag:s8] =	ssyncset.s32 @!p0 $0xFFFFF086;
	s6 =	sadd.s32 @!p0 s3, s7;
	s7 =	simm.s32 @!p0 $0x108  }
0x21: {  	s3 =	sadd.s32 s3, s9;
	s6 =	sadd.s32 @!p0 $0x88, s6;
	s7 =	simm.s32 @p2 $0x1082  }
0x22: {  	[simem:s7], [sflag:s8] =	dma.local @!p0 [hbm:s6], $0xF7A  }
0x23: {  	s9 =	sor.u32 $0xD0000000, s2;
	s6 =	simm.s32 $0x108;
	_ =	swait.ge @!p0 [sflag:s8], $0x0  }
0x24: {  	s3 =	sadd.s32 $0x88, s3;
	s6 =	simm.s32 @!p1 $0x1082;
	[sflag:s4] =	ssyncset.s32 $0xFFFFF086  }
0x25: {  	[simem:s6], [sflag:s4] =	dma.local [hbm:s3], $0xF7A  }
0x26: {  	[smem:$0x3F9F] =	sst s1;
	(tag) =	ssettag s2;
	_ =	strace s9  }
0x27: {  	s1 =	sld [smem:$0x3FAF]  }
0x28: {  	s2 =	sld [smem:$0x3FB0]  }
0x29: {  	s4 =	sld [smem:$0x3FB2]  }
0x2a: {  	p0 =	seq.s32 s5, $0x0;
	s5 =	sld [smem:$0x3FB3]  }
0x2b: {  	s6 =	sld [smem:$0x3FB4]  }
0x2c: {  	s7 =	sld [smem:$0x3FB5]  }
0x2d: {  	s3 =	simm.s32 $0x108;
	s8 =	sld [smem:$0x3FB6]  }
0x2e: {  	s3 =	simm.s32 @!p0 $0x1082;
	s9 =	sld [smem:$0x3FB7]  }
0x2f: {  	lr =	sadd.s32 s0, s3;
	s0 =	sld [smem:$0x3FAE]  }
0x30: {  	s3 =	sld [smem:$0x3FB1]  }
0x31: {  	[smem:$0x3FBA] =	sst s10  }
0x32: {  	s10 =	sld [smem:$0x3FB8];
	_ =	sdelay $0x3  }
0x33: {  	p0 =	seq.s32 s10, $0x1;
	s10 =	sld [smem:$0x3FBA];
	_ =	sdelay $0x3  }
0x34: {  	[smem:$0x3FBA] =	sst s10  }
0x35: {  	s10 =	sld [smem:$0x3FB9];
	_ =	sdelay $0x3  }
0x36: {  	p1 =	seq.s32 s10, $0x1;
	s10 =	sld [smem:$0x3FBA];
	_ =	sdelay $0x3  }
0x37: {  	[smem:$0x3FBA] =	sst s10  }
0x38: {  	s10 =	sld [smem:$0x3FBB]  }
0x39: {  	_ = 	snop;
	(pc) =	sbr.ind lr, $3  }
0x3a: {  	_ = 	snop  }
0x3b: {  	_ = 	snop  }
0x3c: {  	p2 =	seq.s32 s10, $0x1;
	s10 =	sld [smem:$0x3FBA]  }
0x3d: {  	_ =	shalt  }
0x3e: {  	_ =	shalt  }
0x3f: {  	_ =	shalt  }
0x40: {  	_ =	shalt  }
0x41: {  	_ =	shalt  }
0x42: {  	_ =	shalt  }
0x43: {  	_ =	shalt  }
0x44: {  	_ =	shalt  }
0x45: {  	_ =	shalt  }
0x46: {  	_ =	shalt  }
0x47: {  	_ =	shalt  }
0x48: {  	_ =	shalt  }
0x49: {  	_ =	shalt  }
0x4a: {  	_ =	shalt  }
0x4b: {  	_ =	shalt  }
0x4c: {  	_ =	shalt  }
0x4d: {  	_ =	shalt  }
0x4e: {  	_ =	shalt  }
0x4f: {  	_ =	shalt  }
0x50: {  	_ =	shalt  }
0x51: {  	_ =	shalt  }
0x52: {  	_ =	shalt  }
0x53: {  	_ =	shalt  }
0x54: {  	_ =	shalt  }
0x55: {  	_ =	shalt  }
0x56: {  	_ =	shalt  }
0x57: {  	_ =	shalt  }
0x58: {  	_ =	shalt  }
0x59: {  	_ =	shalt  }
0x5a: {  	_ =	shalt  }
0x5b: {  	_ =	shalt  }
0x5c: {  	_ =	shalt  }
0x5d: {  	_ =	shalt  }
0x5e: {  	_ =	shalt  }
0x5f: {  	_ =	shalt  }
0x60: {  	_ =	shalt  }
0x61: {  	_ =	shalt  }
0x62: {  	_ =	shalt  }
0x63: {  	_ =	shalt  }
0x64: {  	_ =	shalt  }
0x65: {  	_ =	shalt  }
0x66: {  	_ =	shalt  }
0x67: {  	_ =	shalt  }
0x68: {  	_ =	shalt  }
0x69: {  	_ =	shalt  }
0x6a: {  	_ =	shalt  }
0x6b: {  	_ =	shalt  }
0x6c: {  	_ =	shalt  }
0x6d: {  	_ =	shalt  }
0x6e: {  	_ =	shalt  }
0x6f: {  	_ =	shalt  }
0x70: {  	_ =	shalt  }
0x71: {  	_ =	shalt  }
0x72: {  	_ =	shalt  }
0x73: {  	_ =	shalt  }
0x74: {  	_ =	shalt  }
0x75: {  	_ =	shalt  }
0x76: {  	_ =	shalt  }
0x77: {  	_ =	shalt  }
0x78: {  	_ =	shalt  }
0x79: {  	_ =	shalt  }
0x7a: {  	_ =	shalt  }
0x7b: {  	_ =	shalt  }
0x7c: {  	_ =	shalt  }
0x7d: {  	_ =	shalt  }
0x7e: {  	_ =	shalt  }
0x7f: {  	_ =	shalt  }
0x80: {  	_ =	shalt  }
0x81: {  	_ =	shalt  }
0x82: {  	_ =	shalt  }
0x83: {  	_ =	shalt  }
0x84: {  	_ =	shalt  }
0x85: {  	_ =	shalt  }
0x86: {  	_ =	shalt  }
0x87: {  	_ =	shalt  }
.Lfunc_end0:
.L_simem_size_0:
called_computation_lowered:
.L_overlay_start_0:
0x88: {  	s2 =	sld [smem:$0x3FD9]  }
0x89: {  	s3 =	sld [smem:$0x3FFE];
	_ =	sdelay $0x1  }
0x8a: {  	s1 =	srdreg.scid  }
0x8b: {  	s0 =	sand.u32 $0x1, s1  }
0x8c: {  	s14 =	sshll.u32 s0, $0xA;
	s2 =	sadd.s32 s3, s2  }
0x8d: {  	s2 =	sadd.s32 s2, s14  }
0x8e: {  	[smem:$0x3FC6] =	sst s2  }
0x8f: {  	_ = 	snop  }
0x90: {  	s2 =	sld [smem:$0x3FD0];
	_ =	sdelay $0x2  }
0x91: {  	s15 =	simm.s32 $0xA;
	s4 =	simm.s32 $0x10  }
0x92: {  	[smem:s4], [sflag:s15] =	dma.local [hbm:s2], $0x1  }
0x93: {  	_ =	swait.eq [sflag:s15], $0x1  }
0x94: {  	[sflag:s15] =	ssyncset.done $0x0  }
0x95: {  	[sflag:s15] =	ssyncadd.s32 $0xFFFFFFFF  }
0x96: {  	s16 =	sld [smem:$0x10];
	(tm) =	ssettm $0x1  }
0x97: {  	s17 =	sld [smem:$0x3FFB];
	_ =	sdelay $0x3  }
0x98: {  	_ =	strace s17  }
0x99: {  	s3 =	sld [smem:$0x3FFC];
	_ =	sdelay $0x3  }
0x9a: {  	_ =	strace s3  }
0x9b: {  	s3 =	sld [smem:$0x3FFD];
	_ =	sdelay $0x3  }
0x9c: {  	_ =	strace s3  }
0x9d: {  	_ =	strace $0x8FFFFFFF  }
0x9e: {  	s18 =	sld [smem:$0x3FDB];
	_ =	sdelay $0x1  }
0x9f: {  	s19 =	simm.s32 $_scs_section_size  }
0xa0: {  	s5 =	simm.s32 $_size__tile_overlayer_lowered;
	s6 =	simm.s32 $_tile_overlayer_lowered  }
0xa1: {  	s22 =	simm.s32 $0x1BFF;
	s21 =	sshll.u32 s6, $0x1;
	s3 =	sadd.s32 s19, s18  }
0xa2: {  	s7 =	simm.s32 $0x0;
	s20 =	sshll.u32 s5, $0x1;
	s5 =	sadd.s32 s21, s3  }
0xa3: {  	[timem:s7], [sflag:s22] =	dma.local [hbm:s5], s20  }
0xa4: {  	_ =	swait.ge [sflag:s22], s20  }
0xa5: {  	s4 =	ssub.s32 $0x0, s20;
	[sflag:s22] =	ssyncset.done $0x0  }
0xa6: {  	[sflag:s22] =	ssyncadd.s32 s4;
	_ =	sdelay $0x1  }
0xa7: {  	s23 =	simm.s32 $0x1B8B  }
0xa8: {  	_ =	swait.ge [sflag:s23], $0x1  }
0xa9: {  	[sflag:s23] =	ssyncset.done $0x0  }
0xaa: {  	s25 =	simm.s32 $0x1B8E;
	s24 =	sld [smem:$0x3FFE];
	[sflag:s23] =	ssyncadd.s32 $0xFFFFFFFF  }
0xab: {  	s26 =	simm.s32 $execute0_lowered;
	[smem:$0x3FD2] =	sst s25  }
0xac: {  	s5 =	sshll.u32 s26, $0x1;
	_ =	strace $0x80000046;
	[dreg:$0x1] =	wrdreg $0xFFFFFFFF  }
0xad: {  	s28 =	simm.s32 $_size_execute0_lowered;
	s3 =	sadd.s32 s3, s5;
	[dreg:$0x0] =	wrdreg $0x0  }
0xae: {  	s5 =	sshll.u32 s28, $0x1;
	[dreg:$0x2] =	wrdreg s3  }
0xaf: {  	[dreg:$0x3] =	wrdreg s5  }
0xb0: {  	[dreg:$0x4] =	wrdreg $0xC0  }
0xb1: {  	_ =	task [dreg:s7], $0x5FFFF  }
0xb2: {  	[dreg:$0x1] =	wrdreg $0xFFFFFFFF  }
0xb3: {  	[dreg:$0x0] =	wrdreg $0x60  }
0xb4: {  	[dreg:$0x2] =	wrdreg s24  }
0xb5: {  	[dreg:$0x3] =	wrdreg s16  }
0xb6: {  	[dreg:$0x4] =	wrdreg $0x9  }
0xb7: {  	_ =	task.clear_ibuf [dreg:s7], $0x5FFFF;
	_ =	strace $0x90000046  }
0xb8: {  	s29 =	simm.s32 $0x9;
	_ =	strace $0x80000048  }
0xb9: {  	_ =	swait.ge [sflag:s29], $0x1  }
0xba: {  	[sflag:s29] =	ssyncadd.s32 $0xFFFFFFFF  }
0xbb: {  	_ =	strace $0x90000048  }
0xbc: {  	_ =	sfence  }
0xbd: {  	s30 =	sld [smem:$0x0];
	_ =	sdelay $0x2  }
0xbe: {  	s31 =	sshll.u32 s1, $0xD;
	s1 =	sshrl.u32 s1, $0x2  }
0xbf: {  	s3 =	sand.u32 $0x4000, s31;
	s1 =	sadd.s32 s1, s30  }
0xc0: {  	s0 =	sor.u32 s3, s0;
	s1 =	sshll.u32 s1, $0x11  }
0xc1: {  	s0 =	sor.u32 s1, s0  }
0xc2: {  	s0 =	sadd.s32 $0x8F2B, s0  }
0xc3: {  	[sflag:s0] =	ssyncadd.remote.s32 $0x1  }
0xc4: {  	_ =	sfence.sel $0xFFFF  }
0xc5: {  	[dreg:$0x0] =	wrdreg $0xFFFFFFFF;
	(pc) =	sbr.abs _section_cstart, $3  }
0xc6: {  	[dreg:$0x1] =	wrdreg $0xFFFFFFFF  }
0xc7: {  	_ =	task.clear_ibuf [dreg:s7], $0x2FFFF;
	_ =	strace $0x9FFFFFFF  }
0xc8: {  	(tm) =	ssettm $0x7FFFFFFF  }
0xc9: {  	_ =	shalt  }
tec
execute0_lowered:
.L_overlay_start_1:
0x0: {  	(tag) =	ssettag $0x1  }
0x1: {  	s1 =	srdreg.scid  }
0x2: {  	s0 =	stileid.u32;
	s5 =	sand.u32 $0x1, s1  }
0x3: {  	s6 =	rddreg [dreg:$0x0];
	s1 =	sor.u32 s5, s0  }
0x4: {  	s7 =	rddreg [dreg:$0x1];
	p1 =	seq.s32 s5, $0x1;
	p0 =	seq.s32 s1, $0x0  }
0x5: {  	s2 =	simm.s32 $0x0;
	s3 =	simm.s32 $0x1;
	p0 =	por !p0, !p1  }
0x6: {  	s4 =	simm.s32 $0x1;
	s11 =	simm.s32 $0x10200;
	p0 =	por !p0, !p0  }
0x7: {  	s12 =	simm.s32 $0x0;
	[smem:$0x7FF] =	sst s2;
	s3 =	simm.s32 @!p0 $0x0  }
0x8: {  	s9 =	sshll.u32 s5, $0x9;
	s5 =	ssub.s32 $0x2, s5;
	s8 =	ssub.s32 s0, s3  }
0x9: {  	s1 =	rddreg [dreg:$0x2];
	_ =	strace $0x80000047;
	s10 =	sshll.u32 s8, $0xA  }
0xa: {  	s31 =	sshrl.u32 s5, $0x1;
	s8 =	sshll.u32 s8, $0x10;
	s10 =	sor.u32 s9, s10  }
0xb: {  	s3 =	sadd.s32 $0x800, s6;
	s8 =	sor.u32 s9, s8;
	s10 =	sshrl.u32 s10, $0x3  }
0xc: {  	s9 =	ssub.s32 s5, s31;
	s8 =	sshrl.u32 s8, $0x3;
	s6 =	sadd.s32 s10, s6  }
0xd: {  	s10 =	simm.s32 $0x400;
	s5 =	sadd.s32 $0x2800, s6;
	s6 =	sadd.s32 s7, s8  }
0xe: {  	s7 =	smax.u32 s9, $0x1;
	s8 =	simm.s32 $0x10000;
	s9 =	simm.s32 $0x200  }
.LBB2_1:
0xf: {  	[tilespmem:s2], [sflag:$0x1] =	stream.linear.gather [hbm4b:s3+s2], $0x10000, $0x38;
	[tilespmem:$0x18200] =	vst v63  }
0x10: {  	_ =	swait.ge [sflag:s4], $0x10000  }
0x11: {  	[sflag:s4] =	ssyncset.done $0x0  }
0x12: {  	[sflag:s4] =	ssyncadd.s32 $0xFFFF0000  }
0x13: {  	[tilespmem:s8], [sflag:$0x1] =	stream.linear.gather [hbm4b:s5+s2], $0x200, $0x38;
	[tilespmem:$0x18200] =	vst v63  }
0x14: {  	_ =	swait.ge [sflag:s4], $0x200  }
0x15: {  	[sflag:s4] =	ssyncset.done $0x0  }
0x16: {  	s13 =	simm.s32 $0x0;
	[sflag:s4] =	ssyncadd.s32 $0xFFFFFE00  }
0x17: {  	v0 =	vld [tilespmem:s13+$0x10000];
	_ =	sdelay $0x7  }
0x18: {  	v1 =	vld.idx.msk [tilespmem:v0+s2+$0x0], $0xffff  }
0x19: {  	v2 =	vadd.s32 $0x400, v0;
	_ =	sdelay $0x3  }
0x1a: {  	[tilespmem:s13+$0x10200] =	vst v1  }
0x1b: {  	v1 =	vld.idx.msk [tilespmem:v2+s2+$0x0], $0xffff  }
0x1c: {  	v2 =	vadd.s32 $0x800, v0;
	_ =	sdelay $0x3  }
0x1d: {  	[tilespmem:s13+$0x10400] =	vst v1  }
0x1e: {  	v1 =	vld.idx.msk [tilespmem:v2+s2+$0x0], $0xffff  }
0x1f: {  	v2 =	vadd.s32 $0xC00, v0;
	_ =	sdelay $0x3  }
0x20: {  	[tilespmem:s13+$0x10600] =	vst v1  }
0x21: {  	v1 =	vld.idx.msk [tilespmem:v2+s2+$0x0], $0xffff  }
0x22: {  	v2 =	vadd.s32 $0x1000, v0;
	_ =	sdelay $0x3  }
0x23: {  	[tilespmem:s13+$0x10800] =	vst v1  }
0x24: {  	v1 =	vld.idx.msk [tilespmem:v2+s2+$0x0], $0xffff  }
0x25: {  	v2 =	vadd.s32 $0x1400, v0;
	_ =	sdelay $0x3  }
0x26: {  	[tilespmem:s13+$0x10A00] =	vst v1  }
0x27: {  	v1 =	vld.idx.msk [tilespmem:v2+s2+$0x0], $0xffff  }
0x28: {  	v2 =	vadd.s32 $0x1800, v0;
	_ =	sdelay $0x3  }
0x29: {  	[tilespmem:s13+$0x10C00] =	vst v1  }
0x2a: {  	v1 =	vld.idx.msk [tilespmem:v2+s2+$0x0], $0xffff  }
0x2b: {  	v2 =	vadd.s32 $0x1C00, v0;
	_ =	sdelay $0x3  }
0x2c: {  	[tilespmem:s13+$0x10E00] =	vst v1  }
0x2d: {  	v1 =	vld.idx.msk [tilespmem:v2+s2+$0x0], $0xffff  }
0x2e: {  	v2 =	vadd.s32 $0x2000, v0;
	_ =	sdelay $0x3  }
0x2f: {  	[tilespmem:s13+$0x11000] =	vst v1  }
0x30: {  	v1 =	vld.idx.msk [tilespmem:v2+s2+$0x0], $0xffff  }
0x31: {  	v2 =	vadd.s32 $0x2400, v0;
	_ =	sdelay $0x3  }
0x32: {  	[tilespmem:s13+$0x11200] =	vst v1  }
0x33: {  	v1 =	vld.idx.msk [tilespmem:v2+s2+$0x0], $0xffff  }
0x34: {  	v2 =	vadd.s32 $0x2800, v0;
	_ =	sdelay $0x3  }
0x35: {  	[tilespmem:s13+$0x11400] =	vst v1  }
0x36: {  	v1 =	vld.idx.msk [tilespmem:v2+s2+$0x0], $0xffff  }
0x37: {  	v2 =	vadd.s32 $0x2C00, v0;
	_ =	sdelay $0x3  }
0x38: {  	[tilespmem:s13+$0x11600] =	vst v1  }
0x39: {  	v1 =	vld.idx.msk [tilespmem:v2+s2+$0x0], $0xffff  }
0x3a: {  	v2 =	vadd.s32 $0x3000, v0;
	_ =	sdelay $0x3  }
0x3b: {  	[tilespmem:s13+$0x11800] =	vst v1  }
0x3c: {  	v1 =	vld.idx.msk [tilespmem:v2+s2+$0x0], $0xffff  }
0x3d: {  	v2 =	vadd.s32 $0x3400, v0;
	_ =	sdelay $0x3  }
0x3e: {  	[tilespmem:s13+$0x11A00] =	vst v1  }
0x3f: {  	v1 =	vld.idx.msk [tilespmem:v2+s2+$0x0], $0xffff  }
0x40: {  	v2 =	vadd.s32 $0x3800, v0;
	_ =	sdelay $0x3  }
0x41: {  	[tilespmem:s13+$0x11C00] =	vst v1  }
0x42: {  	v1 =	vld.idx.msk [tilespmem:v2+s2+$0x0], $0xffff  }
0x43: {  	v2 =	vadd.s32 $0x3C00, v0;
	_ =	sdelay $0x3  }
0x44: {  	[tilespmem:s13+$0x11E00] =	vst v1  }
0x45: {  	v1 =	vld.idx.msk [tilespmem:v2+s2+$0x0], $0xffff  }
0x46: {  	v2 =	vadd.s32 $0x4000, v0;
	_ =	sdelay $0x3  }
0x47: {  	[tilespmem:s13+$0x12000] =	vst v1  }
0x48: {  	v1 =	vld.idx.msk [tilespmem:v2+s2+$0x0], $0xffff  }
0x49: {  	v2 =	vadd.s32 $0x4400, v0;
	_ =	sdelay $0x3  }
0x4a: {  	[tilespmem:s13+$0x12200] =	vst v1  }
0x4b: {  	v1 =	vld.idx.msk [tilespmem:v2+s2+$0x0], $0xffff  }
0x4c: {  	v2 =	vadd.s32 $0x4800, v0;
	_ =	sdelay $0x3  }
0x4d: {  	[tilespmem:s13+$0x12400] =	vst v1  }
0x4e: {  	v1 =	vld.idx.msk [tilespmem:v2+s2+$0x0], $0xffff  }
0x4f: {  	v2 =	vadd.s32 $0x4C00, v0;
	_ =	sdelay $0x3  }
0x50: {  	[tilespmem:s13+$0x12600] =	vst v1  }
0x51: {  	v1 =	vld.idx.msk [tilespmem:v2+s2+$0x0], $0xffff  }
0x52: {  	v2 =	vadd.s32 $0x5000, v0;
	_ =	sdelay $0x3  }
0x53: {  	[tilespmem:s13+$0x12800] =	vst v1  }
0x54: {  	v1 =	vld.idx.msk [tilespmem:v2+s2+$0x0], $0xffff  }
0x55: {  	v2 =	vadd.s32 $0x5400, v0;
	_ =	sdelay $0x3  }
0x56: {  	[tilespmem:s13+$0x12A00] =	vst v1  }
0x57: {  	v1 =	vld.idx.msk [tilespmem:v2+s2+$0x0], $0xffff  }
0x58: {  	v2 =	vadd.s32 $0x5800, v0;
	_ =	sdelay $0x3  }
0x59: {  	[tilespmem:s13+$0x12C00] =	vst v1  }
0x5a: {  	v1 =	vld.idx.msk [tilespmem:v2+s2+$0x0], $0xffff  }
0x5b: {  	v2 =	vadd.s32 $0x5C00, v0;
	_ =	sdelay $0x3  }
0x5c: {  	[tilespmem:s13+$0x12E00] =	vst v1  }
0x5d: {  	v1 =	vld.idx.msk [tilespmem:v2+s2+$0x0], $0xffff  }
0x5e: {  	v2 =	vadd.s32 $0x6000, v0;
	_ =	sdelay $0x3  }
0x5f: {  	[tilespmem:s13+$0x13000] =	vst v1  }
0x60: {  	v1 =	vld.idx.msk [tilespmem:v2+s2+$0x0], $0xffff  }
0x61: {  	v2 =	vadd.s32 $0x6400, v0;
	_ =	sdelay $0x3  }
0x62: {  	[tilespmem:s13+$0x13200] =	vst v1  }
0x63: {  	v1 =	vld.idx.msk [tilespmem:v2+s2+$0x0], $0xffff  }
0x64: {  	v2 =	vadd.s32 $0x6800, v0;
	_ =	sdelay $0x3  }
0x65: {  	[tilespmem:s13+$0x13400] =	vst v1  }
0x66: {  	v1 =	vld.idx.msk [tilespmem:v2+s2+$0x0], $0xffff  }
0x67: {  	v2 =	vadd.s32 $0x6C00, v0;
	_ =	sdelay $0x3  }
0x68: {  	[tilespmem:s13+$0x13600] =	vst v1  }
0x69: {  	v1 =	vld.idx.msk [tilespmem:v2+s2+$0x0], $0xffff  }
0x6a: {  	v2 =	vadd.s32 $0x7000, v0;
	_ =	sdelay $0x3  }
0x6b: {  	[tilespmem:s13+$0x13800] =	vst v1  }
0x6c: {  	v1 =	vld.idx.msk [tilespmem:v2+s2+$0x0], $0xffff  }
0x6d: {  	v2 =	vadd.s32 $0x7400, v0;
	_ =	sdelay $0x3  }
0x6e: {  	[tilespmem:s13+$0x13A00] =	vst v1  }
0x6f: {  	v1 =	vld.idx.msk [tilespmem:v2+s2+$0x0], $0xffff  }
0x70: {  	v2 =	vadd.s32 $0x7800, v0;
	_ =	sdelay $0x3  }
0x71: {  	[tilespmem:s13+$0x13C00] =	vst v1  }
0x72: {  	v1 =	vld.idx.msk [tilespmem:v2+s2+$0x0], $0xffff  }
0x73: {  	v2 =	vadd.s32 $0x7C00, v0;
	_ =	sdelay $0x3  }
0x74: {  	[tilespmem:s13+$0x13E00] =	vst v1  }
0x75: {  	v1 =	vld.idx.msk [tilespmem:v2+s2+$0x0], $0xffff  }
0x76: {  	v2 =	vadd.s32 $0x8000, v0;
	_ =	sdelay $0x3  }
0x77: {  	[tilespmem:s13+$0x14000] =	vst v1  }
0x78: {  	v1 =	vld.idx.msk [tilespmem:v2+s2+$0x0], $0xffff  }
0x79: {  	v2 =	vadd.s32 $0x8400, v0;
	_ =	sdelay $0x3  }
0x7a: {  	[tilespmem:s13+$0x14200] =	vst v1  }
0x7b: {  	v1 =	vld.idx.msk [tilespmem:v2+s2+$0x0], $0xffff  }
0x7c: {  	v2 =	vadd.s32 $0x8800, v0;
	_ =	sdelay $0x3  }
0x7d: {  	[tilespmem:s13+$0x14400] =	vst v1  }
0x7e: {  	v1 =	vld.idx.msk [tilespmem:v2+s2+$0x0], $0xffff  }
0x7f: {  	v2 =	vadd.s32 $0x8C00, v0;
	_ =	sdelay $0x3  }
0x80: {  	[tilespmem:s13+$0x14600] =	vst v1  }
0x81: {  	v1 =	vld.idx.msk [tilespmem:v2+s2+$0x0], $0xffff  }
0x82: {  	v2 =	vadd.s32 $0x9000, v0;
	_ =	sdelay $0x3  }
0x83: {  	[tilespmem:s13+$0x14800] =	vst v1  }
0x84: {  	v1 =	vld.idx.msk [tilespmem:v2+s2+$0x0], $0xffff  }
0x85: {  	v2 =	vadd.s32 $0x9400, v0;
	_ =	sdelay $0x3  }
0x86: {  	[tilespmem:s13+$0x14A00] =	vst v1  }
0x87: {  	v1 =	vld.idx.msk [tilespmem:v2+s2+$0x0], $0xffff  }
0x88: {  	v2 =	vadd.s32 $0x9800, v0;
	_ =	sdelay $0x3  }
0x89: {  	[tilespmem:s13+$0x14C00] =	vst v1  }
0x8a: {  	v1 =	vld.idx.msk [tilespmem:v2+s2+$0x0], $0xffff  }
0x8b: {  	v2 =	vadd.s32 $0x9C00, v0;
	_ =	sdelay $0x3  }
0x8c: {  	[tilespmem:s13+$0x14E00] =	vst v1  }
0x8d: {  	v1 =	vld.idx.msk [tilespmem:v2+s2+$0x0], $0xffff  }
0x8e: {  	v2 =	vadd.s32 $0xA000, v0;
	_ =	sdelay $0x3  }
0x8f: {  	[tilespmem:s13+$0x15000] =	vst v1  }
0x90: {  	v1 =	vld.idx.msk [tilespmem:v2+s2+$0x0], $0xffff  }
0x91: {  	v2 =	vadd.s32 $0xA400, v0;
	_ =	sdelay $0x3  }
0x92: {  	[tilespmem:s13+$0x15200] =	vst v1  }
0x93: {  	v1 =	vld.idx.msk [tilespmem:v2+s2+$0x0], $0xffff  }
0x94: {  	v2 =	vadd.s32 $0xA800, v0;
	_ =	sdelay $0x3  }
0x95: {  	[tilespmem:s13+$0x15400] =	vst v1  }
0x96: {  	v1 =	vld.idx.msk [tilespmem:v2+s2+$0x0], $0xffff  }
0x97: {  	v2 =	vadd.s32 $0xAC00, v0;
	_ =	sdelay $0x3  }
0x98: {  	[tilespmem:s13+$0x15600] =	vst v1  }
0x99: {  	v1 =	vld.idx.msk [tilespmem:v2+s2+$0x0], $0xffff  }
0x9a: {  	v2 =	vadd.s32 $0xB000, v0;
	_ =	sdelay $0x3  }
0x9b: {  	[tilespmem:s13+$0x15800] =	vst v1  }
0x9c: {  	v1 =	vld.idx.msk [tilespmem:v2+s2+$0x0], $0xffff  }
0x9d: {  	v2 =	vadd.s32 $0xB400, v0;
	_ =	sdelay $0x3  }
0x9e: {  	[tilespmem:s13+$0x15A00] =	vst v1  }
0x9f: {  	v1 =	vld.idx.msk [tilespmem:v2+s2+$0x0], $0xffff  }
0xa0: {  	v2 =	vadd.s32 $0xB800, v0;
	_ =	sdelay $0x3  }
0xa1: {  	[tilespmem:s13+$0x15C00] =	vst v1  }
0xa2: {  	v1 =	vld.idx.msk [tilespmem:v2+s2+$0x0], $0xffff  }
0xa3: {  	v2 =	vadd.s32 $0xBC00, v0;
	_ =	sdelay $0x3  }
0xa4: {  	[tilespmem:s13+$0x15E00] =	vst v1  }
0xa5: {  	v1 =	vld.idx.msk [tilespmem:v2+s2+$0x0], $0xffff  }
0xa6: {  	v2 =	vadd.s32 $0xC000, v0;
	_ =	sdelay $0x3  }
0xa7: {  	[tilespmem:s13+$0x16000] =	vst v1  }
0xa8: {  	v1 =	vld.idx.msk [tilespmem:v2+s2+$0x0], $0xffff  }
0xa9: {  	v2 =	vadd.s32 $0xC400, v0;
	_ =	sdelay $0x3  }
0xaa: {  	[tilespmem:s13+$0x16200] =	vst v1  }
0xab: {  	v1 =	vld.idx.msk [tilespmem:v2+s2+$0x0], $0xffff  }
0xac: {  	v2 =	vadd.s32 $0xC800, v0;
	_ =	sdelay $0x3  }
0xad: {  	[tilespmem:s13+$0x16400] =	vst v1  }
0xae: {  	v1 =	vld.idx.msk [tilespmem:v2+s2+$0x0], $0xffff  }
0xaf: {  	v2 =	vadd.s32 $0xCC00, v0;
	_ =	sdelay $0x3  }
0xb0: {  	[tilespmem:s13+$0x16600] =	vst v1  }
0xb1: {  	v1 =	vld.idx.msk [tilespmem:v2+s2+$0x0], $0xffff  }
0xb2: {  	v2 =	vadd.s32 $0xD000, v0;
	_ =	sdelay $0x3  }
0xb3: {  	[tilespmem:s13+$0x16800] =	vst v1  }
0xb4: {  	v1 =	vld.idx.msk [tilespmem:v2+s2+$0x0], $0xffff  }
0xb5: {  	v2 =	vadd.s32 $0xD400, v0;
	_ =	sdelay $0x3  }
0xb6: {  	[tilespmem:s13+$0x16A00] =	vst v1  }
0xb7: {  	v1 =	vld.idx.msk [tilespmem:v2+s2+$0x0], $0xffff  }
0xb8: {  	v2 =	vadd.s32 $0xD800, v0;
	_ =	sdelay $0x3  }
0xb9: {  	[tilespmem:s13+$0x16C00] =	vst v1  }
0xba: {  	v1 =	vld.idx.msk [tilespmem:v2+s2+$0x0], $0xffff  }
0xbb: {  	v2 =	vadd.s32 $0xDC00, v0;
	_ =	sdelay $0x3  }
0xbc: {  	[tilespmem:s13+$0x16E00] =	vst v1  }
0xbd: {  	v1 =	vld.idx.msk [tilespmem:v2+s2+$0x0], $0xffff  }
0xbe: {  	v2 =	vadd.s32 $0xE000, v0;
	_ =	sdelay $0x3  }
0xbf: {  	[tilespmem:s13+$0x17000] =	vst v1  }
0xc0: {  	v1 =	vld.idx.msk [tilespmem:v2+s2+$0x0], $0xffff  }
0xc1: {  	v2 =	vadd.s32 $0xE400, v0;
	_ =	sdelay $0x3  }
0xc2: {  	[tilespmem:s13+$0x17200] =	vst v1  }
0xc3: {  	v1 =	vld.idx.msk [tilespmem:v2+s2+$0x0], $0xffff  }
0xc4: {  	v2 =	vadd.s32 $0xE800, v0;
	_ =	sdelay $0x3  }
0xc5: {  	[tilespmem:s13+$0x17400] =	vst v1  }
0xc6: {  	v1 =	vld.idx.msk [tilespmem:v2+s2+$0x0], $0xffff  }
0xc7: {  	v2 =	vadd.s32 $0xEC00, v0;
	_ =	sdelay $0x3  }
0xc8: {  	[tilespmem:s13+$0x17600] =	vst v1  }
0xc9: {  	v1 =	vld.idx.msk [tilespmem:v2+s2+$0x0], $0xffff  }
0xca: {  	v2 =	vadd.s32 $0xF000, v0;
	_ =	sdelay $0x3  }
0xcb: {  	[tilespmem:s13+$0x17800] =	vst v1  }
0xcc: {  	v1 =	vld.idx.msk [tilespmem:v2+s2+$0x0], $0xffff  }
0xcd: {  	v2 =	vadd.s32 $0xF400, v0;
	_ =	sdelay $0x3  }
0xce: {  	[tilespmem:s13+$0x17A00] =	vst v1  }
0xcf: {  	v1 =	vld.idx.msk [tilespmem:v2+s2+$0x0], $0xffff  }
0xd0: {  	v2 =	vadd.s32 $0xF800, v0;
	_ =	sdelay $0x3  }
0xd1: {  	[tilespmem:s13+$0x17C00] =	vst v1  }
0xd2: {  	v1 =	vld.idx.msk [tilespmem:v2+s2+$0x0], $0xffff  }
0xd3: {  	v2 =	vadd.s32 $0xFC00, v0;
	_ =	sdelay $0x2  }
0xd4: {  	s15 =	simm.s32 $0x10;
	s14 =	simm.s32 $0x80  }
.LBB2_2:
0xd5: {  	p0 =	sne.s32 s14, $0x7C0;
	v0 =	vld [tilespmem:s15+$0x10000];
	[tilespmem:s13+$0x17E00] =	vst v1  }
0xd6: {  	v1 =	vld.idx.msk [tilespmem:v2+s2+$0x0], $0xffff;
	_ =	sdelay $0x5  }
0xd7: {  	[tilespmem:s13+$0x18000] =	vst v1;
	s13 =	smov.u32 s15  }
0xd8: {  	v1 =	vld.idx.msk [tilespmem:v0+s2+$0x0], $0xffff;
	_ =	sdelay $0x1  }
0xd9: {  	v2 =	vadd.s32 $0x400, v0;
	_ =	sdelay $0x3  }
0xda: {  	[tilespmem:s13+$0x10200] =	vst v1  }
0xdb: {  	v1 =	vld.idx.msk [tilespmem:v2+s2+$0x0], $0xffff;
	_ =	sdelay $0x1  }
0xdc: {  	v2 =	vadd.s32 $0x800, v0;
	_ =	sdelay $0x3  }
0xdd: {  	[tilespmem:s13+$0x10400] =	vst v1  }
0xde: {  	v1 =	vld.idx.msk [tilespmem:v2+s2+$0x0], $0xffff;
	_ =	sdelay $0x1  }
0xdf: {  	v2 =	vadd.s32 $0xC00, v0;
	_ =	sdelay $0x3  }
0xe0: {  	[tilespmem:s13+$0x10600] =	vst v1  }
0xe1: {  	v1 =	vld.idx.msk [tilespmem:v2+s2+$0x0], $0xffff;
	_ =	sdelay $0x1  }
0xe2: {  	v2 =	vadd.s32 $0x1000, v0;
	_ =	sdelay $0x3  }
0xe3: {  	[tilespmem:s13+$0x10800] =	vst v1  }
0xe4: {  	v1 =	vld.idx.msk [tilespmem:v2+s2+$0x0], $0xffff;
	_ =	sdelay $0x1  }
0xe5: {  	v2 =	vadd.s32 $0x1400, v0;
	_ =	sdelay $0x3  }
0xe6: {  	[tilespmem:s13+$0x10A00] =	vst v1  }
0xe7: {  	v1 =	vld.idx.msk [tilespmem:v2+s2+$0x0], $0xffff;
	_ =	sdelay $0x1  }
0xe8: {  	v2 =	vadd.s32 $0x1800, v0;
	_ =	sdelay $0x3  }
0xe9: {  	[tilespmem:s13+$0x10C00] =	vst v1  }
0xea: {  	v1 =	vld.idx.msk [tilespmem:v2+s2+$0x0], $0xffff;
	_ =	sdelay $0x1  }
0xeb: {  	v2 =	vadd.s32 $0x1C00, v0;
	_ =	sdelay $0x3  }
0xec: {  	[tilespmem:s13+$0x10E00] =	vst v1  }
0xed: {  	v1 =	vld.idx.msk [tilespmem:v2+s2+$0x0], $0xffff;
	_ =	sdelay $0x1  }
0xee: {  	v2 =	vadd.s32 $0x2000, v0;
	_ =	sdelay $0x3  }
0xef: {  	[tilespmem:s13+$0x11000] =	vst v1  }
0xf0: {  	v1 =	vld.idx.msk [tilespmem:v2+s2+$0x0], $0xffff;
	_ =	sdelay $0x1  }
0xf1: {  	v2 =	vadd.s32 $0x2400, v0;
	_ =	sdelay $0x3  }
0xf2: {  	[tilespmem:s13+$0x11200] =	vst v1  }
0xf3: {  	v1 =	vld.idx.msk [tilespmem:v2+s2+$0x0], $0xffff;
	_ =	sdelay $0x1  }
0xf4: {  	v2 =	vadd.s32 $0x2800, v0;
	_ =	sdelay $0x3  }
0xf5: {  	[tilespmem:s13+$0x11400] =	vst v1  }
0xf6: {  	v1 =	vld.idx.msk [tilespmem:v2+s2+$0x0], $0xffff;
	_ =	sdelay $0x1  }
0xf7: {  	v2 =	vadd.s32 $0x2C00, v0;
	_ =	sdelay $0x3  }
0xf8: {  	[tilespmem:s13+$0x11600] =	vst v1  }
0xf9: {  	v1 =	vld.idx.msk [tilespmem:v2+s2+$0x0], $0xffff;
	_ =	sdelay $0x1  }
0xfa: {  	v2 =	vadd.s32 $0x3000, v0;
	_ =	sdelay $0x3  }
0xfb: {  	[tilespmem:s13+$0x11800] =	vst v1  }
0xfc: {  	v1 =	vld.idx.msk [tilespmem:v2+s2+$0x0], $0xffff;
	_ =	sdelay $0x1  }
0xfd: {  	v2 =	vadd.s32 $0x3400, v0;
	_ =	sdelay $0x3  }
0xfe: {  	[tilespmem:s13+$0x11A00] =	vst v1  }
0xff: {  	v1 =	vld.idx.msk [tilespmem:v2+s2+$0x0], $0xffff;
	_ =	sdelay $0x1  }
0x100: {  	v2 =	vadd.s32 $0x3800, v0;
	_ =	sdelay $0x3  }
0x101: {  	[tilespmem:s13+$0x11C00] =	vst v1  }
0x102: {  	v1 =	vld.idx.msk [tilespmem:v2+s2+$0x0], $0xffff;
	_ =	sdelay $0x1  }
0x103: {  	v2 =	vadd.s32 $0x3C00, v0;
	_ =	sdelay $0x3  }
0x104: {  	[tilespmem:s13+$0x11E00] =	vst v1  }
0x105: {  	v1 =	vld.idx.msk [tilespmem:v2+s2+$0x0], $0xffff;
	_ =	sdelay $0x1  }
0x106: {  	v2 =	vadd.s32 $0x4000, v0;
	_ =	sdelay $0x3  }
0x107: {  	[tilespmem:s13+$0x12000] =	vst v1  }
0x108: {  	v1 =	vld.idx.msk [tilespmem:v2+s2+$0x0], $0xffff;
	_ =	sdelay $0x1  }
0x109: {  	v2 =	vadd.s32 $0x4400, v0;
	_ =	sdelay $0x3  }
0x10a: {  	[tilespmem:s13+$0x12200] =	vst v1  }
0x10b: {  	v1 =	vld.idx.msk [tilespmem:v2+s2+$0x0], $0xffff;
	_ =	sdelay $0x1  }
0x10c: {  	v2 =	vadd.s32 $0x4800, v0;
	_ =	sdelay $0x3  }
0x10d: {  	[tilespmem:s13+$0x12400] =	vst v1  }
0x10e: {  	v1 =	vld.idx.msk [tilespmem:v2+s2+$0x0], $0xffff;
	_ =	sdelay $0x1  }
0x10f: {  	v2 =	vadd.s32 $0x4C00, v0;
	_ =	sdelay $0x3  }
0x110: {  	[tilespmem:s13+$0x12600] =	vst v1  }
0x111: {  	v1 =	vld.idx.msk [tilespmem:v2+s2+$0x0], $0xffff;
	_ =	sdelay $0x1  }
0x112: {  	v2 =	vadd.s32 $0x5000, v0;
	_ =	sdelay $0x3  }
0x113: {  	[tilespmem:s13+$0x12800] =	vst v1  }
0x114: {  	v1 =	vld.idx.msk [tilespmem:v2+s2+$0x0], $0xffff;
	_ =	sdelay $0x1  }
0x115: {  	v2 =	vadd.s32 $0x5400, v0;
	_ =	sdelay $0x3  }
0x116: {  	[tilespmem:s13+$0x12A00] =	vst v1  }
0x117: {  	v1 =	vld.idx.msk [tilespmem:v2+s2+$0x0], $0xffff;
	_ =	sdelay $0x1  }
0x118: {  	v2 =	vadd.s32 $0x5800, v0;
	_ =	sdelay $0x3  }
0x119: {  	[tilespmem:s13+$0x12C00] =	vst v1  }
0x11a: {  	v1 =	vld.idx.msk [tilespmem:v2+s2+$0x0], $0xffff;
	_ =	sdelay $0x1  }
0x11b: {  	v2 =	vadd.s32 $0x5C00, v0;
	_ =	sdelay $0x3  }
0x11c: {  	[tilespmem:s13+$0x12E00] =	vst v1  }
0x11d: {  	v1 =	vld.idx.msk [tilespmem:v2+s2+$0x0], $0xffff;
	_ =	sdelay $0x1  }
0x11e: {  	v2 =	vadd.s32 $0x6000, v0;
	_ =	sdelay $0x3  }
0x11f: {  	[tilespmem:s13+$0x13000] =	vst v1  }
0x120: {  	v1 =	vld.idx.msk [tilespmem:v2+s2+$0x0], $0xffff;
	_ =	sdelay $0x1  }
0x121: {  	v2 =	vadd.s32 $0x6400, v0;
	_ =	sdelay $0x3  }
0x122: {  	[tilespmem:s13+$0x13200] =	vst v1  }
0x123: {  	v1 =	vld.idx.msk [tilespmem:v2+s2+$0x0], $0xffff;
	_ =	sdelay $0x1  }
0x124: {  	v2 =	vadd.s32 $0x6800, v0;
	_ =	sdelay $0x3  }
0x125: {  	[tilespmem:s13+$0x13400] =	vst v1  }
0x126: {  	v1 =	vld.idx.msk [tilespmem:v2+s2+$0x0], $0xffff;
	_ =	sdelay $0x1  }
0x127: {  	v2 =	vadd.s32 $0x6C00, v0;
	_ =	sdelay $0x3  }
0x128: {  	[tilespmem:s13+$0x13600] =	vst v1  }
0x129: {  	v1 =	vld.idx.msk [tilespmem:v2+s2+$0x0], $0xffff;
	_ =	sdelay $0x1  }
0x12a: {  	v2 =	vadd.s32 $0x7000, v0;
	_ =	sdelay $0x3  }
0x12b: {  	[tilespmem:s13+$0x13800] =	vst v1  }
0x12c: {  	v1 =	vld.idx.msk [tilespmem:v2+s2+$0x0], $0xffff;
	_ =	sdelay $0x1  }
0x12d: {  	v2 =	vadd.s32 $0x7400, v0;
	_ =	sdelay $0x3  }
0x12e: {  	[tilespmem:s13+$0x13A00] =	vst v1  }
0x12f: {  	v1 =	vld.idx.msk [tilespmem:v2+s2+$0x0], $0xffff;
	_ =	sdelay $0x1  }
0x130: {  	v2 =	vadd.s32 $0x7800, v0;
	_ =	sdelay $0x3  }
0x131: {  	[tilespmem:s13+$0x13C00] =	vst v1  }
0x132: {  	v1 =	vld.idx.msk [tilespmem:v2+s2+$0x0], $0xffff;
	_ =	sdelay $0x1  }
0x133: {  	v2 =	vadd.s32 $0x7C00, v0;
	_ =	sdelay $0x3  }
0x134: {  	[tilespmem:s13+$0x13E00] =	vst v1  }
0x135: {  	v1 =	vld.idx.msk [tilespmem:v2+s2+$0x0], $0xffff;
	_ =	sdelay $0x1  }
0x136: {  	v2 =	vadd.s32 $0x8000, v0;
	_ =	sdelay $0x3  }
0x137: {  	[tilespmem:s13+$0x14000] =	vst v1  }
0x138: {  	v1 =	vld.idx.msk [tilespmem:v2+s2+$0x0], $0xffff;
	_ =	sdelay $0x1  }
0x139: {  	v2 =	vadd.s32 $0x8400, v0;
	_ =	sdelay $0x3  }
0x13a: {  	[tilespmem:s13+$0x14200] =	vst v1  }
0x13b: {  	v1 =	vld.idx.msk [tilespmem:v2+s2+$0x0], $0xffff;
	_ =	sdelay $0x1  }
0x13c: {  	v2 =	vadd.s32 $0x8800, v0;
	_ =	sdelay $0x3  }
0x13d: {  	[tilespmem:s13+$0x14400] =	vst v1  }
0x13e: {  	v1 =	vld.idx.msk [tilespmem:v2+s2+$0x0], $0xffff;
	_ =	sdelay $0x1  }
0x13f: {  	v2 =	vadd.s32 $0x8C00, v0;
	_ =	sdelay $0x3  }
0x140: {  	[tilespmem:s13+$0x14600] =	vst v1  }
0x141: {  	v1 =	vld.idx.msk [tilespmem:v2+s2+$0x0], $0xffff;
	_ =	sdelay $0x1  }
0x142: {  	v2 =	vadd.s32 $0x9000, v0;
	_ =	sdelay $0x3  }
0x143: {  	[tilespmem:s13+$0x14800] =	vst v1  }
0x144: {  	v1 =	vld.idx.msk [tilespmem:v2+s2+$0x0], $0xffff;
	_ =	sdelay $0x1  }
0x145: {  	v2 =	vadd.s32 $0x9400, v0;
	_ =	sdelay $0x3  }
0x146: {  	[tilespmem:s13+$0x14A00] =	vst v1  }
0x147: {  	v1 =	vld.idx.msk [tilespmem:v2+s2+$0x0], $0xffff;
	_ =	sdelay $0x1  }
0x148: {  	v2 =	vadd.s32 $0x9800, v0;
	_ =	sdelay $0x3  }
0x149: {  	[tilespmem:s13+$0x14C00] =	vst v1  }
0x14a: {  	v1 =	vld.idx.msk [tilespmem:v2+s2+$0x0], $0xffff;
	_ =	sdelay $0x1  }
0x14b: {  	v2 =	vadd.s32 $0x9C00, v0;
	_ =	sdelay $0x3  }
0x14c: {  	[tilespmem:s13+$0x14E00] =	vst v1  }
0x14d: {  	v1 =	vld.idx.msk [tilespmem:v2+s2+$0x0], $0xffff;
	_ =	sdelay $0x1  }
0x14e: {  	v2 =	vadd.s32 $0xA000, v0;
	_ =	sdelay $0x3  }
0x14f: {  	[tilespmem:s13+$0x15000] =	vst v1  }
0x150: {  	v1 =	vld.idx.msk [tilespmem:v2+s2+$0x0], $0xffff;
	_ =	sdelay $0x1  }
0x151: {  	v2 =	vadd.s32 $0xA400, v0;
	_ =	sdelay $0x3  }
0x152: {  	[tilespmem:s13+$0x15200] =	vst v1  }
0x153: {  	v1 =	vld.idx.msk [tilespmem:v2+s2+$0x0], $0xffff;
	_ =	sdelay $0x1  }
0x154: {  	v2 =	vadd.s32 $0xA800, v0;
	_ =	sdelay $0x3  }
0x155: {  	[tilespmem:s13+$0x15400] =	vst v1  }
0x156: {  	v1 =	vld.idx.msk [tilespmem:v2+s2+$0x0], $0xffff;
	_ =	sdelay $0x1  }
0x157: {  	v2 =	vadd.s32 $0xAC00, v0;
	_ =	sdelay $0x3  }
0x158: {  	[tilespmem:s13+$0x15600] =	vst v1  }
0x159: {  	v1 =	vld.idx.msk [tilespmem:v2+s2+$0x0], $0xffff;
	_ =	sdelay $0x1  }
0x15a: {  	v2 =	vadd.s32 $0xB000, v0;
	_ =	sdelay $0x3  }
0x15b: {  	[tilespmem:s13+$0x15800] =	vst v1  }
0x15c: {  	v1 =	vld.idx.msk [tilespmem:v2+s2+$0x0], $0xffff;
	_ =	sdelay $0x1  }
0x15d: {  	v2 =	vadd.s32 $0xB400, v0;
	_ =	sdelay $0x3  }
0x15e: {  	[tilespmem:s13+$0x15A00] =	vst v1  }
0x15f: {  	v1 =	vld.idx.msk [tilespmem:v2+s2+$0x0], $0xffff;
	_ =	sdelay $0x1  }
0x160: {  	v2 =	vadd.s32 $0xB800, v0;
	_ =	sdelay $0x3  }
0x161: {  	[tilespmem:s13+$0x15C00] =	vst v1  }
0x162: {  	v1 =	vld.idx.msk [tilespmem:v2+s2+$0x0], $0xffff;
	_ =	sdelay $0x1  }
0x163: {  	v2 =	vadd.s32 $0xBC00, v0;
	_ =	sdelay $0x3  }
0x164: {  	[tilespmem:s13+$0x15E00] =	vst v1  }
0x165: {  	v1 =	vld.idx.msk [tilespmem:v2+s2+$0x0], $0xffff;
	_ =	sdelay $0x1  }
0x166: {  	v2 =	vadd.s32 $0xC000, v0;
	_ =	sdelay $0x3  }
0x167: {  	[tilespmem:s13+$0x16000] =	vst v1  }
0x168: {  	v1 =	vld.idx.msk [tilespmem:v2+s2+$0x0], $0xffff;
	_ =	sdelay $0x1  }
0x169: {  	v2 =	vadd.s32 $0xC400, v0;
	_ =	sdelay $0x3  }
0x16a: {  	[tilespmem:s13+$0x16200] =	vst v1  }
0x16b: {  	v1 =	vld.idx.msk [tilespmem:v2+s2+$0x0], $0xffff;
	_ =	sdelay $0x1  }
0x16c: {  	v2 =	vadd.s32 $0xC800, v0;
	_ =	sdelay $0x3  }
0x16d: {  	[tilespmem:s13+$0x16400] =	vst v1  }
0x16e: {  	v1 =	vld.idx.msk [tilespmem:v2+s2+$0x0], $0xffff;
	_ =	sdelay $0x1  }
0x16f: {  	v2 =	vadd.s32 $0xCC00, v0;
	_ =	sdelay $0x3  }
0x170: {  	[tilespmem:s13+$0x16600] =	vst v1  }
0x171: {  	v1 =	vld.idx.msk [tilespmem:v2+s2+$0x0], $0xffff;
	_ =	sdelay $0x1  }
0x172: {  	v2 =	vadd.s32 $0xD000, v0;
	_ =	sdelay $0x3  }
0x173: {  	[tilespmem:s13+$0x16800] =	vst v1  }
0x174: {  	v1 =	vld.idx.msk [tilespmem:v2+s2+$0x0], $0xffff;
	_ =	sdelay $0x1  }
0x175: {  	v2 =	vadd.s32 $0xD400, v0;
	_ =	sdelay $0x3  }
0x176: {  	[tilespmem:s13+$0x16A00] =	vst v1  }
0x177: {  	v1 =	vld.idx.msk [tilespmem:v2+s2+$0x0], $0xffff;
	_ =	sdelay $0x1  }
0x178: {  	v2 =	vadd.s32 $0xD800, v0;
	_ =	sdelay $0x3  }
0x179: {  	[tilespmem:s13+$0x16C00] =	vst v1  }
0x17a: {  	v1 =	vld.idx.msk [tilespmem:v2+s2+$0x0], $0xffff;
	_ =	sdelay $0x1  }
0x17b: {  	v2 =	vadd.s32 $0xDC00, v0;
	_ =	sdelay $0x3  }
0x17c: {  	[tilespmem:s13+$0x16E00] =	vst v1  }
0x17d: {  	v1 =	vld.idx.msk [tilespmem:v2+s2+$0x0], $0xffff;
	_ =	sdelay $0x1  }
0x17e: {  	v2 =	vadd.s32 $0xE000, v0;
	_ =	sdelay $0x3  }
0x17f: {  	[tilespmem:s13+$0x17000] =	vst v1  }
0x180: {  	v1 =	vld.idx.msk [tilespmem:v2+s2+$0x0], $0xffff;
	_ =	sdelay $0x1  }
0x181: {  	v2 =	vadd.s32 $0xE400, v0;
	_ =	sdelay $0x3  }
0x182: {  	[tilespmem:s13+$0x17200] =	vst v1  }
0x183: {  	v1 =	vld.idx.msk [tilespmem:v2+s2+$0x0], $0xffff;
	_ =	sdelay $0x1  }
0x184: {  	v2 =	vadd.s32 $0xE800, v0;
	_ =	sdelay $0x3  }
0x185: {  	[tilespmem:s13+$0x17400] =	vst v1  }
0x186: {  	v1 =	vld.idx.msk [tilespmem:v2+s2+$0x0], $0xffff;
	_ =	sdelay $0x1  }
0x187: {  	v2 =	vadd.s32 $0xEC00, v0;
	_ =	sdelay $0x3  }
0x188: {  	[tilespmem:s13+$0x17600] =	vst v1  }
0x189: {  	v1 =	vld.idx.msk [tilespmem:v2+s2+$0x0], $0xffff;
	_ =	sdelay $0x1  }
0x18a: {  	v2 =	vadd.s32 $0xF000, v0;
	_ =	sdelay $0x3  }
0x18b: {  	[tilespmem:s13+$0x17800] =	vst v1  }
0x18c: {  	v1 =	vld.idx.msk [tilespmem:v2+s2+$0x0], $0xffff;
	_ =	sdelay $0x1  }
0x18d: {  	v2 =	vadd.s32 $0xF400, v0;
	_ =	sdelay $0x3  }
0x18e: {  	[tilespmem:s13+$0x17A00] =	vst v1  }
0x18f: {  	v1 =	vld.idx.msk [tilespmem:v2+s2+$0x0], $0xffff;
	_ =	sdelay $0x1  }
0x190: {  	v2 =	vadd.s32 $0xF800, v0;
	_ =	sdelay $0x3  }
0x191: {  	[tilespmem:s13+$0x17C00] =	vst v1  }
0x192: {  	v1 =	vld.idx.msk [tilespmem:v2+s2+$0x0], $0xffff  }
.Ltmp0:
0x193: {  	(pc) =	sbr.rel @p0 .LBB2_2-.Ltmp0, $2  }
0x194: {  	v2 =	vadd.s32 $0xFC00, v0;
	_ =	sdelay $0x2  }
0x195: {  	s15 =	sshra.s32 s14, $0x2;
	s14 =	sadd.s32 $0x40, s14  }
0x196: {  	_ =	sdelay $0x1  }
0x197: {  	v0 =	vld [tilespmem:s15+$0x10000]  }
0x198: {  	[tilespmem:s13+$0x17E00] =	vst v1  }
0x199: {  	v1 =	vld.idx.msk [tilespmem:v2+s2+$0x0], $0xffff;
	_ =	sdelay $0x4  }
0x19a: {  	[tilespmem:s13+$0x18000] =	vst v1  }
0x19b: {  	v1 =	vld.idx.msk [tilespmem:v0+s2+$0x0], $0xffff  }
0x19c: {  	v62 =	vadd.s32 $0x400, v0;
	_ =	sdelay $0x3  }
0x19d: {  	[tilespmem:s15+$0x10200] =	vst v1  }
0x19e: {  	v1 =	vld.idx.msk [tilespmem:v62+s2+$0x0], $0xffff  }
0x19f: {  	v63 =	vadd.s32 $0x800, v0;
	_ =	sdelay $0x3  }
0x1a0: {  	[tilespmem:s15+$0x10400] =	vst v1  }
0x1a1: {  	v1 =	vld.idx.msk [tilespmem:v63+s2+$0x0], $0xffff  }
0x1a2: {  	v4 =	vadd.s32 $0xC00, v0;
	_ =	sdelay $0x3  }
0x1a3: {  	[tilespmem:s15+$0x10600] =	vst v1  }
0x1a4: {  	v1 =	vld.idx.msk [tilespmem:v4+s2+$0x0], $0xffff  }
0x1a5: {  	v5 =	vadd.s32 $0x1000, v0;
	_ =	sdelay $0x3  }
0x1a6: {  	[tilespmem:s15+$0x10800] =	vst v1  }
0x1a7: {  	v1 =	vld.idx.msk [tilespmem:v5+s2+$0x0], $0xffff  }
0x1a8: {  	v6 =	vadd.s32 $0x1400, v0;
	_ =	sdelay $0x3  }
0x1a9: {  	[tilespmem:s15+$0x10A00] =	vst v1  }
0x1aa: {  	v1 =	vld.idx.msk [tilespmem:v6+s2+$0x0], $0xffff  }
0x1ab: {  	v7 =	vadd.s32 $0x1800, v0;
	_ =	sdelay $0x3  }
0x1ac: {  	[tilespmem:s15+$0x10C00] =	vst v1  }
0x1ad: {  	v1 =	vld.idx.msk [tilespmem:v7+s2+$0x0], $0xffff  }
0x1ae: {  	v8 =	vadd.s32 $0x1C00, v0;
	_ =	sdelay $0x3  }
0x1af: {  	[tilespmem:s15+$0x10E00] =	vst v1  }
0x1b0: {  	v1 =	vld.idx.msk [tilespmem:v8+s2+$0x0], $0xffff  }
0x1b1: {  	v9 =	vadd.s32 $0x2000, v0;
	_ =	sdelay $0x3  }
0x1b2: {  	[tilespmem:s15+$0x11000] =	vst v1  }
0x1b3: {  	v1 =	vld.idx.msk [tilespmem:v9+s2+$0x0], $0xffff  }
0x1b4: {  	v10 =	vadd.s32 $0x2400, v0;
	_ =	sdelay $0x3  }
0x1b5: {  	[tilespmem:s15+$0x11200] =	vst v1  }
0x1b6: {  	v1 =	vld.idx.msk [tilespmem:v10+s2+$0x0], $0xffff  }
0x1b7: {  	v11 =	vadd.s32 $0x2800, v0;
	_ =	sdelay $0x3  }
0x1b8: {  	[tilespmem:s15+$0x11400] =	vst v1  }
0x1b9: {  	v1 =	vld.idx.msk [tilespmem:v11+s2+$0x0], $0xffff  }
0x1ba: {  	v12 =	vadd.s32 $0x2C00, v0;
	_ =	sdelay $0x3  }
0x1bb: {  	[tilespmem:s15+$0x11600] =	vst v1  }
0x1bc: {  	v1 =	vld.idx.msk [tilespmem:v12+s2+$0x0], $0xffff  }
0x1bd: {  	v13 =	vadd.s32 $0x3000, v0;
	_ =	sdelay $0x3  }
0x1be: {  	[tilespmem:s15+$0x11800] =	vst v1  }
0x1bf: {  	v1 =	vld.idx.msk [tilespmem:v13+s2+$0x0], $0xffff  }
0x1c0: {  	v14 =	vadd.s32 $0x3400, v0;
	_ =	sdelay $0x3  }
0x1c1: {  	[tilespmem:s15+$0x11A00] =	vst v1  }
0x1c2: {  	v1 =	vld.idx.msk [tilespmem:v14+s2+$0x0], $0xffff  }
0x1c3: {  	v15 =	vadd.s32 $0x3800, v0;
	_ =	sdelay $0x3  }
0x1c4: {  	[tilespmem:s15+$0x11C00] =	vst v1  }
0x1c5: {  	v1 =	vld.idx.msk [tilespmem:v15+s2+$0x0], $0xffff  }
0x1c6: {  	v16 =	vadd.s32 $0x3C00, v0;
	_ =	sdelay $0x3  }
0x1c7: {  	[tilespmem:s15+$0x11E00] =	vst v1  }
0x1c8: {  	v1 =	vld.idx.msk [tilespmem:v16+s2+$0x0], $0xffff  }
0x1c9: {  	v17 =	vadd.s32 $0x4000, v0;
	_ =	sdelay $0x3  }
0x1ca: {  	[tilespmem:s15+$0x12000] =	vst v1  }
0x1cb: {  	v1 =	vld.idx.msk [tilespmem:v17+s2+$0x0], $0xffff  }
0x1cc: {  	v18 =	vadd.s32 $0x4400, v0;
	_ =	sdelay $0x3  }
0x1cd: {  	[tilespmem:s15+$0x12200] =	vst v1  }
0x1ce: {  	v1 =	vld.idx.msk [tilespmem:v18+s2+$0x0], $0xffff  }
0x1cf: {  	v19 =	vadd.s32 $0x4800, v0;
	_ =	sdelay $0x3  }
0x1d0: {  	[tilespmem:s15+$0x12400] =	vst v1  }
0x1d1: {  	v1 =	vld.idx.msk [tilespmem:v19+s2+$0x0], $0xffff  }
0x1d2: {  	v20 =	vadd.s32 $0x4C00, v0;
	_ =	sdelay $0x3  }
0x1d3: {  	[tilespmem:s15+$0x12600] =	vst v1  }
0x1d4: {  	v1 =	vld.idx.msk [tilespmem:v20+s2+$0x0], $0xffff  }
0x1d5: {  	v21 =	vadd.s32 $0x5000, v0;
	_ =	sdelay $0x3  }
0x1d6: {  	[tilespmem:s15+$0x12800] =	vst v1  }
0x1d7: {  	v1 =	vld.idx.msk [tilespmem:v21+s2+$0x0], $0xffff  }
0x1d8: {  	v22 =	vadd.s32 $0x5400, v0;
	_ =	sdelay $0x3  }
0x1d9: {  	[tilespmem:s15+$0x12A00] =	vst v1  }
0x1da: {  	v1 =	vld.idx.msk [tilespmem:v22+s2+$0x0], $0xffff  }
0x1db: {  	v23 =	vadd.s32 $0x5800, v0;
	_ =	sdelay $0x3  }
0x1dc: {  	[tilespmem:s15+$0x12C00] =	vst v1  }
0x1dd: {  	v1 =	vld.idx.msk [tilespmem:v23+s2+$0x0], $0xffff  }
0x1de: {  	v24 =	vadd.s32 $0x5C00, v0;
	_ =	sdelay $0x3  }
0x1df: {  	[tilespmem:s15+$0x12E00] =	vst v1  }
0x1e0: {  	v1 =	vld.idx.msk [tilespmem:v24+s2+$0x0], $0xffff  }
0x1e1: {  	v25 =	vadd.s32 $0x6000, v0;
	_ =	sdelay $0x3  }
0x1e2: {  	[tilespmem:s15+$0x13000] =	vst v1  }
0x1e3: {  	v1 =	vld.idx.msk [tilespmem:v25+s2+$0x0], $0xffff  }
0x1e4: {  	v26 =	vadd.s32 $0x6400, v0;
	_ =	sdelay $0x3  }
0x1e5: {  	[tilespmem:s15+$0x13200] =	vst v1  }
0x1e6: {  	v1 =	vld.idx.msk [tilespmem:v26+s2+$0x0], $0xffff  }
0x1e7: {  	v27 =	vadd.s32 $0x6800, v0;
	_ =	sdelay $0x3  }
0x1e8: {  	[tilespmem:s15+$0x13400] =	vst v1  }
0x1e9: {  	v1 =	vld.idx.msk [tilespmem:v27+s2+$0x0], $0xffff  }
0x1ea: {  	v28 =	vadd.s32 $0x6C00, v0;
	_ =	sdelay $0x3  }
0x1eb: {  	[tilespmem:s15+$0x13600] =	vst v1  }
0x1ec: {  	v1 =	vld.idx.msk [tilespmem:v28+s2+$0x0], $0xffff  }
0x1ed: {  	v29 =	vadd.s32 $0x7000, v0;
	_ =	sdelay $0x3  }
0x1ee: {  	[tilespmem:s15+$0x13800] =	vst v1  }
0x1ef: {  	v1 =	vld.idx.msk [tilespmem:v29+s2+$0x0], $0xffff  }
0x1f0: {  	v30 =	vadd.s32 $0x7400, v0;
	_ =	sdelay $0x3  }
0x1f1: {  	[tilespmem:s15+$0x13A00] =	vst v1  }
0x1f2: {  	v1 =	vld.idx.msk [tilespmem:v30+s2+$0x0], $0xffff  }
0x1f3: {  	v31 =	vadd.s32 $0x7800, v0;
	_ =	sdelay $0x3  }
0x1f4: {  	[tilespmem:s15+$0x13C00] =	vst v1  }
0x1f5: {  	v1 =	vld.idx.msk [tilespmem:v31+s2+$0x0], $0xffff  }
0x1f6: {  	v32 =	vadd.s32 $0x7C00, v0;
	_ =	sdelay $0x3  }
0x1f7: {  	[tilespmem:s15+$0x13E00] =	vst v1  }
0x1f8: {  	v1 =	vld.idx.msk [tilespmem:v32+s2+$0x0], $0xffff  }
0x1f9: {  	v33 =	vadd.s32 $0x8000, v0;
	_ =	sdelay $0x3  }
0x1fa: {  	[tilespmem:s15+$0x14000] =	vst v1  }
0x1fb: {  	v1 =	vld.idx.msk [tilespmem:v33+s2+$0x0], $0xffff  }
0x1fc: {  	v34 =	vadd.s32 $0x8400, v0;
	_ =	sdelay $0x3  }
0x1fd: {  	[tilespmem:s15+$0x14200] =	vst v1  }
0x1fe: {  	v1 =	vld.idx.msk [tilespmem:v34+s2+$0x0], $0xffff  }
0x1ff: {  	v35 =	vadd.s32 $0x8800, v0;
	_ =	sdelay $0x3  }
0x200: {  	[tilespmem:s15+$0x14400] =	vst v1  }
0x201: {  	v1 =	vld.idx.msk [tilespmem:v35+s2+$0x0], $0xffff  }
0x202: {  	v36 =	vadd.s32 $0x8C00, v0;
	_ =	sdelay $0x3  }
0x203: {  	[tilespmem:s15+$0x14600] =	vst v1  }
0x204: {  	v1 =	vld.idx.msk [tilespmem:v36+s2+$0x0], $0xffff  }
0x205: {  	v37 =	vadd.s32 $0x9000, v0;
	_ =	sdelay $0x3  }
0x206: {  	[tilespmem:s15+$0x14800] =	vst v1  }
0x207: {  	v1 =	vld.idx.msk [tilespmem:v37+s2+$0x0], $0xffff  }
0x208: {  	v38 =	vadd.s32 $0x9400, v0;
	_ =	sdelay $0x3  }
0x209: {  	[tilespmem:s15+$0x14A00] =	vst v1  }
0x20a: {  	v1 =	vld.idx.msk [tilespmem:v38+s2+$0x0], $0xffff  }
0x20b: {  	v39 =	vadd.s32 $0x9800, v0;
	_ =	sdelay $0x3  }
0x20c: {  	[tilespmem:s15+$0x14C00] =	vst v1  }
0x20d: {  	v1 =	vld.idx.msk [tilespmem:v39+s2+$0x0], $0xffff  }
0x20e: {  	v40 =	vadd.s32 $0x9C00, v0;
	_ =	sdelay $0x3  }
0x20f: {  	[tilespmem:s15+$0x14E00] =	vst v1  }
0x210: {  	v1 =	vld.idx.msk [tilespmem:v40+s2+$0x0], $0xffff  }
0x211: {  	v41 =	vadd.s32 $0xA000, v0;
	_ =	sdelay $0x3  }
0x212: {  	[tilespmem:s15+$0x15000] =	vst v1  }
0x213: {  	v1 =	vld.idx.msk [tilespmem:v41+s2+$0x0], $0xffff  }
0x214: {  	v42 =	vadd.s32 $0xA400, v0;
	_ =	sdelay $0x3  }
0x215: {  	[tilespmem:s15+$0x15200] =	vst v1  }
0x216: {  	v1 =	vld.idx.msk [tilespmem:v42+s2+$0x0], $0xffff  }
0x217: {  	v43 =	vadd.s32 $0xA800, v0;
	_ =	sdelay $0x3  }
0x218: {  	[tilespmem:s15+$0x15400] =	vst v1  }
0x219: {  	v1 =	vld.idx.msk [tilespmem:v43+s2+$0x0], $0xffff  }
0x21a: {  	v44 =	vadd.s32 $0xAC00, v0;
	_ =	sdelay $0x3  }
0x21b: {  	[tilespmem:s15+$0x15600] =	vst v1  }
0x21c: {  	v1 =	vld.idx.msk [tilespmem:v44+s2+$0x0], $0xffff  }
0x21d: {  	v45 =	vadd.s32 $0xB000, v0;
	_ =	sdelay $0x3  }
0x21e: {  	[tilespmem:s15+$0x15800] =	vst v1  }
0x21f: {  	v1 =	vld.idx.msk [tilespmem:v45+s2+$0x0], $0xffff  }
0x220: {  	v46 =	vadd.s32 $0xB400, v0;
	_ =	sdelay $0x3  }
0x221: {  	[tilespmem:s15+$0x15A00] =	vst v1  }
0x222: {  	v1 =	vld.idx.msk [tilespmem:v46+s2+$0x0], $0xffff  }
0x223: {  	v47 =	vadd.s32 $0xB800, v0;
	_ =	sdelay $0x3  }
0x224: {  	[tilespmem:s15+$0x15C00] =	vst v1  }
0x225: {  	v1 =	vld.idx.msk [tilespmem:v47+s2+$0x0], $0xffff  }
0x226: {  	v48 =	vadd.s32 $0xBC00, v0;
	_ =	sdelay $0x3  }
0x227: {  	[tilespmem:s15+$0x15E00] =	vst v1  }
0x228: {  	v1 =	vld.idx.msk [tilespmem:v48+s2+$0x0], $0xffff  }
0x229: {  	v49 =	vadd.s32 $0xC000, v0;
	_ =	sdelay $0x3  }
0x22a: {  	[tilespmem:s15+$0x16000] =	vst v1  }
0x22b: {  	v1 =	vld.idx.msk [tilespmem:v49+s2+$0x0], $0xffff  }
0x22c: {  	v50 =	vadd.s32 $0xC400, v0;
	_ =	sdelay $0x3  }
0x22d: {  	[tilespmem:s15+$0x16200] =	vst v1  }
0x22e: {  	v1 =	vld.idx.msk [tilespmem:v50+s2+$0x0], $0xffff  }
0x22f: {  	v51 =	vadd.s32 $0xC800, v0;
	_ =	sdelay $0x3  }
0x230: {  	[tilespmem:s15+$0x16400] =	vst v1  }
0x231: {  	v1 =	vld.idx.msk [tilespmem:v51+s2+$0x0], $0xffff  }
0x232: {  	v52 =	vadd.s32 $0xCC00, v0;
	_ =	sdelay $0x3  }
0x233: {  	[tilespmem:s15+$0x16600] =	vst v1  }
0x234: {  	v1 =	vld.idx.msk [tilespmem:v52+s2+$0x0], $0xffff  }
0x235: {  	v53 =	vadd.s32 $0xD000, v0;
	_ =	sdelay $0x3  }
0x236: {  	[tilespmem:s15+$0x16800] =	vst v1  }
0x237: {  	v1 =	vld.idx.msk [tilespmem:v53+s2+$0x0], $0xffff  }
0x238: {  	v54 =	vadd.s32 $0xD400, v0;
	_ =	sdelay $0x3  }
0x239: {  	[tilespmem:s15+$0x16A00] =	vst v1  }
0x23a: {  	v1 =	vld.idx.msk [tilespmem:v54+s2+$0x0], $0xffff  }
0x23b: {  	v55 =	vadd.s32 $0xD800, v0;
	_ =	sdelay $0x3  }
0x23c: {  	[tilespmem:s15+$0x16C00] =	vst v1  }
0x23d: {  	v1 =	vld.idx.msk [tilespmem:v55+s2+$0x0], $0xffff  }
0x23e: {  	v56 =	vadd.s32 $0xDC00, v0;
	_ =	sdelay $0x3  }
0x23f: {  	[tilespmem:s15+$0x16E00] =	vst v1  }
0x240: {  	v1 =	vld.idx.msk [tilespmem:v56+s2+$0x0], $0xffff  }
0x241: {  	v57 =	vadd.s32 $0xE000, v0;
	_ =	sdelay $0x3  }
0x242: {  	[tilespmem:s15+$0x17000] =	vst v1  }
0x243: {  	v1 =	vld.idx.msk [tilespmem:v57+s2+$0x0], $0xffff  }
0x244: {  	v58 =	vadd.s32 $0xE400, v0;
	_ =	sdelay $0x3  }
0x245: {  	[tilespmem:s15+$0x17200] =	vst v1  }
0x246: {  	v1 =	vld.idx.msk [tilespmem:v58+s2+$0x0], $0xffff  }
0x247: {  	v59 =	vadd.s32 $0xE800, v0;
	_ =	sdelay $0x3  }
0x248: {  	[tilespmem:s15+$0x17400] =	vst v1  }
0x249: {  	v1 =	vld.idx.msk [tilespmem:v59+s2+$0x0], $0xffff  }
0x24a: {  	v60 =	vadd.s32 $0xEC00, v0;
	_ =	sdelay $0x3  }
0x24b: {  	[tilespmem:s15+$0x17600] =	vst v1  }
0x24c: {  	v1 =	vld.idx.msk [tilespmem:v60+s2+$0x0], $0xffff  }
0x24d: {  	v61 =	vadd.s32 $0xF000, v0;
	_ =	sdelay $0x3  }
0x24e: {  	[tilespmem:s15+$0x17800] =	vst v1  }
0x24f: {  	v1 =	vld.idx.msk [tilespmem:v61+s2+$0x0], $0xffff  }
0x250: {  	v62 =	vadd.s32 $0xF400, v0;
	_ =	sdelay $0x3  }
0x251: {  	[tilespmem:s15+$0x17A00] =	vst v1  }
0x252: {  	v1 =	vld.idx.msk [tilespmem:v62+s2+$0x0], $0xffff  }
0x253: {  	v63 =	vadd.s32 $0xF800, v0;
	_ =	sdelay $0x3  }
0x254: {  	[tilespmem:s15+$0x17C00] =	vst v1  }
0x255: {  	v1 =	vld.idx.msk [tilespmem:v63+s2+$0x0], $0xffff  }
0x256: {  	v0 =	vadd.s32 $0xFC00, v0;
	_ =	sdelay $0x3  }
0x257: {  	[tilespmem:s15+$0x17E00] =	vst v1  }
0x258: {  	v0 =	vld.idx.msk [tilespmem:v0+s2+$0x0], $0xffff;
	_ =	sdelay $0x2  }
0x259: {  	s12 =	sadd.s32 $0x1, s12  }
0x25a: {  	p0 =	sne.s32 s12, s7  }
.Ltmp1:
0x25b: {  	[tilespmem:s15+$0x18000] =	vst v0;
	(pc) =	sbr.rel @p0 .LBB2_1-.Ltmp1, $4  }
0x25c: {  	[hbm4b:s6+s9] =	stream.strided.scatter [tilespmem:s11], [sflag:$0x1], $0x8000, s10, s9, $0x38;
	[tilespmem:$0x18200] =	vst v63  }
0x25d: {  	_ =	swait.ge [sflag:s4], $0x8000  }
0x25e: {  	[sflag:s4] =	ssyncset.done $0x0  }
0x25f: {  	[sflag:s4] =	ssyncadd.s32 $0xFFFF8000  }
0x260: {  	_ =	sfence.sel $0x180000  }
0x261: {  	[bflag:$0x0] =	sbarrier.arrive $0xFFFF  }
0x262: {  	p0 =	sne.s32 s0, $0x0;
	_ =	strace $0x90000047  }
0x263: {  	s0 =	sadd.s32 @!p0 $0x100000, s1;
	[bflag:$0x2] =	sbarrier.arrive $0xFFFF  }
0x264: {  	[sflag:s0] =	ssyncadd.tile.s32 @!p0 $0x1;
	_ =	shalt  }
.Lfunc_end2:
_tile_overlayer_lowered:
.L_overlay_start_2:
0x265: {  	(tag) =	ssettag $0x2  }
0x266: {  	s0 =	rddreg [dreg:$0x0];
	s2 =	stileid.u32  }
0x267: {  	s1 =	rddreg [dreg:$0x1];
	p0 =	sne.s32 s2, $0x0  }
0x268: {  	s3 =	rddreg [dreg:$0x2];
	[bflag:$0x3] =	sbarrier.arrive $0xFFFF;
	s2 =	simm.s32 @!p0 $0x1C01  }
0x269: {  	[timem:s3], [sflag:s2] =	dma.local @!p0 [hbm:s0], s1  }
0x26a: {  	s0 =	simm.s32 @!p0 $0x1  }
0x26b: {  	_ =	swait.ge @!p0 [sflag:s0], s1  }
0x26c: {  	s1 =	ssub.s32 @!p0 $0x0, s1;
	[sflag:s0] =	ssyncset.done @!p0 $0x0  }
0x26d: {  	[sflag:s0] =	ssyncadd.s32 @!p0 s1  }
0x26e: {  	[bflag:$0x3] =	sbarrier.arrive $0xFFFF  }
0x26f: {  	_ =	shalt  }

</sc_bundles>
